<compile_context>
chip_gen: v7x
topology: tpu7x:2x2x1
jax: 0.10.2.dev20260603
libtpu: 0.0.44.dev20260713+nightly
codegen_flags: <defaults>
</compile_context>

<pallas_src>
import jax
import jax.numpy as jnp
from jax import lax
from jax.experimental import pallas as pl
from jax.experimental.pallas import tpu as pltpu
from jax.experimental.pallas import tpu_sc as plsc

N = 10000
D = 128
E = 320000
R = 10240
TILES = 32
EPT = R
EP = TILES * EPT
K = 64
CH = EPT // K
NBI = 4
NBS = 2
NGRP = CH // NBI
STRIPE = R // 16
GB = 8
BR = R // GB
MASK_RATIO = 0.1
NOISE_STD = 0.1

_mesh = plsc.VectorSubcoreMesh(core_axis_name="c", subcore_axis_name="s")
_sc_params = pltpu.CompilerParams(needs_layout_passes=False,
                                  use_tc_tiling_on_sc=False)


def _sc_hist(pk_hbm, out_hbm, pk_v, hs_v, hd_v):
    c = lax.axis_index("c")
    s = lax.axis_index("s")
    wid = c * 16 + s
    pltpu.sync_copy(pk_hbm.at[wid], pk_v)
    zero = jnp.zeros((16,), jnp.float32)

    def zbody(i, carry):
        hs_v[pl.ds(i * 16, 16)] = zero
        hd_v[pl.ds(i * 16, 16)] = zero
        return carry

    lax.fori_loop(0, R // 16, zbody, 0)
    one = jnp.ones((16,), jnp.float32)

    def ubody(i, carry):
        v = pk_v[i, :]
        plsc.addupdate_scatter(hs_v, [jnp.bitwise_and(v, 65535)], one)
        plsc.addupdate_scatter(hd_v, [lax.shift_right_logical(v, 16)], one)
        return carry

    lax.fori_loop(0, EPT // 16, ubody, 0)
    pltpu.sync_copy(hs_v, out_hbm.at[0, wid])
    pltpu.sync_copy(hd_v, out_hbm.at[1, wid])


_hist_call = pl.kernel(
    _sc_hist,
    out_type=jax.ShapeDtypeStruct((2, TILES, R), jnp.float32),
    mesh=_mesh,
    compiler_params=_sc_params,
    scratch_types=[
        pltpu.VMEM((EPT // 16, 16), jnp.int32),
        pltpu.VMEM((R,), jnp.float32),
        pltpu.VMEM((R,), jnp.float32),
    ],
)


def _sc_agg(xs_hbm, pk_hbm, zr_hbm, out_hbm, acc, pk_v, idxb, idxs, rbf, rf,
            gsem, ssem):
    c = lax.axis_index("c")
    s = lax.axis_index("s")
    wid = c * 16 + s
    pltpu.sync_copy(zr_hbm, acc.at[pl.ds(s * STRIPE, STRIPE)])
    pltpu.sync_copy(pk_hbm.at[wid], pk_v)
    plsc.subcore_barrier()

    def unpack_src(j, q):
        for t in range(K // 16):
            v = pk_v[j, pl.ds(t * 16, 16)]
            idxb[q, pl.ds(t * 16, 16)] = jnp.bitwise_and(v, 65535)

    def unpack_dst(j, qs):
        for t in range(K // 16):
            v = pk_v[j, pl.ds(t * 16, 16)]
            idxs[qs, pl.ds(t * 16, 16)] = lax.shift_right_logical(v, 16)

    def convert(q, qs):
        def cbody(k, carry):
            for t in range(D // 32):
                v = rbf[q, k, pl.ds(t * 16, 16)]
                e = plsc.bitcast(lax.shift_left(v, 16), jnp.float32)
                o = plsc.bitcast(jnp.bitwise_and(v, -65536), jnp.float32)
                rf[qs, k, pl.ds(t * 16, 16)] = e
                rf[qs, k, pl.ds(64 + t * 16, 16)] = o
            return carry

        lax.fori_loop(0, K, cbody, 0)

    def start_g(q):
        pltpu.async_copy(xs_hbm.at[idxb.at[q]], rbf.at[q], gsem.at[q])

    def wait_g(q):
        pltpu.make_async_copy(xs_hbm.at[pl.ds(0, K)], rbf.at[q],
                              gsem.at[q]).wait()

    def start_s(qs):
        pltpu.async_copy(rf.at[qs], acc.at[idxs.at[qs]], ssem.at[qs],
                         add=True)

    def wait_s(qs):
        pltpu.make_async_copy(rf.at[qs], acc.at[pl.ds(0, K)],
                              ssem.at[qs]).wait()

    for q in range(NBI):
        unpack_src(q, q)
        start_g(q)

    def body(g, carry):
        for q in range(NBI):
            j = g * NBI + q
            qs = q % NBS
            wait_g(q)
            if q < NBS:
                @pl.when(g > 0)
                def _():
                    wait_s(qs)
            else:
                wait_s(qs)
            unpack_dst(j, qs)
            convert(q, qs)
            start_s(qs)

            @pl.when(g + 1 < NGRP)
            def _():
                unpack_src(j + NBI, q)
                start_g(q)

        return carry

    lax.fori_loop(0, NGRP, body, 0)
    for qs in range(NBS):
        wait_s(qs)
    plsc.subcore_barrier()
    pltpu.sync_copy(acc.at[pl.ds(s * STRIPE, STRIPE)],
                    out_hbm.at[c, pl.ds(s * STRIPE, STRIPE)])


_agg_call = pl.kernel(
    _sc_agg,
    out_type=jax.ShapeDtypeStruct((2, R, D), jnp.float32),
    mesh=_mesh,
    compiler_params=_sc_params,
    scratch_types=[
        pltpu.VMEM_SHARED((R, D), jnp.float32),
        pltpu.VMEM((CH, K), jnp.int32),
        pltpu.VMEM((NBI, K), jnp.int32),
        pltpu.VMEM((NBS, K), jnp.int32),
        pltpu.VMEM((NBI, K, D // 2), jnp.int32),
        pltpu.VMEM((NBS, K, D), jnp.float32),
        pltpu.SemaphoreType.DMA((NBI,)),
        pltpu.SemaphoreType.DMA((NBS,)),
    ],
)


def _tc_prep(x_ref, mb_ref, nz_ref, tok_ref, degT_ref, xs_ref, sin_ref, sout_ref):
    degs = degT_ref[...]
    dout = jnp.sum(degs[:, :32], axis=1, keepdims=True)
    din = jnp.sum(degs[:, 32:], axis=1, keepdims=True)
    so = lax.rsqrt(jnp.maximum(dout, 1.0))
    si = lax.rsqrt(jnp.maximum(din, 1.0))
    m = mb_ref[...]
    xm = m * tok_ref[...] + (1.0 - m) * x_ref[...] + nz_ref[...]
    xs_ref[...] = (xm * so).astype(jnp.bfloat16)
    sin_ref[...] = jnp.broadcast_to(si, (BR, D))
    sout_ref[...] = jnp.broadcast_to(so, (BR, D))


def _layernorm(h, g, b):
    mu = jnp.mean(h, axis=1, keepdims=True)
    var = jnp.mean((h - mu) ** 2, axis=1, keepdims=True)
    return (h - mu) * lax.rsqrt(var + 1e-5) * g + b


def _tc_layer1(p_ref, sin_ref, sout_ref, w_ref, b_ref, g_ref, be_ref, o_ref):
    agg = (p_ref[0] + p_ref[1]) * sin_ref[...]
    h = jnp.dot(agg, w_ref[...], preferred_element_type=jnp.float32,
                precision=lax.Precision.HIGHEST) + b_ref[...]
    h = _layernorm(h, g_ref[...], be_ref[...])
    o_ref[...] = (jnp.maximum(h, 0.0) * sout_ref[...]).astype(jnp.bfloat16)


def _tc_final(p_ref, sin_ref, w2_ref, b2_ref, g2_ref, be2_ref,
              wd1_ref, bd1_ref, wd2_ref, bd2_ref, z_ref, xr_ref):
    agg = (p_ref[0] + p_ref[1]) * sin_ref[...]
    h = jnp.dot(agg, w2_ref[...], preferred_element_type=jnp.float32,
                precision=lax.Precision.HIGHEST) + b2_ref[...]
    z = _layernorm(h, g2_ref[...], be2_ref[...])
    z_ref[...] = z
    hd = jnp.maximum(jnp.dot(z, wd1_ref[...], preferred_element_type=jnp.float32,
                             precision=lax.Precision.HIGHEST) + bd1_ref[...], 0.0)
    xr_ref[...] = jnp.dot(hd, wd2_ref[...], preferred_element_type=jnp.float32,
                          precision=lax.Precision.HIGHEST) + bd2_ref[...]


def _row_spec():
    return pl.BlockSpec((BR, D), lambda i: (i, 0))


def _vec_spec():
    return pl.BlockSpec((1, D), lambda i: (0, 0))


def _mat_spec():
    return pl.BlockSpec((D, D), lambda i: (0, 0))


def _swz(w):
    return jnp.concatenate([w[0::2], w[1::2]], axis=0)


def kernel(x, edge_index, mask_token, W1, b1, g1, be1, W2, b2, g2, be2,
           Wd1, bd1, Wd2, bd2):
    f32 = jnp.float32
    num_mask = max(1, int(MASK_RATIO * N))
    perm = jax.random.permutation(jax.random.key(1), N)
    mask_idx = perm[:num_mask]
    node_mask = jnp.zeros((N,), dtype=bool).at[mask_idx].set(True)
    noise = jax.random.normal(jax.random.key(2), (N, D), dtype=f32) * NOISE_STD

    x_p = jnp.pad(x, ((0, R - N), (0, 0)))
    maskb = jnp.pad(jnp.broadcast_to(node_mask[:, None], (N, D)).astype(f32),
                    ((0, R - N), (0, 0)))
    noise_p = jnp.pad(noise, ((0, R - N), (0, 0)))
    tok = mask_token[None, :]
    src = edge_index[0]
    dst = edge_index[1]
    padv = jnp.full((EP - E,), N, jnp.int32)
    src_p = jnp.concatenate([src, padv])
    dst_p = jnp.concatenate([dst, padv])
    packed = src_p + dst_p * 65536
    pk_h = packed.reshape(TILES, EPT // 16, 16)
    pk_a = packed.reshape(TILES, CH, K)
    zrow = jnp.zeros((STRIPE, D), f32)

    hist = _hist_call(pk_h)
    degT = hist.transpose(2, 0, 1).reshape(R, 64)

    xs, sin_b, sout_b = pl.pallas_call(
        _tc_prep,
        grid=(GB,),
        in_specs=[_row_spec(), _row_spec(), _row_spec(), _vec_spec(),
                  pl.BlockSpec((BR, 64), lambda i: (i, 0))],
        out_specs=[_row_spec(), _row_spec(), _row_spec()],
        out_shape=[jax.ShapeDtypeStruct((R, D), jnp.bfloat16),
                   jax.ShapeDtypeStruct((R, D), f32),
                   jax.ShapeDtypeStruct((R, D), f32)],
    )(x_p, maskb, noise_p, tok, degT)

    xs_i = lax.bitcast_convert_type(xs.reshape(R, D // 2, 2), jnp.int32)
    p1 = _agg_call(xs_i, pk_a, zrow)

    xs2 = pl.pallas_call(
        _tc_layer1,
        grid=(GB,),
        in_specs=[pl.BlockSpec((2, BR, D), lambda i: (0, i, 0)),
                  _row_spec(), _row_spec(), _mat_spec(),
                  _vec_spec(), _vec_spec(), _vec_spec()],
        out_specs=_row_spec(),
        out_shape=jax.ShapeDtypeStruct((R, D), jnp.bfloat16),
    )(p1, sin_b, sout_b, _swz(W1), b1[None, :], g1[None, :], be1[None, :])

    xs2_i = lax.bitcast_convert_type(xs2.reshape(R, D // 2, 2), jnp.int32)
    p2 = _agg_call(xs2_i, pk_a, zrow)

    z_pad, xr_pad = pl.pallas_call(
        _tc_final,
        grid=(GB,),
        in_specs=[pl.BlockSpec((2, BR, D), lambda i: (0, i, 0)),
                  _row_spec(), _mat_spec(), _vec_spec(), _vec_spec(),
                  _vec_spec(), _mat_spec(), _vec_spec(), _mat_spec(),
                  _vec_spec()],
        out_specs=[_row_spec(), _row_spec()],
        out_shape=[jax.ShapeDtypeStruct((R, D), f32)] * 2,
    )(p2, sin_b, _swz(W2), b2[None, :], g2[None, :], be2[None, :],
      Wd1, bd1[None, :], Wd2, bd2[None, :])

    return (xr_pad[:N], x, node_mask, z_pad[:N])

# --- scband reference (transcript-rebuilt; emitter-appended) ---
"""Pipeline reference for scband-gcnautoencoder-22041772163208 (READ-ONLY COPY).

The authoritative reference and input builder live on the scoring server;
editing this copy changes nothing except your own understanding.
"""

import jax, jax.numpy as jnp
import numpy as np

N = 10000
E = 320000
D = 128
H = 128
O = 128
MASK_RATIO = 0.1
NOISE_STD = 0.1
NUM_LAYERS = 2


def _glorot(key, shape):
    fan_in, fan_out = shape[0], shape[1]
    bound = np.sqrt(6.0 / (fan_in + fan_out))
    return jax.random.uniform(key, shape, jnp.float32, -bound, bound)


def setup_inputs(seed: int = 0) -> dict:
    key = jax.random.key(seed)
    ks = jax.random.split(key, 16)
    x = jax.random.normal(ks[0], (N, D), dtype=jnp.float32)
    edge_index = jax.random.randint(ks[1], (2, E), 0, N, dtype=jnp.int32)
    # learned params
    mb = np.sqrt(6.0 / (1 + D))
    mask_token = jax.random.uniform(ks[2], (D,), jnp.float32, -mb, mb)
    W1 = _glorot(ks[3], (D, H)); b1 = jnp.zeros((H,), jnp.float32)
    g1 = jnp.ones((H,), jnp.float32); be1 = jnp.zeros((H,), jnp.float32)
    W2 = _glorot(ks[4], (H, H)); b2 = jnp.zeros((H,), jnp.float32)
    g2 = jnp.ones((H,), jnp.float32); be2 = jnp.zeros((H,), jnp.float32)
    Wd1 = _glorot(ks[5], (H, H)); bd1 = jnp.zeros((H,), jnp.float32)
    Wd2 = _glorot(ks[6], (H, O)); bd2 = jnp.zeros((O,), jnp.float32)
    return {"x": x, "edge_index": edge_index, "mask_token": mask_token,
            "W1": W1, "b1": b1, "g1": g1, "be1": be1,
            "W2": W2, "b2": b2, "g2": g2, "be2": be2,
            "Wd1": Wd1, "bd1": bd1, "Wd2": Wd2, "bd2": bd2}


def _layernorm(h, g, b, eps=1e-5):
    mu = jnp.mean(h, axis=-1, keepdims=True)
    var = jnp.var(h, axis=-1, keepdims=True)
    return (h - mu) * jax.lax.rsqrt(var + eps) * g + b


def _graphconv(h, W, b, src, dst):
    # DGL GraphConv norm='both': D_out^{-1/2} on src feats, sum-aggregate to dst, D_in^{-1/2}, then W + b
    deg_out = jnp.maximum(jnp.bincount(src, length=N), 1).astype(h.dtype)
    deg_in = jnp.maximum(jnp.bincount(dst, length=N), 1).astype(h.dtype)
    h = h * (deg_out ** -0.5)[:, None]
    agg = jnp.zeros((N, h.shape[1]), h.dtype).at[dst].add(h[src])
    agg = agg * (deg_in ** -0.5)[:, None]
    return agg @ W + b


def reference(x, edge_index, mask_token, W1, b1, g1, be1, W2, b2, g2, be2, Wd1, bd1, Wd2, bd2):
    src = edge_index[0]
    dst = edge_index[1]
    # node masking (deterministic keys in place of torch.randperm / randn_like)
    num_mask = max(1, int(MASK_RATIO * N))
    perm = jax.random.permutation(jax.random.key(1), N)
    mask_idx = perm[:num_mask]
    node_mask = jnp.zeros((N,), dtype=bool).at[mask_idx].set(True)
    x_masked = jnp.where(node_mask[:, None], mask_token[None, :], x)
    noise = jax.random.normal(jax.random.key(2), x.shape, dtype=x.dtype) * NOISE_STD
    x_masked = x_masked + noise
    # eval mode: dropout is identity
    h = _graphconv(x_masked, W1, b1, src, dst)
    h = _layernorm(h, g1, be1)
    h = jax.nn.relu(h)  # layer 0 != num_layers-1
    h = _graphconv(h, W2, b2, src, dst)
    h = _layernorm(h, g2, be2)
    z = h
    x_recon = jax.nn.relu(z @ Wd1 + bd1) @ Wd2 + bd2
    return (x_recon, x, node_mask, z)

if __name__ == "__main__":
    import jax
    _d = setup_inputs()
    print(jax.jit(kernel)(*tuple(_d.values())))

</pallas_src>

<mosaic_0001>
#map = affine_map<(d0, d1) -> (0, 0)>
#map1 = affine_map<(d0, d1) -> (0, 0, 0)>
module attributes {stable_mosaic.version = 14 : i64} {
  func.func @_sc_agg(%arg0: i32, %arg1: i32, %arg2: memref<10240x64xi32, #tpu.memory_space<hbm>>, %arg3: memref<32x160x64xi32, #tpu.memory_space<hbm>>, %arg4: memref<640x128xf32, #tpu.memory_space<hbm>>, %arg5: memref<2x10240x128xf32, #tpu.memory_space<hbm>>, %arg6: memref<10240x128xf32, #tpu.memory_space<vmem_shared>>, %arg7: memref<160x64xi32, #tpu.memory_space<vmem>>, %arg8: memref<4x64xi32, #tpu.memory_space<vmem>>, %arg9: memref<2x64xi32, #tpu.memory_space<vmem>>, %arg10: memref<4x64x64xi32, #tpu.memory_space<vmem>>, %arg11: memref<2x64x128xf32, #tpu.memory_space<vmem>>, %arg12: memref<4x!tpu.dma_semaphore, #tpu.memory_space<semaphore_mem>>, %arg13: memref<2x!tpu.dma_semaphore, #tpu.memory_space<semaphore_mem>>) attributes {dimension_semantics = [#tpu.dimension_semantics<core_parallel>, #tpu.dimension_semantics<subcore_parallel>], iteration_bounds = array<i64: 2, 16>, scalar_prefetch = 0 : i64, scratch_operands = 8 : i64, tpu.core_type = #tpu.core_type<sc_vector_subcore>, window_params = [{transform_indices = #map}, {transform_indices = #map1}, {transform_indices = #map}, {transform_indices = #map1}]} {
    %mul3A = arith.constant 16 : i32
    %mul3A_0 = arith.muli %arg0, %mul3A : i32
    %add3A = arith.addi %mul3A_0, %arg1 : i32
    %mul3A_1 = arith.constant 640 : i32
    %mul3A_2 = arith.muli %arg1, %mul3A_1 : i32
    "tpu.region"() ({
      %run_scoped3A = tpu.sem_alloc : memref<!tpu.dma_semaphore, #tpu.memory_space<semaphore_mem>>
      %dma_start3A_280 = arith.constant 0 : i32
      %dma_start3A_281 = tpu.memref_slice %arg6[%mul3A_2, %dma_start3A_280] : memref<10240x128xf32, #tpu.memory_space<vmem_shared>> -> memref<640x128xf32, #tpu.memory_space<vmem_shared>>
      tpu.enqueue_dma source(%arg4 : memref<640x128xf32, #tpu.memory_space<hbm>>) target(%dma_start3A_281 : memref<640x128xf32, #tpu.memory_space<vmem_shared>>) target_semaphore(%run_scoped3A : memref<!tpu.dma_semaphore, #tpu.memory_space<semaphore_mem>>)
      %dma_wait3A_282 = arith.constant 0 : i32
      %dma_wait3A_283 = tpu.memref_slice %arg6[%mul3A_2, %dma_wait3A_282] : memref<10240x128xf32, #tpu.memory_space<vmem_shared>> -> memref<640x128xf32, #tpu.memory_space<vmem_shared>>
      tpu.wait_dma2 semaphore(%run_scoped3A : memref<!tpu.dma_semaphore, #tpu.memory_space<semaphore_mem>>) src(%arg4 : memref<640x128xf32, #tpu.memory_space<hbm>>) dst(%dma_wait3A_283 : memref<640x128xf32, #tpu.memory_space<vmem_shared>>)
      tpu.yield
    }) : () -> ()
    "tpu.region"() ({
      %run_scoped3A = tpu.sem_alloc : memref<!tpu.dma_semaphore, #tpu.memory_space<semaphore_mem>>
      %dma_start3A_280 = arith.constant 0 : i32
      %dma_start3A_281 = arith.constant 0 : i32
      %dma_start3A_282 = tpu.memref_slice %arg3[%add3A, %dma_start3A_280, %dma_start3A_281] : memref<32x160x64xi32, #tpu.memory_space<hbm>> -> memref<1x160x64xi32, #tpu.memory_space<hbm>>
      %dma_start3A_283 = tpu.memref_squeeze %dma_start3A_282 : memref<1x160x64xi32, #tpu.memory_space<hbm>> -> memref<160x64xi32, #tpu.memory_space<hbm>>
      %dma_start3A_284 = arith.constant 0 : i32
      %dma_start3A_285 = arith.constant 0 : i32
      %dma_start3A_286 = tpu.memref_slice %arg3[%add3A, %dma_start3A_284, %dma_start3A_285] : memref<32x160x64xi32, #tpu.memory_space<hbm>> -> memref<1x160x64xi32, #tpu.memory_space<hbm>>
      %dma_start3A_287 = tpu.memref_squeeze %dma_start3A_286 : memref<1x160x64xi32, #tpu.memory_space<hbm>> -> memref<160x64xi32, #tpu.memory_space<hbm>>
      tpu.enqueue_dma source(%dma_start3A_287 : memref<160x64xi32, #tpu.memory_space<hbm>>) target(%arg7 : memref<160x64xi32, #tpu.memory_space<vmem>>) target_semaphore(%run_scoped3A : memref<!tpu.dma_semaphore, #tpu.memory_space<semaphore_mem>>)
      %dma_wait3A_288 = arith.constant 0 : i32
      %dma_wait3A_289 = arith.constant 0 : i32
      %dma_wait3A_290 = tpu.memref_slice %arg3[%add3A, %dma_wait3A_288, %dma_wait3A_289] : memref<32x160x64xi32, #tpu.memory_space<hbm>> -> memref<1x160x64xi32, #tpu.memory_space<hbm>>
      %dma_wait3A_291 = tpu.memref_squeeze %dma_wait3A_290 : memref<1x160x64xi32, #tpu.memory_space<hbm>> -> memref<160x64xi32, #tpu.memory_space<hbm>>
      %dma_wait3A_292 = arith.constant 0 : i32
      %dma_wait3A_293 = arith.constant 0 : i32
      %dma_wait3A_294 = tpu.memref_slice %arg3[%add3A, %dma_wait3A_292, %dma_wait3A_293] : memref<32x160x64xi32, #tpu.memory_space<hbm>> -> memref<1x160x64xi32, #tpu.memory_space<hbm>>
      %dma_wait3A_295 = tpu.memref_squeeze %dma_wait3A_294 : memref<1x160x64xi32, #tpu.memory_space<hbm>> -> memref<160x64xi32, #tpu.memory_space<hbm>>
      tpu.wait_dma2 semaphore(%run_scoped3A : memref<!tpu.dma_semaphore, #tpu.memory_space<semaphore_mem>>) src(%dma_wait3A_295 : memref<160x64xi32, #tpu.memory_space<hbm>>) dst(%arg7 : memref<160x64xi32, #tpu.memory_space<vmem>>)
      tpu.yield
    }) : () -> ()
    %barrier3A = arith.constant 0 : index
    tpu.barrier barrier_id(%barrier3A)
    %get3A = arith.constant 0 : i32
    %get3A_3 = arith.index_cast %get3A : i32 to index
    %get3A_4 = arith.constant 0 : index
    %get3A_5 = tpu.vector_load %arg7[%get3A_3, %get3A_4] {strides = array<i32>} : memref<160x64xi32, #tpu.memory_space<vmem>>, vector<16xi32>,
    %and3A = arith.constant 65535 : i32
    %and3A_6 = vector.broadcast %and3A : i32 to vector<16xi32>
    %and3A_7 = arith.andi %get3A_5, %and3A_6 : vector<16xi32>
    %swap3A = arith.constant 0 : i32
    %swap3A_8 = arith.index_cast %swap3A : i32 to index
    %swap3A_9 = arith.constant 0 : index
    %swap3A_10 = tpu.vector_load %arg8[%swap3A_8, %swap3A_9] {strides = array<i32>} : memref<4x64xi32, #tpu.memory_space<vmem>>, vector<16xi32>,
    tpu.vector_store %arg8[%swap3A_8, %swap3A_9], %and3A_7 {strides = array<i32>} : memref<4x64xi32, #tpu.memory_space<vmem>>, vector<16xi32>,
    %get3A_11 = arith.constant 0 : i32
    %get3A_12 = arith.index_cast %get3A_11 : i32 to index
    %get3A_13 = arith.constant 16 : index
    %get3A_14 = tpu.vector_load %arg7[%get3A_12, %get3A_13] {strides = array<i32>} : memref<160x64xi32, #tpu.memory_space<vmem>>, vector<16xi32>,
    %and3A_15 = arith.constant 65535 : i32
    %and3A_16 = vector.broadcast %and3A_15 : i32 to vector<16xi32>
    %and3A_17 = arith.andi %get3A_14, %and3A_16 : vector<16xi32>
    %swap3A_18 = arith.constant 0 : i32
    %swap3A_19 = arith.index_cast %swap3A_18 : i32 to index
    %swap3A_20 = arith.constant 16 : index
    %swap3A_21 = tpu.vector_load %arg8[%swap3A_19, %swap3A_20] {strides = array<i32>} : memref<4x64xi32, #tpu.memory_space<vmem>>, vector<16xi32>,
    tpu.vector_store %arg8[%swap3A_19, %swap3A_20], %and3A_17 {strides = array<i32>} : memref<4x64xi32, #tpu.memory_space<vmem>>, vector<16xi32>,
    %get3A_22 = arith.constant 0 : i32
    %get3A_23 = arith.index_cast %get3A_22 : i32 to index
    %get3A_24 = arith.constant 32 : index
    %get3A_25 = tpu.vector_load %arg7[%get3A_23, %get3A_24] {strides = array<i32>} : memref<160x64xi32, #tpu.memory_space<vmem>>, vector<16xi32>,
    %and3A_26 = arith.constant 65535 : i32
    %and3A_27 = vector.broadcast %and3A_26 : i32 to vector<16xi32>
    %and3A_28 = arith.andi %get3A_25, %and3A_27 : vector<16xi32>
    %swap3A_29 = arith.constant 0 : i32
    %swap3A_30 = arith.index_cast %swap3A_29 : i32 to index
    %swap3A_31 = arith.constant 32 : index
    %swap3A_32 = tpu.vector_load %arg8[%swap3A_30, %swap3A_31] {strides = array<i32>} : memref<4x64xi32, #tpu.memory_space<vmem>>, vector<16xi32>,
    tpu.vector_store %arg8[%swap3A_30, %swap3A_31], %and3A_28 {strides = array<i32>} : memref<4x64xi32, #tpu.memory_space<vmem>>, vector<16xi32>,
    %get3A_33 = arith.constant 0 : i32
    %get3A_34 = arith.index_cast %get3A_33 : i32 to index
    %get3A_35 = arith.constant 48 : index
    %get3A_36 = tpu.vector_load %arg7[%get3A_34, %get3A_35] {strides = array<i32>} : memref<160x64xi32, #tpu.memory_space<vmem>>, vector<16xi32>,
    %and3A_37 = arith.constant 65535 : i32
    %and3A_38 = vector.broadcast %and3A_37 : i32 to vector<16xi32>
    %and3A_39 = arith.andi %get3A_36, %and3A_38 : vector<16xi32>
    %swap3A_40 = arith.constant 0 : i32
    %swap3A_41 = arith.index_cast %swap3A_40 : i32 to index
    %swap3A_42 = arith.constant 48 : index
    %swap3A_43 = tpu.vector_load %arg8[%swap3A_41, %swap3A_42] {strides = array<i32>} : memref<4x64xi32, #tpu.memory_space<vmem>>, vector<16xi32>,
    tpu.vector_store %arg8[%swap3A_41, %swap3A_42], %and3A_39 {strides = array<i32>} : memref<4x64xi32, #tpu.memory_space<vmem>>, vector<16xi32>,
    %dma_start3A = arith.constant 0 : i32
    %dma_start3A_44 = arith.constant 0 : i32
    %dma_start3A_45 = arith.constant 0 : i32
    %dma_start3A_46 = arith.constant 0 : i32
    %dma_start3A_47 = arith.constant 0 : i32
    %dma_start3A_48 = tpu.memref_slice %arg10[%dma_start3A_44, %dma_start3A_46, %dma_start3A_47] : memref<4x64x64xi32, #tpu.memory_space<vmem>> -> memref<1x64x64xi32, #tpu.memory_space<vmem>>
    %dma_start3A_49 = tpu.memref_squeeze %dma_start3A_48 : memref<1x64x64xi32, #tpu.memory_space<vmem>> -> memref<64x64xi32, #tpu.memory_space<vmem>>
    %dma_start3A_50 = arith.constant 0 : i32
    %dma_start3A_51 = tpu.memref_slice %arg8[%dma_start3A, %dma_start3A_50] : memref<4x64xi32, #tpu.memory_space<vmem>> -> memref<1x64xi32, #tpu.memory_space<vmem>>
    %dma_start3A_52 = tpu.memref_squeeze %dma_start3A_51 : memref<1x64xi32, #tpu.memory_space<vmem>> -> memref<64xi32, #tpu.memory_space<vmem>>
    %dma_start3A_53 = arith.constant 0 : i32
    %dma_start3A_54 = arith.constant 0 : i32
    %dma_start3A_55 = tpu.memref_slice %arg2[%dma_start3A_53, %dma_start3A_54] : memref<10240x64xi32, #tpu.memory_space<hbm>> -> memref<10240x64xi32, #tpu.memory_space<hbm>>
    %dma_start3A_56 = tpu.memref_slice %arg12[%dma_start3A_45] : memref<4x!tpu.dma_semaphore, #tpu.memory_space<semaphore_mem>> -> memref<1x!tpu.dma_semaphore, #tpu.memory_space<semaphore_mem>>
    %dma_start3A_57 = tpu.memref_squeeze %dma_start3A_56 : memref<1x!tpu.dma_semaphore, #tpu.memory_space<semaphore_mem>> -> memref<!tpu.dma_semaphore, #tpu.memory_space<semaphore_mem>>
    tpu.enqueue_indirect_dma source(%dma_start3A_55 : memref<10240x64xi32, #tpu.memory_space<hbm>>) target(%dma_start3A_49 : memref<64x64xi32, #tpu.memory_space<vmem>>) offsets(%dma_start3A_52 : memref<64xi32, #tpu.memory_space<vmem>>) semaphore(%dma_start3A_57 : memref<!tpu.dma_semaphore, #tpu.memory_space<semaphore_mem>>)
    %get3A_58 = arith.constant 1 : i32
    %get3A_59 = arith.index_cast %get3A_58 : i32 to index
    %get3A_60 = arith.constant 0 : index
    %get3A_61 = tpu.vector_load %arg7[%get3A_59, %get3A_60] {strides = array<i32>} : memref<160x64xi32, #tpu.memory_space<vmem>>, vector<16xi32>,
    %and3A_62 = arith.constant 65535 : i32
    %and3A_63 = vector.broadcast %and3A_62 : i32 to vector<16xi32>
    %and3A_64 = arith.andi %get3A_61, %and3A_63 : vector<16xi32>
    %swap3A_65 = arith.constant 1 : i32
    %swap3A_66 = arith.index_cast %swap3A_65 : i32 to index
    %swap3A_67 = arith.constant 0 : index
    %swap3A_68 = tpu.vector_load %arg8[%swap3A_66, %swap3A_67] {strides = array<i32>} : memref<4x64xi32, #tpu.memory_space<vmem>>, vector<16xi32>,
    tpu.vector_store %arg8[%swap3A_66, %swap3A_67], %and3A_64 {strides = array<i32>} : memref<4x64xi32, #tpu.memory_space<vmem>>, vector<16xi32>,
    %get3A_69 = arith.constant 1 : i32
    %get3A_70 = arith.index_cast %get3A_69 : i32 to index
    %get3A_71 = arith.constant 16 : index
    %get3A_72 = tpu.vector_load %arg7[%get3A_70, %get3A_71] {strides = array<i32>} : memref<160x64xi32, #tpu.memory_space<vmem>>, vector<16xi32>,
    %and3A_73 = arith.constant 65535 : i32
    %and3A_74 = vector.broadcast %and3A_73 : i32 to vector<16xi32>
    %and3A_75 = arith.andi %get3A_72, %and3A_74 : vector<16xi32>
    %swap3A_76 = arith.constant 1 : i32
    %swap3A_77 = arith.index_cast %swap3A_76 : i32 to index
    %swap3A_78 = arith.constant 16 : index
    %swap3A_79 = tpu.vector_load %arg8[%swap3A_77, %swap3A_78] {strides = array<i32>} : memref<4x64xi32, #tpu.memory_space<vmem>>, vector<16xi32>,
    tpu.vector_store %arg8[%swap3A_77, %swap3A_78], %and3A_75 {strides = array<i32>} : memref<4x64xi32, #tpu.memory_space<vmem>>, vector<16xi32>,
    %get3A_80 = arith.constant 1 : i32
    %get3A_81 = arith.index_cast %get3A_80 : i32 to index
    %get3A_82 = arith.constant 32 : index
    %get3A_83 = tpu.vector_load %arg7[%get3A_81, %get3A_82] {strides = array<i32>} : memref<160x64xi32, #tpu.memory_space<vmem>>, vector<16xi32>,
    %and3A_84 = arith.constant 65535 : i32
    %and3A_85 = vector.broadcast %and3A_84 : i32 to vector<16xi32>
    %and3A_86 = arith.andi %get3A_83, %and3A_85 : vector<16xi32>
    %swap3A_87 = arith.constant 1 : i32
    %swap3A_88 = arith.index_cast %swap3A_87 : i32 to index
    %swap3A_89 = arith.constant 32 : index
    %swap3A_90 = tpu.vector_load %arg8[%swap3A_88, %swap3A_89] {strides = array<i32>} : memref<4x64xi32, #tpu.memory_space<vmem>>, vector<16xi32>,
    tpu.vector_store %arg8[%swap3A_88, %swap3A_89], %and3A_86 {strides = array<i32>} : memref<4x64xi32, #tpu.memory_space<vmem>>, vector<16xi32>,
    %get3A_91 = arith.constant 1 : i32
    %get3A_92 = arith.index_cast %get3A_91 : i32 to index
    %get3A_93 = arith.constant 48 : index
    %get3A_94 = tpu.vector_load %arg7[%get3A_92, %get3A_93] {strides = array<i32>} : memref<160x64xi32, #tpu.memory_space<vmem>>, vector<16xi32>,
    %and3A_95 = arith.constant 65535 : i32
    %and3A_96 = vector.broadcast %and3A_95 : i32 to vector<16xi32>
    %and3A_97 = arith.andi %get3A_94, %and3A_96 : vector<16xi32>
    %swap3A_98 = arith.constant 1 : i32
    %swap3A_99 = arith.index_cast %swap3A_98 : i32 to index
    %swap3A_100 = arith.constant 48 : index
    %swap3A_101 = tpu.vector_load %arg8[%swap3A_99, %swap3A_100] {strides = array<i32>} : memref<4x64xi32, #tpu.memory_space<vmem>>, vector<16xi32>,
    tpu.vector_store %arg8[%swap3A_99, %swap3A_100], %and3A_97 {strides = array<i32>} : memref<4x64xi32, #tpu.memory_space<vmem>>, vector<16xi32>,
    %dma_start3A_102 = arith.constant 1 : i32
    %dma_start3A_103 = arith.constant 1 : i32
    %dma_start3A_104 = arith.constant 1 : i32
    %dma_start3A_105 = arith.constant 0 : i32
    %dma_start3A_106 = arith.constant 0 : i32
    %dma_start3A_107 = tpu.memref_slice %arg10[%dma_start3A_103, %dma_start3A_105, %dma_start3A_106] : memref<4x64x64xi32, #tpu.memory_space<vmem>> -> memref<1x64x64xi32, #tpu.memory_space<vmem>>
    %dma_start3A_108 = tpu.memref_squeeze %dma_start3A_107 : memref<1x64x64xi32, #tpu.memory_space<vmem>> -> memref<64x64xi32, #tpu.memory_space<vmem>>
    %dma_start3A_109 = arith.constant 0 : i32
    %dma_start3A_110 = tpu.memref_slice %arg8[%dma_start3A_102, %dma_start3A_109] : memref<4x64xi32, #tpu.memory_space<vmem>> -> memref<1x64xi32, #tpu.memory_space<vmem>>
    %dma_start3A_111 = tpu.memref_squeeze %dma_start3A_110 : memref<1x64xi32, #tpu.memory_space<vmem>> -> memref<64xi32, #tpu.memory_space<vmem>>
    %dma_start3A_112 = arith.constant 0 : i32
    %dma_start3A_113 = arith.constant 0 : i32
    %dma_start3A_114 = tpu.memref_slice %arg2[%dma_start3A_112, %dma_start3A_113] : memref<10240x64xi32, #tpu.memory_space<hbm>> -> memref<10240x64xi32, #tpu.memory_space<hbm>>
    %dma_start3A_115 = tpu.memref_slice %arg12[%dma_start3A_104] : memref<4x!tpu.dma_semaphore, #tpu.memory_space<semaphore_mem>> -> memref<1x!tpu.dma_semaphore, #tpu.memory_space<semaphore_mem>>
    %dma_start3A_116 = tpu.memref_squeeze %dma_start3A_115 : memref<1x!tpu.dma_semaphore, #tpu.memory_space<semaphore_mem>> -> memref<!tpu.dma_semaphore, #tpu.memory_space<semaphore_mem>>
    tpu.enqueue_indirect_dma source(%dma_start3A_114 : memref<10240x64xi32, #tpu.memory_space<hbm>>) target(%dma_start3A_108 : memref<64x64xi32, #tpu.memory_space<vmem>>) offsets(%dma_start3A_111 : memref<64xi32, #tpu.memory_space<vmem>>) semaphore(%dma_start3A_116 : memref<!tpu.dma_semaphore, #tpu.memory_space<semaphore_mem>>)
    %get3A_117 = arith.constant 2 : i32
    %get3A_118 = arith.index_cast %get3A_117 : i32 to index
    %get3A_119 = arith.constant 0 : index
    %get3A_120 = tpu.vector_load %arg7[%get3A_118, %get3A_119] {strides = array<i32>} : memref<160x64xi32, #tpu.memory_space<vmem>>, vector<16xi32>,
    %and3A_121 = arith.constant 65535 : i32
    %and3A_122 = vector.broadcast %and3A_121 : i32 to vector<16xi32>
    %and3A_123 = arith.andi %get3A_120, %and3A_122 : vector<16xi32>
    %swap3A_124 = arith.constant 2 : i32
    %swap3A_125 = arith.index_cast %swap3A_124 : i32 to index
    %swap3A_126 = arith.constant 0 : index
    %swap3A_127 = tpu.vector_load %arg8[%swap3A_125, %swap3A_126] {strides = array<i32>} : memref<4x64xi32, #tpu.memory_space<vmem>>, vector<16xi32>,
    tpu.vector_store %arg8[%swap3A_125, %swap3A_126], %and3A_123 {strides = array<i32>} : memref<4x64xi32, #tpu.memory_space<vmem>>, vector<16xi32>,
    %get3A_128 = arith.constant 2 : i32
    %get3A_129 = arith.index_cast %get3A_128 : i32 to index
    %get3A_130 = arith.constant 16 : index
    %get3A_131 = tpu.vector_load %arg7[%get3A_129, %get3A_130] {strides = array<i32>} : memref<160x64xi32, #tpu.memory_space<vmem>>, vector<16xi32>,
    %and3A_132 = arith.constant 65535 : i32
    %and3A_133 = vector.broadcast %and3A_132 : i32 to vector<16xi32>
    %and3A_134 = arith.andi %get3A_131, %and3A_133 : vector<16xi32>
    %swap3A_135 = arith.constant 2 : i32
    %swap3A_136 = arith.index_cast %swap3A_135 : i32 to index
    %swap3A_137 = arith.constant 16 : index
    %swap3A_138 = tpu.vector_load %arg8[%swap3A_136, %swap3A_137] {strides = array<i32>} : memref<4x64xi32, #tpu.memory_space<vmem>>, vector<16xi32>,
    tpu.vector_store %arg8[%swap3A_136, %swap3A_137], %and3A_134 {strides = array<i32>} : memref<4x64xi32, #tpu.memory_space<vmem>>, vector<16xi32>,
    %get3A_139 = arith.constant 2 : i32
    %get3A_140 = arith.index_cast %get3A_139 : i32 to index
    %get3A_141 = arith.constant 32 : index
    %get3A_142 = tpu.vector_load %arg7[%get3A_140, %get3A_141] {strides = array<i32>} : memref<160x64xi32, #tpu.memory_space<vmem>>, vector<16xi32>,
    %and3A_143 = arith.constant 65535 : i32
    %and3A_144 = vector.broadcast %and3A_143 : i32 to vector<16xi32>
    %and3A_145 = arith.andi %get3A_142, %and3A_144 : vector<16xi32>
    %swap3A_146 = arith.constant 2 : i32
    %swap3A_147 = arith.index_cast %swap3A_146 : i32 to index
    %swap3A_148 = arith.constant 32 : index
    %swap3A_149 = tpu.vector_load %arg8[%swap3A_147, %swap3A_148] {strides = array<i32>} : memref<4x64xi32, #tpu.memory_space<vmem>>, vector<16xi32>,
    tpu.vector_store %arg8[%swap3A_147, %swap3A_148], %and3A_145 {strides = array<i32>} : memref<4x64xi32, #tpu.memory_space<vmem>>, vector<16xi32>,
    %get3A_150 = arith.constant 2 : i32
    %get3A_151 = arith.index_cast %get3A_150 : i32 to index
    %get3A_152 = arith.constant 48 : index
    %get3A_153 = tpu.vector_load %arg7[%get3A_151, %get3A_152] {strides = array<i32>} : memref<160x64xi32, #tpu.memory_space<vmem>>, vector<16xi32>,
    %and3A_154 = arith.constant 65535 : i32
    %and3A_155 = vector.broadcast %and3A_154 : i32 to vector<16xi32>
    %and3A_156 = arith.andi %get3A_153, %and3A_155 : vector<16xi32>
    %swap3A_157 = arith.constant 2 : i32
    %swap3A_158 = arith.index_cast %swap3A_157 : i32 to index
    %swap3A_159 = arith.constant 48 : index
    %swap3A_160 = tpu.vector_load %arg8[%swap3A_158, %swap3A_159] {strides = array<i32>} : memref<4x64xi32, #tpu.memory_space<vmem>>, vector<16xi32>,
    tpu.vector_store %arg8[%swap3A_158, %swap3A_159], %and3A_156 {strides = array<i32>} : memref<4x64xi32, #tpu.memory_space<vmem>>, vector<16xi32>,
    %dma_start3A_161 = arith.constant 2 : i32
    %dma_start3A_162 = arith.constant 2 : i32
    %dma_start3A_163 = arith.constant 2 : i32
    %dma_start3A_164 = arith.constant 0 : i32
    %dma_start3A_165 = arith.constant 0 : i32
    %dma_start3A_166 = tpu.memref_slice %arg10[%dma_start3A_162, %dma_start3A_164, %dma_start3A_165] : memref<4x64x64xi32, #tpu.memory_space<vmem>> -> memref<1x64x64xi32, #tpu.memory_space<vmem>>
    %dma_start3A_167 = tpu.memref_squeeze %dma_start3A_166 : memref<1x64x64xi32, #tpu.memory_space<vmem>> -> memref<64x64xi32, #tpu.memory_space<vmem>>
    %dma_start3A_168 = arith.constant 0 : i32
    %dma_start3A_169 = tpu.memref_slice %arg8[%dma_start3A_161, %dma_start3A_168] : memref<4x64xi32, #tpu.memory_space<vmem>> -> memref<1x64xi32, #tpu.memory_space<vmem>>
    %dma_start3A_170 = tpu.memref_squeeze %dma_start3A_169 : memref<1x64xi32, #tpu.memory_space<vmem>> -> memref<64xi32, #tpu.memory_space<vmem>>
    %dma_start3A_171 = arith.constant 0 : i32
    %dma_start3A_172 = arith.constant 0 : i32
    %dma_start3A_173 = tpu.memref_slice %arg2[%dma_start3A_171, %dma_start3A_172] : memref<10240x64xi32, #tpu.memory_space<hbm>> -> memref<10240x64xi32, #tpu.memory_space<hbm>>
    %dma_start3A_174 = tpu.memref_slice %arg12[%dma_start3A_163] : memref<4x!tpu.dma_semaphore, #tpu.memory_space<semaphore_mem>> -> memref<1x!tpu.dma_semaphore, #tpu.memory_space<semaphore_mem>>
    %dma_start3A_175 = tpu.memref_squeeze %dma_start3A_174 : memref<1x!tpu.dma_semaphore, #tpu.memory_space<semaphore_mem>> -> memref<!tpu.dma_semaphore, #tpu.memory_space<semaphore_mem>>
    tpu.enqueue_indirect_dma source(%dma_start3A_173 : memref<10240x64xi32, #tpu.memory_space<hbm>>) target(%dma_start3A_167 : memref<64x64xi32, #tpu.memory_space<vmem>>) offsets(%dma_start3A_170 : memref<64xi32, #tpu.memory_space<vmem>>) semaphore(%dma_start3A_175 : memref<!tpu.dma_semaphore, #tpu.memory_space<semaphore_mem>>)
    %get3A_176 = arith.constant 3 : i32
    %get3A_177 = arith.index_cast %get3A_176 : i32 to index
    %get3A_178 = arith.constant 0 : index
    %get3A_179 = tpu.vector_load %arg7[%get3A_177, %get3A_178] {strides = array<i32>} : memref<160x64xi32, #tpu.memory_space<vmem>>, vector<16xi32>,
    %and3A_180 = arith.constant 65535 : i32
    %and3A_181 = vector.broadcast %and3A_180 : i32 to vector<16xi32>
    %and3A_182 = arith.andi %get3A_179, %and3A_181 : vector<16xi32>
    %swap3A_183 = arith.constant 3 : i32
    %swap3A_184 = arith.index_cast %swap3A_183 : i32 to index
    %swap3A_185 = arith.constant 0 : index
    %swap3A_186 = tpu.vector_load %arg8[%swap3A_184, %swap3A_185] {strides = array<i32>} : memref<4x64xi32, #tpu.memory_space<vmem>>, vector<16xi32>,
    tpu.vector_store %arg8[%swap3A_184, %swap3A_185], %and3A_182 {strides = array<i32>} : memref<4x64xi32, #tpu.memory_space<vmem>>, vector<16xi32>,
    %get3A_187 = arith.constant 3 : i32
    %get3A_188 = arith.index_cast %get3A_187 : i32 to index
    %get3A_189 = arith.constant 16 : index
    %get3A_190 = tpu.vector_load %arg7[%get3A_188, %get3A_189] {strides = array<i32>} : memref<160x64xi32, #tpu.memory_space<vmem>>, vector<16xi32>,
    %and3A_191 = arith.constant 65535 : i32
    %and3A_192 = vector.broadcast %and3A_191 : i32 to vector<16xi32>
    %and3A_193 = arith.andi %get3A_190, %and3A_192 : vector<16xi32>
    %swap3A_194 = arith.constant 3 : i32
    %swap3A_195 = arith.index_cast %swap3A_194 : i32 to index
    %swap3A_196 = arith.constant 16 : index
    %swap3A_197 = tpu.vector_load %arg8[%swap3A_195, %swap3A_196] {strides = array<i32>} : memref<4x64xi32, #tpu.memory_space<vmem>>, vector<16xi32>,
    tpu.vector_store %arg8[%swap3A_195, %swap3A_196], %and3A_193 {strides = array<i32>} : memref<4x64xi32, #tpu.memory_space<vmem>>, vector<16xi32>,
    %get3A_198 = arith.constant 3 : i32
    %get3A_199 = arith.index_cast %get3A_198 : i32 to index
    %get3A_200 = arith.constant 32 : index
    %get3A_201 = tpu.vector_load %arg7[%get3A_199, %get3A_200] {strides = array<i32>} : memref<160x64xi32, #tpu.memory_space<vmem>>, vector<16xi32>,
    %and3A_202 = arith.constant 65535 : i32
    %and3A_203 = vector.broadcast %and3A_202 : i32 to vector<16xi32>
    %and3A_204 = arith.andi %get3A_201, %and3A_203 : vector<16xi32>
    %swap3A_205 = arith.constant 3 : i32
    %swap3A_206 = arith.index_cast %swap3A_205 : i32 to index
    %swap3A_207 = arith.constant 32 : index
    %swap3A_208 = tpu.vector_load %arg8[%swap3A_206, %swap3A_207] {strides = array<i32>} : memref<4x64xi32, #tpu.memory_space<vmem>>, vector<16xi32>,
    tpu.vector_store %arg8[%swap3A_206, %swap3A_207], %and3A_204 {strides = array<i32>} : memref<4x64xi32, #tpu.memory_space<vmem>>, vector<16xi32>,
    %get3A_209 = arith.constant 3 : i32
    %get3A_210 = arith.index_cast %get3A_209 : i32 to index
    %get3A_211 = arith.constant 48 : index
    %get3A_212 = tpu.vector_load %arg7[%get3A_210, %get3A_211] {strides = array<i32>} : memref<160x64xi32, #tpu.memory_space<vmem>>, vector<16xi32>,
    %and3A_213 = arith.constant 65535 : i32
    %and3A_214 = vector.broadcast %and3A_213 : i32 to vector<16xi32>
    %and3A_215 = arith.andi %get3A_212, %and3A_214 : vector<16xi32>
    %swap3A_216 = arith.constant 3 : i32
    %swap3A_217 = arith.index_cast %swap3A_216 : i32 to index
    %swap3A_218 = arith.constant 48 : index
    %swap3A_219 = tpu.vector_load %arg8[%swap3A_217, %swap3A_218] {strides = array<i32>} : memref<4x64xi32, #tpu.memory_space<vmem>>, vector<16xi32>,
    tpu.vector_store %arg8[%swap3A_217, %swap3A_218], %and3A_215 {strides = array<i32>} : memref<4x64xi32, #tpu.memory_space<vmem>>, vector<16xi32>,
    %dma_start3A_220 = arith.constant 3 : i32
    %dma_start3A_221 = arith.constant 3 : i32
    %dma_start3A_222 = arith.constant 3 : i32
    %dma_start3A_223 = arith.constant 0 : i32
    %dma_start3A_224 = arith.constant 0 : i32
    %dma_start3A_225 = tpu.memref_slice %arg10[%dma_start3A_221, %dma_start3A_223, %dma_start3A_224] : memref<4x64x64xi32, #tpu.memory_space<vmem>> -> memref<1x64x64xi32, #tpu.memory_space<vmem>>
    %dma_start3A_226 = tpu.memref_squeeze %dma_start3A_225 : memref<1x64x64xi32, #tpu.memory_space<vmem>> -> memref<64x64xi32, #tpu.memory_space<vmem>>
    %dma_start3A_227 = arith.constant 0 : i32
    %dma_start3A_228 = tpu.memref_slice %arg8[%dma_start3A_220, %dma_start3A_227] : memref<4x64xi32, #tpu.memory_space<vmem>> -> memref<1x64xi32, #tpu.memory_space<vmem>>
    %dma_start3A_229 = tpu.memref_squeeze %dma_start3A_228 : memref<1x64xi32, #tpu.memory_space<vmem>> -> memref<64xi32, #tpu.memory_space<vmem>>
    %dma_start3A_230 = arith.constant 0 : i32
    %dma_start3A_231 = arith.constant 0 : i32
    %dma_start3A_232 = tpu.memref_slice %arg2[%dma_start3A_230, %dma_start3A_231] : memref<10240x64xi32, #tpu.memory_space<hbm>> -> memref<10240x64xi32, #tpu.memory_space<hbm>>
    %dma_start3A_233 = tpu.memref_slice %arg12[%dma_start3A_222] : memref<4x!tpu.dma_semaphore, #tpu.memory_space<semaphore_mem>> -> memref<1x!tpu.dma_semaphore, #tpu.memory_space<semaphore_mem>>
    %dma_start3A_234 = tpu.memref_squeeze %dma_start3A_233 : memref<1x!tpu.dma_semaphore, #tpu.memory_space<semaphore_mem>> -> memref<!tpu.dma_semaphore, #tpu.memory_space<semaphore_mem>>
    tpu.enqueue_indirect_dma source(%dma_start3A_232 : memref<10240x64xi32, #tpu.memory_space<hbm>>) target(%dma_start3A_226 : memref<64x64xi32, #tpu.memory_space<vmem>>) offsets(%dma_start3A_229 : memref<64xi32, #tpu.memory_space<vmem>>) semaphore(%dma_start3A_234 : memref<!tpu.dma_semaphore, #tpu.memory_space<semaphore_mem>>)
    %scan3A = arith.constant 0 : i32
    %scan3A_235 = arith.constant 0 : i32
    %scan3A_236 = arith.constant 40 : i32
    %scan3A_237 = arith.addi %scan3A_235, %scan3A_236 : i32
    %scan3A_238 = arith.constant 1 : i32
    scf.for %scan3A_280 = %scan3A_235 to %scan3A_237 step %scan3A_238  : i32 {
      %mul3A_281 = arith.constant 4 : i32
      %mul3A_282 = arith.muli %scan3A_280, %mul3A_281 : i32
      %add3A_283 = arith.constant 0 : i32
      %add3A_284 = arith.addi %mul3A_282, %add3A_283 : i32
      %dma_wait3A_285 = arith.constant 0 : i32
      %dma_wait3A_286 = arith.constant 0 : i32
      %dma_wait3A_287 = arith.constant 0 : i32
      %dma_wait3A_288 = arith.constant 0 : i32
      %dma_wait3A_289 = tpu.memref_slice %arg10[%dma_wait3A_285, %dma_wait3A_287, %dma_wait3A_288] : memref<4x64x64xi32, #tpu.memory_space<vmem>> -> memref<1x64x64xi32, #tpu.memory_space<vmem>>
      %dma_wait3A_290 = tpu.memref_squeeze %dma_wait3A_289 : memref<1x64x64xi32, #tpu.memory_space<vmem>> -> memref<64x64xi32, #tpu.memory_space<vmem>>
      %dma_wait3A_291 = arith.constant 0 : i32
      %dma_wait3A_292 = arith.constant 0 : i32
      %dma_wait3A_293 = tpu.memref_slice %arg2[%dma_wait3A_291, %dma_wait3A_292] : memref<10240x64xi32, #tpu.memory_space<hbm>> -> memref<64x64xi32, #tpu.memory_space<hbm>>
      %dma_wait3A_294 = tpu.memref_slice %arg12[%dma_wait3A_286] : memref<4x!tpu.dma_semaphore, #tpu.memory_space<semaphore_mem>> -> memref<1x!tpu.dma_semaphore, #tpu.memory_space<semaphore_mem>>
      %dma_wait3A_295 = tpu.memref_squeeze %dma_wait3A_294 : memref<1x!tpu.dma_semaphore, #tpu.memory_space<semaphore_mem>> -> memref<!tpu.dma_semaphore, #tpu.memory_space<semaphore_mem>>
      %dma_wait3A_296 = arith.constant 0 : i32
      %dma_wait3A_297 = arith.constant 0 : i32
      %dma_wait3A_298 = tpu.memref_slice %arg10[%dma_wait3A_285, %dma_wait3A_296, %dma_wait3A_297] : memref<4x64x64xi32, #tpu.memory_space<vmem>> -> memref<1x64x64xi32, #tpu.memory_space<vmem>>
      %dma_wait3A_299 = tpu.memref_squeeze %dma_wait3A_298 : memref<1x64x64xi32, #tpu.memory_space<vmem>> -> memref<64x64xi32, #tpu.memory_space<vmem>>
      %dma_wait3A_300 = arith.constant 0 : i32
      %dma_wait3A_301 = arith.constant 0 : i32
      %dma_wait3A_302 = tpu.memref_slice %arg2[%dma_wait3A_300, %dma_wait3A_301] : memref<10240x64xi32, #tpu.memory_space<hbm>> -> memref<64x64xi32, #tpu.memory_space<hbm>>
      tpu.wait_dma2 semaphore(%dma_wait3A_295 : memref<!tpu.dma_semaphore, #tpu.memory_space<semaphore_mem>>) src(%dma_wait3A_302 : memref<64x64xi32, #tpu.memory_space<hbm>>) dst(%dma_wait3A_299 : memref<64x64xi32, #tpu.memory_space<vmem>>)
      %gt3A = arith.constant 0 : i32
      %gt3A_303 = arith.cmpi sgt, %scan3A_280, %gt3A : i32
      %convert_element_type3A = arith.extui %gt3A_303 : i1 to i32
      %cond3A = arith.constant 0 : i32
      %cond3A_304 = arith.cmpi ne, %convert_element_type3A, %cond3A : i32
      scf.if %cond3A_304 {
        %dma_wait3A_682 = arith.constant 0 : i32
        %dma_wait3A_683 = arith.constant 0 : i32
        %dma_wait3A_684 = arith.constant 0 : i32
        %dma_wait3A_685 = arith.constant 0 : i32
        %dma_wait3A_686 = tpu.memref_slice %arg11[%dma_wait3A_682, %dma_wait3A_684, %dma_wait3A_685] : memref<2x64x128xf32, #tpu.memory_space<vmem>> -> memref<1x64x128xf32, #tpu.memory_space<vmem>>
        %dma_wait3A_687 = tpu.memref_squeeze %dma_wait3A_686 : memref<1x64x128xf32, #tpu.memory_space<vmem>> -> memref<64x128xf32, #tpu.memory_space<vmem>>
        %dma_wait3A_688 = arith.constant 0 : i32
        %dma_wait3A_689 = arith.constant 0 : i32
        %dma_wait3A_690 = tpu.memref_slice %arg6[%dma_wait3A_688, %dma_wait3A_689] : memref<10240x128xf32, #tpu.memory_space<vmem_shared>> -> memref<64x128xf32, #tpu.memory_space<vmem_shared>>
        %dma_wait3A_691 = tpu.memref_slice %arg13[%dma_wait3A_683] : memref<2x!tpu.dma_semaphore, #tpu.memory_space<semaphore_mem>> -> memref<1x!tpu.dma_semaphore, #tpu.memory_space<semaphore_mem>>
        %dma_wait3A_692 = tpu.memref_squeeze %dma_wait3A_691 : memref<1x!tpu.dma_semaphore, #tpu.memory_space<semaphore_mem>> -> memref<!tpu.dma_semaphore, #tpu.memory_space<semaphore_mem>>
        %dma_wait3A_693 = arith.constant 0 : i32
        %dma_wait3A_694 = arith.constant 0 : i32
        %dma_wait3A_695 = tpu.memref_slice %arg6[%dma_wait3A_693, %dma_wait3A_694] : memref<10240x128xf32, #tpu.memory_space<vmem_shared>> -> memref<64x128xf32, #tpu.memory_space<vmem_shared>>
        %dma_wait3A_696 = arith.constant 0 : i32
        %dma_wait3A_697 = arith.constant 0 : i32
        %dma_wait3A_698 = tpu.memref_slice %arg11[%dma_wait3A_682, %dma_wait3A_696, %dma_wait3A_697] : memref<2x64x128xf32, #tpu.memory_space<vmem>> -> memref<1x64x128xf32, #tpu.memory_space<vmem>>
        %dma_wait3A_699 = tpu.memref_squeeze %dma_wait3A_698 : memref<1x64x128xf32, #tpu.memory_space<vmem>> -> memref<64x128xf32, #tpu.memory_space<vmem>>
        tpu.wait_dma2 semaphore(%dma_wait3A_692 : memref<!tpu.dma_semaphore, #tpu.memory_space<semaphore_mem>>) src(%dma_wait3A_699 : memref<64x128xf32, #tpu.memory_space<vmem>>) dst(%dma_wait3A_695 : memref<64x128xf32, #tpu.memory_space<vmem_shared>>)
      } else {
      }
      %get3A_305 = arith.index_cast %add3A_284 : i32 to index
      %get3A_306 = arith.constant 0 : index
      %get3A_307 = tpu.vector_load %arg7[%get3A_305, %get3A_306] {strides = array<i32>} : memref<160x64xi32, #tpu.memory_space<vmem>>, vector<16xi32>,
      %shift_right_logical3A = arith.constant 16 : i32
      %shift_right_logical3A_308 = vector.broadcast %shift_right_logical3A : i32 to vector<16xi32>
      %shift_right_logical3A_309 = arith.shrui %get3A_307, %shift_right_logical3A_308 : vector<16xi32>
      %swap3A_310 = arith.constant 0 : i32
      %swap3A_311 = arith.index_cast %swap3A_310 : i32 to index
      %swap3A_312 = arith.constant 0 : index
      %swap3A_313 = tpu.vector_load %arg9[%swap3A_311, %swap3A_312] {strides = array<i32>} : memref<2x64xi32, #tpu.memory_space<vmem>>, vector<16xi32>,
      tpu.vector_store %arg9[%swap3A_311, %swap3A_312], %shift_right_logical3A_309 {strides = array<i32>} : memref<2x64xi32, #tpu.memory_space<vmem>>, vector<16xi32>,
      %get3A_314 = arith.index_cast %add3A_284 : i32 to index
      %get3A_315 = arith.constant 16 : index
      %get3A_316 = tpu.vector_load %arg7[%get3A_314, %get3A_315] {strides = array<i32>} : memref<160x64xi32, #tpu.memory_space<vmem>>, vector<16xi32>,
      %shift_right_logical3A_317 = arith.constant 16 : i32
      %shift_right_logical3A_318 = vector.broadcast %shift_right_logical3A_317 : i32 to vector<16xi32>
      %shift_right_logical3A_319 = arith.shrui %get3A_316, %shift_right_logical3A_318 : vector<16xi32>
      %swap3A_320 = arith.constant 0 : i32
      %swap3A_321 = arith.index_cast %swap3A_320 : i32 to index
      %swap3A_322 = arith.constant 16 : index
      %swap3A_323 = tpu.vector_load %arg9[%swap3A_321, %swap3A_322] {strides = array<i32>} : memref<2x64xi32, #tpu.memory_space<vmem>>, vector<16xi32>,
      tpu.vector_store %arg9[%swap3A_321, %swap3A_322], %shift_right_logical3A_319 {strides = array<i32>} : memref<2x64xi32, #tpu.memory_space<vmem>>, vector<16xi32>,
      %get3A_324 = arith.index_cast %add3A_284 : i32 to index
      %get3A_325 = arith.constant 32 : index
      %get3A_326 = tpu.vector_load %arg7[%get3A_324, %get3A_325] {strides = array<i32>} : memref<160x64xi32, #tpu.memory_space<vmem>>, vector<16xi32>,
      %shift_right_logical3A_327 = arith.constant 16 : i32
      %shift_right_logical3A_328 = vector.broadcast %shift_right_logical3A_327 : i32 to vector<16xi32>
      %shift_right_logical3A_329 = arith.shrui %get3A_326, %shift_right_logical3A_328 : vector<16xi32>
      %swap3A_330 = arith.constant 0 : i32
      %swap3A_331 = arith.index_cast %swap3A_330 : i32 to index
      %swap3A_332 = arith.constant 32 : index
      %swap3A_333 = tpu.vector_load %arg9[%swap3A_331, %swap3A_332] {strides = array<i32>} : memref<2x64xi32, #tpu.memory_space<vmem>>, vector<16xi32>,
      tpu.vector_store %arg9[%swap3A_331, %swap3A_332], %shift_right_logical3A_329 {strides = array<i32>} : memref<2x64xi32, #tpu.memory_space<vmem>>, vector<16xi32>,
      %get3A_334 = arith.index_cast %add3A_284 : i32 to index
      %get3A_335 = arith.constant 48 : index
      %get3A_336 = tpu.vector_load %arg7[%get3A_334, %get3A_335] {strides = array<i32>} : memref<160x64xi32, #tpu.memory_space<vmem>>, vector<16xi32>,
      %shift_right_logical3A_337 = arith.constant 16 : i32
      %shift_right_logical3A_338 = vector.broadcast %shift_right_logical3A_337 : i32 to vector<16xi32>
      %shift_right_logical3A_339 = arith.shrui %get3A_336, %shift_right_logical3A_338 : vector<16xi32>
      %swap3A_340 = arith.constant 0 : i32
      %swap3A_341 = arith.index_cast %swap3A_340 : i32 to index
      %swap3A_342 = arith.constant 48 : index
      %swap3A_343 = tpu.vector_load %arg9[%swap3A_341, %swap3A_342] {strides = array<i32>} : memref<2x64xi32, #tpu.memory_space<vmem>>, vector<16xi32>,
      tpu.vector_store %arg9[%swap3A_341, %swap3A_342], %shift_right_logical3A_339 {strides = array<i32>} : memref<2x64xi32, #tpu.memory_space<vmem>>, vector<16xi32>,
      %scan3A_344 = arith.constant 0 : i32
      %scan3A_345 = arith.constant 0 : i32
      %scan3A_346 = arith.constant 64 : i32
      %scan3A_347 = arith.addi %scan3A_345, %scan3A_346 : i32
      %scan3A_348 = arith.constant 1 : i32
      scf.for %scan3A_682 = %scan3A_345 to %scan3A_347 step %scan3A_348  : i32 {
        %get3A_683 = arith.constant 0 : i32
        %get3A_684 = arith.index_cast %get3A_683 : i32 to index
        %get3A_685 = arith.index_cast %scan3A_682 : i32 to index
        %get3A_686 = arith.constant 0 : index
        %get3A_687 = tpu.vector_load %arg10[%get3A_684, %get3A_685, %get3A_686] {strides = array<i32>} : memref<4x64x64xi32, #tpu.memory_space<vmem>>, vector<16xi32>,
        %shift_left3A = arith.constant 16 : i32
        %shift_left3A_688 = vector.broadcast %shift_left3A : i32 to vector<16xi32>
        %shift_left3A_689 = arith.shli %get3A_687, %shift_left3A_688 : vector<16xi32>
        %bitcast3A = vector.bitcast %shift_left3A_689 : vector<16xi32> to vector<16xf32>
        %and3A_690 = arith.constant -65536 : i32
        %and3A_691 = vector.broadcast %and3A_690 : i32 to vector<16xi32>
        %and3A_692 = arith.andi %get3A_687, %and3A_691 : vector<16xi32>
        %bitcast3A_693 = vector.bitcast %and3A_692 : vector<16xi32> to vector<16xf32>
        %swap3A_694 = arith.constant 0 : i32
        %swap3A_695 = arith.index_cast %swap3A_694 : i32 to index
        %swap3A_696 = arith.index_cast %scan3A_682 : i32 to index
        %swap3A_697 = arith.constant 0 : index
        %swap3A_698 = tpu.vector_load %arg11[%swap3A_695, %swap3A_696, %swap3A_697] {strides = array<i32>} : memref<2x64x128xf32, #tpu.memory_space<vmem>>, vector<16xf32>,
        tpu.vector_store %arg11[%swap3A_695, %swap3A_696, %swap3A_697], %bitcast3A {strides = array<i32>} : memref<2x64x128xf32, #tpu.memory_space<vmem>>, vector<16xf32>,
        %swap3A_699 = arith.constant 0 : i32
        %swap3A_700 = arith.index_cast %swap3A_699 : i32 to index
        %swap3A_701 = arith.index_cast %scan3A_682 : i32 to index
        %swap3A_702 = arith.constant 64 : index
        %swap3A_703 = tpu.vector_load %arg11[%swap3A_700, %swap3A_701, %swap3A_702] {strides = array<i32>} : memref<2x64x128xf32, #tpu.memory_space<vmem>>, vector<16xf32>,
        tpu.vector_store %arg11[%swap3A_700, %swap3A_701, %swap3A_702], %bitcast3A_693 {strides = array<i32>} : memref<2x64x128xf32, #tpu.memory_space<vmem>>, vector<16xf32>,
        %get3A_704 = arith.constant 0 : i32
        %get3A_705 = arith.index_cast %get3A_704 : i32 to index
        %get3A_706 = arith.index_cast %scan3A_682 : i32 to index
        %get3A_707 = arith.constant 16 : index
        %get3A_708 = tpu.vector_load %arg10[%get3A_705, %get3A_706, %get3A_707] {strides = array<i32>} : memref<4x64x64xi32, #tpu.memory_space<vmem>>, vector<16xi32>,
        %shift_left3A_709 = arith.constant 16 : i32
        %shift_left3A_710 = vector.broadcast %shift_left3A_709 : i32 to vector<16xi32>
        %shift_left3A_711 = arith.shli %get3A_708, %shift_left3A_710 : vector<16xi32>
        %bitcast3A_712 = vector.bitcast %shift_left3A_711 : vector<16xi32> to vector<16xf32>
        %and3A_713 = arith.constant -65536 : i32
        %and3A_714 = vector.broadcast %and3A_713 : i32 to vector<16xi32>
        %and3A_715 = arith.andi %get3A_708, %and3A_714 : vector<16xi32>
        %bitcast3A_716 = vector.bitcast %and3A_715 : vector<16xi32> to vector<16xf32>
        %swap3A_717 = arith.constant 0 : i32
        %swap3A_718 = arith.index_cast %swap3A_717 : i32 to index
        %swap3A_719 = arith.index_cast %scan3A_682 : i32 to index
        %swap3A_720 = arith.constant 16 : index
        %swap3A_721 = tpu.vector_load %arg11[%swap3A_718, %swap3A_719, %swap3A_720] {strides = array<i32>} : memref<2x64x128xf32, #tpu.memory_space<vmem>>, vector<16xf32>,
        tpu.vector_store %arg11[%swap3A_718, %swap3A_719, %swap3A_720], %bitcast3A_712 {strides = array<i32>} : memref<2x64x128xf32, #tpu.memory_space<vmem>>, vector<16xf32>,
        %swap3A_722 = arith.constant 0 : i32
        %swap3A_723 = arith.index_cast %swap3A_722 : i32 to index
        %swap3A_724 = arith.index_cast %scan3A_682 : i32 to index
        %swap3A_725 = arith.constant 80 : index
        %swap3A_726 = tpu.vector_load %arg11[%swap3A_723, %swap3A_724, %swap3A_725] {strides = array<i32>} : memref<2x64x128xf32, #tpu.memory_space<vmem>>, vector<16xf32>,
        tpu.vector_store %arg11[%swap3A_723, %swap3A_724, %swap3A_725], %bitcast3A_716 {strides = array<i32>} : memref<2x64x128xf32, #tpu.memory_space<vmem>>, vector<16xf32>,
        %get3A_727 = arith.constant 0 : i32
        %get3A_728 = arith.index_cast %get3A_727 : i32 to index
        %get3A_729 = arith.index_cast %scan3A_682 : i32 to index
        %get3A_730 = arith.constant 32 : index
        %get3A_731 = tpu.vector_load %arg10[%get3A_728, %get3A_729, %get3A_730] {strides = array<i32>} : memref<4x64x64xi32, #tpu.memory_space<vmem>>, vector<16xi32>,
        %shift_left3A_732 = arith.constant 16 : i32
        %shift_left3A_733 = vector.broadcast %shift_left3A_732 : i32 to vector<16xi32>
        %shift_left3A_734 = arith.shli %get3A_731, %shift_left3A_733 : vector<16xi32>
        %bitcast3A_735 = vector.bitcast %shift_left3A_734 : vector<16xi32> to vector<16xf32>
        %and3A_736 = arith.constant -65536 : i32
        %and3A_737 = vector.broadcast %and3A_736 : i32 to vector<16xi32>
        %and3A_738 = arith.andi %get3A_731, %and3A_737 : vector<16xi32>
        %bitcast3A_739 = vector.bitcast %and3A_738 : vector<16xi32> to vector<16xf32>
        %swap3A_740 = arith.constant 0 : i32
        %swap3A_741 = arith.index_cast %swap3A_740 : i32 to index
        %swap3A_742 = arith.index_cast %scan3A_682 : i32 to index
        %swap3A_743 = arith.constant 32 : index
        %swap3A_744 = tpu.vector_load %arg11[%swap3A_741, %swap3A_742, %swap3A_743] {strides = array<i32>} : memref<2x64x128xf32, #tpu.memory_space<vmem>>, vector<16xf32>,
        tpu.vector_store %arg11[%swap3A_741, %swap3A_742, %swap3A_743], %bitcast3A_735 {strides = array<i32>} : memref<2x64x128xf32, #tpu.memory_space<vmem>>, vector<16xf32>,
        %swap3A_745 = arith.constant 0 : i32
        %swap3A_746 = arith.index_cast %swap3A_745 : i32 to index
        %swap3A_747 = arith.index_cast %scan3A_682 : i32 to index
        %swap3A_748 = arith.constant 96 : index
        %swap3A_749 = tpu.vector_load %arg11[%swap3A_746, %swap3A_747, %swap3A_748] {strides = array<i32>} : memref<2x64x128xf32, #tpu.memory_space<vmem>>, vector<16xf32>,
        tpu.vector_store %arg11[%swap3A_746, %swap3A_747, %swap3A_748], %bitcast3A_739 {strides = array<i32>} : memref<2x64x128xf32, #tpu.memory_space<vmem>>, vector<16xf32>,
        %get3A_750 = arith.constant 0 : i32
        %get3A_751 = arith.index_cast %get3A_750 : i32 to index
        %get3A_752 = arith.index_cast %scan3A_682 : i32 to index
        %get3A_753 = arith.constant 48 : index
        %get3A_754 = tpu.vector_load %arg10[%get3A_751, %get3A_752, %get3A_753] {strides = array<i32>} : memref<4x64x64xi32, #tpu.memory_space<vmem>>, vector<16xi32>,
        %shift_left3A_755 = arith.constant 16 : i32
        %shift_left3A_756 = vector.broadcast %shift_left3A_755 : i32 to vector<16xi32>
        %shift_left3A_757 = arith.shli %get3A_754, %shift_left3A_756 : vector<16xi32>
        %bitcast3A_758 = vector.bitcast %shift_left3A_757 : vector<16xi32> to vector<16xf32>
        %and3A_759 = arith.constant -65536 : i32
        %and3A_760 = vector.broadcast %and3A_759 : i32 to vector<16xi32>
        %and3A_761 = arith.andi %get3A_754, %and3A_760 : vector<16xi32>
        %bitcast3A_762 = vector.bitcast %and3A_761 : vector<16xi32> to vector<16xf32>
        %swap3A_763 = arith.constant 0 : i32
        %swap3A_764 = arith.index_cast %swap3A_763 : i32 to index
        %swap3A_765 = arith.index_cast %scan3A_682 : i32 to index
        %swap3A_766 = arith.constant 48 : index
        %swap3A_767 = tpu.vector_load %arg11[%swap3A_764, %swap3A_765, %swap3A_766] {strides = array<i32>} : memref<2x64x128xf32, #tpu.memory_space<vmem>>, vector<16xf32>,
        tpu.vector_store %arg11[%swap3A_764, %swap3A_765, %swap3A_766], %bitcast3A_758 {strides = array<i32>} : memref<2x64x128xf32, #tpu.memory_space<vmem>>, vector<16xf32>,
        %swap3A_768 = arith.constant 0 : i32
        %swap3A_769 = arith.index_cast %swap3A_768 : i32 to index
        %swap3A_770 = arith.index_cast %scan3A_682 : i32 to index
        %swap3A_771 = arith.constant 112 : index
        %swap3A_772 = tpu.vector_load %arg11[%swap3A_769, %swap3A_770, %swap3A_771] {strides = array<i32>} : memref<2x64x128xf32, #tpu.memory_space<vmem>>, vector<16xf32>,
        tpu.vector_store %arg11[%swap3A_769, %swap3A_770, %swap3A_771], %bitcast3A_762 {strides = array<i32>} : memref<2x64x128xf32, #tpu.memory_space<vmem>>, vector<16xf32>,
      }
      %scan3A_349 = arith.constant 64 : i32
      %dma_start3A_350 = arith.constant 0 : i32
      %dma_start3A_351 = arith.constant 0 : i32
      %dma_start3A_352 = arith.constant 0 : i32
      %dma_start3A_353 = arith.constant 0 : i32
      %dma_start3A_354 = arith.constant 0 : i32
      %dma_start3A_355 = tpu.memref_slice %arg11[%dma_start3A_350, %dma_start3A_353, %dma_start3A_354] : memref<2x64x128xf32, #tpu.memory_space<vmem>> -> memref<1x64x128xf32, #tpu.memory_space<vmem>>
      %dma_start3A_356 = tpu.memref_squeeze %dma_start3A_355 : memref<1x64x128xf32, #tpu.memory_space<vmem>> -> memref<64x128xf32, #tpu.memory_space<vmem>>
      %dma_start3A_357 = arith.constant 0 : i32
      %dma_start3A_358 = tpu.memref_slice %arg9[%dma_start3A_351, %dma_start3A_357] : memref<2x64xi32, #tpu.memory_space<vmem>> -> memref<1x64xi32, #tpu.memory_space<vmem>>
      %dma_start3A_359 = tpu.memref_squeeze %dma_start3A_358 : memref<1x64xi32, #tpu.memory_space<vmem>> -> memref<64xi32, #tpu.memory_space<vmem>>
      %dma_start3A_360 = arith.constant 0 : i32
      %dma_start3A_361 = arith.constant 0 : i32
      %dma_start3A_362 = tpu.memref_slice %arg6[%dma_start3A_360, %dma_start3A_361] : memref<10240x128xf32, #tpu.memory_space<vmem_shared>> -> memref<10240x128xf32, #tpu.memory_space<vmem_shared>>
      %dma_start3A_363 = tpu.memref_slice %arg13[%dma_start3A_352] : memref<2x!tpu.dma_semaphore, #tpu.memory_space<semaphore_mem>> -> memref<1x!tpu.dma_semaphore, #tpu.memory_space<semaphore_mem>>
      %dma_start3A_364 = tpu.memref_squeeze %dma_start3A_363 : memref<1x!tpu.dma_semaphore, #tpu.memory_space<semaphore_mem>> -> memref<!tpu.dma_semaphore, #tpu.memory_space<semaphore_mem>>
      tpu.enqueue_indirect_dma source(%dma_start3A_356 : memref<64x128xf32, #tpu.memory_space<vmem>>) target(%dma_start3A_362 : memref<10240x128xf32, #tpu.memory_space<vmem_shared>>) offsets(%dma_start3A_359 : memref<64xi32, #tpu.memory_space<vmem>>) semaphore(%dma_start3A_364 : memref<!tpu.dma_semaphore, #tpu.memory_space<semaphore_mem>>) {add = true}
      %add3A_365 = arith.constant 1 : i32
      %add3A_366 = arith.addi %scan3A_280, %add3A_365 : i32
      %lt3A = arith.constant 40 : i32
      %lt3A_367 = arith.cmpi slt, %add3A_366, %lt3A : i32
      %convert_element_type3A_368 = arith.extui %lt3A_367 : i1 to i32
      %cond3A_369 = arith.constant 0 : i32
      %cond3A_370 = arith.cmpi ne, %convert_element_type3A_368, %cond3A_369 : i32
      scf.if %cond3A_370 {
        %add3A_682 = arith.constant 4 : i32
        %add3A_683 = arith.addi %add3A_284, %add3A_682 : i32
        %get3A_684 = arith.index_cast %add3A_683 : i32 to index
        %get3A_685 = arith.constant 0 : index
        %get3A_686 = tpu.vector_load %arg7[%get3A_684, %get3A_685] {strides = array<i32>} : memref<160x64xi32, #tpu.memory_space<vmem>>, vector<16xi32>,
        %and3A_687 = arith.constant 65535 : i32
        %and3A_688 = vector.broadcast %and3A_687 : i32 to vector<16xi32>
        %and3A_689 = arith.andi %get3A_686, %and3A_688 : vector<16xi32>
        %swap3A_690 = arith.constant 0 : i32
        %swap3A_691 = arith.index_cast %swap3A_690 : i32 to index
        %swap3A_692 = arith.constant 0 : index
        %swap3A_693 = tpu.vector_load %arg8[%swap3A_691, %swap3A_692] {strides = array<i32>} : memref<4x64xi32, #tpu.memory_space<vmem>>, vector<16xi32>,
        tpu.vector_store %arg8[%swap3A_691, %swap3A_692], %and3A_689 {strides = array<i32>} : memref<4x64xi32, #tpu.memory_space<vmem>>, vector<16xi32>,
        %get3A_694 = arith.index_cast %add3A_683 : i32 to index
        %get3A_695 = arith.constant 16 : index
        %get3A_696 = tpu.vector_load %arg7[%get3A_694, %get3A_695] {strides = array<i32>} : memref<160x64xi32, #tpu.memory_space<vmem>>, vector<16xi32>,
        %and3A_697 = arith.constant 65535 : i32
        %and3A_698 = vector.broadcast %and3A_697 : i32 to vector<16xi32>
        %and3A_699 = arith.andi %get3A_696, %and3A_698 : vector<16xi32>
        %swap3A_700 = arith.constant 0 : i32
        %swap3A_701 = arith.index_cast %swap3A_700 : i32 to index
        %swap3A_702 = arith.constant 16 : index
        %swap3A_703 = tpu.vector_load %arg8[%swap3A_701, %swap3A_702] {strides = array<i32>} : memref<4x64xi32, #tpu.memory_space<vmem>>, vector<16xi32>,
        tpu.vector_store %arg8[%swap3A_701, %swap3A_702], %and3A_699 {strides = array<i32>} : memref<4x64xi32, #tpu.memory_space<vmem>>, vector<16xi32>,
        %get3A_704 = arith.index_cast %add3A_683 : i32 to index
        %get3A_705 = arith.constant 32 : index
        %get3A_706 = tpu.vector_load %arg7[%get3A_704, %get3A_705] {strides = array<i32>} : memref<160x64xi32, #tpu.memory_space<vmem>>, vector<16xi32>,
        %and3A_707 = arith.constant 65535 : i32
        %and3A_708 = vector.broadcast %and3A_707 : i32 to vector<16xi32>
        %and3A_709 = arith.andi %get3A_706, %and3A_708 : vector<16xi32>
        %swap3A_710 = arith.constant 0 : i32
        %swap3A_711 = arith.index_cast %swap3A_710 : i32 to index
        %swap3A_712 = arith.constant 32 : index
        %swap3A_713 = tpu.vector_load %arg8[%swap3A_711, %swap3A_712] {strides = array<i32>} : memref<4x64xi32, #tpu.memory_space<vmem>>, vector<16xi32>,
        tpu.vector_store %arg8[%swap3A_711, %swap3A_712], %and3A_709 {strides = array<i32>} : memref<4x64xi32, #tpu.memory_space<vmem>>, vector<16xi32>,
        %get3A_714 = arith.index_cast %add3A_683 : i32 to index
        %get3A_715 = arith.constant 48 : index
        %get3A_716 = tpu.vector_load %arg7[%get3A_714, %get3A_715] {strides = array<i32>} : memref<160x64xi32, #tpu.memory_space<vmem>>, vector<16xi32>,
        %and3A_717 = arith.constant 65535 : i32
        %and3A_718 = vector.broadcast %and3A_717 : i32 to vector<16xi32>
        %and3A_719 = arith.andi %get3A_716, %and3A_718 : vector<16xi32>
        %swap3A_720 = arith.constant 0 : i32
        %swap3A_721 = arith.index_cast %swap3A_720 : i32 to index
        %swap3A_722 = arith.constant 48 : index
        %swap3A_723 = tpu.vector_load %arg8[%swap3A_721, %swap3A_722] {strides = array<i32>} : memref<4x64xi32, #tpu.memory_space<vmem>>, vector<16xi32>,
        tpu.vector_store %arg8[%swap3A_721, %swap3A_722], %and3A_719 {strides = array<i32>} : memref<4x64xi32, #tpu.memory_space<vmem>>, vector<16xi32>,
        %dma_start3A_724 = arith.constant 0 : i32
        %dma_start3A_725 = arith.constant 0 : i32
        %dma_start3A_726 = arith.constant 0 : i32
        %dma_start3A_727 = arith.constant 0 : i32
        %dma_start3A_728 = arith.constant 0 : i32
        %dma_start3A_729 = tpu.memref_slice %arg10[%dma_start3A_725, %dma_start3A_727, %dma_start3A_728] : memref<4x64x64xi32, #tpu.memory_space<vmem>> -> memref<1x64x64xi32, #tpu.memory_space<vmem>>
        %dma_start3A_730 = tpu.memref_squeeze %dma_start3A_729 : memref<1x64x64xi32, #tpu.memory_space<vmem>> -> memref<64x64xi32, #tpu.memory_space<vmem>>
        %dma_start3A_731 = arith.constant 0 : i32
        %dma_start3A_732 = tpu.memref_slice %arg8[%dma_start3A_724, %dma_start3A_731] : memref<4x64xi32, #tpu.memory_space<vmem>> -> memref<1x64xi32, #tpu.memory_space<vmem>>
        %dma_start3A_733 = tpu.memref_squeeze %dma_start3A_732 : memref<1x64xi32, #tpu.memory_space<vmem>> -> memref<64xi32, #tpu.memory_space<vmem>>
        %dma_start3A_734 = arith.constant 0 : i32
        %dma_start3A_735 = arith.constant 0 : i32
        %dma_start3A_736 = tpu.memref_slice %arg2[%dma_start3A_734, %dma_start3A_735] : memref<10240x64xi32, #tpu.memory_space<hbm>> -> memref<10240x64xi32, #tpu.memory_space<hbm>>
        %dma_start3A_737 = tpu.memref_slice %arg12[%dma_start3A_726] : memref<4x!tpu.dma_semaphore, #tpu.memory_space<semaphore_mem>> -> memref<1x!tpu.dma_semaphore, #tpu.memory_space<semaphore_mem>>
        %dma_start3A_738 = tpu.memref_squeeze %dma_start3A_737 : memref<1x!tpu.dma_semaphore, #tpu.memory_space<semaphore_mem>> -> memref<!tpu.dma_semaphore, #tpu.memory_space<semaphore_mem>>
        tpu.enqueue_indirect_dma source(%dma_start3A_736 : memref<10240x64xi32, #tpu.memory_space<hbm>>) target(%dma_start3A_730 : memref<64x64xi32, #tpu.memory_space<vmem>>) offsets(%dma_start3A_733 : memref<64xi32, #tpu.memory_space<vmem>>) semaphore(%dma_start3A_738 : memref<!tpu.dma_semaphore, #tpu.memory_space<semaphore_mem>>)
      } else {
      }
      %mul3A_371 = arith.constant 4 : i32
      %mul3A_372 = arith.muli %scan3A_280, %mul3A_371 : i32
      %add3A_373 = arith.constant 1 : i32
      %add3A_374 = arith.addi %mul3A_372, %add3A_373 : i32
      %dma_wait3A_375 = arith.constant 1 : i32
      %dma_wait3A_376 = arith.constant 1 : i32
      %dma_wait3A_377 = arith.constant 0 : i32
      %dma_wait3A_378 = arith.constant 0 : i32
      %dma_wait3A_379 = tpu.memref_slice %arg10[%dma_wait3A_375, %dma_wait3A_377, %dma_wait3A_378] : memref<4x64x64xi32, #tpu.memory_space<vmem>> -> memref<1x64x64xi32, #tpu.memory_space<vmem>>
      %dma_wait3A_380 = tpu.memref_squeeze %dma_wait3A_379 : memref<1x64x64xi32, #tpu.memory_space<vmem>> -> memref<64x64xi32, #tpu.memory_space<vmem>>
      %dma_wait3A_381 = arith.constant 0 : i32
      %dma_wait3A_382 = arith.constant 0 : i32
      %dma_wait3A_383 = tpu.memref_slice %arg2[%dma_wait3A_381, %dma_wait3A_382] : memref<10240x64xi32, #tpu.memory_space<hbm>> -> memref<64x64xi32, #tpu.memory_space<hbm>>
      %dma_wait3A_384 = tpu.memref_slice %arg12[%dma_wait3A_376] : memref<4x!tpu.dma_semaphore, #tpu.memory_space<semaphore_mem>> -> memref<1x!tpu.dma_semaphore, #tpu.memory_space<semaphore_mem>>
      %dma_wait3A_385 = tpu.memref_squeeze %dma_wait3A_384 : memref<1x!tpu.dma_semaphore, #tpu.memory_space<semaphore_mem>> -> memref<!tpu.dma_semaphore, #tpu.memory_space<semaphore_mem>>
      %dma_wait3A_386 = arith.constant 0 : i32
      %dma_wait3A_387 = arith.constant 0 : i32
      %dma_wait3A_388 = tpu.memref_slice %arg10[%dma_wait3A_375, %dma_wait3A_386, %dma_wait3A_387] : memref<4x64x64xi32, #tpu.memory_space<vmem>> -> memref<1x64x64xi32, #tpu.memory_space<vmem>>
      %dma_wait3A_389 = tpu.memref_squeeze %dma_wait3A_388 : memref<1x64x64xi32, #tpu.memory_space<vmem>> -> memref<64x64xi32, #tpu.memory_space<vmem>>
      %dma_wait3A_390 = arith.constant 0 : i32
      %dma_wait3A_391 = arith.constant 0 : i32
      %dma_wait3A_392 = tpu.memref_slice %arg2[%dma_wait3A_390, %dma_wait3A_391] : memref<10240x64xi32, #tpu.memory_space<hbm>> -> memref<64x64xi32, #tpu.memory_space<hbm>>
      tpu.wait_dma2 semaphore(%dma_wait3A_385 : memref<!tpu.dma_semaphore, #tpu.memory_space<semaphore_mem>>) src(%dma_wait3A_392 : memref<64x64xi32, #tpu.memory_space<hbm>>) dst(%dma_wait3A_389 : memref<64x64xi32, #tpu.memory_space<vmem>>)
      %gt3A_393 = arith.constant 0 : i32
      %gt3A_394 = arith.cmpi sgt, %scan3A_280, %gt3A_393 : i32
      %convert_element_type3A_395 = arith.extui %gt3A_394 : i1 to i32
      %cond3A_396 = arith.constant 0 : i32
      %cond3A_397 = arith.cmpi ne, %convert_element_type3A_395, %cond3A_396 : i32
      scf.if %cond3A_397 {
        %dma_wait3A_682 = arith.constant 1 : i32
        %dma_wait3A_683 = arith.constant 1 : i32
        %dma_wait3A_684 = arith.constant 0 : i32
        %dma_wait3A_685 = arith.constant 0 : i32
        %dma_wait3A_686 = tpu.memref_slice %arg11[%dma_wait3A_682, %dma_wait3A_684, %dma_wait3A_685] : memref<2x64x128xf32, #tpu.memory_space<vmem>> -> memref<1x64x128xf32, #tpu.memory_space<vmem>>
        %dma_wait3A_687 = tpu.memref_squeeze %dma_wait3A_686 : memref<1x64x128xf32, #tpu.memory_space<vmem>> -> memref<64x128xf32, #tpu.memory_space<vmem>>
        %dma_wait3A_688 = arith.constant 0 : i32
        %dma_wait3A_689 = arith.constant 0 : i32
        %dma_wait3A_690 = tpu.memref_slice %arg6[%dma_wait3A_688, %dma_wait3A_689] : memref<10240x128xf32, #tpu.memory_space<vmem_shared>> -> memref<64x128xf32, #tpu.memory_space<vmem_shared>>
        %dma_wait3A_691 = tpu.memref_slice %arg13[%dma_wait3A_683] : memref<2x!tpu.dma_semaphore, #tpu.memory_space<semaphore_mem>> -> memref<1x!tpu.dma_semaphore, #tpu.memory_space<semaphore_mem>>
        %dma_wait3A_692 = tpu.memref_squeeze %dma_wait3A_691 : memref<1x!tpu.dma_semaphore, #tpu.memory_space<semaphore_mem>> -> memref<!tpu.dma_semaphore, #tpu.memory_space<semaphore_mem>>
        %dma_wait3A_693 = arith.constant 0 : i32
        %dma_wait3A_694 = arith.constant 0 : i32
        %dma_wait3A_695 = tpu.memref_slice %arg6[%dma_wait3A_693, %dma_wait3A_694] : memref<10240x128xf32, #tpu.memory_space<vmem_shared>> -> memref<64x128xf32, #tpu.memory_space<vmem_shared>>
        %dma_wait3A_696 = arith.constant 0 : i32
        %dma_wait3A_697 = arith.constant 0 : i32
        %dma_wait3A_698 = tpu.memref_slice %arg11[%dma_wait3A_682, %dma_wait3A_696, %dma_wait3A_697] : memref<2x64x128xf32, #tpu.memory_space<vmem>> -> memref<1x64x128xf32, #tpu.memory_space<vmem>>
        %dma_wait3A_699 = tpu.memref_squeeze %dma_wait3A_698 : memref<1x64x128xf32, #tpu.memory_space<vmem>> -> memref<64x128xf32, #tpu.memory_space<vmem>>
        tpu.wait_dma2 semaphore(%dma_wait3A_692 : memref<!tpu.dma_semaphore, #tpu.memory_space<semaphore_mem>>) src(%dma_wait3A_699 : memref<64x128xf32, #tpu.memory_space<vmem>>) dst(%dma_wait3A_695 : memref<64x128xf32, #tpu.memory_space<vmem_shared>>)
      } else {
      }
      %get3A_398 = arith.index_cast %add3A_374 : i32 to index
      %get3A_399 = arith.constant 0 : index
      %get3A_400 = tpu.vector_load %arg7[%get3A_398, %get3A_399] {strides = array<i32>} : memref<160x64xi32, #tpu.memory_space<vmem>>, vector<16xi32>,
      %shift_right_logical3A_401 = arith.constant 16 : i32
      %shift_right_logical3A_402 = vector.broadcast %shift_right_logical3A_401 : i32 to vector<16xi32>
      %shift_right_logical3A_403 = arith.shrui %get3A_400, %shift_right_logical3A_402 : vector<16xi32>
      %swap3A_404 = arith.constant 1 : i32
      %swap3A_405 = arith.index_cast %swap3A_404 : i32 to index
      %swap3A_406 = arith.constant 0 : index
      %swap3A_407 = tpu.vector_load %arg9[%swap3A_405, %swap3A_406] {strides = array<i32>} : memref<2x64xi32, #tpu.memory_space<vmem>>, vector<16xi32>,
      tpu.vector_store %arg9[%swap3A_405, %swap3A_406], %shift_right_logical3A_403 {strides = array<i32>} : memref<2x64xi32, #tpu.memory_space<vmem>>, vector<16xi32>,
      %get3A_408 = arith.index_cast %add3A_374 : i32 to index
      %get3A_409 = arith.constant 16 : index
      %get3A_410 = tpu.vector_load %arg7[%get3A_408, %get3A_409] {strides = array<i32>} : memref<160x64xi32, #tpu.memory_space<vmem>>, vector<16xi32>,
      %shift_right_logical3A_411 = arith.constant 16 : i32
      %shift_right_logical3A_412 = vector.broadcast %shift_right_logical3A_411 : i32 to vector<16xi32>
      %shift_right_logical3A_413 = arith.shrui %get3A_410, %shift_right_logical3A_412 : vector<16xi32>
      %swap3A_414 = arith.constant 1 : i32
      %swap3A_415 = arith.index_cast %swap3A_414 : i32 to index
      %swap3A_416 = arith.constant 16 : index
      %swap3A_417 = tpu.vector_load %arg9[%swap3A_415, %swap3A_416] {strides = array<i32>} : memref<2x64xi32, #tpu.memory_space<vmem>>, vector<16xi32>,
      tpu.vector_store %arg9[%swap3A_415, %swap3A_416], %shift_right_logical3A_413 {strides = array<i32>} : memref<2x64xi32, #tpu.memory_space<vmem>>, vector<16xi32>,
      %get3A_418 = arith.index_cast %add3A_374 : i32 to index
      %get3A_419 = arith.constant 32 : index
      %get3A_420 = tpu.vector_load %arg7[%get3A_418, %get3A_419] {strides = array<i32>} : memref<160x64xi32, #tpu.memory_space<vmem>>, vector<16xi32>,
      %shift_right_logical3A_421 = arith.constant 16 : i32
      %shift_right_logical3A_422 = vector.broadcast %shift_right_logical3A_421 : i32 to vector<16xi32>
      %shift_right_logical3A_423 = arith.shrui %get3A_420, %shift_right_logical3A_422 : vector<16xi32>
      %swap3A_424 = arith.constant 1 : i32
      %swap3A_425 = arith.index_cast %swap3A_424 : i32 to index
      %swap3A_426 = arith.constant 32 : index
      %swap3A_427 = tpu.vector_load %arg9[%swap3A_425, %swap3A_426] {strides = array<i32>} : memref<2x64xi32, #tpu.memory_space<vmem>>, vector<16xi32>,
      tpu.vector_store %arg9[%swap3A_425, %swap3A_426], %shift_right_logical3A_423 {strides = array<i32>} : memref<2x64xi32, #tpu.memory_space<vmem>>, vector<16xi32>,
      %get3A_428 = arith.index_cast %add3A_374 : i32 to index
      %get3A_429 = arith.constant 48 : index
      %get3A_430 = tpu.vector_load %arg7[%get3A_428, %get3A_429] {strides = array<i32>} : memref<160x64xi32, #tpu.memory_space<vmem>>, vector<16xi32>,
      %shift_right_logical3A_431 = arith.constant 16 : i32
      %shift_right_logical3A_432 = vector.broadcast %shift_right_logical3A_431 : i32 to vector<16xi32>
      %shift_right_logical3A_433 = arith.shrui %get3A_430, %shift_right_logical3A_432 : vector<16xi32>
      %swap3A_434 = arith.constant 1 : i32
      %swap3A_435 = arith.index_cast %swap3A_434 : i32 to index
      %swap3A_436 = arith.constant 48 : index
      %swap3A_437 = tpu.vector_load %arg9[%swap3A_435, %swap3A_436] {strides = array<i32>} : memref<2x64xi32, #tpu.memory_space<vmem>>, vector<16xi32>,
      tpu.vector_store %arg9[%swap3A_435, %swap3A_436], %shift_right_logical3A_433 {strides = array<i32>} : memref<2x64xi32, #tpu.memory_space<vmem>>, vector<16xi32>,
      %scan3A_438 = arith.constant 0 : i32
      %scan3A_439 = arith.constant 0 : i32
      %scan3A_440 = arith.constant 64 : i32
      %scan3A_441 = arith.addi %scan3A_439, %scan3A_440 : i32
      %scan3A_442 = arith.constant 1 : i32
      scf.for %scan3A_682 = %scan3A_439 to %scan3A_441 step %scan3A_442  : i32 {
        %get3A_683 = arith.constant 1 : i32
        %get3A_684 = arith.index_cast %get3A_683 : i32 to index
        %get3A_685 = arith.index_cast %scan3A_682 : i32 to index
        %get3A_686 = arith.constant 0 : index
        %get3A_687 = tpu.vector_load %arg10[%get3A_684, %get3A_685, %get3A_686] {strides = array<i32>} : memref<4x64x64xi32, #tpu.memory_space<vmem>>, vector<16xi32>,
        %shift_left3A = arith.constant 16 : i32
        %shift_left3A_688 = vector.broadcast %shift_left3A : i32 to vector<16xi32>
        %shift_left3A_689 = arith.shli %get3A_687, %shift_left3A_688 : vector<16xi32>
        %bitcast3A = vector.bitcast %shift_left3A_689 : vector<16xi32> to vector<16xf32>
        %and3A_690 = arith.constant -65536 : i32
        %and3A_691 = vector.broadcast %and3A_690 : i32 to vector<16xi32>
        %and3A_692 = arith.andi %get3A_687, %and3A_691 : vector<16xi32>
        %bitcast3A_693 = vector.bitcast %and3A_692 : vector<16xi32> to vector<16xf32>
        %swap3A_694 = arith.constant 1 : i32
        %swap3A_695 = arith.index_cast %swap3A_694 : i32 to index
        %swap3A_696 = arith.index_cast %scan3A_682 : i32 to index
        %swap3A_697 = arith.constant 0 : index
        %swap3A_698 = tpu.vector_load %arg11[%swap3A_695, %swap3A_696, %swap3A_697] {strides = array<i32>} : memref<2x64x128xf32, #tpu.memory_space<vmem>>, vector<16xf32>,
        tpu.vector_store %arg11[%swap3A_695, %swap3A_696, %swap3A_697], %bitcast3A {strides = array<i32>} : memref<2x64x128xf32, #tpu.memory_space<vmem>>, vector<16xf32>,
        %swap3A_699 = arith.constant 1 : i32
        %swap3A_700 = arith.index_cast %swap3A_699 : i32 to index
        %swap3A_701 = arith.index_cast %scan3A_682 : i32 to index
        %swap3A_702 = arith.constant 64 : index
        %swap3A_703 = tpu.vector_load %arg11[%swap3A_700, %swap3A_701, %swap3A_702] {strides = array<i32>} : memref<2x64x128xf32, #tpu.memory_space<vmem>>, vector<16xf32>,
        tpu.vector_store %arg11[%swap3A_700, %swap3A_701, %swap3A_702], %bitcast3A_693 {strides = array<i32>} : memref<2x64x128xf32, #tpu.memory_space<vmem>>, vector<16xf32>,
        %get3A_704 = arith.constant 1 : i32
        %get3A_705 = arith.index_cast %get3A_704 : i32 to index
        %get3A_706 = arith.index_cast %scan3A_682 : i32 to index
        %get3A_707 = arith.constant 16 : index
        %get3A_708 = tpu.vector_load %arg10[%get3A_705, %get3A_706, %get3A_707] {strides = array<i32>} : memref<4x64x64xi32, #tpu.memory_space<vmem>>, vector<16xi32>,
        %shift_left3A_709 = arith.constant 16 : i32
        %shift_left3A_710 = vector.broadcast %shift_left3A_709 : i32 to vector<16xi32>
        %shift_left3A_711 = arith.shli %get3A_708, %shift_left3A_710 : vector<16xi32>
        %bitcast3A_712 = vector.bitcast %shift_left3A_711 : vector<16xi32> to vector<16xf32>
        %and3A_713 = arith.constant -65536 : i32
        %and3A_714 = vector.broadcast %and3A_713 : i32 to vector<16xi32>
        %and3A_715 = arith.andi %get3A_708, %and3A_714 : vector<16xi32>
        %bitcast3A_716 = vector.bitcast %and3A_715 : vector<16xi32> to vector<16xf32>
        %swap3A_717 = arith.constant 1 : i32
        %swap3A_718 = arith.index_cast %swap3A_717 : i32 to index
        %swap3A_719 = arith.index_cast %scan3A_682 : i32 to index
        %swap3A_720 = arith.constant 16 : index
        %swap3A_721 = tpu.vector_load %arg11[%swap3A_718, %swap3A_719, %swap3A_720] {strides = array<i32>} : memref<2x64x128xf32, #tpu.memory_space<vmem>>, vector<16xf32>,
        tpu.vector_store %arg11[%swap3A_718, %swap3A_719, %swap3A_720], %bitcast3A_712 {strides = array<i32>} : memref<2x64x128xf32, #tpu.memory_space<vmem>>, vector<16xf32>,
        %swap3A_722 = arith.constant 1 : i32
        %swap3A_723 = arith.index_cast %swap3A_722 : i32 to index
        %swap3A_724 = arith.index_cast %scan3A_682 : i32 to index
        %swap3A_725 = arith.constant 80 : index
        %swap3A_726 = tpu.vector_load %arg11[%swap3A_723, %swap3A_724, %swap3A_725] {strides = array<i32>} : memref<2x64x128xf32, #tpu.memory_space<vmem>>, vector<16xf32>,
        tpu.vector_store %arg11[%swap3A_723, %swap3A_724, %swap3A_725], %bitcast3A_716 {strides = array<i32>} : memref<2x64x128xf32, #tpu.memory_space<vmem>>, vector<16xf32>,
        %get3A_727 = arith.constant 1 : i32
        %get3A_728 = arith.index_cast %get3A_727 : i32 to index
        %get3A_729 = arith.index_cast %scan3A_682 : i32 to index
        %get3A_730 = arith.constant 32 : index
        %get3A_731 = tpu.vector_load %arg10[%get3A_728, %get3A_729, %get3A_730] {strides = array<i32>} : memref<4x64x64xi32, #tpu.memory_space<vmem>>, vector<16xi32>,
        %shift_left3A_732 = arith.constant 16 : i32
        %shift_left3A_733 = vector.broadcast %shift_left3A_732 : i32 to vector<16xi32>
        %shift_left3A_734 = arith.shli %get3A_731, %shift_left3A_733 : vector<16xi32>
        %bitcast3A_735 = vector.bitcast %shift_left3A_734 : vector<16xi32> to vector<16xf32>
        %and3A_736 = arith.constant -65536 : i32
        %and3A_737 = vector.broadcast %and3A_736 : i32 to vector<16xi32>
        %and3A_738 = arith.andi %get3A_731, %and3A_737 : vector<16xi32>
        %bitcast3A_739 = vector.bitcast %and3A_738 : vector<16xi32> to vector<16xf32>
        %swap3A_740 = arith.constant 1 : i32
        %swap3A_741 = arith.index_cast %swap3A_740 : i32 to index
        %swap3A_742 = arith.index_cast %scan3A_682 : i32 to index
        %swap3A_743 = arith.constant 32 : index
        %swap3A_744 = tpu.vector_load %arg11[%swap3A_741, %swap3A_742, %swap3A_743] {strides = array<i32>} : memref<2x64x128xf32, #tpu.memory_space<vmem>>, vector<16xf32>,
        tpu.vector_store %arg11[%swap3A_741, %swap3A_742, %swap3A_743], %bitcast3A_735 {strides = array<i32>} : memref<2x64x128xf32, #tpu.memory_space<vmem>>, vector<16xf32>,
        %swap3A_745 = arith.constant 1 : i32
        %swap3A_746 = arith.index_cast %swap3A_745 : i32 to index
        %swap3A_747 = arith.index_cast %scan3A_682 : i32 to index
        %swap3A_748 = arith.constant 96 : index
        %swap3A_749 = tpu.vector_load %arg11[%swap3A_746, %swap3A_747, %swap3A_748] {strides = array<i32>} : memref<2x64x128xf32, #tpu.memory_space<vmem>>, vector<16xf32>,
        tpu.vector_store %arg11[%swap3A_746, %swap3A_747, %swap3A_748], %bitcast3A_739 {strides = array<i32>} : memref<2x64x128xf32, #tpu.memory_space<vmem>>, vector<16xf32>,
        %get3A_750 = arith.constant 1 : i32
        %get3A_751 = arith.index_cast %get3A_750 : i32 to index
        %get3A_752 = arith.index_cast %scan3A_682 : i32 to index
        %get3A_753 = arith.constant 48 : index
        %get3A_754 = tpu.vector_load %arg10[%get3A_751, %get3A_752, %get3A_753] {strides = array<i32>} : memref<4x64x64xi32, #tpu.memory_space<vmem>>, vector<16xi32>,
        %shift_left3A_755 = arith.constant 16 : i32
        %shift_left3A_756 = vector.broadcast %shift_left3A_755 : i32 to vector<16xi32>
        %shift_left3A_757 = arith.shli %get3A_754, %shift_left3A_756 : vector<16xi32>
        %bitcast3A_758 = vector.bitcast %shift_left3A_757 : vector<16xi32> to vector<16xf32>
        %and3A_759 = arith.constant -65536 : i32
        %and3A_760 = vector.broadcast %and3A_759 : i32 to vector<16xi32>
        %and3A_761 = arith.andi %get3A_754, %and3A_760 : vector<16xi32>
        %bitcast3A_762 = vector.bitcast %and3A_761 : vector<16xi32> to vector<16xf32>
        %swap3A_763 = arith.constant 1 : i32
        %swap3A_764 = arith.index_cast %swap3A_763 : i32 to index
        %swap3A_765 = arith.index_cast %scan3A_682 : i32 to index
        %swap3A_766 = arith.constant 48 : index
        %swap3A_767 = tpu.vector_load %arg11[%swap3A_764, %swap3A_765, %swap3A_766] {strides = array<i32>} : memref<2x64x128xf32, #tpu.memory_space<vmem>>, vector<16xf32>,
        tpu.vector_store %arg11[%swap3A_764, %swap3A_765, %swap3A_766], %bitcast3A_758 {strides = array<i32>} : memref<2x64x128xf32, #tpu.memory_space<vmem>>, vector<16xf32>,
        %swap3A_768 = arith.constant 1 : i32
        %swap3A_769 = arith.index_cast %swap3A_768 : i32 to index
        %swap3A_770 = arith.index_cast %scan3A_682 : i32 to index
        %swap3A_771 = arith.constant 112 : index
        %swap3A_772 = tpu.vector_load %arg11[%swap3A_769, %swap3A_770, %swap3A_771] {strides = array<i32>} : memref<2x64x128xf32, #tpu.memory_space<vmem>>, vector<16xf32>,
        tpu.vector_store %arg11[%swap3A_769, %swap3A_770, %swap3A_771], %bitcast3A_762 {strides = array<i32>} : memref<2x64x128xf32, #tpu.memory_space<vmem>>, vector<16xf32>,
      }
      %scan3A_443 = arith.constant 64 : i32
      %dma_start3A_444 = arith.constant 1 : i32
      %dma_start3A_445 = arith.constant 1 : i32
      %dma_start3A_446 = arith.constant 1 : i32
      %dma_start3A_447 = arith.constant 0 : i32
      %dma_start3A_448 = arith.constant 0 : i32
      %dma_start3A_449 = tpu.memref_slice %arg11[%dma_start3A_444, %dma_start3A_447, %dma_start3A_448] : memref<2x64x128xf32, #tpu.memory_space<vmem>> -> memref<1x64x128xf32, #tpu.memory_space<vmem>>
      %dma_start3A_450 = tpu.memref_squeeze %dma_start3A_449 : memref<1x64x128xf32, #tpu.memory_space<vmem>> -> memref<64x128xf32, #tpu.memory_space<vmem>>
      %dma_start3A_451 = arith.constant 0 : i32
      %dma_start3A_452 = tpu.memref_slice %arg9[%dma_start3A_445, %dma_start3A_451] : memref<2x64xi32, #tpu.memory_space<vmem>> -> memref<1x64xi32, #tpu.memory_space<vmem>>
      %dma_start3A_453 = tpu.memref_squeeze %dma_start3A_452 : memref<1x64xi32, #tpu.memory_space<vmem>> -> memref<64xi32, #tpu.memory_space<vmem>>
      %dma_start3A_454 = arith.constant 0 : i32
      %dma_start3A_455 = arith.constant 0 : i32
      %dma_start3A_456 = tpu.memref_slice %arg6[%dma_start3A_454, %dma_start3A_455] : memref<10240x128xf32, #tpu.memory_space<vmem_shared>> -> memref<10240x128xf32, #tpu.memory_space<vmem_shared>>
      %dma_start3A_457 = tpu.memref_slice %arg13[%dma_start3A_446] : memref<2x!tpu.dma_semaphore, #tpu.memory_space<semaphore_mem>> -> memref<1x!tpu.dma_semaphore, #tpu.memory_space<semaphore_mem>>
      %dma_start3A_458 = tpu.memref_squeeze %dma_start3A_457 : memref<1x!tpu.dma_semaphore, #tpu.memory_space<semaphore_mem>> -> memref<!tpu.dma_semaphore, #tpu.memory_space<semaphore_mem>>
      tpu.enqueue_indirect_dma source(%dma_start3A_450 : memref<64x128xf32, #tpu.memory_space<vmem>>) target(%dma_start3A_456 : memref<10240x128xf32, #tpu.memory_space<vmem_shared>>) offsets(%dma_start3A_453 : memref<64xi32, #tpu.memory_space<vmem>>) semaphore(%dma_start3A_458 : memref<!tpu.dma_semaphore, #tpu.memory_space<semaphore_mem>>) {add = true}
      %add3A_459 = arith.constant 1 : i32
      %add3A_460 = arith.addi %scan3A_280, %add3A_459 : i32
      %lt3A_461 = arith.constant 40 : i32
      %lt3A_462 = arith.cmpi slt, %add3A_460, %lt3A_461 : i32
      %convert_element_type3A_463 = arith.extui %lt3A_462 : i1 to i32
      %cond3A_464 = arith.constant 0 : i32
      %cond3A_465 = arith.cmpi ne, %convert_element_type3A_463, %cond3A_464 : i32
      scf.if %cond3A_465 {
        %add3A_682 = arith.constant 4 : i32
        %add3A_683 = arith.addi %add3A_374, %add3A_682 : i32
        %get3A_684 = arith.index_cast %add3A_683 : i32 to index
        %get3A_685 = arith.constant 0 : index
        %get3A_686 = tpu.vector_load %arg7[%get3A_684, %get3A_685] {strides = array<i32>} : memref<160x64xi32, #tpu.memory_space<vmem>>, vector<16xi32>,
        %and3A_687 = arith.constant 65535 : i32
        %and3A_688 = vector.broadcast %and3A_687 : i32 to vector<16xi32>
        %and3A_689 = arith.andi %get3A_686, %and3A_688 : vector<16xi32>
        %swap3A_690 = arith.constant 1 : i32
        %swap3A_691 = arith.index_cast %swap3A_690 : i32 to index
        %swap3A_692 = arith.constant 0 : index
        %swap3A_693 = tpu.vector_load %arg8[%swap3A_691, %swap3A_692] {strides = array<i32>} : memref<4x64xi32, #tpu.memory_space<vmem>>, vector<16xi32>,
        tpu.vector_store %arg8[%swap3A_691, %swap3A_692], %and3A_689 {strides = array<i32>} : memref<4x64xi32, #tpu.memory_space<vmem>>, vector<16xi32>,
        %get3A_694 = arith.index_cast %add3A_683 : i32 to index
        %get3A_695 = arith.constant 16 : index
        %get3A_696 = tpu.vector_load %arg7[%get3A_694, %get3A_695] {strides = array<i32>} : memref<160x64xi32, #tpu.memory_space<vmem>>, vector<16xi32>,
        %and3A_697 = arith.constant 65535 : i32
        %and3A_698 = vector.broadcast %and3A_697 : i32 to vector<16xi32>
        %and3A_699 = arith.andi %get3A_696, %and3A_698 : vector<16xi32>
        %swap3A_700 = arith.constant 1 : i32
        %swap3A_701 = arith.index_cast %swap3A_700 : i32 to index
        %swap3A_702 = arith.constant 16 : index
        %swap3A_703 = tpu.vector_load %arg8[%swap3A_701, %swap3A_702] {strides = array<i32>} : memref<4x64xi32, #tpu.memory_space<vmem>>, vector<16xi32>,
        tpu.vector_store %arg8[%swap3A_701, %swap3A_702], %and3A_699 {strides = array<i32>} : memref<4x64xi32, #tpu.memory_space<vmem>>, vector<16xi32>,
        %get3A_704 = arith.index_cast %add3A_683 : i32 to index
        %get3A_705 = arith.constant 32 : index
        %get3A_706 = tpu.vector_load %arg7[%get3A_704, %get3A_705] {strides = array<i32>} : memref<160x64xi32, #tpu.memory_space<vmem>>, vector<16xi32>,
        %and3A_707 = arith.constant 65535 : i32
        %and3A_708 = vector.broadcast %and3A_707 : i32 to vector<16xi32>
        %and3A_709 = arith.andi %get3A_706, %and3A_708 : vector<16xi32>
        %swap3A_710 = arith.constant 1 : i32
        %swap3A_711 = arith.index_cast %swap3A_710 : i32 to index
        %swap3A_712 = arith.constant 32 : index
        %swap3A_713 = tpu.vector_load %arg8[%swap3A_711, %swap3A_712] {strides = array<i32>} : memref<4x64xi32, #tpu.memory_space<vmem>>, vector<16xi32>,
        tpu.vector_store %arg8[%swap3A_711, %swap3A_712], %and3A_709 {strides = array<i32>} : memref<4x64xi32, #tpu.memory_space<vmem>>, vector<16xi32>,
        %get3A_714 = arith.index_cast %add3A_683 : i32 to index
        %get3A_715 = arith.constant 48 : index
        %get3A_716 = tpu.vector_load %arg7[%get3A_714, %get3A_715] {strides = array<i32>} : memref<160x64xi32, #tpu.memory_space<vmem>>, vector<16xi32>,
        %and3A_717 = arith.constant 65535 : i32
        %and3A_718 = vector.broadcast %and3A_717 : i32 to vector<16xi32>
        %and3A_719 = arith.andi %get3A_716, %and3A_718 : vector<16xi32>
        %swap3A_720 = arith.constant 1 : i32
        %swap3A_721 = arith.index_cast %swap3A_720 : i32 to index
        %swap3A_722 = arith.constant 48 : index
        %swap3A_723 = tpu.vector_load %arg8[%swap3A_721, %swap3A_722] {strides = array<i32>} : memref<4x64xi32, #tpu.memory_space<vmem>>, vector<16xi32>,
        tpu.vector_store %arg8[%swap3A_721, %swap3A_722], %and3A_719 {strides = array<i32>} : memref<4x64xi32, #tpu.memory_space<vmem>>, vector<16xi32>,
        %dma_start3A_724 = arith.constant 1 : i32
        %dma_start3A_725 = arith.constant 1 : i32
        %dma_start3A_726 = arith.constant 1 : i32
        %dma_start3A_727 = arith.constant 0 : i32
        %dma_start3A_728 = arith.constant 0 : i32
        %dma_start3A_729 = tpu.memref_slice %arg10[%dma_start3A_725, %dma_start3A_727, %dma_start3A_728] : memref<4x64x64xi32, #tpu.memory_space<vmem>> -> memref<1x64x64xi32, #tpu.memory_space<vmem>>
        %dma_start3A_730 = tpu.memref_squeeze %dma_start3A_729 : memref<1x64x64xi32, #tpu.memory_space<vmem>> -> memref<64x64xi32, #tpu.memory_space<vmem>>
        %dma_start3A_731 = arith.constant 0 : i32
        %dma_start3A_732 = tpu.memref_slice %arg8[%dma_start3A_724, %dma_start3A_731] : memref<4x64xi32, #tpu.memory_space<vmem>> -> memref<1x64xi32, #tpu.memory_space<vmem>>
        %dma_start3A_733 = tpu.memref_squeeze %dma_start3A_732 : memref<1x64xi32, #tpu.memory_space<vmem>> -> memref<64xi32, #tpu.memory_space<vmem>>
        %dma_start3A_734 = arith.constant 0 : i32
        %dma_start3A_735 = arith.constant 0 : i32
        %dma_start3A_736 = tpu.memref_slice %arg2[%dma_start3A_734, %dma_start3A_735] : memref<10240x64xi32, #tpu.memory_space<hbm>> -> memref<10240x64xi32, #tpu.memory_space<hbm>>
        %dma_start3A_737 = tpu.memref_slice %arg12[%dma_start3A_726] : memref<4x!tpu.dma_semaphore, #tpu.memory_space<semaphore_mem>> -> memref<1x!tpu.dma_semaphore, #tpu.memory_space<semaphore_mem>>
        %dma_start3A_738 = tpu.memref_squeeze %dma_start3A_737 : memref<1x!tpu.dma_semaphore, #tpu.memory_space<semaphore_mem>> -> memref<!tpu.dma_semaphore, #tpu.memory_space<semaphore_mem>>
        tpu.enqueue_indirect_dma source(%dma_start3A_736 : memref<10240x64xi32, #tpu.memory_space<hbm>>) target(%dma_start3A_730 : memref<64x64xi32, #tpu.memory_space<vmem>>) offsets(%dma_start3A_733 : memref<64xi32, #tpu.memory_space<vmem>>) semaphore(%dma_start3A_738 : memref<!tpu.dma_semaphore, #tpu.memory_space<semaphore_mem>>)
      } else {
      }
      %mul3A_466 = arith.constant 4 : i32
      %mul3A_467 = arith.muli %scan3A_280, %mul3A_466 : i32
      %add3A_468 = arith.constant 2 : i32
      %add3A_469 = arith.addi %mul3A_467, %add3A_468 : i32
      %dma_wait3A_470 = arith.constant 2 : i32
      %dma_wait3A_471 = arith.constant 2 : i32
      %dma_wait3A_472 = arith.constant 0 : i32
      %dma_wait3A_473 = arith.constant 0 : i32
      %dma_wait3A_474 = tpu.memref_slice %arg10[%dma_wait3A_470, %dma_wait3A_472, %dma_wait3A_473] : memref<4x64x64xi32, #tpu.memory_space<vmem>> -> memref<1x64x64xi32, #tpu.memory_space<vmem>>
      %dma_wait3A_475 = tpu.memref_squeeze %dma_wait3A_474 : memref<1x64x64xi32, #tpu.memory_space<vmem>> -> memref<64x64xi32, #tpu.memory_space<vmem>>
      %dma_wait3A_476 = arith.constant 0 : i32
      %dma_wait3A_477 = arith.constant 0 : i32
      %dma_wait3A_478 = tpu.memref_slice %arg2[%dma_wait3A_476, %dma_wait3A_477] : memref<10240x64xi32, #tpu.memory_space<hbm>> -> memref<64x64xi32, #tpu.memory_space<hbm>>
      %dma_wait3A_479 = tpu.memref_slice %arg12[%dma_wait3A_471] : memref<4x!tpu.dma_semaphore, #tpu.memory_space<semaphore_mem>> -> memref<1x!tpu.dma_semaphore, #tpu.memory_space<semaphore_mem>>
      %dma_wait3A_480 = tpu.memref_squeeze %dma_wait3A_479 : memref<1x!tpu.dma_semaphore, #tpu.memory_space<semaphore_mem>> -> memref<!tpu.dma_semaphore, #tpu.memory_space<semaphore_mem>>
      %dma_wait3A_481 = arith.constant 0 : i32
      %dma_wait3A_482 = arith.constant 0 : i32
      %dma_wait3A_483 = tpu.memref_slice %arg10[%dma_wait3A_470, %dma_wait3A_481, %dma_wait3A_482] : memref<4x64x64xi32, #tpu.memory_space<vmem>> -> memref<1x64x64xi32, #tpu.memory_space<vmem>>
      %dma_wait3A_484 = tpu.memref_squeeze %dma_wait3A_483 : memref<1x64x64xi32, #tpu.memory_space<vmem>> -> memref<64x64xi32, #tpu.memory_space<vmem>>
      %dma_wait3A_485 = arith.constant 0 : i32
      %dma_wait3A_486 = arith.constant 0 : i32
      %dma_wait3A_487 = tpu.memref_slice %arg2[%dma_wait3A_485, %dma_wait3A_486] : memref<10240x64xi32, #tpu.memory_space<hbm>> -> memref<64x64xi32, #tpu.memory_space<hbm>>
      tpu.wait_dma2 semaphore(%dma_wait3A_480 : memref<!tpu.dma_semaphore, #tpu.memory_space<semaphore_mem>>) src(%dma_wait3A_487 : memref<64x64xi32, #tpu.memory_space<hbm>>) dst(%dma_wait3A_484 : memref<64x64xi32, #tpu.memory_space<vmem>>)
      %dma_wait3A_488 = arith.constant 0 : i32
      %dma_wait3A_489 = arith.constant 0 : i32
      %dma_wait3A_490 = arith.constant 0 : i32
      %dma_wait3A_491 = arith.constant 0 : i32
      %dma_wait3A_492 = tpu.memref_slice %arg11[%dma_wait3A_488, %dma_wait3A_490, %dma_wait3A_491] : memref<2x64x128xf32, #tpu.memory_space<vmem>> -> memref<1x64x128xf32, #tpu.memory_space<vmem>>
      %dma_wait3A_493 = tpu.memref_squeeze %dma_wait3A_492 : memref<1x64x128xf32, #tpu.memory_space<vmem>> -> memref<64x128xf32, #tpu.memory_space<vmem>>
      %dma_wait3A_494 = arith.constant 0 : i32
      %dma_wait3A_495 = arith.constant 0 : i32
      %dma_wait3A_496 = tpu.memref_slice %arg6[%dma_wait3A_494, %dma_wait3A_495] : memref<10240x128xf32, #tpu.memory_space<vmem_shared>> -> memref<64x128xf32, #tpu.memory_space<vmem_shared>>
      %dma_wait3A_497 = tpu.memref_slice %arg13[%dma_wait3A_489] : memref<2x!tpu.dma_semaphore, #tpu.memory_space<semaphore_mem>> -> memref<1x!tpu.dma_semaphore, #tpu.memory_space<semaphore_mem>>
      %dma_wait3A_498 = tpu.memref_squeeze %dma_wait3A_497 : memref<1x!tpu.dma_semaphore, #tpu.memory_space<semaphore_mem>> -> memref<!tpu.dma_semaphore, #tpu.memory_space<semaphore_mem>>
      %dma_wait3A_499 = arith.constant 0 : i32
      %dma_wait3A_500 = arith.constant 0 : i32
      %dma_wait3A_501 = tpu.memref_slice %arg6[%dma_wait3A_499, %dma_wait3A_500] : memref<10240x128xf32, #tpu.memory_space<vmem_shared>> -> memref<64x128xf32, #tpu.memory_space<vmem_shared>>
      %dma_wait3A_502 = arith.constant 0 : i32
      %dma_wait3A_503 = arith.constant 0 : i32
      %dma_wait3A_504 = tpu.memref_slice %arg11[%dma_wait3A_488, %dma_wait3A_502, %dma_wait3A_503] : memref<2x64x128xf32, #tpu.memory_space<vmem>> -> memref<1x64x128xf32, #tpu.memory_space<vmem>>
      %dma_wait3A_505 = tpu.memref_squeeze %dma_wait3A_504 : memref<1x64x128xf32, #tpu.memory_space<vmem>> -> memref<64x128xf32, #tpu.memory_space<vmem>>
      tpu.wait_dma2 semaphore(%dma_wait3A_498 : memref<!tpu.dma_semaphore, #tpu.memory_space<semaphore_mem>>) src(%dma_wait3A_505 : memref<64x128xf32, #tpu.memory_space<vmem>>) dst(%dma_wait3A_501 : memref<64x128xf32, #tpu.memory_space<vmem_shared>>)
      %get3A_506 = arith.index_cast %add3A_469 : i32 to index
      %get3A_507 = arith.constant 0 : index
      %get3A_508 = tpu.vector_load %arg7[%get3A_506, %get3A_507] {strides = array<i32>} : memref<160x64xi32, #tpu.memory_space<vmem>>, vector<16xi32>,
      %shift_right_logical3A_509 = arith.constant 16 : i32
      %shift_right_logical3A_510 = vector.broadcast %shift_right_logical3A_509 : i32 to vector<16xi32>
      %shift_right_logical3A_511 = arith.shrui %get3A_508, %shift_right_logical3A_510 : vector<16xi32>
      %swap3A_512 = arith.constant 0 : i32
      %swap3A_513 = arith.index_cast %swap3A_512 : i32 to index
      %swap3A_514 = arith.constant 0 : index
      %swap3A_515 = tpu.vector_load %arg9[%swap3A_513, %swap3A_514] {strides = array<i32>} : memref<2x64xi32, #tpu.memory_space<vmem>>, vector<16xi32>,
      tpu.vector_store %arg9[%swap3A_513, %swap3A_514], %shift_right_logical3A_511 {strides = array<i32>} : memref<2x64xi32, #tpu.memory_space<vmem>>, vector<16xi32>,
      %get3A_516 = arith.index_cast %add3A_469 : i32 to index
      %get3A_517 = arith.constant 16 : index
      %get3A_518 = tpu.vector_load %arg7[%get3A_516, %get3A_517] {strides = array<i32>} : memref<160x64xi32, #tpu.memory_space<vmem>>, vector<16xi32>,
      %shift_right_logical3A_519 = arith.constant 16 : i32
      %shift_right_logical3A_520 = vector.broadcast %shift_right_logical3A_519 : i32 to vector<16xi32>
      %shift_right_logical3A_521 = arith.shrui %get3A_518, %shift_right_logical3A_520 : vector<16xi32>
      %swap3A_522 = arith.constant 0 : i32
      %swap3A_523 = arith.index_cast %swap3A_522 : i32 to index
      %swap3A_524 = arith.constant 16 : index
      %swap3A_525 = tpu.vector_load %arg9[%swap3A_523, %swap3A_524] {strides = array<i32>} : memref<2x64xi32, #tpu.memory_space<vmem>>, vector<16xi32>,
      tpu.vector_store %arg9[%swap3A_523, %swap3A_524], %shift_right_logical3A_521 {strides = array<i32>} : memref<2x64xi32, #tpu.memory_space<vmem>>, vector<16xi32>,
      %get3A_526 = arith.index_cast %add3A_469 : i32 to index
      %get3A_527 = arith.constant 32 : index
      %get3A_528 = tpu.vector_load %arg7[%get3A_526, %get3A_527] {strides = array<i32>} : memref<160x64xi32, #tpu.memory_space<vmem>>, vector<16xi32>,
      %shift_right_logical3A_529 = arith.constant 16 : i32
      %shift_right_logical3A_530 = vector.broadcast %shift_right_logical3A_529 : i32 to vector<16xi32>
      %shift_right_logical3A_531 = arith.shrui %get3A_528, %shift_right_logical3A_530 : vector<16xi32>
      %swap3A_532 = arith.constant 0 : i32
      %swap3A_533 = arith.index_cast %swap3A_532 : i32 to index
      %swap3A_534 = arith.constant 32 : index
      %swap3A_535 = tpu.vector_load %arg9[%swap3A_533, %swap3A_534] {strides = array<i32>} : memref<2x64xi32, #tpu.memory_space<vmem>>, vector<16xi32>,
      tpu.vector_store %arg9[%swap3A_533, %swap3A_534], %shift_right_logical3A_531 {strides = array<i32>} : memref<2x64xi32, #tpu.memory_space<vmem>>, vector<16xi32>,
      %get3A_536 = arith.index_cast %add3A_469 : i32 to index
      %get3A_537 = arith.constant 48 : index
      %get3A_538 = tpu.vector_load %arg7[%get3A_536, %get3A_537] {strides = array<i32>} : memref<160x64xi32, #tpu.memory_space<vmem>>, vector<16xi32>,
      %shift_right_logical3A_539 = arith.constant 16 : i32
      %shift_right_logical3A_540 = vector.broadcast %shift_right_logical3A_539 : i32 to vector<16xi32>
      %shift_right_logical3A_541 = arith.shrui %get3A_538, %shift_right_logical3A_540 : vector<16xi32>
      %swap3A_542 = arith.constant 0 : i32
      %swap3A_543 = arith.index_cast %swap3A_542 : i32 to index
      %swap3A_544 = arith.constant 48 : index
      %swap3A_545 = tpu.vector_load %arg9[%swap3A_543, %swap3A_544] {strides = array<i32>} : memref<2x64xi32, #tpu.memory_space<vmem>>, vector<16xi32>,
      tpu.vector_store %arg9[%swap3A_543, %swap3A_544], %shift_right_logical3A_541 {strides = array<i32>} : memref<2x64xi32, #tpu.memory_space<vmem>>, vector<16xi32>,
      %scan3A_546 = arith.constant 0 : i32
      %scan3A_547 = arith.constant 0 : i32
      %scan3A_548 = arith.constant 64 : i32
      %scan3A_549 = arith.addi %scan3A_547, %scan3A_548 : i32
      %scan3A_550 = arith.constant 1 : i32
      scf.for %scan3A_682 = %scan3A_547 to %scan3A_549 step %scan3A_550  : i32 {
        %get3A_683 = arith.constant 2 : i32
        %get3A_684 = arith.index_cast %get3A_683 : i32 to index
        %get3A_685 = arith.index_cast %scan3A_682 : i32 to index
        %get3A_686 = arith.constant 0 : index
        %get3A_687 = tpu.vector_load %arg10[%get3A_684, %get3A_685, %get3A_686] {strides = array<i32>} : memref<4x64x64xi32, #tpu.memory_space<vmem>>, vector<16xi32>,
        %shift_left3A = arith.constant 16 : i32
        %shift_left3A_688 = vector.broadcast %shift_left3A : i32 to vector<16xi32>
        %shift_left3A_689 = arith.shli %get3A_687, %shift_left3A_688 : vector<16xi32>
        %bitcast3A = vector.bitcast %shift_left3A_689 : vector<16xi32> to vector<16xf32>
        %and3A_690 = arith.constant -65536 : i32
        %and3A_691 = vector.broadcast %and3A_690 : i32 to vector<16xi32>
        %and3A_692 = arith.andi %get3A_687, %and3A_691 : vector<16xi32>
        %bitcast3A_693 = vector.bitcast %and3A_692 : vector<16xi32> to vector<16xf32>
        %swap3A_694 = arith.constant 0 : i32
        %swap3A_695 = arith.index_cast %swap3A_694 : i32 to index
        %swap3A_696 = arith.index_cast %scan3A_682 : i32 to index
        %swap3A_697 = arith.constant 0 : index
        %swap3A_698 = tpu.vector_load %arg11[%swap3A_695, %swap3A_696, %swap3A_697] {strides = array<i32>} : memref<2x64x128xf32, #tpu.memory_space<vmem>>, vector<16xf32>,
        tpu.vector_store %arg11[%swap3A_695, %swap3A_696, %swap3A_697], %bitcast3A {strides = array<i32>} : memref<2x64x128xf32, #tpu.memory_space<vmem>>, vector<16xf32>,
        %swap3A_699 = arith.constant 0 : i32
        %swap3A_700 = arith.index_cast %swap3A_699 : i32 to index
        %swap3A_701 = arith.index_cast %scan3A_682 : i32 to index
        %swap3A_702 = arith.constant 64 : index
        %swap3A_703 = tpu.vector_load %arg11[%swap3A_700, %swap3A_701, %swap3A_702] {strides = array<i32>} : memref<2x64x128xf32, #tpu.memory_space<vmem>>, vector<16xf32>,
        tpu.vector_store %arg11[%swap3A_700, %swap3A_701, %swap3A_702], %bitcast3A_693 {strides = array<i32>} : memref<2x64x128xf32, #tpu.memory_space<vmem>>, vector<16xf32>,
        %get3A_704 = arith.constant 2 : i32
        %get3A_705 = arith.index_cast %get3A_704 : i32 to index
        %get3A_706 = arith.index_cast %scan3A_682 : i32 to index
        %get3A_707 = arith.constant 16 : index
        %get3A_708 = tpu.vector_load %arg10[%get3A_705, %get3A_706, %get3A_707] {strides = array<i32>} : memref<4x64x64xi32, #tpu.memory_space<vmem>>, vector<16xi32>,
        %shift_left3A_709 = arith.constant 16 : i32
        %shift_left3A_710 = vector.broadcast %shift_left3A_709 : i32 to vector<16xi32>
        %shift_left3A_711 = arith.shli %get3A_708, %shift_left3A_710 : vector<16xi32>
        %bitcast3A_712 = vector.bitcast %shift_left3A_711 : vector<16xi32> to vector<16xf32>
        %and3A_713 = arith.constant -65536 : i32
        %and3A_714 = vector.broadcast %and3A_713 : i32 to vector<16xi32>
        %and3A_715 = arith.andi %get3A_708, %and3A_714 : vector<16xi32>
        %bitcast3A_716 = vector.bitcast %and3A_715 : vector<16xi32> to vector<16xf32>
        %swap3A_717 = arith.constant 0 : i32
        %swap3A_718 = arith.index_cast %swap3A_717 : i32 to index
        %swap3A_719 = arith.index_cast %scan3A_682 : i32 to index
        %swap3A_720 = arith.constant 16 : index
        %swap3A_721 = tpu.vector_load %arg11[%swap3A_718, %swap3A_719, %swap3A_720] {strides = array<i32>} : memref<2x64x128xf32, #tpu.memory_space<vmem>>, vector<16xf32>,
        tpu.vector_store %arg11[%swap3A_718, %swap3A_719, %swap3A_720], %bitcast3A_712 {strides = array<i32>} : memref<2x64x128xf32, #tpu.memory_space<vmem>>, vector<16xf32>,
        %swap3A_722 = arith.constant 0 : i32
        %swap3A_723 = arith.index_cast %swap3A_722 : i32 to index
        %swap3A_724 = arith.index_cast %scan3A_682 : i32 to index
        %swap3A_725 = arith.constant 80 : index
        %swap3A_726 = tpu.vector_load %arg11[%swap3A_723, %swap3A_724, %swap3A_725] {strides = array<i32>} : memref<2x64x128xf32, #tpu.memory_space<vmem>>, vector<16xf32>,
        tpu.vector_store %arg11[%swap3A_723, %swap3A_724, %swap3A_725], %bitcast3A_716 {strides = array<i32>} : memref<2x64x128xf32, #tpu.memory_space<vmem>>, vector<16xf32>,
        %get3A_727 = arith.constant 2 : i32
        %get3A_728 = arith.index_cast %get3A_727 : i32 to index
        %get3A_729 = arith.index_cast %scan3A_682 : i32 to index
        %get3A_730 = arith.constant 32 : index
        %get3A_731 = tpu.vector_load %arg10[%get3A_728, %get3A_729, %get3A_730] {strides = array<i32>} : memref<4x64x64xi32, #tpu.memory_space<vmem>>, vector<16xi32>,
        %shift_left3A_732 = arith.constant 16 : i32
        %shift_left3A_733 = vector.broadcast %shift_left3A_732 : i32 to vector<16xi32>
        %shift_left3A_734 = arith.shli %get3A_731, %shift_left3A_733 : vector<16xi32>
        %bitcast3A_735 = vector.bitcast %shift_left3A_734 : vector<16xi32> to vector<16xf32>
        %and3A_736 = arith.constant -65536 : i32
        %and3A_737 = vector.broadcast %and3A_736 : i32 to vector<16xi32>
        %and3A_738 = arith.andi %get3A_731, %and3A_737 : vector<16xi32>
        %bitcast3A_739 = vector.bitcast %and3A_738 : vector<16xi32> to vector<16xf32>
        %swap3A_740 = arith.constant 0 : i32
        %swap3A_741 = arith.index_cast %swap3A_740 : i32 to index
        %swap3A_742 = arith.index_cast %scan3A_682 : i32 to index
        %swap3A_743 = arith.constant 32 : index
        %swap3A_744 = tpu.vector_load %arg11[%swap3A_741, %swap3A_742, %swap3A_743] {strides = array<i32>} : memref<2x64x128xf32, #tpu.memory_space<vmem>>, vector<16xf32>,
        tpu.vector_store %arg11[%swap3A_741, %swap3A_742, %swap3A_743], %bitcast3A_735 {strides = array<i32>} : memref<2x64x128xf32, #tpu.memory_space<vmem>>, vector<16xf32>,
        %swap3A_745 = arith.constant 0 : i32
        %swap3A_746 = arith.index_cast %swap3A_745 : i32 to index
        %swap3A_747 = arith.index_cast %scan3A_682 : i32 to index
        %swap3A_748 = arith.constant 96 : index
        %swap3A_749 = tpu.vector_load %arg11[%swap3A_746, %swap3A_747, %swap3A_748] {strides = array<i32>} : memref<2x64x128xf32, #tpu.memory_space<vmem>>, vector<16xf32>,
        tpu.vector_store %arg11[%swap3A_746, %swap3A_747, %swap3A_748], %bitcast3A_739 {strides = array<i32>} : memref<2x64x128xf32, #tpu.memory_space<vmem>>, vector<16xf32>,
        %get3A_750 = arith.constant 2 : i32
        %get3A_751 = arith.index_cast %get3A_750 : i32 to index
        %get3A_752 = arith.index_cast %scan3A_682 : i32 to index
        %get3A_753 = arith.constant 48 : index
        %get3A_754 = tpu.vector_load %arg10[%get3A_751, %get3A_752, %get3A_753] {strides = array<i32>} : memref<4x64x64xi32, #tpu.memory_space<vmem>>, vector<16xi32>,
        %shift_left3A_755 = arith.constant 16 : i32
        %shift_left3A_756 = vector.broadcast %shift_left3A_755 : i32 to vector<16xi32>
        %shift_left3A_757 = arith.shli %get3A_754, %shift_left3A_756 : vector<16xi32>
        %bitcast3A_758 = vector.bitcast %shift_left3A_757 : vector<16xi32> to vector<16xf32>
        %and3A_759 = arith.constant -65536 : i32
        %and3A_760 = vector.broadcast %and3A_759 : i32 to vector<16xi32>
        %and3A_761 = arith.andi %get3A_754, %and3A_760 : vector<16xi32>
        %bitcast3A_762 = vector.bitcast %and3A_761 : vector<16xi32> to vector<16xf32>
        %swap3A_763 = arith.constant 0 : i32
        %swap3A_764 = arith.index_cast %swap3A_763 : i32 to index
        %swap3A_765 = arith.index_cast %scan3A_682 : i32 to index
        %swap3A_766 = arith.constant 48 : index
        %swap3A_767 = tpu.vector_load %arg11[%swap3A_764, %swap3A_765, %swap3A_766] {strides = array<i32>} : memref<2x64x128xf32, #tpu.memory_space<vmem>>, vector<16xf32>,
        tpu.vector_store %arg11[%swap3A_764, %swap3A_765, %swap3A_766], %bitcast3A_758 {strides = array<i32>} : memref<2x64x128xf32, #tpu.memory_space<vmem>>, vector<16xf32>,
        %swap3A_768 = arith.constant 0 : i32
        %swap3A_769 = arith.index_cast %swap3A_768 : i32 to index
        %swap3A_770 = arith.index_cast %scan3A_682 : i32 to index
        %swap3A_771 = arith.constant 112 : index
        %swap3A_772 = tpu.vector_load %arg11[%swap3A_769, %swap3A_770, %swap3A_771] {strides = array<i32>} : memref<2x64x128xf32, #tpu.memory_space<vmem>>, vector<16xf32>,
        tpu.vector_store %arg11[%swap3A_769, %swap3A_770, %swap3A_771], %bitcast3A_762 {strides = array<i32>} : memref<2x64x128xf32, #tpu.memory_space<vmem>>, vector<16xf32>,
      }
      %scan3A_551 = arith.constant 64 : i32
      %dma_start3A_552 = arith.constant 0 : i32
      %dma_start3A_553 = arith.constant 0 : i32
      %dma_start3A_554 = arith.constant 0 : i32
      %dma_start3A_555 = arith.constant 0 : i32
      %dma_start3A_556 = arith.constant 0 : i32
      %dma_start3A_557 = tpu.memref_slice %arg11[%dma_start3A_552, %dma_start3A_555, %dma_start3A_556] : memref<2x64x128xf32, #tpu.memory_space<vmem>> -> memref<1x64x128xf32, #tpu.memory_space<vmem>>
      %dma_start3A_558 = tpu.memref_squeeze %dma_start3A_557 : memref<1x64x128xf32, #tpu.memory_space<vmem>> -> memref<64x128xf32, #tpu.memory_space<vmem>>
      %dma_start3A_559 = arith.constant 0 : i32
      %dma_start3A_560 = tpu.memref_slice %arg9[%dma_start3A_553, %dma_start3A_559] : memref<2x64xi32, #tpu.memory_space<vmem>> -> memref<1x64xi32, #tpu.memory_space<vmem>>
      %dma_start3A_561 = tpu.memref_squeeze %dma_start3A_560 : memref<1x64xi32, #tpu.memory_space<vmem>> -> memref<64xi32, #tpu.memory_space<vmem>>
      %dma_start3A_562 = arith.constant 0 : i32
      %dma_start3A_563 = arith.constant 0 : i32
      %dma_start3A_564 = tpu.memref_slice %arg6[%dma_start3A_562, %dma_start3A_563] : memref<10240x128xf32, #tpu.memory_space<vmem_shared>> -> memref<10240x128xf32, #tpu.memory_space<vmem_shared>>
      %dma_start3A_565 = tpu.memref_slice %arg13[%dma_start3A_554] : memref<2x!tpu.dma_semaphore, #tpu.memory_space<semaphore_mem>> -> memref<1x!tpu.dma_semaphore, #tpu.memory_space<semaphore_mem>>
      %dma_start3A_566 = tpu.memref_squeeze %dma_start3A_565 : memref<1x!tpu.dma_semaphore, #tpu.memory_space<semaphore_mem>> -> memref<!tpu.dma_semaphore, #tpu.memory_space<semaphore_mem>>
      tpu.enqueue_indirect_dma source(%dma_start3A_558 : memref<64x128xf32, #tpu.memory_space<vmem>>) target(%dma_start3A_564 : memref<10240x128xf32, #tpu.memory_space<vmem_shared>>) offsets(%dma_start3A_561 : memref<64xi32, #tpu.memory_space<vmem>>) semaphore(%dma_start3A_566 : memref<!tpu.dma_semaphore, #tpu.memory_space<semaphore_mem>>) {add = true}
      %add3A_567 = arith.constant 1 : i32
      %add3A_568 = arith.addi %scan3A_280, %add3A_567 : i32
      %lt3A_569 = arith.constant 40 : i32
      %lt3A_570 = arith.cmpi slt, %add3A_568, %lt3A_569 : i32
      %convert_element_type3A_571 = arith.extui %lt3A_570 : i1 to i32
      %cond3A_572 = arith.constant 0 : i32
      %cond3A_573 = arith.cmpi ne, %convert_element_type3A_571, %cond3A_572 : i32
      scf.if %cond3A_573 {
        %add3A_682 = arith.constant 4 : i32
        %add3A_683 = arith.addi %add3A_469, %add3A_682 : i32
        %get3A_684 = arith.index_cast %add3A_683 : i32 to index
        %get3A_685 = arith.constant 0 : index
        %get3A_686 = tpu.vector_load %arg7[%get3A_684, %get3A_685] {strides = array<i32>} : memref<160x64xi32, #tpu.memory_space<vmem>>, vector<16xi32>,
        %and3A_687 = arith.constant 65535 : i32
        %and3A_688 = vector.broadcast %and3A_687 : i32 to vector<16xi32>
        %and3A_689 = arith.andi %get3A_686, %and3A_688 : vector<16xi32>
        %swap3A_690 = arith.constant 2 : i32
        %swap3A_691 = arith.index_cast %swap3A_690 : i32 to index
        %swap3A_692 = arith.constant 0 : index
        %swap3A_693 = tpu.vector_load %arg8[%swap3A_691, %swap3A_692] {strides = array<i32>} : memref<4x64xi32, #tpu.memory_space<vmem>>, vector<16xi32>,
        tpu.vector_store %arg8[%swap3A_691, %swap3A_692], %and3A_689 {strides = array<i32>} : memref<4x64xi32, #tpu.memory_space<vmem>>, vector<16xi32>,
        %get3A_694 = arith.index_cast %add3A_683 : i32 to index
        %get3A_695 = arith.constant 16 : index
        %get3A_696 = tpu.vector_load %arg7[%get3A_694, %get3A_695] {strides = array<i32>} : memref<160x64xi32, #tpu.memory_space<vmem>>, vector<16xi32>,
        %and3A_697 = arith.constant 65535 : i32
        %and3A_698 = vector.broadcast %and3A_697 : i32 to vector<16xi32>
        %and3A_699 = arith.andi %get3A_696, %and3A_698 : vector<16xi32>
        %swap3A_700 = arith.constant 2 : i32
        %swap3A_701 = arith.index_cast %swap3A_700 : i32 to index
        %swap3A_702 = arith.constant 16 : index
        %swap3A_703 = tpu.vector_load %arg8[%swap3A_701, %swap3A_702] {strides = array<i32>} : memref<4x64xi32, #tpu.memory_space<vmem>>, vector<16xi32>,
        tpu.vector_store %arg8[%swap3A_701, %swap3A_702], %and3A_699 {strides = array<i32>} : memref<4x64xi32, #tpu.memory_space<vmem>>, vector<16xi32>,
        %get3A_704 = arith.index_cast %add3A_683 : i32 to index
        %get3A_705 = arith.constant 32 : index
        %get3A_706 = tpu.vector_load %arg7[%get3A_704, %get3A_705] {strides = array<i32>} : memref<160x64xi32, #tpu.memory_space<vmem>>, vector<16xi32>,
        %and3A_707 = arith.constant 65535 : i32
        %and3A_708 = vector.broadcast %and3A_707 : i32 to vector<16xi32>
        %and3A_709 = arith.andi %get3A_706, %and3A_708 : vector<16xi32>
        %swap3A_710 = arith.constant 2 : i32
        %swap3A_711 = arith.index_cast %swap3A_710 : i32 to index
        %swap3A_712 = arith.constant 32 : index
        %swap3A_713 = tpu.vector_load %arg8[%swap3A_711, %swap3A_712] {strides = array<i32>} : memref<4x64xi32, #tpu.memory_space<vmem>>, vector<16xi32>,
        tpu.vector_store %arg8[%swap3A_711, %swap3A_712], %and3A_709 {strides = array<i32>} : memref<4x64xi32, #tpu.memory_space<vmem>>, vector<16xi32>,
        %get3A_714 = arith.index_cast %add3A_683 : i32 to index
        %get3A_715 = arith.constant 48 : index
        %get3A_716 = tpu.vector_load %arg7[%get3A_714, %get3A_715] {strides = array<i32>} : memref<160x64xi32, #tpu.memory_space<vmem>>, vector<16xi32>,
        %and3A_717 = arith.constant 65535 : i32
        %and3A_718 = vector.broadcast %and3A_717 : i32 to vector<16xi32>
        %and3A_719 = arith.andi %get3A_716, %and3A_718 : vector<16xi32>
        %swap3A_720 = arith.constant 2 : i32
        %swap3A_721 = arith.index_cast %swap3A_720 : i32 to index
        %swap3A_722 = arith.constant 48 : index
        %swap3A_723 = tpu.vector_load %arg8[%swap3A_721, %swap3A_722] {strides = array<i32>} : memref<4x64xi32, #tpu.memory_space<vmem>>, vector<16xi32>,
        tpu.vector_store %arg8[%swap3A_721, %swap3A_722], %and3A_719 {strides = array<i32>} : memref<4x64xi32, #tpu.memory_space<vmem>>, vector<16xi32>,
        %dma_start3A_724 = arith.constant 2 : i32
        %dma_start3A_725 = arith.constant 2 : i32
        %dma_start3A_726 = arith.constant 2 : i32
        %dma_start3A_727 = arith.constant 0 : i32
        %dma_start3A_728 = arith.constant 0 : i32
        %dma_start3A_729 = tpu.memref_slice %arg10[%dma_start3A_725, %dma_start3A_727, %dma_start3A_728] : memref<4x64x64xi32, #tpu.memory_space<vmem>> -> memref<1x64x64xi32, #tpu.memory_space<vmem>>
        %dma_start3A_730 = tpu.memref_squeeze %dma_start3A_729 : memref<1x64x64xi32, #tpu.memory_space<vmem>> -> memref<64x64xi32, #tpu.memory_space<vmem>>
        %dma_start3A_731 = arith.constant 0 : i32
        %dma_start3A_732 = tpu.memref_slice %arg8[%dma_start3A_724, %dma_start3A_731] : memref<4x64xi32, #tpu.memory_space<vmem>> -> memref<1x64xi32, #tpu.memory_space<vmem>>
        %dma_start3A_733 = tpu.memref_squeeze %dma_start3A_732 : memref<1x64xi32, #tpu.memory_space<vmem>> -> memref<64xi32, #tpu.memory_space<vmem>>
        %dma_start3A_734 = arith.constant 0 : i32
        %dma_start3A_735 = arith.constant 0 : i32
        %dma_start3A_736 = tpu.memref_slice %arg2[%dma_start3A_734, %dma_start3A_735] : memref<10240x64xi32, #tpu.memory_space<hbm>> -> memref<10240x64xi32, #tpu.memory_space<hbm>>
        %dma_start3A_737 = tpu.memref_slice %arg12[%dma_start3A_726] : memref<4x!tpu.dma_semaphore, #tpu.memory_space<semaphore_mem>> -> memref<1x!tpu.dma_semaphore, #tpu.memory_space<semaphore_mem>>
        %dma_start3A_738 = tpu.memref_squeeze %dma_start3A_737 : memref<1x!tpu.dma_semaphore, #tpu.memory_space<semaphore_mem>> -> memref<!tpu.dma_semaphore, #tpu.memory_space<semaphore_mem>>
        tpu.enqueue_indirect_dma source(%dma_start3A_736 : memref<10240x64xi32, #tpu.memory_space<hbm>>) target(%dma_start3A_730 : memref<64x64xi32, #tpu.memory_space<vmem>>) offsets(%dma_start3A_733 : memref<64xi32, #tpu.memory_space<vmem>>) semaphore(%dma_start3A_738 : memref<!tpu.dma_semaphore, #tpu.memory_space<semaphore_mem>>)
      } else {
      }
      %mul3A_574 = arith.constant 4 : i32
      %mul3A_575 = arith.muli %scan3A_280, %mul3A_574 : i32
      %add3A_576 = arith.constant 3 : i32
      %add3A_577 = arith.addi %mul3A_575, %add3A_576 : i32
      %dma_wait3A_578 = arith.constant 3 : i32
      %dma_wait3A_579 = arith.constant 3 : i32
      %dma_wait3A_580 = arith.constant 0 : i32
      %dma_wait3A_581 = arith.constant 0 : i32
      %dma_wait3A_582 = tpu.memref_slice %arg10[%dma_wait3A_578, %dma_wait3A_580, %dma_wait3A_581] : memref<4x64x64xi32, #tpu.memory_space<vmem>> -> memref<1x64x64xi32, #tpu.memory_space<vmem>>
      %dma_wait3A_583 = tpu.memref_squeeze %dma_wait3A_582 : memref<1x64x64xi32, #tpu.memory_space<vmem>> -> memref<64x64xi32, #tpu.memory_space<vmem>>
      %dma_wait3A_584 = arith.constant 0 : i32
      %dma_wait3A_585 = arith.constant 0 : i32
      %dma_wait3A_586 = tpu.memref_slice %arg2[%dma_wait3A_584, %dma_wait3A_585] : memref<10240x64xi32, #tpu.memory_space<hbm>> -> memref<64x64xi32, #tpu.memory_space<hbm>>
      %dma_wait3A_587 = tpu.memref_slice %arg12[%dma_wait3A_579] : memref<4x!tpu.dma_semaphore, #tpu.memory_space<semaphore_mem>> -> memref<1x!tpu.dma_semaphore, #tpu.memory_space<semaphore_mem>>
      %dma_wait3A_588 = tpu.memref_squeeze %dma_wait3A_587 : memref<1x!tpu.dma_semaphore, #tpu.memory_space<semaphore_mem>> -> memref<!tpu.dma_semaphore, #tpu.memory_space<semaphore_mem>>
      %dma_wait3A_589 = arith.constant 0 : i32
      %dma_wait3A_590 = arith.constant 0 : i32
      %dma_wait3A_591 = tpu.memref_slice %arg10[%dma_wait3A_578, %dma_wait3A_589, %dma_wait3A_590] : memref<4x64x64xi32, #tpu.memory_space<vmem>> -> memref<1x64x64xi32, #tpu.memory_space<vmem>>
      %dma_wait3A_592 = tpu.memref_squeeze %dma_wait3A_591 : memref<1x64x64xi32, #tpu.memory_space<vmem>> -> memref<64x64xi32, #tpu.memory_space<vmem>>
      %dma_wait3A_593 = arith.constant 0 : i32
      %dma_wait3A_594 = arith.constant 0 : i32
      %dma_wait3A_595 = tpu.memref_slice %arg2[%dma_wait3A_593, %dma_wait3A_594] : memref<10240x64xi32, #tpu.memory_space<hbm>> -> memref<64x64xi32, #tpu.memory_space<hbm>>
      tpu.wait_dma2 semaphore(%dma_wait3A_588 : memref<!tpu.dma_semaphore, #tpu.memory_space<semaphore_mem>>) src(%dma_wait3A_595 : memref<64x64xi32, #tpu.memory_space<hbm>>) dst(%dma_wait3A_592 : memref<64x64xi32, #tpu.memory_space<vmem>>)
      %dma_wait3A_596 = arith.constant 1 : i32
      %dma_wait3A_597 = arith.constant 1 : i32
      %dma_wait3A_598 = arith.constant 0 : i32
      %dma_wait3A_599 = arith.constant 0 : i32
      %dma_wait3A_600 = tpu.memref_slice %arg11[%dma_wait3A_596, %dma_wait3A_598, %dma_wait3A_599] : memref<2x64x128xf32, #tpu.memory_space<vmem>> -> memref<1x64x128xf32, #tpu.memory_space<vmem>>
      %dma_wait3A_601 = tpu.memref_squeeze %dma_wait3A_600 : memref<1x64x128xf32, #tpu.memory_space<vmem>> -> memref<64x128xf32, #tpu.memory_space<vmem>>
      %dma_wait3A_602 = arith.constant 0 : i32
      %dma_wait3A_603 = arith.constant 0 : i32
      %dma_wait3A_604 = tpu.memref_slice %arg6[%dma_wait3A_602, %dma_wait3A_603] : memref<10240x128xf32, #tpu.memory_space<vmem_shared>> -> memref<64x128xf32, #tpu.memory_space<vmem_shared>>
      %dma_wait3A_605 = tpu.memref_slice %arg13[%dma_wait3A_597] : memref<2x!tpu.dma_semaphore, #tpu.memory_space<semaphore_mem>> -> memref<1x!tpu.dma_semaphore, #tpu.memory_space<semaphore_mem>>
      %dma_wait3A_606 = tpu.memref_squeeze %dma_wait3A_605 : memref<1x!tpu.dma_semaphore, #tpu.memory_space<semaphore_mem>> -> memref<!tpu.dma_semaphore, #tpu.memory_space<semaphore_mem>>
      %dma_wait3A_607 = arith.constant 0 : i32
      %dma_wait3A_608 = arith.constant 0 : i32
      %dma_wait3A_609 = tpu.memref_slice %arg6[%dma_wait3A_607, %dma_wait3A_608] : memref<10240x128xf32, #tpu.memory_space<vmem_shared>> -> memref<64x128xf32, #tpu.memory_space<vmem_shared>>
      %dma_wait3A_610 = arith.constant 0 : i32
      %dma_wait3A_611 = arith.constant 0 : i32
      %dma_wait3A_612 = tpu.memref_slice %arg11[%dma_wait3A_596, %dma_wait3A_610, %dma_wait3A_611] : memref<2x64x128xf32, #tpu.memory_space<vmem>> -> memref<1x64x128xf32, #tpu.memory_space<vmem>>
      %dma_wait3A_613 = tpu.memref_squeeze %dma_wait3A_612 : memref<1x64x128xf32, #tpu.memory_space<vmem>> -> memref<64x128xf32, #tpu.memory_space<vmem>>
      tpu.wait_dma2 semaphore(%dma_wait3A_606 : memref<!tpu.dma_semaphore, #tpu.memory_space<semaphore_mem>>) src(%dma_wait3A_613 : memref<64x128xf32, #tpu.memory_space<vmem>>) dst(%dma_wait3A_609 : memref<64x128xf32, #tpu.memory_space<vmem_shared>>)
      %get3A_614 = arith.index_cast %add3A_577 : i32 to index
      %get3A_615 = arith.constant 0 : index
      %get3A_616 = tpu.vector_load %arg7[%get3A_614, %get3A_615] {strides = array<i32>} : memref<160x64xi32, #tpu.memory_space<vmem>>, vector<16xi32>,
      %shift_right_logical3A_617 = arith.constant 16 : i32
      %shift_right_logical3A_618 = vector.broadcast %shift_right_logical3A_617 : i32 to vector<16xi32>
      %shift_right_logical3A_619 = arith.shrui %get3A_616, %shift_right_logical3A_618 : vector<16xi32>
      %swap3A_620 = arith.constant 1 : i32
      %swap3A_621 = arith.index_cast %swap3A_620 : i32 to index
      %swap3A_622 = arith.constant 0 : index
      %swap3A_623 = tpu.vector_load %arg9[%swap3A_621, %swap3A_622] {strides = array<i32>} : memref<2x64xi32, #tpu.memory_space<vmem>>, vector<16xi32>,
      tpu.vector_store %arg9[%swap3A_621, %swap3A_622], %shift_right_logical3A_619 {strides = array<i32>} : memref<2x64xi32, #tpu.memory_space<vmem>>, vector<16xi32>,
      %get3A_624 = arith.index_cast %add3A_577 : i32 to index
      %get3A_625 = arith.constant 16 : index
      %get3A_626 = tpu.vector_load %arg7[%get3A_624, %get3A_625] {strides = array<i32>} : memref<160x64xi32, #tpu.memory_space<vmem>>, vector<16xi32>,
      %shift_right_logical3A_627 = arith.constant 16 : i32
      %shift_right_logical3A_628 = vector.broadcast %shift_right_logical3A_627 : i32 to vector<16xi32>
      %shift_right_logical3A_629 = arith.shrui %get3A_626, %shift_right_logical3A_628 : vector<16xi32>
      %swap3A_630 = arith.constant 1 : i32
      %swap3A_631 = arith.index_cast %swap3A_630 : i32 to index
      %swap3A_632 = arith.constant 16 : index
      %swap3A_633 = tpu.vector_load %arg9[%swap3A_631, %swap3A_632] {strides = array<i32>} : memref<2x64xi32, #tpu.memory_space<vmem>>, vector<16xi32>,
      tpu.vector_store %arg9[%swap3A_631, %swap3A_632], %shift_right_logical3A_629 {strides = array<i32>} : memref<2x64xi32, #tpu.memory_space<vmem>>, vector<16xi32>,
      %get3A_634 = arith.index_cast %add3A_577 : i32 to index
      %get3A_635 = arith.constant 32 : index
      %get3A_636 = tpu.vector_load %arg7[%get3A_634, %get3A_635] {strides = array<i32>} : memref<160x64xi32, #tpu.memory_space<vmem>>, vector<16xi32>,
      %shift_right_logical3A_637 = arith.constant 16 : i32
      %shift_right_logical3A_638 = vector.broadcast %shift_right_logical3A_637 : i32 to vector<16xi32>
      %shift_right_logical3A_639 = arith.shrui %get3A_636, %shift_right_logical3A_638 : vector<16xi32>
      %swap3A_640 = arith.constant 1 : i32
      %swap3A_641 = arith.index_cast %swap3A_640 : i32 to index
      %swap3A_642 = arith.constant 32 : index
      %swap3A_643 = tpu.vector_load %arg9[%swap3A_641, %swap3A_642] {strides = array<i32>} : memref<2x64xi32, #tpu.memory_space<vmem>>, vector<16xi32>,
      tpu.vector_store %arg9[%swap3A_641, %swap3A_642], %shift_right_logical3A_639 {strides = array<i32>} : memref<2x64xi32, #tpu.memory_space<vmem>>, vector<16xi32>,
      %get3A_644 = arith.index_cast %add3A_577 : i32 to index
      %get3A_645 = arith.constant 48 : index
      %get3A_646 = tpu.vector_load %arg7[%get3A_644, %get3A_645] {strides = array<i32>} : memref<160x64xi32, #tpu.memory_space<vmem>>, vector<16xi32>,
      %shift_right_logical3A_647 = arith.constant 16 : i32
      %shift_right_logical3A_648 = vector.broadcast %shift_right_logical3A_647 : i32 to vector<16xi32>
      %shift_right_logical3A_649 = arith.shrui %get3A_646, %shift_right_logical3A_648 : vector<16xi32>
      %swap3A_650 = arith.constant 1 : i32
      %swap3A_651 = arith.index_cast %swap3A_650 : i32 to index
      %swap3A_652 = arith.constant 48 : index
      %swap3A_653 = tpu.vector_load %arg9[%swap3A_651, %swap3A_652] {strides = array<i32>} : memref<2x64xi32, #tpu.memory_space<vmem>>, vector<16xi32>,
      tpu.vector_store %arg9[%swap3A_651, %swap3A_652], %shift_right_logical3A_649 {strides = array<i32>} : memref<2x64xi32, #tpu.memory_space<vmem>>, vector<16xi32>,
      %scan3A_654 = arith.constant 0 : i32
      %scan3A_655 = arith.constant 0 : i32
      %scan3A_656 = arith.constant 64 : i32
      %scan3A_657 = arith.addi %scan3A_655, %scan3A_656 : i32
      %scan3A_658 = arith.constant 1 : i32
      scf.for %scan3A_682 = %scan3A_655 to %scan3A_657 step %scan3A_658  : i32 {
        %get3A_683 = arith.constant 3 : i32
        %get3A_684 = arith.index_cast %get3A_683 : i32 to index
        %get3A_685 = arith.index_cast %scan3A_682 : i32 to index
        %get3A_686 = arith.constant 0 : index
        %get3A_687 = tpu.vector_load %arg10[%get3A_684, %get3A_685, %get3A_686] {strides = array<i32>} : memref<4x64x64xi32, #tpu.memory_space<vmem>>, vector<16xi32>,
        %shift_left3A = arith.constant 16 : i32
        %shift_left3A_688 = vector.broadcast %shift_left3A : i32 to vector<16xi32>
        %shift_left3A_689 = arith.shli %get3A_687, %shift_left3A_688 : vector<16xi32>
        %bitcast3A = vector.bitcast %shift_left3A_689 : vector<16xi32> to vector<16xf32>
        %and3A_690 = arith.constant -65536 : i32
        %and3A_691 = vector.broadcast %and3A_690 : i32 to vector<16xi32>
        %and3A_692 = arith.andi %get3A_687, %and3A_691 : vector<16xi32>
        %bitcast3A_693 = vector.bitcast %and3A_692 : vector<16xi32> to vector<16xf32>
        %swap3A_694 = arith.constant 1 : i32
        %swap3A_695 = arith.index_cast %swap3A_694 : i32 to index
        %swap3A_696 = arith.index_cast %scan3A_682 : i32 to index
        %swap3A_697 = arith.constant 0 : index
        %swap3A_698 = tpu.vector_load %arg11[%swap3A_695, %swap3A_696, %swap3A_697] {strides = array<i32>} : memref<2x64x128xf32, #tpu.memory_space<vmem>>, vector<16xf32>,
        tpu.vector_store %arg11[%swap3A_695, %swap3A_696, %swap3A_697], %bitcast3A {strides = array<i32>} : memref<2x64x128xf32, #tpu.memory_space<vmem>>, vector<16xf32>,
        %swap3A_699 = arith.constant 1 : i32
        %swap3A_700 = arith.index_cast %swap3A_699 : i32 to index
        %swap3A_701 = arith.index_cast %scan3A_682 : i32 to index
        %swap3A_702 = arith.constant 64 : index
        %swap3A_703 = tpu.vector_load %arg11[%swap3A_700, %swap3A_701, %swap3A_702] {strides = array<i32>} : memref<2x64x128xf32, #tpu.memory_space<vmem>>, vector<16xf32>,
        tpu.vector_store %arg11[%swap3A_700, %swap3A_701, %swap3A_702], %bitcast3A_693 {strides = array<i32>} : memref<2x64x128xf32, #tpu.memory_space<vmem>>, vector<16xf32>,
        %get3A_704 = arith.constant 3 : i32
        %get3A_705 = arith.index_cast %get3A_704 : i32 to index
        %get3A_706 = arith.index_cast %scan3A_682 : i32 to index
        %get3A_707 = arith.constant 16 : index
        %get3A_708 = tpu.vector_load %arg10[%get3A_705, %get3A_706, %get3A_707] {strides = array<i32>} : memref<4x64x64xi32, #tpu.memory_space<vmem>>, vector<16xi32>,
        %shift_left3A_709 = arith.constant 16 : i32
        %shift_left3A_710 = vector.broadcast %shift_left3A_709 : i32 to vector<16xi32>
        %shift_left3A_711 = arith.shli %get3A_708, %shift_left3A_710 : vector<16xi32>
        %bitcast3A_712 = vector.bitcast %shift_left3A_711 : vector<16xi32> to vector<16xf32>
        %and3A_713 = arith.constant -65536 : i32
        %and3A_714 = vector.broadcast %and3A_713 : i32 to vector<16xi32>
        %and3A_715 = arith.andi %get3A_708, %and3A_714 : vector<16xi32>
        %bitcast3A_716 = vector.bitcast %and3A_715 : vector<16xi32> to vector<16xf32>
        %swap3A_717 = arith.constant 1 : i32
        %swap3A_718 = arith.index_cast %swap3A_717 : i32 to index
        %swap3A_719 = arith.index_cast %scan3A_682 : i32 to index
        %swap3A_720 = arith.constant 16 : index
        %swap3A_721 = tpu.vector_load %arg11[%swap3A_718, %swap3A_719, %swap3A_720] {strides = array<i32>} : memref<2x64x128xf32, #tpu.memory_space<vmem>>, vector<16xf32>,
        tpu.vector_store %arg11[%swap3A_718, %swap3A_719, %swap3A_720], %bitcast3A_712 {strides = array<i32>} : memref<2x64x128xf32, #tpu.memory_space<vmem>>, vector<16xf32>,
        %swap3A_722 = arith.constant 1 : i32
        %swap3A_723 = arith.index_cast %swap3A_722 : i32 to index
        %swap3A_724 = arith.index_cast %scan3A_682 : i32 to index
        %swap3A_725 = arith.constant 80 : index
        %swap3A_726 = tpu.vector_load %arg11[%swap3A_723, %swap3A_724, %swap3A_725] {strides = array<i32>} : memref<2x64x128xf32, #tpu.memory_space<vmem>>, vector<16xf32>,
        tpu.vector_store %arg11[%swap3A_723, %swap3A_724, %swap3A_725], %bitcast3A_716 {strides = array<i32>} : memref<2x64x128xf32, #tpu.memory_space<vmem>>, vector<16xf32>,
        %get3A_727 = arith.constant 3 : i32
        %get3A_728 = arith.index_cast %get3A_727 : i32 to index
        %get3A_729 = arith.index_cast %scan3A_682 : i32 to index
        %get3A_730 = arith.constant 32 : index
        %get3A_731 = tpu.vector_load %arg10[%get3A_728, %get3A_729, %get3A_730] {strides = array<i32>} : memref<4x64x64xi32, #tpu.memory_space<vmem>>, vector<16xi32>,
        %shift_left3A_732 = arith.constant 16 : i32
        %shift_left3A_733 = vector.broadcast %shift_left3A_732 : i32 to vector<16xi32>
        %shift_left3A_734 = arith.shli %get3A_731, %shift_left3A_733 : vector<16xi32>
        %bitcast3A_735 = vector.bitcast %shift_left3A_734 : vector<16xi32> to vector<16xf32>
        %and3A_736 = arith.constant -65536 : i32
        %and3A_737 = vector.broadcast %and3A_736 : i32 to vector<16xi32>
        %and3A_738 = arith.andi %get3A_731, %and3A_737 : vector<16xi32>
        %bitcast3A_739 = vector.bitcast %and3A_738 : vector<16xi32> to vector<16xf32>
        %swap3A_740 = arith.constant 1 : i32
        %swap3A_741 = arith.index_cast %swap3A_740 : i32 to index
        %swap3A_742 = arith.index_cast %scan3A_682 : i32 to index
        %swap3A_743 = arith.constant 32 : index
        %swap3A_744 = tpu.vector_load %arg11[%swap3A_741, %swap3A_742, %swap3A_743] {strides = array<i32>} : memref<2x64x128xf32, #tpu.memory_space<vmem>>, vector<16xf32>,
        tpu.vector_store %arg11[%swap3A_741, %swap3A_742, %swap3A_743], %bitcast3A_735 {strides = array<i32>} : memref<2x64x128xf32, #tpu.memory_space<vmem>>, vector<16xf32>,
        %swap3A_745 = arith.constant 1 : i32
        %swap3A_746 = arith.index_cast %swap3A_745 : i32 to index
        %swap3A_747 = arith.index_cast %scan3A_682 : i32 to index
        %swap3A_748 = arith.constant 96 : index
        %swap3A_749 = tpu.vector_load %arg11[%swap3A_746, %swap3A_747, %swap3A_748] {strides = array<i32>} : memref<2x64x128xf32, #tpu.memory_space<vmem>>, vector<16xf32>,
        tpu.vector_store %arg11[%swap3A_746, %swap3A_747, %swap3A_748], %bitcast3A_739 {strides = array<i32>} : memref<2x64x128xf32, #tpu.memory_space<vmem>>, vector<16xf32>,
        %get3A_750 = arith.constant 3 : i32
        %get3A_751 = arith.index_cast %get3A_750 : i32 to index
        %get3A_752 = arith.index_cast %scan3A_682 : i32 to index
        %get3A_753 = arith.constant 48 : index
        %get3A_754 = tpu.vector_load %arg10[%get3A_751, %get3A_752, %get3A_753] {strides = array<i32>} : memref<4x64x64xi32, #tpu.memory_space<vmem>>, vector<16xi32>,
        %shift_left3A_755 = arith.constant 16 : i32
        %shift_left3A_756 = vector.broadcast %shift_left3A_755 : i32 to vector<16xi32>
        %shift_left3A_757 = arith.shli %get3A_754, %shift_left3A_756 : vector<16xi32>
        %bitcast3A_758 = vector.bitcast %shift_left3A_757 : vector<16xi32> to vector<16xf32>
        %and3A_759 = arith.constant -65536 : i32
        %and3A_760 = vector.broadcast %and3A_759 : i32 to vector<16xi32>
        %and3A_761 = arith.andi %get3A_754, %and3A_760 : vector<16xi32>
        %bitcast3A_762 = vector.bitcast %and3A_761 : vector<16xi32> to vector<16xf32>
        %swap3A_763 = arith.constant 1 : i32
        %swap3A_764 = arith.index_cast %swap3A_763 : i32 to index
        %swap3A_765 = arith.index_cast %scan3A_682 : i32 to index
        %swap3A_766 = arith.constant 48 : index
        %swap3A_767 = tpu.vector_load %arg11[%swap3A_764, %swap3A_765, %swap3A_766] {strides = array<i32>} : memref<2x64x128xf32, #tpu.memory_space<vmem>>, vector<16xf32>,
        tpu.vector_store %arg11[%swap3A_764, %swap3A_765, %swap3A_766], %bitcast3A_758 {strides = array<i32>} : memref<2x64x128xf32, #tpu.memory_space<vmem>>, vector<16xf32>,
        %swap3A_768 = arith.constant 1 : i32
        %swap3A_769 = arith.index_cast %swap3A_768 : i32 to index
        %swap3A_770 = arith.index_cast %scan3A_682 : i32 to index
        %swap3A_771 = arith.constant 112 : index
        %swap3A_772 = tpu.vector_load %arg11[%swap3A_769, %swap3A_770, %swap3A_771] {strides = array<i32>} : memref<2x64x128xf32, #tpu.memory_space<vmem>>, vector<16xf32>,
        tpu.vector_store %arg11[%swap3A_769, %swap3A_770, %swap3A_771], %bitcast3A_762 {strides = array<i32>} : memref<2x64x128xf32, #tpu.memory_space<vmem>>, vector<16xf32>,
      }
      %scan3A_659 = arith.constant 64 : i32
      %dma_start3A_660 = arith.constant 1 : i32
      %dma_start3A_661 = arith.constant 1 : i32
      %dma_start3A_662 = arith.constant 1 : i32
      %dma_start3A_663 = arith.constant 0 : i32
      %dma_start3A_664 = arith.constant 0 : i32
      %dma_start3A_665 = tpu.memref_slice %arg11[%dma_start3A_660, %dma_start3A_663, %dma_start3A_664] : memref<2x64x128xf32, #tpu.memory_space<vmem>> -> memref<1x64x128xf32, #tpu.memory_space<vmem>>
      %dma_start3A_666 = tpu.memref_squeeze %dma_start3A_665 : memref<1x64x128xf32, #tpu.memory_space<vmem>> -> memref<64x128xf32, #tpu.memory_space<vmem>>
      %dma_start3A_667 = arith.constant 0 : i32
      %dma_start3A_668 = tpu.memref_slice %arg9[%dma_start3A_661, %dma_start3A_667] : memref<2x64xi32, #tpu.memory_space<vmem>> -> memref<1x64xi32, #tpu.memory_space<vmem>>
      %dma_start3A_669 = tpu.memref_squeeze %dma_start3A_668 : memref<1x64xi32, #tpu.memory_space<vmem>> -> memref<64xi32, #tpu.memory_space<vmem>>
      %dma_start3A_670 = arith.constant 0 : i32
      %dma_start3A_671 = arith.constant 0 : i32
      %dma_start3A_672 = tpu.memref_slice %arg6[%dma_start3A_670, %dma_start3A_671] : memref<10240x128xf32, #tpu.memory_space<vmem_shared>> -> memref<10240x128xf32, #tpu.memory_space<vmem_shared>>
      %dma_start3A_673 = tpu.memref_slice %arg13[%dma_start3A_662] : memref<2x!tpu.dma_semaphore, #tpu.memory_space<semaphore_mem>> -> memref<1x!tpu.dma_semaphore, #tpu.memory_space<semaphore_mem>>
      %dma_start3A_674 = tpu.memref_squeeze %dma_start3A_673 : memref<1x!tpu.dma_semaphore, #tpu.memory_space<semaphore_mem>> -> memref<!tpu.dma_semaphore, #tpu.memory_space<semaphore_mem>>
      tpu.enqueue_indirect_dma source(%dma_start3A_666 : memref<64x128xf32, #tpu.memory_space<vmem>>) target(%dma_start3A_672 : memref<10240x128xf32, #tpu.memory_space<vmem_shared>>) offsets(%dma_start3A_669 : memref<64xi32, #tpu.memory_space<vmem>>) semaphore(%dma_start3A_674 : memref<!tpu.dma_semaphore, #tpu.memory_space<semaphore_mem>>) {add = true}
      %add3A_675 = arith.constant 1 : i32
      %add3A_676 = arith.addi %scan3A_280, %add3A_675 : i32
      %lt3A_677 = arith.constant 40 : i32
      %lt3A_678 = arith.cmpi slt, %add3A_676, %lt3A_677 : i32
      %convert_element_type3A_679 = arith.extui %lt3A_678 : i1 to i32
      %cond3A_680 = arith.constant 0 : i32
      %cond3A_681 = arith.cmpi ne, %convert_element_type3A_679, %cond3A_680 : i32
      scf.if %cond3A_681 {
        %add3A_682 = arith.constant 4 : i32
        %add3A_683 = arith.addi %add3A_577, %add3A_682 : i32
        %get3A_684 = arith.index_cast %add3A_683 : i32 to index
        %get3A_685 = arith.constant 0 : index
        %get3A_686 = tpu.vector_load %arg7[%get3A_684, %get3A_685] {strides = array<i32>} : memref<160x64xi32, #tpu.memory_space<vmem>>, vector<16xi32>,
        %and3A_687 = arith.constant 65535 : i32
        %and3A_688 = vector.broadcast %and3A_687 : i32 to vector<16xi32>
        %and3A_689 = arith.andi %get3A_686, %and3A_688 : vector<16xi32>
        %swap3A_690 = arith.constant 3 : i32
        %swap3A_691 = arith.index_cast %swap3A_690 : i32 to index
        %swap3A_692 = arith.constant 0 : index
        %swap3A_693 = tpu.vector_load %arg8[%swap3A_691, %swap3A_692] {strides = array<i32>} : memref<4x64xi32, #tpu.memory_space<vmem>>, vector<16xi32>,
        tpu.vector_store %arg8[%swap3A_691, %swap3A_692], %and3A_689 {strides = array<i32>} : memref<4x64xi32, #tpu.memory_space<vmem>>, vector<16xi32>,
        %get3A_694 = arith.index_cast %add3A_683 : i32 to index
        %get3A_695 = arith.constant 16 : index
        %get3A_696 = tpu.vector_load %arg7[%get3A_694, %get3A_695] {strides = array<i32>} : memref<160x64xi32, #tpu.memory_space<vmem>>, vector<16xi32>,
        %and3A_697 = arith.constant 65535 : i32
        %and3A_698 = vector.broadcast %and3A_697 : i32 to vector<16xi32>
        %and3A_699 = arith.andi %get3A_696, %and3A_698 : vector<16xi32>
        %swap3A_700 = arith.constant 3 : i32
        %swap3A_701 = arith.index_cast %swap3A_700 : i32 to index
        %swap3A_702 = arith.constant 16 : index
        %swap3A_703 = tpu.vector_load %arg8[%swap3A_701, %swap3A_702] {strides = array<i32>} : memref<4x64xi32, #tpu.memory_space<vmem>>, vector<16xi32>,
        tpu.vector_store %arg8[%swap3A_701, %swap3A_702], %and3A_699 {strides = array<i32>} : memref<4x64xi32, #tpu.memory_space<vmem>>, vector<16xi32>,
        %get3A_704 = arith.index_cast %add3A_683 : i32 to index
        %get3A_705 = arith.constant 32 : index
        %get3A_706 = tpu.vector_load %arg7[%get3A_704, %get3A_705] {strides = array<i32>} : memref<160x64xi32, #tpu.memory_space<vmem>>, vector<16xi32>,
        %and3A_707 = arith.constant 65535 : i32
        %and3A_708 = vector.broadcast %and3A_707 : i32 to vector<16xi32>
        %and3A_709 = arith.andi %get3A_706, %and3A_708 : vector<16xi32>
        %swap3A_710 = arith.constant 3 : i32
        %swap3A_711 = arith.index_cast %swap3A_710 : i32 to index
        %swap3A_712 = arith.constant 32 : index
        %swap3A_713 = tpu.vector_load %arg8[%swap3A_711, %swap3A_712] {strides = array<i32>} : memref<4x64xi32, #tpu.memory_space<vmem>>, vector<16xi32>,
        tpu.vector_store %arg8[%swap3A_711, %swap3A_712], %and3A_709 {strides = array<i32>} : memref<4x64xi32, #tpu.memory_space<vmem>>, vector<16xi32>,
        %get3A_714 = arith.index_cast %add3A_683 : i32 to index
        %get3A_715 = arith.constant 48 : index
        %get3A_716 = tpu.vector_load %arg7[%get3A_714, %get3A_715] {strides = array<i32>} : memref<160x64xi32, #tpu.memory_space<vmem>>, vector<16xi32>,
        %and3A_717 = arith.constant 65535 : i32
        %and3A_718 = vector.broadcast %and3A_717 : i32 to vector<16xi32>
        %and3A_719 = arith.andi %get3A_716, %and3A_718 : vector<16xi32>
        %swap3A_720 = arith.constant 3 : i32
        %swap3A_721 = arith.index_cast %swap3A_720 : i32 to index
        %swap3A_722 = arith.constant 48 : index
        %swap3A_723 = tpu.vector_load %arg8[%swap3A_721, %swap3A_722] {strides = array<i32>} : memref<4x64xi32, #tpu.memory_space<vmem>>, vector<16xi32>,
        tpu.vector_store %arg8[%swap3A_721, %swap3A_722], %and3A_719 {strides = array<i32>} : memref<4x64xi32, #tpu.memory_space<vmem>>, vector<16xi32>,
        %dma_start3A_724 = arith.constant 3 : i32
        %dma_start3A_725 = arith.constant 3 : i32
        %dma_start3A_726 = arith.constant 3 : i32
        %dma_start3A_727 = arith.constant 0 : i32
        %dma_start3A_728 = arith.constant 0 : i32
        %dma_start3A_729 = tpu.memref_slice %arg10[%dma_start3A_725, %dma_start3A_727, %dma_start3A_728] : memref<4x64x64xi32, #tpu.memory_space<vmem>> -> memref<1x64x64xi32, #tpu.memory_space<vmem>>
        %dma_start3A_730 = tpu.memref_squeeze %dma_start3A_729 : memref<1x64x64xi32, #tpu.memory_space<vmem>> -> memref<64x64xi32, #tpu.memory_space<vmem>>
        %dma_start3A_731 = arith.constant 0 : i32
        %dma_start3A_732 = tpu.memref_slice %arg8[%dma_start3A_724, %dma_start3A_731] : memref<4x64xi32, #tpu.memory_space<vmem>> -> memref<1x64xi32, #tpu.memory_space<vmem>>
        %dma_start3A_733 = tpu.memref_squeeze %dma_start3A_732 : memref<1x64xi32, #tpu.memory_space<vmem>> -> memref<64xi32, #tpu.memory_space<vmem>>
        %dma_start3A_734 = arith.constant 0 : i32
        %dma_start3A_735 = arith.constant 0 : i32
        %dma_start3A_736 = tpu.memref_slice %arg2[%dma_start3A_734, %dma_start3A_735] : memref<10240x64xi32, #tpu.memory_space<hbm>> -> memref<10240x64xi32, #tpu.memory_space<hbm>>
        %dma_start3A_737 = tpu.memref_slice %arg12[%dma_start3A_726] : memref<4x!tpu.dma_semaphore, #tpu.memory_space<semaphore_mem>> -> memref<1x!tpu.dma_semaphore, #tpu.memory_space<semaphore_mem>>
        %dma_start3A_738 = tpu.memref_squeeze %dma_start3A_737 : memref<1x!tpu.dma_semaphore, #tpu.memory_space<semaphore_mem>> -> memref<!tpu.dma_semaphore, #tpu.memory_space<semaphore_mem>>
        tpu.enqueue_indirect_dma source(%dma_start3A_736 : memref<10240x64xi32, #tpu.memory_space<hbm>>) target(%dma_start3A_730 : memref<64x64xi32, #tpu.memory_space<vmem>>) offsets(%dma_start3A_733 : memref<64xi32, #tpu.memory_space<vmem>>) semaphore(%dma_start3A_738 : memref<!tpu.dma_semaphore, #tpu.memory_space<semaphore_mem>>)
      } else {
      }
    }
    %scan3A_239 = arith.constant 40 : i32
    %dma_wait3A = arith.constant 0 : i32
    %dma_wait3A_240 = arith.constant 0 : i32
    %dma_wait3A_241 = arith.constant 0 : i32
    %dma_wait3A_242 = arith.constant 0 : i32
    %dma_wait3A_243 = tpu.memref_slice %arg11[%dma_wait3A, %dma_wait3A_241, %dma_wait3A_242] : memref<2x64x128xf32, #tpu.memory_space<vmem>> -> memref<1x64x128xf32, #tpu.memory_space<vmem>>
    %dma_wait3A_244 = tpu.memref_squeeze %dma_wait3A_243 : memref<1x64x128xf32, #tpu.memory_space<vmem>> -> memref<64x128xf32, #tpu.memory_space<vmem>>
    %dma_wait3A_245 = arith.constant 0 : i32
    %dma_wait3A_246 = arith.constant 0 : i32
    %dma_wait3A_247 = tpu.memref_slice %arg6[%dma_wait3A_245, %dma_wait3A_246] : memref<10240x128xf32, #tpu.memory_space<vmem_shared>> -> memref<64x128xf32, #tpu.memory_space<vmem_shared>>
    %dma_wait3A_248 = tpu.memref_slice %arg13[%dma_wait3A_240] : memref<2x!tpu.dma_semaphore, #tpu.memory_space<semaphore_mem>> -> memref<1x!tpu.dma_semaphore, #tpu.memory_space<semaphore_mem>>
    %dma_wait3A_249 = tpu.memref_squeeze %dma_wait3A_248 : memref<1x!tpu.dma_semaphore, #tpu.memory_space<semaphore_mem>> -> memref<!tpu.dma_semaphore, #tpu.memory_space<semaphore_mem>>
    %dma_wait3A_250 = arith.constant 0 : i32
    %dma_wait3A_251 = arith.constant 0 : i32
    %dma_wait3A_252 = tpu.memref_slice %arg6[%dma_wait3A_250, %dma_wait3A_251] : memref<10240x128xf32, #tpu.memory_space<vmem_shared>> -> memref<64x128xf32, #tpu.memory_space<vmem_shared>>
    %dma_wait3A_253 = arith.constant 0 : i32
    %dma_wait3A_254 = arith.constant 0 : i32
    %dma_wait3A_255 = tpu.memref_slice %arg11[%dma_wait3A, %dma_wait3A_253, %dma_wait3A_254] : memref<2x64x128xf32, #tpu.memory_space<vmem>> -> memref<1x64x128xf32, #tpu.memory_space<vmem>>
    %dma_wait3A_256 = tpu.memref_squeeze %dma_wait3A_255 : memref<1x64x128xf32, #tpu.memory_space<vmem>> -> memref<64x128xf32, #tpu.memory_space<vmem>>
    tpu.wait_dma2 semaphore(%dma_wait3A_249 : memref<!tpu.dma_semaphore, #tpu.memory_space<semaphore_mem>>) src(%dma_wait3A_256 : memref<64x128xf32, #tpu.memory_space<vmem>>) dst(%dma_wait3A_252 : memref<64x128xf32, #tpu.memory_space<vmem_shared>>)
    %dma_wait3A_257 = arith.constant 1 : i32
    %dma_wait3A_258 = arith.constant 1 : i32
    %dma_wait3A_259 = arith.constant 0 : i32
    %dma_wait3A_260 = arith.constant 0 : i32
    %dma_wait3A_261 = tpu.memref_slice %arg11[%dma_wait3A_257, %dma_wait3A_259, %dma_wait3A_260] : memref<2x64x128xf32, #tpu.memory_space<vmem>> -> memref<1x64x128xf32, #tpu.memory_space<vmem>>
    %dma_wait3A_262 = tpu.memref_squeeze %dma_wait3A_261 : memref<1x64x128xf32, #tpu.memory_space<vmem>> -> memref<64x128xf32, #tpu.memory_space<vmem>>
    %dma_wait3A_263 = arith.constant 0 : i32
    %dma_wait3A_264 = arith.constant 0 : i32
    %dma_wait3A_265 = tpu.memref_slice %arg6[%dma_wait3A_263, %dma_wait3A_264] : memref<10240x128xf32, #tpu.memory_space<vmem_shared>> -> memref<64x128xf32, #tpu.memory_space<vmem_shared>>
    %dma_wait3A_266 = tpu.memref_slice %arg13[%dma_wait3A_258] : memref<2x!tpu.dma_semaphore, #tpu.memory_space<semaphore_mem>> -> memref<1x!tpu.dma_semaphore, #tpu.memory_space<semaphore_mem>>
    %dma_wait3A_267 = tpu.memref_squeeze %dma_wait3A_266 : memref<1x!tpu.dma_semaphore, #tpu.memory_space<semaphore_mem>> -> memref<!tpu.dma_semaphore, #tpu.memory_space<semaphore_mem>>
    %dma_wait3A_268 = arith.constant 0 : i32
    %dma_wait3A_269 = arith.constant 0 : i32
    %dma_wait3A_270 = tpu.memref_slice %arg6[%dma_wait3A_268, %dma_wait3A_269] : memref<10240x128xf32, #tpu.memory_space<vmem_shared>> -> memref<64x128xf32, #tpu.memory_space<vmem_shared>>
    %dma_wait3A_271 = arith.constant 0 : i32
    %dma_wait3A_272 = arith.constant 0 : i32
    %dma_wait3A_273 = tpu.memref_slice %arg11[%dma_wait3A_257, %dma_wait3A_271, %dma_wait3A_272] : memref<2x64x128xf32, #tpu.memory_space<vmem>> -> memref<1x64x128xf32, #tpu.memory_space<vmem>>
    %dma_wait3A_274 = tpu.memref_squeeze %dma_wait3A_273 : memref<1x64x128xf32, #tpu.memory_space<vmem>> -> memref<64x128xf32, #tpu.memory_space<vmem>>
    tpu.wait_dma2 semaphore(%dma_wait3A_267 : memref<!tpu.dma_semaphore, #tpu.memory_space<semaphore_mem>>) src(%dma_wait3A_274 : memref<64x128xf32, #tpu.memory_space<vmem>>) dst(%dma_wait3A_270 : memref<64x128xf32, #tpu.memory_space<vmem_shared>>)
    %barrier3A_275 = arith.constant 0 : index
    tpu.barrier barrier_id(%barrier3A_275)
    %mul3A_276 = arith.constant 640 : i32
    %mul3A_277 = arith.muli %arg1, %mul3A_276 : i32
    %mul3A_278 = arith.constant 640 : i32
    %mul3A_279 = arith.muli %arg1, %mul3A_278 : i32
    "tpu.region"() ({
      %run_scoped3A = tpu.sem_alloc : memref<!tpu.dma_semaphore, #tpu.memory_space<semaphore_mem>>
      %dma_start3A_280 = arith.constant 0 : i32
      %dma_start3A_281 = tpu.memref_slice %arg5[%arg0, %mul3A_279, %dma_start3A_280] : memref<2x10240x128xf32, #tpu.memory_space<hbm>> -> memref<1x640x128xf32, #tpu.memory_space<hbm>>
      %dma_start3A_282 = tpu.memref_squeeze %dma_start3A_281 : memref<1x640x128xf32, #tpu.memory_space<hbm>> -> memref<640x128xf32, #tpu.memory_space<hbm>>
      %dma_start3A_283 = arith.constant 0 : i32
      %dma_start3A_284 = tpu.memref_slice %arg6[%mul3A_277, %dma_start3A_283] : memref<10240x128xf32, #tpu.memory_space<vmem_shared>> -> memref<640x128xf32, #tpu.memory_space<vmem_shared>>
      tpu.enqueue_dma source(%dma_start3A_284 : memref<640x128xf32, #tpu.memory_space<vmem_shared>>) target(%dma_start3A_282 : memref<640x128xf32, #tpu.memory_space<hbm>>) target_semaphore(%run_scoped3A : memref<!tpu.dma_semaphore, #tpu.memory_space<semaphore_mem>>)
      %dma_wait3A_285 = arith.constant 0 : i32
      %dma_wait3A_286 = tpu.memref_slice %arg5[%arg0, %mul3A_279, %dma_wait3A_285] : memref<2x10240x128xf32, #tpu.memory_space<hbm>> -> memref<1x640x128xf32, #tpu.memory_space<hbm>>
      %dma_wait3A_287 = tpu.memref_squeeze %dma_wait3A_286 : memref<1x640x128xf32, #tpu.memory_space<hbm>> -> memref<640x128xf32, #tpu.memory_space<hbm>>
      %dma_wait3A_288 = arith.constant 0 : i32
      %dma_wait3A_289 = tpu.memref_slice %arg6[%mul3A_277, %dma_wait3A_288] : memref<10240x128xf32, #tpu.memory_space<vmem_shared>> -> memref<640x128xf32, #tpu.memory_space<vmem_shared>>
      tpu.wait_dma2 semaphore(%run_scoped3A : memref<!tpu.dma_semaphore, #tpu.memory_space<semaphore_mem>>) src(%dma_wait3A_289 : memref<640x128xf32, #tpu.memory_space<vmem_shared>>) dst(%dma_wait3A_287 : memref<640x128xf32, #tpu.memory_space<hbm>>)
      tpu.yield
    }) : () -> ()
    return
  }
}

#map = affine_map<(d0, d1) -> (0, 0)>
#map1 = affine_map<(d0, d1) -> (0, 0, 0)>
module attributes {stable_mosaic.version = 14 : i64} {
  func.func @_sc_agg(%arg0: i32, %arg1: i32, %arg2: memref<10240x64xi32, #tpu.memory_space<hbm>>, %arg3: memref<32x160x64xi32, #tpu.memory_space<hbm>>, %arg4: memref<640x128xf32, #tpu.memory_space<hbm>>, %arg5: memref<2x10240x128xf32, #tpu.memory_space<hbm>>, %arg6: memref<10240x128xf32, #tpu.memory_space<vmem_shared>>, %arg7: memref<160x64xi32, #tpu.memory_space<vmem>>, %arg8: memref<4x64xi32, #tpu.memory_space<vmem>>, %arg9: memref<2x64xi32, #tpu.memory_space<vmem>>, %arg10: memref<4x64x64xi32, #tpu.memory_space<vmem>>, %arg11: memref<2x64x128xf32, #tpu.memory_space<vmem>>, %arg12: memref<4x!tpu.dma_semaphore, #tpu.memory_space<semaphore_mem>>, %arg13: memref<2x!tpu.dma_semaphore, #tpu.memory_space<semaphore_mem>>) attributes {dimension_semantics = [#tpu.dimension_semantics<core_parallel>, #tpu.dimension_semantics<subcore_parallel>], iteration_bounds = array<i64: 2, 16>, scalar_prefetch = 0 : i64, scratch_operands = 8 : i64, tpu.core_type = #tpu.core_type<sc_vector_subcore>, window_params = [{transform_indices = #map}, {transform_indices = #map1}, {transform_indices = #map}, {transform_indices = #map1}]} {
    %mul3A = arith.constant 16 : i32
    %mul3A_0 = arith.muli %arg0, %mul3A : i32
    %add3A = arith.addi %mul3A_0, %arg1 : i32
    %mul3A_1 = arith.constant 640 : i32
    %mul3A_2 = arith.muli %arg1, %mul3A_1 : i32
    "tpu.region"() ({
      %run_scoped3A = tpu.sem_alloc : memref<!tpu.dma_semaphore, #tpu.memory_space<semaphore_mem>>
      %dma_start3A_280 = arith.constant 0 : i32
      %dma_start3A_281 = tpu.memref_slice %arg6[%mul3A_2, %dma_start3A_280] : memref<10240x128xf32, #tpu.memory_space<vmem_shared>> -> memref<640x128xf32, #tpu.memory_space<vmem_shared>>
      tpu.enqueue_dma source(%arg4 : memref<640x128xf32, #tpu.memory_space<hbm>>) target(%dma_start3A_281 : memref<640x128xf32, #tpu.memory_space<vmem_shared>>) target_semaphore(%run_scoped3A : memref<!tpu.dma_semaphore, #tpu.memory_space<semaphore_mem>>)
      %dma_wait3A_282 = arith.constant 0 : i32
      %dma_wait3A_283 = tpu.memref_slice %arg6[%mul3A_2, %dma_wait3A_282] : memref<10240x128xf32, #tpu.memory_space<vmem_shared>> -> memref<640x128xf32, #tpu.memory_space<vmem_shared>>
      tpu.wait_dma2 semaphore(%run_scoped3A : memref<!tpu.dma_semaphore, #tpu.memory_space<semaphore_mem>>) src(%arg4 : memref<640x128xf32, #tpu.memory_space<hbm>>) dst(%dma_wait3A_283 : memref<640x128xf32, #tpu.memory_space<vmem_shared>>)
      tpu.yield
    }) : () -> ()
    "tpu.region"() ({
      %run_scoped3A = tpu.sem_alloc : memref<!tpu.dma_semaphore, #tpu.memory_space<semaphore_mem>>
      %dma_start3A_280 = arith.constant 0 : i32
      %dma_start3A_281 = arith.constant 0 : i32
      %dma_start3A_282 = tpu.memref_slice %arg3[%add3A, %dma_start3A_280, %dma_start3A_281] : memref<32x160x64xi32, #tpu.memory_space<hbm>> -> memref<1x160x64xi32, #tpu.memory_space<hbm>>
      %dma_start3A_283 = tpu.memref_squeeze %dma_start3A_282 : memref<1x160x64xi32, #tpu.memory_space<hbm>> -> memref<160x64xi32, #tpu.memory_space<hbm>>
      %dma_start3A_284 = arith.constant 0 : i32
      %dma_start3A_285 = arith.constant 0 : i32
      %dma_start3A_286 = tpu.memref_slice %arg3[%add3A, %dma_start3A_284, %dma_start3A_285] : memref<32x160x64xi32, #tpu.memory_space<hbm>> -> memref<1x160x64xi32, #tpu.memory_space<hbm>>
      %dma_start3A_287 = tpu.memref_squeeze %dma_start3A_286 : memref<1x160x64xi32, #tpu.memory_space<hbm>> -> memref<160x64xi32, #tpu.memory_space<hbm>>
      tpu.enqueue_dma source(%dma_start3A_287 : memref<160x64xi32, #tpu.memory_space<hbm>>) target(%arg7 : memref<160x64xi32, #tpu.memory_space<vmem>>) target_semaphore(%run_scoped3A : memref<!tpu.dma_semaphore, #tpu.memory_space<semaphore_mem>>)
      %dma_wait3A_288 = arith.constant 0 : i32
      %dma_wait3A_289 = arith.constant 0 : i32
      %dma_wait3A_290 = tpu.memref_slice %arg3[%add3A, %dma_wait3A_288, %dma_wait3A_289] : memref<32x160x64xi32, #tpu.memory_space<hbm>> -> memref<1x160x64xi32, #tpu.memory_space<hbm>>
      %dma_wait3A_291 = tpu.memref_squeeze %dma_wait3A_290 : memref<1x160x64xi32, #tpu.memory_space<hbm>> -> memref<160x64xi32, #tpu.memory_space<hbm>>
      %dma_wait3A_292 = arith.constant 0 : i32
      %dma_wait3A_293 = arith.constant 0 : i32
      %dma_wait3A_294 = tpu.memref_slice %arg3[%add3A, %dma_wait3A_292, %dma_wait3A_293] : memref<32x160x64xi32, #tpu.memory_space<hbm>> -> memref<1x160x64xi32, #tpu.memory_space<hbm>>
      %dma_wait3A_295 = tpu.memref_squeeze %dma_wait3A_294 : memref<1x160x64xi32, #tpu.memory_space<hbm>> -> memref<160x64xi32, #tpu.memory_space<hbm>>
      tpu.wait_dma2 semaphore(%run_scoped3A : memref<!tpu.dma_semaphore, #tpu.memory_space<semaphore_mem>>) src(%dma_wait3A_295 : memref<160x64xi32, #tpu.memory_space<hbm>>) dst(%arg7 : memref<160x64xi32, #tpu.memory_space<vmem>>)
      tpu.yield
    }) : () -> ()
    %barrier3A = arith.constant 0 : index
    tpu.barrier barrier_id(%barrier3A)
    %get3A = arith.constant 0 : i32
    %get3A_3 = arith.index_cast %get3A : i32 to index
    %get3A_4 = arith.constant 0 : index
    %get3A_5 = tpu.vector_load %arg7[%get3A_3, %get3A_4] {strides = array<i32>} : memref<160x64xi32, #tpu.memory_space<vmem>>, vector<16xi32>,
    %and3A = arith.constant 65535 : i32
    %and3A_6 = vector.broadcast %and3A : i32 to vector<16xi32>
    %and3A_7 = arith.andi %get3A_5, %and3A_6 : vector<16xi32>
    %swap3A = arith.constant 0 : i32
    %swap3A_8 = arith.index_cast %swap3A : i32 to index
    %swap3A_9 = arith.constant 0 : index
    %swap3A_10 = tpu.vector_load %arg8[%swap3A_8, %swap3A_9] {strides = array<i32>} : memref<4x64xi32, #tpu.memory_space<vmem>>, vector<16xi32>,
    tpu.vector_store %arg8[%swap3A_8, %swap3A_9], %and3A_7 {strides = array<i32>} : memref<4x64xi32, #tpu.memory_space<vmem>>, vector<16xi32>,
    %get3A_11 = arith.constant 0 : i32
    %get3A_12 = arith.index_cast %get3A_11 : i32 to index
    %get3A_13 = arith.constant 16 : index
    %get3A_14 = tpu.vector_load %arg7[%get3A_12, %get3A_13] {strides = array<i32>} : memref<160x64xi32, #tpu.memory_space<vmem>>, vector<16xi32>,
    %and3A_15 = arith.constant 65535 : i32
    %and3A_16 = vector.broadcast %and3A_15 : i32 to vector<16xi32>
    %and3A_17 = arith.andi %get3A_14, %and3A_16 : vector<16xi32>
    %swap3A_18 = arith.constant 0 : i32
    %swap3A_19 = arith.index_cast %swap3A_18 : i32 to index
    %swap3A_20 = arith.constant 16 : index
    %swap3A_21 = tpu.vector_load %arg8[%swap3A_19, %swap3A_20] {strides = array<i32>} : memref<4x64xi32, #tpu.memory_space<vmem>>, vector<16xi32>,
    tpu.vector_store %arg8[%swap3A_19, %swap3A_20], %and3A_17 {strides = array<i32>} : memref<4x64xi32, #tpu.memory_space<vmem>>, vector<16xi32>,
    %get3A_22 = arith.constant 0 : i32
    %get3A_23 = arith.index_cast %get3A_22 : i32 to index
    %get3A_24 = arith.constant 32 : index
    %get3A_25 = tpu.vector_load %arg7[%get3A_23, %get3A_24] {strides = array<i32>} : memref<160x64xi32, #tpu.memory_space<vmem>>, vector<16xi32>,
    %and3A_26 = arith.constant 65535 : i32
    %and3A_27 = vector.broadcast %and3A_26 : i32 to vector<16xi32>
    %and3A_28 = arith.andi %get3A_25, %and3A_27 : vector<16xi32>
    %swap3A_29 = arith.constant 0 : i32
    %swap3A_30 = arith.index_cast %swap3A_29 : i32 to index
    %swap3A_31 = arith.constant 32 : index
    %swap3A_32 = tpu.vector_load %arg8[%swap3A_30, %swap3A_31] {strides = array<i32>} : memref<4x64xi32, #tpu.memory_space<vmem>>, vector<16xi32>,
    tpu.vector_store %arg8[%swap3A_30, %swap3A_31], %and3A_28 {strides = array<i32>} : memref<4x64xi32, #tpu.memory_space<vmem>>, vector<16xi32>,
    %get3A_33 = arith.constant 0 : i32
    %get3A_34 = arith.index_cast %get3A_33 : i32 to index
    %get3A_35 = arith.constant 48 : index
    %get3A_36 = tpu.vector_load %arg7[%get3A_34, %get3A_35] {strides = array<i32>} : memref<160x64xi32, #tpu.memory_space<vmem>>, vector<16xi32>,
    %and3A_37 = arith.constant 65535 : i32
    %and3A_38 = vector.broadcast %and3A_37 : i32 to vector<16xi32>
    %and3A_39 = arith.andi %get3A_36, %and3A_38 : vector<16xi32>
    %swap3A_40 = arith.constant 0 : i32
    %swap3A_41 = arith.index_cast %swap3A_40 : i32 to index
    %swap3A_42 = arith.constant 48 : index
    %swap3A_43 = tpu.vector_load %arg8[%swap3A_41, %swap3A_42] {strides = array<i32>} : memref<4x64xi32, #tpu.memory_space<vmem>>, vector<16xi32>,
    tpu.vector_store %arg8[%swap3A_41, %swap3A_42], %and3A_39 {strides = array<i32>} : memref<4x64xi32, #tpu.memory_space<vmem>>, vector<16xi32>,
    %dma_start3A = arith.constant 0 : i32
    %dma_start3A_44 = arith.constant 0 : i32
    %dma_start3A_45 = arith.constant 0 : i32
    %dma_start3A_46 = arith.constant 0 : i32
    %dma_start3A_47 = arith.constant 0 : i32
    %dma_start3A_48 = tpu.memref_slice %arg10[%dma_start3A_44, %dma_start3A_46, %dma_start3A_47] : memref<4x64x64xi32, #tpu.memory_space<vmem>> -> memref<1x64x64xi32, #tpu.memory_space<vmem>>
    %dma_start3A_49 = tpu.memref_squeeze %dma_start3A_48 : memref<1x64x64xi32, #tpu.memory_space<vmem>> -> memref<64x64xi32, #tpu.memory_space<vmem>>
    %dma_start3A_50 = arith.constant 0 : i32
    %dma_start3A_51 = tpu.memref_slice %arg8[%dma_start3A, %dma_start3A_50] : memref<4x64xi32, #tpu.memory_space<vmem>> -> memref<1x64xi32, #tpu.memory_space<vmem>>
    %dma_start3A_52 = tpu.memref_squeeze %dma_start3A_51 : memref<1x64xi32, #tpu.memory_space<vmem>> -> memref<64xi32, #tpu.memory_space<vmem>>
    %dma_start3A_53 = arith.constant 0 : i32
    %dma_start3A_54 = arith.constant 0 : i32
    %dma_start3A_55 = tpu.memref_slice %arg2[%dma_start3A_53, %dma_start3A_54] : memref<10240x64xi32, #tpu.memory_space<hbm>> -> memref<10240x64xi32, #tpu.memory_space<hbm>>
    %dma_start3A_56 = tpu.memref_slice %arg12[%dma_start3A_45] : memref<4x!tpu.dma_semaphore, #tpu.memory_space<semaphore_mem>> -> memref<1x!tpu.dma_semaphore, #tpu.memory_space<semaphore_mem>>
    %dma_start3A_57 = tpu.memref_squeeze %dma_start3A_56 : memref<1x!tpu.dma_semaphore, #tpu.memory_space<semaphore_mem>> -> memref<!tpu.dma_semaphore, #tpu.memory_space<semaphore_mem>>
    tpu.enqueue_indirect_dma source(%dma_start3A_55 : memref<10240x64xi32, #tpu.memory_space<hbm>>) target(%dma_start3A_49 : memref<64x64xi32, #tpu.memory_space<vmem>>) offsets(%dma_start3A_52 : memref<64xi32, #tpu.memory_space<vmem>>) semaphore(%dma_start3A_57 : memref<!tpu.dma_semaphore, #tpu.memory_space<semaphore_mem>>)
    %get3A_58 = arith.constant 1 : i32
    %get3A_59 = arith.index_cast %get3A_58 : i32 to index
    %get3A_60 = arith.constant 0 : index
    %get3A_61 = tpu.vector_load %arg7[%get3A_59, %get3A_60] {strides = array<i32>} : memref<160x64xi32, #tpu.memory_space<vmem>>, vector<16xi32>,
    %and3A_62 = arith.constant 65535 : i32
    %and3A_63 = vector.broadcast %and3A_62 : i32 to vector<16xi32>
    %and3A_64 = arith.andi %get3A_61, %and3A_63 : vector<16xi32>
    %swap3A_65 = arith.constant 1 : i32
    %swap3A_66 = arith.index_cast %swap3A_65 : i32 to index
    %swap3A_67 = arith.constant 0 : index
    %swap3A_68 = tpu.vector_load %arg8[%swap3A_66, %swap3A_67] {strides = array<i32>} : memref<4x64xi32, #tpu.memory_space<vmem>>, vector<16xi32>,
    tpu.vector_store %arg8[%swap3A_66, %swap3A_67], %and3A_64 {strides = array<i32>} : memref<4x64xi32, #tpu.memory_space<vmem>>, vector<16xi32>,
    %get3A_69 = arith.constant 1 : i32
    %get3A_70 = arith.index_cast %get3A_69 : i32 to index
    %get3A_71 = arith.constant 16 : index
    %get3A_72 = tpu.vector_load %arg7[%get3A_70, %get3A_71] {strides = array<i32>} : memref<160x64xi32, #tpu.memory_space<vmem>>, vector<16xi32>,
    %and3A_73 = arith.constant 65535 : i32
    %and3A_74 = vector.broadcast %and3A_73 : i32 to vector<16xi32>
    %and3A_75 = arith.andi %get3A_72, %and3A_74 : vector<16xi32>
    %swap3A_76 = arith.constant 1 : i32
    %swap3A_77 = arith.index_cast %swap3A_76 : i32 to index
    %swap3A_78 = arith.constant 16 : index
    %swap3A_79 = tpu.vector_load %arg8[%swap3A_77, %swap3A_78] {strides = array<i32>} : memref<4x64xi32, #tpu.memory_space<vmem>>, vector<16xi32>,
    tpu.vector_store %arg8[%swap3A_77, %swap3A_78], %and3A_75 {strides = array<i32>} : memref<4x64xi32, #tpu.memory_space<vmem>>, vector<16xi32>,
    %get3A_80 = arith.constant 1 : i32
    %get3A_81 = arith.index_cast %get3A_80 : i32 to index
    %get3A_82 = arith.constant 32 : index
    %get3A_83 = tpu.vector_load %arg7[%get3A_81, %get3A_82] {strides = array<i32>} : memref<160x64xi32, #tpu.memory_space<vmem>>, vector<16xi32>,
    %and3A_84 = arith.constant 65535 : i32
    %and3A_85 = vector.broadcast %and3A_84 : i32 to vector<16xi32>
    %and3A_86 = arith.andi %get3A_83, %and3A_85 : vector<16xi32>
    %swap3A_87 = arith.constant 1 : i32
    %swap3A_88 = arith.index_cast %swap3A_87 : i32 to index
    %swap3A_89 = arith.constant 32 : index
    %swap3A_90 = tpu.vector_load %arg8[%swap3A_88, %swap3A_89] {strides = array<i32>} : memref<4x64xi32, #tpu.memory_space<vmem>>, vector<16xi32>,
    tpu.vector_store %arg8[%swap3A_88, %swap3A_89], %and3A_86 {strides = array<i32>} : memref<4x64xi32, #tpu.memory_space<vmem>>, vector<16xi32>,
    %get3A_91 = arith.constant 1 : i32
    %get3A_92 = arith.index_cast %get3A_91 : i32 to index
    %get3A_93 = arith.constant 48 : index
    %get3A_94 = tpu.vector_load %arg7[%get3A_92, %get3A_93] {strides = array<i32>} : memref<160x64xi32, #tpu.memory_space<vmem>>, vector<16xi32>,
    %and3A_95 = arith.constant 65535 : i32
    %and3A_96 = vector.broadcast %and3A_95 : i32 to vector<16xi32>
    %and3A_97 = arith.andi %get3A_94, %and3A_96 : vector<16xi32>
    %swap3A_98 = arith.constant 1 : i32
    %swap3A_99 = arith.index_cast %swap3A_98 : i32 to index
    %swap3A_100 = arith.constant 48 : index
    %swap3A_101 = tpu.vector_load %arg8[%swap3A_99, %swap3A_100] {strides = array<i32>} : memref<4x64xi32, #tpu.memory_space<vmem>>, vector<16xi32>,
    tpu.vector_store %arg8[%swap3A_99, %swap3A_100], %and3A_97 {strides = array<i32>} : memref<4x64xi32, #tpu.memory_space<vmem>>, vector<16xi32>,
    %dma_start3A_102 = arith.constant 1 : i32
    %dma_start3A_103 = arith.constant 1 : i32
    %dma_start3A_104 = arith.constant 1 : i32
    %dma_start3A_105 = arith.constant 0 : i32
    %dma_start3A_106 = arith.constant 0 : i32
    %dma_start3A_107 = tpu.memref_slice %arg10[%dma_start3A_103, %dma_start3A_105, %dma_start3A_106] : memref<4x64x64xi32, #tpu.memory_space<vmem>> -> memref<1x64x64xi32, #tpu.memory_space<vmem>>
    %dma_start3A_108 = tpu.memref_squeeze %dma_start3A_107 : memref<1x64x64xi32, #tpu.memory_space<vmem>> -> memref<64x64xi32, #tpu.memory_space<vmem>>
    %dma_start3A_109 = arith.constant 0 : i32
    %dma_start3A_110 = tpu.memref_slice %arg8[%dma_start3A_102, %dma_start3A_109] : memref<4x64xi32, #tpu.memory_space<vmem>> -> memref<1x64xi32, #tpu.memory_space<vmem>>
    %dma_start3A_111 = tpu.memref_squeeze %dma_start3A_110 : memref<1x64xi32, #tpu.memory_space<vmem>> -> memref<64xi32, #tpu.memory_space<vmem>>
    %dma_start3A_112 = arith.constant 0 : i32
    %dma_start3A_113 = arith.constant 0 : i32
    %dma_start3A_114 = tpu.memref_slice %arg2[%dma_start3A_112, %dma_start3A_113] : memref<10240x64xi32, #tpu.memory_space<hbm>> -> memref<10240x64xi32, #tpu.memory_space<hbm>>
    %dma_start3A_115 = tpu.memref_slice %arg12[%dma_start3A_104] : memref<4x!tpu.dma_semaphore, #tpu.memory_space<semaphore_mem>> -> memref<1x!tpu.dma_semaphore, #tpu.memory_space<semaphore_mem>>
    %dma_start3A_116 = tpu.memref_squeeze %dma_start3A_115 : memref<1x!tpu.dma_semaphore, #tpu.memory_space<semaphore_mem>> -> memref<!tpu.dma_semaphore, #tpu.memory_space<semaphore_mem>>
    tpu.enqueue_indirect_dma source(%dma_start3A_114 : memref<10240x64xi32, #tpu.memory_space<hbm>>) target(%dma_start3A_108 : memref<64x64xi32, #tpu.memory_space<vmem>>) offsets(%dma_start3A_111 : memref<64xi32, #tpu.memory_space<vmem>>) semaphore(%dma_start3A_116 : memref<!tpu.dma_semaphore, #tpu.memory_space<semaphore_mem>>)
    %get3A_117 = arith.constant 2 : i32
    %get3A_118 = arith.index_cast %get3A_117 : i32 to index
    %get3A_119 = arith.constant 0 : index
    %get3A_120 = tpu.vector_load %arg7[%get3A_118, %get3A_119] {strides = array<i32>} : memref<160x64xi32, #tpu.memory_space<vmem>>, vector<16xi32>,
    %and3A_121 = arith.constant 65535 : i32
    %and3A_122 = vector.broadcast %and3A_121 : i32 to vector<16xi32>
    %and3A_123 = arith.andi %get3A_120, %and3A_122 : vector<16xi32>
    %swap3A_124 = arith.constant 2 : i32
    %swap3A_125 = arith.index_cast %swap3A_124 : i32 to index
    %swap3A_126 = arith.constant 0 : index
    %swap3A_127 = tpu.vector_load %arg8[%swap3A_125, %swap3A_126] {strides = array<i32>} : memref<4x64xi32, #tpu.memory_space<vmem>>, vector<16xi32>,
    tpu.vector_store %arg8[%swap3A_125, %swap3A_126], %and3A_123 {strides = array<i32>} : memref<4x64xi32, #tpu.memory_space<vmem>>, vector<16xi32>,
    %get3A_128 = arith.constant 2 : i32
    %get3A_129 = arith.index_cast %get3A_128 : i32 to index
    %get3A_130 = arith.constant 16 : index
    %get3A_131 = tpu.vector_load %arg7[%get3A_129, %get3A_130] {strides = array<i32>} : memref<160x64xi32, #tpu.memory_space<vmem>>, vector<16xi32>,
    %and3A_132 = arith.constant 65535 : i32
    %and3A_133 = vector.broadcast %and3A_132 : i32 to vector<16xi32>
    %and3A_134 = arith.andi %get3A_131, %and3A_133 : vector<16xi32>
    %swap3A_135 = arith.constant 2 : i32
    %swap3A_136 = arith.index_cast %swap3A_135 : i32 to index
    %swap3A_137 = arith.constant 16 : index
    %swap3A_138 = tpu.vector_load %arg8[%swap3A_136, %swap3A_137] {strides = array<i32>} : memref<4x64xi32, #tpu.memory_space<vmem>>, vector<16xi32>,
    tpu.vector_store %arg8[%swap3A_136, %swap3A_137], %and3A_134 {strides = array<i32>} : memref<4x64xi32, #tpu.memory_space<vmem>>, vector<16xi32>,
    %get3A_139 = arith.constant 2 : i32
    %get3A_140 = arith.index_cast %get3A_139 : i32 to index
    %get3A_141 = arith.constant 32 : index
    %get3A_142 = tpu.vector_load %arg7[%get3A_140, %get3A_141] {strides = array<i32>} : memref<160x64xi32, #tpu.memory_space<vmem>>, vector<16xi32>,
    %and3A_143 = arith.constant 65535 : i32
    %and3A_144 = vector.broadcast %and3A_143 : i32 to vector<16xi32>
    %and3A_145 = arith.andi %get3A_142, %and3A_144 : vector<16xi32>
    %swap3A_146 = arith.constant 2 : i32
    %swap3A_147 = arith.index_cast %swap3A_146 : i32 to index
    %swap3A_148 = arith.constant 32 : index
    %swap3A_149 = tpu.vector_load %arg8[%swap3A_147, %swap3A_148] {strides = array<i32>} : memref<4x64xi32, #tpu.memory_space<vmem>>, vector<16xi32>,
    tpu.vector_store %arg8[%swap3A_147, %swap3A_148], %and3A_145 {strides = array<i32>} : memref<4x64xi32, #tpu.memory_space<vmem>>, vector<16xi32>,
    %get3A_150 = arith.constant 2 : i32
    %get3A_151 = arith.index_cast %get3A_150 : i32 to index
    %get3A_152 = arith.constant 48 : index
    %get3A_153 = tpu.vector_load %arg7[%get3A_151, %get3A_152] {strides = array<i32>} : memref<160x64xi32, #tpu.memory_space<vmem>>, vector<16xi32>,
    %and3A_154 = arith.constant 65535 : i32
    %and3A_155 = vector.broadcast %and3A_154 : i32 to vector<16xi32>
    %and3A_156 = arith.andi %get3A_153, %and3A_155 : vector<16xi32>
    %swap3A_157 = arith.constant 2 : i32
    %swap3A_158 = arith.index_cast %swap3A_157 : i32 to index
    %swap3A_159 = arith.constant 48 : index
    %swap3A_160 = tpu.vector_load %arg8[%swap3A_158, %swap3A_159] {strides = array<i32>} : memref<4x64xi32, #tpu.memory_space<vmem>>, vector<16xi32>,
    tpu.vector_store %arg8[%swap3A_158, %swap3A_159], %and3A_156 {strides = array<i32>} : memref<4x64xi32, #tpu.memory_space<vmem>>, vector<16xi32>,
    %dma_start3A_161 = arith.constant 2 : i32
    %dma_start3A_162 = arith.constant 2 : i32
    %dma_start3A_163 = arith.constant 2 : i32
    %dma_start3A_164 = arith.constant 0 : i32
    %dma_start3A_165 = arith.constant 0 : i32
    %dma_start3A_166 = tpu.memref_slice %arg10[%dma_start3A_162, %dma_start3A_164, %dma_start3A_165] : memref<4x64x64xi32, #tpu.memory_space<vmem>> -> memref<1x64x64xi32, #tpu.memory_space<vmem>>
    %dma_start3A_167 = tpu.memref_squeeze %dma_start3A_166 : memref<1x64x64xi32, #tpu.memory_space<vmem>> -> memref<64x64xi32, #tpu.memory_space<vmem>>
    %dma_start3A_168 = arith.constant 0 : i32
    %dma_start3A_169 = tpu.memref_slice %arg8[%dma_start3A_161, %dma_start3A_168] : memref<4x64xi32, #tpu.memory_space<vmem>> -> memref<1x64xi32, #tpu.memory_space<vmem>>
    %dma_start3A_170 = tpu.memref_squeeze %dma_start3A_169 : memref<1x64xi32, #tpu.memory_space<vmem>> -> memref<64xi32, #tpu.memory_space<vmem>>
    %dma_start3A_171 = arith.constant 0 : i32
    %dma_start3A_172 = arith.constant 0 : i32
    %dma_start3A_173 = tpu.memref_slice %arg2[%dma_start3A_171, %dma_start3A_172] : memref<10240x64xi32, #tpu.memory_space<hbm>> -> memref<10240x64xi32, #tpu.memory_space<hbm>>
    %dma_start3A_174 = tpu.memref_slice %arg12[%dma_start3A_163] : memref<4x!tpu.dma_semaphore, #tpu.memory_space<semaphore_mem>> -> memref<1x!tpu.dma_semaphore, #tpu.memory_space<semaphore_mem>>
    %dma_start3A_175 = tpu.memref_squeeze %dma_start3A_174 : memref<1x!tpu.dma_semaphore, #tpu.memory_space<semaphore_mem>> -> memref<!tpu.dma_semaphore, #tpu.memory_space<semaphore_mem>>
    tpu.enqueue_indirect_dma source(%dma_start3A_173 : memref<10240x64xi32, #tpu.memory_space<hbm>>) target(%dma_start3A_167 : memref<64x64xi32, #tpu.memory_space<vmem>>) offsets(%dma_start3A_170 : memref<64xi32, #tpu.memory_space<vmem>>) semaphore(%dma_start3A_175 : memref<!tpu.dma_semaphore, #tpu.memory_space<semaphore_mem>>)
    %get3A_176 = arith.constant 3 : i32
    %get3A_177 = arith.index_cast %get3A_176 : i32 to index
    %get3A_178 = arith.constant 0 : index
    %get3A_179 = tpu.vector_load %arg7[%get3A_177, %get3A_178] {strides = array<i32>} : memref<160x64xi32, #tpu.memory_space<vmem>>, vector<16xi32>,
    %and3A_180 = arith.constant 65535 : i32
    %and3A_181 = vector.broadcast %and3A_180 : i32 to vector<16xi32>
    %and3A_182 = arith.andi %get3A_179, %and3A_181 : vector<16xi32>
    %swap3A_183 = arith.constant 3 : i32
    %swap3A_184 = arith.index_cast %swap3A_183 : i32 to index
    %swap3A_185 = arith.constant 0 : index
    %swap3A_186 = tpu.vector_load %arg8[%swap3A_184, %swap3A_185] {strides = array<i32>} : memref<4x64xi32, #tpu.memory_space<vmem>>, vector<16xi32>,
    tpu.vector_store %arg8[%swap3A_184, %swap3A_185], %and3A_182 {strides = array<i32>} : memref<4x64xi32, #tpu.memory_space<vmem>>, vector<16xi32>,
    %get3A_187 = arith.constant 3 : i32
    %get3A_188 = arith.index_cast %get3A_187 : i32 to index
    %get3A_189 = arith.constant 16 : index
    %get3A_190 = tpu.vector_load %arg7[%get3A_188, %get3A_189] {strides = array<i32>} : memref<160x64xi32, #tpu.memory_space<vmem>>, vector<16xi32>,
    %and3A_191 = arith.constant 65535 : i32
    %and3A_192 = vector.broadcast %and3A_191 : i32 to vector<16xi32>
    %and3A_193 = arith.andi %get3A_190, %and3A_192 : vector<16xi32>
    %swap3A_194 = arith.constant 3 : i32
    %swap3A_195 = arith.index_cast %swap3A_194 : i32 to index
    %swap3A_196 = arith.constant 16 : index
    %swap3A_197 = tpu.vector_load %arg8[%swap3A_195, %swap3A_196] {strides = array<i32>} : memref<4x64xi32, #tpu.memory_space<vmem>>, vector<16xi32>,
    tpu.vector_store %arg8[%swap3A_195, %swap3A_196], %and3A_193 {strides = array<i32>} : memref<4x64xi32, #tpu.memory_space<vmem>>, vector<16xi32>,
    %get3A_198 = arith.constant 3 : i32
    %get3A_199 = arith.index_cast %get3A_198 : i32 to index
    %get3A_200 = arith.constant 32 : index
    %get3A_201 = tpu.vector_load %arg7[%get3A_199, %get3A_200] {strides = array<i32>} : memref<160x64xi32, #tpu.memory_space<vmem>>, vector<16xi32>,
    %and3A_202 = arith.constant 65535 : i32
    %and3A_203 = vector.broadcast %and3A_202 : i32 to vector<16xi32>
    %and3A_204 = arith.andi %get3A_201, %and3A_203 : vector<16xi32>
    %swap3A_205 = arith.constant 3 : i32
    %swap3A_206 = arith.index_cast %swap3A_205 : i32 to index
    %swap3A_207 = arith.constant 32 : index
    %swap3A_208 = tpu.vector_load %arg8[%swap3A_206, %swap3A_207] {strides = array<i32>} : memref<4x64xi32, #tpu.memory_space<vmem>>, vector<16xi32>,
    tpu.vector_store %arg8[%swap3A_206, %swap3A_207], %and3A_204 {strides = array<i32>} : memref<4x64xi32, #tpu.memory_space<vmem>>, vector<16xi32>,
    %get3A_209 = arith.constant 3 : i32
    %get3A_210 = arith.index_cast %get3A_209 : i32 to index
    %get3A_211 = arith.constant 48 : index
    %get3A_212 = tpu.vector_load %arg7[%get3A_210, %get3A_211] {strides = array<i32>} : memref<160x64xi32, #tpu.memory_space<vmem>>, vector<16xi32>,
    %and3A_213 = arith.constant 65535 : i32
    %and3A_214 = vector.broadcast %and3A_213 : i32 to vector<16xi32>
    %and3A_215 = arith.andi %get3A_212, %and3A_214 : vector<16xi32>
    %swap3A_216 = arith.constant 3 : i32
    %swap3A_217 = arith.index_cast %swap3A_216 : i32 to index
    %swap3A_218 = arith.constant 48 : index
    %swap3A_219 = tpu.vector_load %arg8[%swap3A_217, %swap3A_218] {strides = array<i32>} : memref<4x64xi32, #tpu.memory_space<vmem>>, vector<16xi32>,
    tpu.vector_store %arg8[%swap3A_217, %swap3A_218], %and3A_215 {strides = array<i32>} : memref<4x64xi32, #tpu.memory_space<vmem>>, vector<16xi32>,
    %dma_start3A_220 = arith.constant 3 : i32
    %dma_start3A_221 = arith.constant 3 : i32
    %dma_start3A_222 = arith.constant 3 : i32
    %dma_start3A_223 = arith.constant 0 : i32
    %dma_start3A_224 = arith.constant 0 : i32
    %dma_start3A_225 = tpu.memref_slice %arg10[%dma_start3A_221, %dma_start3A_223, %dma_start3A_224] : memref<4x64x64xi32, #tpu.memory_space<vmem>> -> memref<1x64x64xi32, #tpu.memory_space<vmem>>
    %dma_start3A_226 = tpu.memref_squeeze %dma_start3A_225 : memref<1x64x64xi32, #tpu.memory_space<vmem>> -> memref<64x64xi32, #tpu.memory_space<vmem>>
    %dma_start3A_227 = arith.constant 0 : i32
    %dma_start3A_228 = tpu.memref_slice %arg8[%dma_start3A_220, %dma_start3A_227] : memref<4x64xi32, #tpu.memory_space<vmem>> -> memref<1x64xi32, #tpu.memory_space<vmem>>
    %dma_start3A_229 = tpu.memref_squeeze %dma_start3A_228 : memref<1x64xi32, #tpu.memory_space<vmem>> -> memref<64xi32, #tpu.memory_space<vmem>>
    %dma_start3A_230 = arith.constant 0 : i32
    %dma_start3A_231 = arith.constant 0 : i32
    %dma_start3A_232 = tpu.memref_slice %arg2[%dma_start3A_230, %dma_start3A_231] : memref<10240x64xi32, #tpu.memory_space<hbm>> -> memref<10240x64xi32, #tpu.memory_space<hbm>>
    %dma_start3A_233 = tpu.memref_slice %arg12[%dma_start3A_222] : memref<4x!tpu.dma_semaphore, #tpu.memory_space<semaphore_mem>> -> memref<1x!tpu.dma_semaphore, #tpu.memory_space<semaphore_mem>>
    %dma_start3A_234 = tpu.memref_squeeze %dma_start3A_233 : memref<1x!tpu.dma_semaphore, #tpu.memory_space<semaphore_mem>> -> memref<!tpu.dma_semaphore, #tpu.memory_space<semaphore_mem>>
    tpu.enqueue_indirect_dma source(%dma_start3A_232 : memref<10240x64xi32, #tpu.memory_space<hbm>>) target(%dma_start3A_226 : memref<64x64xi32, #tpu.memory_space<vmem>>) offsets(%dma_start3A_229 : memref<64xi32, #tpu.memory_space<vmem>>) semaphore(%dma_start3A_234 : memref<!tpu.dma_semaphore, #tpu.memory_space<semaphore_mem>>)
    %scan3A = arith.constant 0 : i32
    %scan3A_235 = arith.constant 0 : i32
    %scan3A_236 = arith.constant 40 : i32
    %scan3A_237 = arith.addi %scan3A_235, %scan3A_236 : i32
    %scan3A_238 = arith.constant 1 : i32
    scf.for %scan3A_280 = %scan3A_235 to %scan3A_237 step %scan3A_238  : i32 {
      %mul3A_281 = arith.constant 4 : i32
      %mul3A_282 = arith.muli %scan3A_280, %mul3A_281 : i32
      %add3A_283 = arith.constant 0 : i32
      %add3A_284 = arith.addi %mul3A_282, %add3A_283 : i32
      %dma_wait3A_285 = arith.constant 0 : i32
      %dma_wait3A_286 = arith.constant 0 : i32
      %dma_wait3A_287 = arith.constant 0 : i32
      %dma_wait3A_288 = arith.constant 0 : i32
      %dma_wait3A_289 = tpu.memref_slice %arg10[%dma_wait3A_285, %dma_wait3A_287, %dma_wait3A_288] : memref<4x64x64xi32, #tpu.memory_space<vmem>> -> memref<1x64x64xi32, #tpu.memory_space<vmem>>
      %dma_wait3A_290 = tpu.memref_squeeze %dma_wait3A_289 : memref<1x64x64xi32, #tpu.memory_space<vmem>> -> memref<64x64xi32, #tpu.memory_space<vmem>>
      %dma_wait3A_291 = arith.constant 0 : i32
      %dma_wait3A_292 = arith.constant 0 : i32
      %dma_wait3A_293 = tpu.memref_slice %arg2[%dma_wait3A_291, %dma_wait3A_292] : memref<10240x64xi32, #tpu.memory_space<hbm>> -> memref<64x64xi32, #tpu.memory_space<hbm>>
      %dma_wait3A_294 = tpu.memref_slice %arg12[%dma_wait3A_286] : memref<4x!tpu.dma_semaphore, #tpu.memory_space<semaphore_mem>> -> memref<1x!tpu.dma_semaphore, #tpu.memory_space<semaphore_mem>>
      %dma_wait3A_295 = tpu.memref_squeeze %dma_wait3A_294 : memref<1x!tpu.dma_semaphore, #tpu.memory_space<semaphore_mem>> -> memref<!tpu.dma_semaphore, #tpu.memory_space<semaphore_mem>>
      %dma_wait3A_296 = arith.constant 0 : i32
      %dma_wait3A_297 = arith.constant 0 : i32
      %dma_wait3A_298 = tpu.memref_slice %arg10[%dma_wait3A_285, %dma_wait3A_296, %dma_wait3A_297] : memref<4x64x64xi32, #tpu.memory_space<vmem>> -> memref<1x64x64xi32, #tpu.memory_space<vmem>>
      %dma_wait3A_299 = tpu.memref_squeeze %dma_wait3A_298 : memref<1x64x64xi32, #tpu.memory_space<vmem>> -> memref<64x64xi32, #tpu.memory_space<vmem>>
      %dma_wait3A_300 = arith.constant 0 : i32
      %dma_wait3A_301 = arith.constant 0 : i32
      %dma_wait3A_302 = tpu.memref_slice %arg2[%dma_wait3A_300, %dma_wait3A_301] : memref<10240x64xi32, #tpu.memory_space<hbm>> -> memref<64x64xi32, #tpu.memory_space<hbm>>
      tpu.wait_dma2 semaphore(%dma_wait3A_295 : memref<!tpu.dma_semaphore, #tpu.memory_space<semaphore_mem>>) src(%dma_wait3A_302 : memref<64x64xi32, #tpu.memory_space<hbm>>) dst(%dma_wait3A_299 : memref<64x64xi32, #tpu.memory_space<vmem>>)
      %gt3A = arith.constant 0 : i32
      %gt3A_303 = arith.cmpi sgt, %scan3A_280, %gt3A : i32
      %convert_element_type3A = arith.extui %gt3A_303 : i1 to i32
      %cond3A = arith.constant 0 : i32
      %cond3A_304 = arith.cmpi ne, %convert_element_type3A, %cond3A : i32
      scf.if %cond3A_304 {
        %dma_wait3A_682 = arith.constant 0 : i32
        %dma_wait3A_683 = arith.constant 0 : i32
        %dma_wait3A_684 = arith.constant 0 : i32
        %dma_wait3A_685 = arith.constant 0 : i32
        %dma_wait3A_686 = tpu.memref_slice %arg11[%dma_wait3A_682, %dma_wait3A_684, %dma_wait3A_685] : memref<2x64x128xf32, #tpu.memory_space<vmem>> -> memref<1x64x128xf32, #tpu.memory_space<vmem>>
        %dma_wait3A_687 = tpu.memref_squeeze %dma_wait3A_686 : memref<1x64x128xf32, #tpu.memory_space<vmem>> -> memref<64x128xf32, #tpu.memory_space<vmem>>
        %dma_wait3A_688 = arith.constant 0 : i32
        %dma_wait3A_689 = arith.constant 0 : i32
        %dma_wait3A_690 = tpu.memref_slice %arg6[%dma_wait3A_688, %dma_wait3A_689] : memref<10240x128xf32, #tpu.memory_space<vmem_shared>> -> memref<64x128xf32, #tpu.memory_space<vmem_shared>>
        %dma_wait3A_691 = tpu.memref_slice %arg13[%dma_wait3A_683] : memref<2x!tpu.dma_semaphore, #tpu.memory_space<semaphore_mem>> -> memref<1x!tpu.dma_semaphore, #tpu.memory_space<semaphore_mem>>
        %dma_wait3A_692 = tpu.memref_squeeze %dma_wait3A_691 : memref<1x!tpu.dma_semaphore, #tpu.memory_space<semaphore_mem>> -> memref<!tpu.dma_semaphore, #tpu.memory_space<semaphore_mem>>
        %dma_wait3A_693 = arith.constant 0 : i32
        %dma_wait3A_694 = arith.constant 0 : i32
        %dma_wait3A_695 = tpu.memref_slice %arg6[%dma_wait3A_693, %dma_wait3A_694] : memref<10240x128xf32, #tpu.memory_space<vmem_shared>> -> memref<64x128xf32, #tpu.memory_space<vmem_shared>>
        %dma_wait3A_696 = arith.constant 0 : i32
        %dma_wait3A_697 = arith.constant 0 : i32
        %dma_wait3A_698 = tpu.memref_slice %arg11[%dma_wait3A_682, %dma_wait3A_696, %dma_wait3A_697] : memref<2x64x128xf32, #tpu.memory_space<vmem>> -> memref<1x64x128xf32, #tpu.memory_space<vmem>>
        %dma_wait3A_699 = tpu.memref_squeeze %dma_wait3A_698 : memref<1x64x128xf32, #tpu.memory_space<vmem>> -> memref<64x128xf32, #tpu.memory_space<vmem>>
        tpu.wait_dma2 semaphore(%dma_wait3A_692 : memref<!tpu.dma_semaphore, #tpu.memory_space<semaphore_mem>>) src(%dma_wait3A_699 : memref<64x128xf32, #tpu.memory_space<vmem>>) dst(%dma_wait3A_695 : memref<64x128xf32, #tpu.memory_space<vmem_shared>>)
      } else {
      }
      %get3A_305 = arith.index_cast %add3A_284 : i32 to index
      %get3A_306 = arith.constant 0 : index
      %get3A_307 = tpu.vector_load %arg7[%get3A_305, %get3A_306] {strides = array<i32>} : memref<160x64xi32, #tpu.memory_space<vmem>>, vector<16xi32>,
      %shift_right_logical3A = arith.constant 16 : i32
      %shift_right_logical3A_308 = vector.broadcast %shift_right_logical3A : i32 to vector<16xi32>
      %shift_right_logical3A_309 = arith.shrui %get3A_307, %shift_right_logical3A_308 : vector<16xi32>
      %swap3A_310 = arith.constant 0 : i32
      %swap3A_311 = arith.index_cast %swap3A_310 : i32 to index
      %swap3A_312 = arith.constant 0 : index
      %swap3A_313 = tpu.vector_load %arg9[%swap3A_311, %swap3A_312] {strides = array<i32>} : memref<2x64xi32, #tpu.memory_space<vmem>>, vector<16xi32>,
      tpu.vector_store %arg9[%swap3A_311, %swap3A_312], %shift_right_logical3A_309 {strides = array<i32>} : memref<2x64xi32, #tpu.memory_space<vmem>>, vector<16xi32>,
      %get3A_314 = arith.index_cast %add3A_284 : i32 to index
      %get3A_315 = arith.constant 16 : index
      %get3A_316 = tpu.vector_load %arg7[%get3A_314, %get3A_315] {strides = array<i32>} : memref<160x64xi32, #tpu.memory_space<vmem>>, vector<16xi32>,
      %shift_right_logical3A_317 = arith.constant 16 : i32
      %shift_right_logical3A_318 = vector.broadcast %shift_right_logical3A_317 : i32 to vector<16xi32>
      %shift_right_logical3A_319 = arith.shrui %get3A_316, %shift_right_logical3A_318 : vector<16xi32>
      %swap3A_320 = arith.constant 0 : i32
      %swap3A_321 = arith.index_cast %swap3A_320 : i32 to index
      %swap3A_322 = arith.constant 16 : index
      %swap3A_323 = tpu.vector_load %arg9[%swap3A_321, %swap3A_322] {strides = array<i32>} : memref<2x64xi32, #tpu.memory_space<vmem>>, vector<16xi32>,
      tpu.vector_store %arg9[%swap3A_321, %swap3A_322], %shift_right_logical3A_319 {strides = array<i32>} : memref<2x64xi32, #tpu.memory_space<vmem>>, vector<16xi32>,
      %get3A_324 = arith.index_cast %add3A_284 : i32 to index
      %get3A_325 = arith.constant 32 : index
      %get3A_326 = tpu.vector_load %arg7[%get3A_324, %get3A_325] {strides = array<i32>} : memref<160x64xi32, #tpu.memory_space<vmem>>, vector<16xi32>,
      %shift_right_logical3A_327 = arith.constant 16 : i32
      %shift_right_logical3A_328 = vector.broadcast %shift_right_logical3A_327 : i32 to vector<16xi32>
      %shift_right_logical3A_329 = arith.shrui %get3A_326, %shift_right_logical3A_328 : vector<16xi32>
      %swap3A_330 = arith.constant 0 : i32
      %swap3A_331 = arith.index_cast %swap3A_330 : i32 to index
      %swap3A_332 = arith.constant 32 : index
      %swap3A_333 = tpu.vector_load %arg9[%swap3A_331, %swap3A_332] {strides = array<i32>} : memref<2x64xi32, #tpu.memory_space<vmem>>, vector<16xi32>,
      tpu.vector_store %arg9[%swap3A_331, %swap3A_332], %shift_right_logical3A_329 {strides = array<i32>} : memref<2x64xi32, #tpu.memory_space<vmem>>, vector<16xi32>,
      %get3A_334 = arith.index_cast %add3A_284 : i32 to index
      %get3A_335 = arith.constant 48 : index
      %get3A_336 = tpu.vector_load %arg7[%get3A_334, %get3A_335] {strides = array<i32>} : memref<160x64xi32, #tpu.memory_space<vmem>>, vector<16xi32>,
      %shift_right_logical3A_337 = arith.constant 16 : i32
      %shift_right_logical3A_338 = vector.broadcast %shift_right_logical3A_337 : i32 to vector<16xi32>
      %shift_right_logical3A_339 = arith.shrui %get3A_336, %shift_right_logical3A_338 : vector<16xi32>
      %swap3A_340 = arith.constant 0 : i32
      %swap3A_341 = arith.index_cast %swap3A_340 : i32 to index
      %swap3A_342 = arith.constant 48 : index
      %swap3A_343 = tpu.vector_load %arg9[%swap3A_341, %swap3A_342] {strides = array<i32>} : memref<2x64xi32, #tpu.memory_space<vmem>>, vector<16xi32>,
      tpu.vector_store %arg9[%swap3A_341, %swap3A_342], %shift_right_logical3A_339 {strides = array<i32>} : memref<2x64xi32, #tpu.memory_space<vmem>>, vector<16xi32>,
      %scan3A_344 = arith.constant 0 : i32
      %scan3A_345 = arith.constant 0 : i32
      %scan3A_346 = arith.constant 64 : i32
      %scan3A_347 = arith.addi %scan3A_345, %scan3A_346 : i32
      %scan3A_348 = arith.constant 1 : i32
      scf.for %scan3A_682 = %scan3A_345 to %scan3A_347 step %scan3A_348  : i32 {
        %get3A_683 = arith.constant 0 : i32
        %get3A_684 = arith.index_cast %get3A_683 : i32 to index
        %get3A_685 = arith.index_cast %scan3A_682 : i32 to index
        %get3A_686 = arith.constant 0 : index
        %get3A_687 = tpu.vector_load %arg10[%get3A_684, %get3A_685, %get3A_686] {strides = array<i32>} : memref<4x64x64xi32, #tpu.memory_space<vmem>>, vector<16xi32>,
        %shift_left3A = arith.constant 16 : i32
        %shift_left3A_688 = vector.broadcast %shift_left3A : i32 to vector<16xi32>
        %shift_left3A_689 = arith.shli %get3A_687, %shift_left3A_688 : vector<16xi32>
        %bitcast3A = vector.bitcast %shift_left3A_689 : vector<16xi32> to vector<16xf32>
        %and3A_690 = arith.constant -65536 : i32
        %and3A_691 = vector.broadcast %and3A_690 : i32 to vector<16xi32>
        %and3A_692 = arith.andi %get3A_687, %and3A_691 : vector<16xi32>
        %bitcast3A_693 = vector.bitcast %and3A_692 : vector<16xi32> to vector<16xf32>
        %swap3A_694 = arith.constant 0 : i32
        %swap3A_695 = arith.index_cast %swap3A_694 : i32 to index
        %swap3A_696 = arith.index_cast %scan3A_682 : i32 to index
        %swap3A_697 = arith.constant 0 : index
        %swap3A_698 = tpu.vector_load %arg11[%swap3A_695, %swap3A_696, %swap3A_697] {strides = array<i32>} : memref<2x64x128xf32, #tpu.memory_space<vmem>>, vector<16xf32>,
        tpu.vector_store %arg11[%swap3A_695, %swap3A_696, %swap3A_697], %bitcast3A {strides = array<i32>} : memref<2x64x128xf32, #tpu.memory_space<vmem>>, vector<16xf32>,
        %swap3A_699 = arith.constant 0 : i32
        %swap3A_700 = arith.index_cast %swap3A_699 : i32 to index
        %swap3A_701 = arith.index_cast %scan3A_682 : i32 to index
        %swap3A_702 = arith.constant 64 : index
        %swap3A_703 = tpu.vector_load %arg11[%swap3A_700, %swap3A_701, %swap3A_702] {strides = array<i32>} : memref<2x64x128xf32, #tpu.memory_space<vmem>>, vector<16xf32>,
        tpu.vector_store %arg11[%swap3A_700, %swap3A_701, %swap3A_702], %bitcast3A_693 {strides = array<i32>} : memref<2x64x128xf32, #tpu.memory_space<vmem>>, vector<16xf32>,
        %get3A_704 = arith.constant 0 : i32
        %get3A_705 = arith.index_cast %get3A_704 : i32 to index
        %get3A_706 = arith.index_cast %scan3A_682 : i32 to index
        %get3A_707 = arith.constant 16 : index
        %get3A_708 = tpu.vector_load %arg10[%get3A_705, %get3A_706, %get3A_707] {strides = array<i32>} : memref<4x64x64xi32, #tpu.memory_space<vmem>>, vector<16xi32>,
        %shift_left3A_709 = arith.constant 16 : i32
        %shift_left3A_710 = vector.broadcast %shift_left3A_709 : i32 to vector<16xi32>
        %shift_left3A_711 = arith.shli %get3A_708, %shift_left3A_710 : vector<16xi32>
        %bitcast3A_712 = vector.bitcast %shift_left3A_711 : vector<16xi32> to vector<16xf32>
        %and3A_713 = arith.constant -65536 : i32
        %and3A_714 = vector.broadcast %and3A_713 : i32 to vector<16xi32>
        %and3A_715 = arith.andi %get3A_708, %and3A_714 : vector<16xi32>
        %bitcast3A_716 = vector.bitcast %and3A_715 : vector<16xi32> to vector<16xf32>
        %swap3A_717 = arith.constant 0 : i32
        %swap3A_718 = arith.index_cast %swap3A_717 : i32 to index
        %swap3A_719 = arith.index_cast %scan3A_682 : i32 to index
        %swap3A_720 = arith.constant 16 : index
        %swap3A_721 = tpu.vector_load %arg11[%swap3A_718, %swap3A_719, %swap3A_720] {strides = array<i32>} : memref<2x64x128xf32, #tpu.memory_space<vmem>>, vector<16xf32>,
        tpu.vector_store %arg11[%swap3A_718, %swap3A_719, %swap3A_720], %bitcast3A_712 {strides = array<i32>} : memref<2x64x128xf32, #tpu.memory_space<vmem>>, vector<16xf32>,
        %swap3A_722 = arith.constant 0 : i32
        %swap3A_723 = arith.index_cast %swap3A_722 : i32 to index
        %swap3A_724 = arith.index_cast %scan3A_682 : i32 to index
        %swap3A_725 = arith.constant 80 : index
        %swap3A_726 = tpu.vector_load %arg11[%swap3A_723, %swap3A_724, %swap3A_725] {strides = array<i32>} : memref<2x64x128xf32, #tpu.memory_space<vmem>>, vector<16xf32>,
        tpu.vector_store %arg11[%swap3A_723, %swap3A_724, %swap3A_725], %bitcast3A_716 {strides = array<i32>} : memref<2x64x128xf32, #tpu.memory_space<vmem>>, vector<16xf32>,
        %get3A_727 = arith.constant 0 : i32
        %get3A_728 = arith.index_cast %get3A_727 : i32 to index
        %get3A_729 = arith.index_cast %scan3A_682 : i32 to index
        %get3A_730 = arith.constant 32 : index
        %get3A_731 = tpu.vector_load %arg10[%get3A_728, %get3A_729, %get3A_730] {strides = array<i32>} : memref<4x64x64xi32, #tpu.memory_space<vmem>>, vector<16xi32>,
        %shift_left3A_732 = arith.constant 16 : i32
        %shift_left3A_733 = vector.broadcast %shift_left3A_732 : i32 to vector<16xi32>
        %shift_left3A_734 = arith.shli %get3A_731, %shift_left3A_733 : vector<16xi32>
        %bitcast3A_735 = vector.bitcast %shift_left3A_734 : vector<16xi32> to vector<16xf32>
        %and3A_736 = arith.constant -65536 : i32
        %and3A_737 = vector.broadcast %and3A_736 : i32 to vector<16xi32>
        %and3A_738 = arith.andi %get3A_731, %and3A_737 : vector<16xi32>
        %bitcast3A_739 = vector.bitcast %and3A_738 : vector<16xi32> to vector<16xf32>
        %swap3A_740 = arith.constant 0 : i32
        %swap3A_741 = arith.index_cast %swap3A_740 : i32 to index
        %swap3A_742 = arith.index_cast %scan3A_682 : i32 to index
        %swap3A_743 = arith.constant 32 : index
        %swap3A_744 = tpu.vector_load %arg11[%swap3A_741, %swap3A_742, %swap3A_743] {strides = array<i32>} : memref<2x64x128xf32, #tpu.memory_space<vmem>>, vector<16xf32>,
        tpu.vector_store %arg11[%swap3A_741, %swap3A_742, %swap3A_743], %bitcast3A_735 {strides = array<i32>} : memref<2x64x128xf32, #tpu.memory_space<vmem>>, vector<16xf32>,
        %swap3A_745 = arith.constant 0 : i32
        %swap3A_746 = arith.index_cast %swap3A_745 : i32 to index
        %swap3A_747 = arith.index_cast %scan3A_682 : i32 to index
        %swap3A_748 = arith.constant 96 : index
        %swap3A_749 = tpu.vector_load %arg11[%swap3A_746, %swap3A_747, %swap3A_748] {strides = array<i32>} : memref<2x64x128xf32, #tpu.memory_space<vmem>>, vector<16xf32>,
        tpu.vector_store %arg11[%swap3A_746, %swap3A_747, %swap3A_748], %bitcast3A_739 {strides = array<i32>} : memref<2x64x128xf32, #tpu.memory_space<vmem>>, vector<16xf32>,
        %get3A_750 = arith.constant 0 : i32
        %get3A_751 = arith.index_cast %get3A_750 : i32 to index
        %get3A_752 = arith.index_cast %scan3A_682 : i32 to index
        %get3A_753 = arith.constant 48 : index
        %get3A_754 = tpu.vector_load %arg10[%get3A_751, %get3A_752, %get3A_753] {strides = array<i32>} : memref<4x64x64xi32, #tpu.memory_space<vmem>>, vector<16xi32>,
        %shift_left3A_755 = arith.constant 16 : i32
        %shift_left3A_756 = vector.broadcast %shift_left3A_755 : i32 to vector<16xi32>
        %shift_left3A_757 = arith.shli %get3A_754, %shift_left3A_756 : vector<16xi32>
        %bitcast3A_758 = vector.bitcast %shift_left3A_757 : vector<16xi32> to vector<16xf32>
        %and3A_759 = arith.constant -65536 : i32
        %and3A_760 = vector.broadcast %and3A_759 : i32 to vector<16xi32>
        %and3A_761 = arith.andi %get3A_754, %and3A_760 : vector<16xi32>
        %bitcast3A_762 = vector.bitcast %and3A_761 : vector<16xi32> to vector<16xf32>
        %swap3A_763 = arith.constant 0 : i32
        %swap3A_764 = arith.index_cast %swap3A_763 : i32 to index
        %swap3A_765 = arith.index_cast %scan3A_682 : i32 to index
        %swap3A_766 = arith.constant 48 : index
        %swap3A_767 = tpu.vector_load %arg11[%swap3A_764, %swap3A_765, %swap3A_766] {strides = array<i32>} : memref<2x64x128xf32, #tpu.memory_space<vmem>>, vector<16xf32>,
        tpu.vector_store %arg11[%swap3A_764, %swap3A_765, %swap3A_766], %bitcast3A_758 {strides = array<i32>} : memref<2x64x128xf32, #tpu.memory_space<vmem>>, vector<16xf32>,
        %swap3A_768 = arith.constant 0 : i32
        %swap3A_769 = arith.index_cast %swap3A_768 : i32 to index
        %swap3A_770 = arith.index_cast %scan3A_682 : i32 to index
        %swap3A_771 = arith.constant 112 : index
        %swap3A_772 = tpu.vector_load %arg11[%swap3A_769, %swap3A_770, %swap3A_771] {strides = array<i32>} : memref<2x64x128xf32, #tpu.memory_space<vmem>>, vector<16xf32>,
        tpu.vector_store %arg11[%swap3A_769, %swap3A_770, %swap3A_771], %bitcast3A_762 {strides = array<i32>} : memref<2x64x128xf32, #tpu.memory_space<vmem>>, vector<16xf32>,
      }
      %scan3A_349 = arith.constant 64 : i32
      %dma_start3A_350 = arith.constant 0 : i32
      %dma_start3A_351 = arith.constant 0 : i32
      %dma_start3A_352 = arith.constant 0 : i32
      %dma_start3A_353 = arith.constant 0 : i32
      %dma_start3A_354 = arith.constant 0 : i32
      %dma_start3A_355 = tpu.memref_slice %arg11[%dma_start3A_350, %dma_start3A_353, %dma_start3A_354] : memref<2x64x128xf32, #tpu.memory_space<vmem>> -> memref<1x64x128xf32, #tpu.memory_space<vmem>>
      %dma_start3A_356 = tpu.memref_squeeze %dma_start3A_355 : memref<1x64x128xf32, #tpu.memory_space<vmem>> -> memref<64x128xf32, #tpu.memory_space<vmem>>
      %dma_start3A_357 = arith.constant 0 : i32
      %dma_start3A_358 = tpu.memref_slice %arg9[%dma_start3A_351, %dma_start3A_357] : memref<2x64xi32, #tpu.memory_space<vmem>> -> memref<1x64xi32, #tpu.memory_space<vmem>>
      %dma_start3A_359 = tpu.memref_squeeze %dma_start3A_358 : memref<1x64xi32, #tpu.memory_space<vmem>> -> memref<64xi32, #tpu.memory_space<vmem>>
      %dma_start3A_360 = arith.constant 0 : i32
      %dma_start3A_361 = arith.constant 0 : i32
      %dma_start3A_362 = tpu.memref_slice %arg6[%dma_start3A_360, %dma_start3A_361] : memref<10240x128xf32, #tpu.memory_space<vmem_shared>> -> memref<10240x128xf32, #tpu.memory_space<vmem_shared>>
      %dma_start3A_363 = tpu.memref_slice %arg13[%dma_start3A_352] : memref<2x!tpu.dma_semaphore, #tpu.memory_space<semaphore_mem>> -> memref<1x!tpu.dma_semaphore, #tpu.memory_space<semaphore_mem>>
      %dma_start3A_364 = tpu.memref_squeeze %dma_start3A_363 : memref<1x!tpu.dma_semaphore, #tpu.memory_space<semaphore_mem>> -> memref<!tpu.dma_semaphore, #tpu.memory_space<semaphore_mem>>
      tpu.enqueue_indirect_dma source(%dma_start3A_356 : memref<64x128xf32, #tpu.memory_space<vmem>>) target(%dma_start3A_362 : memref<10240x128xf32, #tpu.memory_space<vmem_shared>>) offsets(%dma_start3A_359 : memref<64xi32, #tpu.memory_space<vmem>>) semaphore(%dma_start3A_364 : memref<!tpu.dma_semaphore, #tpu.memory_space<semaphore_mem>>) {add = true}
      %add3A_365 = arith.constant 1 : i32
      %add3A_366 = arith.addi %scan3A_280, %add3A_365 : i32
      %lt3A = arith.constant 40 : i32
      %lt3A_367 = arith.cmpi slt, %add3A_366, %lt3A : i32
      %convert_element_type3A_368 = arith.extui %lt3A_367 : i1 to i32
      %cond3A_369 = arith.constant 0 : i32
      %cond3A_370 = arith.cmpi ne, %convert_element_type3A_368, %cond3A_369 : i32
      scf.if %cond3A_370 {
        %add3A_682 = arith.constant 4 : i32
        %add3A_683 = arith.addi %add3A_284, %add3A_682 : i32
        %get3A_684 = arith.index_cast %add3A_683 : i32 to index
        %get3A_685 = arith.constant 0 : index
        %get3A_686 = tpu.vector_load %arg7[%get3A_684, %get3A_685] {strides = array<i32>} : memref<160x64xi32, #tpu.memory_space<vmem>>, vector<16xi32>,
        %and3A_687 = arith.constant 65535 : i32
        %and3A_688 = vector.broadcast %and3A_687 : i32 to vector<16xi32>
        %and3A_689 = arith.andi %get3A_686, %and3A_688 : vector<16xi32>
        %swap3A_690 = arith.constant 0 : i32
        %swap3A_691 = arith.index_cast %swap3A_690 : i32 to index
        %swap3A_692 = arith.constant 0 : index
        %swap3A_693 = tpu.vector_load %arg8[%swap3A_691, %swap3A_692] {strides = array<i32>} : memref<4x64xi32, #tpu.memory_space<vmem>>, vector<16xi32>,
        tpu.vector_store %arg8[%swap3A_691, %swap3A_692], %and3A_689 {strides = array<i32>} : memref<4x64xi32, #tpu.memory_space<vmem>>, vector<16xi32>,
        %get3A_694 = arith.index_cast %add3A_683 : i32 to index
        %get3A_695 = arith.constant 16 : index
        %get3A_696 = tpu.vector_load %arg7[%get3A_694, %get3A_695] {strides = array<i32>} : memref<160x64xi32, #tpu.memory_space<vmem>>, vector<16xi32>,
        %and3A_697 = arith.constant 65535 : i32
        %and3A_698 = vector.broadcast %and3A_697 : i32 to vector<16xi32>
        %and3A_699 = arith.andi %get3A_696, %and3A_698 : vector<16xi32>
        %swap3A_700 = arith.constant 0 : i32
        %swap3A_701 = arith.index_cast %swap3A_700 : i32 to index
        %swap3A_702 = arith.constant 16 : index
        %swap3A_703 = tpu.vector_load %arg8[%swap3A_701, %swap3A_702] {strides = array<i32>} : memref<4x64xi32, #tpu.memory_space<vmem>>, vector<16xi32>,
        tpu.vector_store %arg8[%swap3A_701, %swap3A_702], %and3A_699 {strides = array<i32>} : memref<4x64xi32, #tpu.memory_space<vmem>>, vector<16xi32>,
        %get3A_704 = arith.index_cast %add3A_683 : i32 to index
        %get3A_705 = arith.constant 32 : index
        %get3A_706 = tpu.vector_load %arg7[%get3A_704, %get3A_705] {strides = array<i32>} : memref<160x64xi32, #tpu.memory_space<vmem>>, vector<16xi32>,
        %and3A_707 = arith.constant 65535 : i32
        %and3A_708 = vector.broadcast %and3A_707 : i32 to vector<16xi32>
        %and3A_709 = arith.andi %get3A_706, %and3A_708 : vector<16xi32>
        %swap3A_710 = arith.constant 0 : i32
        %swap3A_711 = arith.index_cast %swap3A_710 : i32 to index
        %swap3A_712 = arith.constant 32 : index
        %swap3A_713 = tpu.vector_load %arg8[%swap3A_711, %swap3A_712] {strides = array<i32>} : memref<4x64xi32, #tpu.memory_space<vmem>>, vector<16xi32>,
        tpu.vector_store %arg8[%swap3A_711, %swap3A_712], %and3A_709 {strides = array<i32>} : memref<4x64xi32, #tpu.memory_space<vmem>>, vector<16xi32>,
        %get3A_714 = arith.index_cast %add3A_683 : i32 to index
        %get3A_715 = arith.constant 48 : index
        %get3A_716 = tpu.vector_load %arg7[%get3A_714, %get3A_715] {strides = array<i32>} : memref<160x64xi32, #tpu.memory_space<vmem>>, vector<16xi32>,
        %and3A_717 = arith.constant 65535 : i32
        %and3A_718 = vector.broadcast %and3A_717 : i32 to vector<16xi32>
        %and3A_719 = arith.andi %get3A_716, %and3A_718 : vector<16xi32>
        %swap3A_720 = arith.constant 0 : i32
        %swap3A_721 = arith.index_cast %swap3A_720 : i32 to index
        %swap3A_722 = arith.constant 48 : index
        %swap3A_723 = tpu.vector_load %arg8[%swap3A_721, %swap3A_722] {strides = array<i32>} : memref<4x64xi32, #tpu.memory_space<vmem>>, vector<16xi32>,
        tpu.vector_store %arg8[%swap3A_721, %swap3A_722], %and3A_719 {strides = array<i32>} : memref<4x64xi32, #tpu.memory_space<vmem>>, vector<16xi32>,
        %dma_start3A_724 = arith.constant 0 : i32
        %dma_start3A_725 = arith.constant 0 : i32
        %dma_start3A_726 = arith.constant 0 : i32
        %dma_start3A_727 = arith.constant 0 : i32
        %dma_start3A_728 = arith.constant 0 : i32
        %dma_start3A_729 = tpu.memref_slice %arg10[%dma_start3A_725, %dma_start3A_727, %dma_start3A_728] : memref<4x64x64xi32, #tpu.memory_space<vmem>> -> memref<1x64x64xi32, #tpu.memory_space<vmem>>
        %dma_start3A_730 = tpu.memref_squeeze %dma_start3A_729 : memref<1x64x64xi32, #tpu.memory_space<vmem>> -> memref<64x64xi32, #tpu.memory_space<vmem>>
        %dma_start3A_731 = arith.constant 0 : i32
        %dma_start3A_732 = tpu.memref_slice %arg8[%dma_start3A_724, %dma_start3A_731] : memref<4x64xi32, #tpu.memory_space<vmem>> -> memref<1x64xi32, #tpu.memory_space<vmem>>
        %dma_start3A_733 = tpu.memref_squeeze %dma_start3A_732 : memref<1x64xi32, #tpu.memory_space<vmem>> -> memref<64xi32, #tpu.memory_space<vmem>>
        %dma_start3A_734 = arith.constant 0 : i32
        %dma_start3A_735 = arith.constant 0 : i32
        %dma_start3A_736 = tpu.memref_slice %arg2[%dma_start3A_734, %dma_start3A_735] : memref<10240x64xi32, #tpu.memory_space<hbm>> -> memref<10240x64xi32, #tpu.memory_space<hbm>>
        %dma_start3A_737 = tpu.memref_slice %arg12[%dma_start3A_726] : memref<4x!tpu.dma_semaphore, #tpu.memory_space<semaphore_mem>> -> memref<1x!tpu.dma_semaphore, #tpu.memory_space<semaphore_mem>>
        %dma_start3A_738 = tpu.memref_squeeze %dma_start3A_737 : memref<1x!tpu.dma_semaphore, #tpu.memory_space<semaphore_mem>> -> memref<!tpu.dma_semaphore, #tpu.memory_space<semaphore_mem>>
        tpu.enqueue_indirect_dma source(%dma_start3A_736 : memref<10240x64xi32, #tpu.memory_space<hbm>>) target(%dma_start3A_730 : memref<64x64xi32, #tpu.memory_space<vmem>>) offsets(%dma_start3A_733 : memref<64xi32, #tpu.memory_space<vmem>>) semaphore(%dma_start3A_738 : memref<!tpu.dma_semaphore, #tpu.memory_space<semaphore_mem>>)
      } else {
      }
      %mul3A_371 = arith.constant 4 : i32
      %mul3A_372 = arith.muli %scan3A_280, %mul3A_371 : i32
      %add3A_373 = arith.constant 1 : i32
      %add3A_374 = arith.addi %mul3A_372, %add3A_373 : i32
      %dma_wait3A_375 = arith.constant 1 : i32
      %dma_wait3A_376 = arith.constant 1 : i32
      %dma_wait3A_377 = arith.constant 0 : i32
      %dma_wait3A_378 = arith.constant 0 : i32
      %dma_wait3A_379 = tpu.memref_slice %arg10[%dma_wait3A_375, %dma_wait3A_377, %dma_wait3A_378] : memref<4x64x64xi32, #tpu.memory_space<vmem>> -> memref<1x64x64xi32, #tpu.memory_space<vmem>>
      %dma_wait3A_380 = tpu.memref_squeeze %dma_wait3A_379 : memref<1x64x64xi32, #tpu.memory_space<vmem>> -> memref<64x64xi32, #tpu.memory_space<vmem>>
      %dma_wait3A_381 = arith.constant 0 : i32
      %dma_wait3A_382 = arith.constant 0 : i32
      %dma_wait3A_383 = tpu.memref_slice %arg2[%dma_wait3A_381, %dma_wait3A_382] : memref<10240x64xi32, #tpu.memory_space<hbm>> -> memref<64x64xi32, #tpu.memory_space<hbm>>
      %dma_wait3A_384 = tpu.memref_slice %arg12[%dma_wait3A_376] : memref<4x!tpu.dma_semaphore, #tpu.memory_space<semaphore_mem>> -> memref<1x!tpu.dma_semaphore, #tpu.memory_space<semaphore_mem>>
      %dma_wait3A_385 = tpu.memref_squeeze %dma_wait3A_384 : memref<1x!tpu.dma_semaphore, #tpu.memory_space<semaphore_mem>> -> memref<!tpu.dma_semaphore, #tpu.memory_space<semaphore_mem>>
      %dma_wait3A_386 = arith.constant 0 : i32
      %dma_wait3A_387 = arith.constant 0 : i32
      %dma_wait3A_388 = tpu.memref_slice %arg10[%dma_wait3A_375, %dma_wait3A_386, %dma_wait3A_387] : memref<4x64x64xi32, #tpu.memory_space<vmem>> -> memref<1x64x64xi32, #tpu.memory_space<vmem>>
      %dma_wait3A_389 = tpu.memref_squeeze %dma_wait3A_388 : memref<1x64x64xi32, #tpu.memory_space<vmem>> -> memref<64x64xi32, #tpu.memory_space<vmem>>
      %dma_wait3A_390 = arith.constant 0 : i32
      %dma_wait3A_391 = arith.constant 0 : i32
      %dma_wait3A_392 = tpu.memref_slice %arg2[%dma_wait3A_390, %dma_wait3A_391] : memref<10240x64xi32, #tpu.memory_space<hbm>> -> memref<64x64xi32, #tpu.memory_space<hbm>>
      tpu.wait_dma2 semaphore(%dma_wait3A_385 : memref<!tpu.dma_semaphore, #tpu.memory_space<semaphore_mem>>) src(%dma_wait3A_392 : memref<64x64xi32, #tpu.memory_space<hbm>>) dst(%dma_wait3A_389 : memref<64x64xi32, #tpu.memory_space<vmem>>)
      %gt3A_393 = arith.constant 0 : i32
      %gt3A_394 = arith.cmpi sgt, %scan3A_280, %gt3A_393 : i32
      %convert_element_type3A_395 = arith.extui %gt3A_394 : i1 to i32
      %cond3A_396 = arith.constant 0 : i32
      %cond3A_397 = arith.cmpi ne, %convert_element_type3A_395, %cond3A_396 : i32
      scf.if %cond3A_397 {
        %dma_wait3A_682 = arith.constant 1 : i32
        %dma_wait3A_683 = arith.constant 1 : i32
        %dma_wait3A_684 = arith.constant 0 : i32
        %dma_wait3A_685 = arith.constant 0 : i32
        %dma_wait3A_686 = tpu.memref_slice %arg11[%dma_wait3A_682, %dma_wait3A_684, %dma_wait3A_685] : memref<2x64x128xf32, #tpu.memory_space<vmem>> -> memref<1x64x128xf32, #tpu.memory_space<vmem>>
        %dma_wait3A_687 = tpu.memref_squeeze %dma_wait3A_686 : memref<1x64x128xf32, #tpu.memory_space<vmem>> -> memref<64x128xf32, #tpu.memory_space<vmem>>
        %dma_wait3A_688 = arith.constant 0 : i32
        %dma_wait3A_689 = arith.constant 0 : i32
        %dma_wait3A_690 = tpu.memref_slice %arg6[%dma_wait3A_688, %dma_wait3A_689] : memref<10240x128xf32, #tpu.memory_space<vmem_shared>> -> memref<64x128xf32, #tpu.memory_space<vmem_shared>>
        %dma_wait3A_691 = tpu.memref_slice %arg13[%dma_wait3A_683] : memref<2x!tpu.dma_semaphore, #tpu.memory_space<semaphore_mem>> -> memref<1x!tpu.dma_semaphore, #tpu.memory_space<semaphore_mem>>
        %dma_wait3A_692 = tpu.memref_squeeze %dma_wait3A_691 : memref<1x!tpu.dma_semaphore, #tpu.memory_space<semaphore_mem>> -> memref<!tpu.dma_semaphore, #tpu.memory_space<semaphore_mem>>
        %dma_wait3A_693 = arith.constant 0 : i32
        %dma_wait3A_694 = arith.constant 0 : i32
        %dma_wait3A_695 = tpu.memref_slice %arg6[%dma_wait3A_693, %dma_wait3A_694] : memref<10240x128xf32, #tpu.memory_space<vmem_shared>> -> memref<64x128xf32, #tpu.memory_space<vmem_shared>>
        %dma_wait3A_696 = arith.constant 0 : i32
        %dma_wait3A_697 = arith.constant 0 : i32
        %dma_wait3A_698 = tpu.memref_slice %arg11[%dma_wait3A_682, %dma_wait3A_696, %dma_wait3A_697] : memref<2x64x128xf32, #tpu.memory_space<vmem>> -> memref<1x64x128xf32, #tpu.memory_space<vmem>>
        %dma_wait3A_699 = tpu.memref_squeeze %dma_wait3A_698 : memref<1x64x128xf32, #tpu.memory_space<vmem>> -> memref<64x128xf32, #tpu.memory_space<vmem>>
        tpu.wait_dma2 semaphore(%dma_wait3A_692 : memref<!tpu.dma_semaphore, #tpu.memory_space<semaphore_mem>>) src(%dma_wait3A_699 : memref<64x128xf32, #tpu.memory_space<vmem>>) dst(%dma_wait3A_695 : memref<64x128xf32, #tpu.memory_space<vmem_shared>>)
      } else {
      }
      %get3A_398 = arith.index_cast %add3A_374 : i32 to index
      %get3A_399 = arith.constant 0 : index
      %get3A_400 = tpu.vector_load %arg7[%get3A_398, %get3A_399] {strides = array<i32>} : memref<160x64xi32, #tpu.memory_space<vmem>>, vector<16xi32>,
      %shift_right_logical3A_401 = arith.constant 16 : i32
      %shift_right_logical3A_402 = vector.broadcast %shift_right_logical3A_401 : i32 to vector<16xi32>
      %shift_right_logical3A_403 = arith.shrui %get3A_400, %shift_right_logical3A_402 : vector<16xi32>
      %swap3A_404 = arith.constant 1 : i32
      %swap3A_405 = arith.index_cast %swap3A_404 : i32 to index
      %swap3A_406 = arith.constant 0 : index
      %swap3A_407 = tpu.vector_load %arg9[%swap3A_405, %swap3A_406] {strides = array<i32>} : memref<2x64xi32, #tpu.memory_space<vmem>>, vector<16xi32>,
      tpu.vector_store %arg9[%swap3A_405, %swap3A_406], %shift_right_logical3A_403 {strides = array<i32>} : memref<2x64xi32, #tpu.memory_space<vmem>>, vector<16xi32>,
      %get3A_408 = arith.index_cast %add3A_374 : i32 to index
      %get3A_409 = arith.constant 16 : index
      %get3A_410 = tpu.vector_load %arg7[%get3A_408, %get3A_409] {strides = array<i32>} : memref<160x64xi32, #tpu.memory_space<vmem>>, vector<16xi32>,
      %shift_right_logical3A_411 = arith.constant 16 : i32
      %shift_right_logical3A_412 = vector.broadcast %shift_right_logical3A_411 : i32 to vector<16xi32>
      %shift_right_logical3A_413 = arith.shrui %get3A_410, %shift_right_logical3A_412 : vector<16xi32>
      %swap3A_414 = arith.constant 1 : i32
      %swap3A_415 = arith.index_cast %swap3A_414 : i32 to index
      %swap3A_416 = arith.constant 16 : index
      %swap3A_417 = tpu.vector_load %arg9[%swap3A_415, %swap3A_416] {strides = array<i32>} : memref<2x64xi32, #tpu.memory_space<vmem>>, vector<16xi32>,
      tpu.vector_store %arg9[%swap3A_415, %swap3A_416], %shift_right_logical3A_413 {strides = array<i32>} : memref<2x64xi32, #tpu.memory_space<vmem>>, vector<16xi32>,
      %get3A_418 = arith.index_cast %add3A_374 : i32 to index
      %get3A_419 = arith.constant 32 : index
      %get3A_420 = tpu.vector_load %arg7[%get3A_418, %get3A_419] {strides = array<i32>} : memref<160x64xi32, #tpu.memory_space<vmem>>, vector<16xi32>,
      %shift_right_logical3A_421 = arith.constant 16 : i32
      %shift_right_logical3A_422 = vector.broadcast %shift_right_logical3A_421 : i32 to vector<16xi32>
      %shift_right_logical3A_423 = arith.shrui %get3A_420, %shift_right_logical3A_422 : vector<16xi32>
      %swap3A_424 = arith.constant 1 : i32
      %swap3A_425 = arith.index_cast %swap3A_424 : i32 to index
      %swap3A_426 = arith.constant 32 : index
      %swap3A_427 = tpu.vector_load %arg9[%swap3A_425, %swap3A_426] {strides = array<i32>} : memref<2x64xi32, #tpu.memory_space<vmem>>, vector<16xi32>,
      tpu.vector_store %arg9[%swap3A_425, %swap3A_426], %shift_right_logical3A_423 {strides = array<i32>} : memref<2x64xi32, #tpu.memory_space<vmem>>, vector<16xi32>,
      %get3A_428 = arith.index_cast %add3A_374 : i32 to index
      %get3A_429 = arith.constant 48 : index
      %get3A_430 = tpu.vector_load %arg7[%get3A_428, %get3A_429] {strides = array<i32>} : memref<160x64xi32, #tpu.memory_space<vmem>>, vector<16xi32>,
      %shift_right_logical3A_431 = arith.constant 16 : i32
      %shift_right_logical3A_432 = vector.broadcast %shift_right_logical3A_431 : i32 to vector<16xi32>
      %shift_right_logical3A_433 = arith.shrui %get3A_430, %shift_right_logical3A_432 : vector<16xi32>
      %swap3A_434 = arith.constant 1 : i32
      %swap3A_435 = arith.index_cast %swap3A_434 : i32 to index
      %swap3A_436 = arith.constant 48 : index
      %swap3A_437 = tpu.vector_load %arg9[%swap3A_435, %swap3A_436] {strides = array<i32>} : memref<2x64xi32, #tpu.memory_space<vmem>>, vector<16xi32>,
      tpu.vector_store %arg9[%swap3A_435, %swap3A_436], %shift_right_logical3A_433 {strides = array<i32>} : memref<2x64xi32, #tpu.memory_space<vmem>>, vector<16xi32>,
      %scan3A_438 = arith.constant 0 : i32
      %scan3A_439 = arith.constant 0 : i32
      %scan3A_440 = arith.constant 64 : i32
      %scan3A_441 = arith.addi %scan3A_439, %scan3A_440 : i32
      %scan3A_442 = arith.constant 1 : i32
      scf.for %scan3A_682 = %scan3A_439 to %scan3A_441 step %scan3A_442  : i32 {
        %get3A_683 = arith.constant 1 : i32
        %get3A_684 = arith.index_cast %get3A_683 : i32 to index
        %get3A_685 = arith.index_cast %scan3A_682 : i32 to index
        %get3A_686 = arith.constant 0 : index
        %get3A_687 = tpu.vector_load %arg10[%get3A_684, %get3A_685, %get3A_686] {strides = array<i32>} : memref<4x64x64xi32, #tpu.memory_space<vmem>>, vector<16xi32>,
        %shift_left3A = arith.constant 16 : i32
        %shift_left3A_688 = vector.broadcast %shift_left3A : i32 to vector<16xi32>
        %shift_left3A_689 = arith.shli %get3A_687, %shift_left3A_688 : vector<16xi32>
        %bitcast3A = vector.bitcast %shift_left3A_689 : vector<16xi32> to vector<16xf32>
        %and3A_690 = arith.constant -65536 : i32
        %and3A_691 = vector.broadcast %and3A_690 : i32 to vector<16xi32>
        %and3A_692 = arith.andi %get3A_687, %and3A_691 : vector<16xi32>
        %bitcast3A_693 = vector.bitcast %and3A_692 : vector<16xi32> to vector<16xf32>
        %swap3A_694 = arith.constant 1 : i32
        %swap3A_695 = arith.index_cast %swap3A_694 : i32 to index
        %swap3A_696 = arith.index_cast %scan3A_682 : i32 to index
        %swap3A_697 = arith.constant 0 : index
        %swap3A_698 = tpu.vector_load %arg11[%swap3A_695, %swap3A_696, %swap3A_697] {strides = array<i32>} : memref<2x64x128xf32, #tpu.memory_space<vmem>>, vector<16xf32>,
        tpu.vector_store %arg11[%swap3A_695, %swap3A_696, %swap3A_697], %bitcast3A {strides = array<i32>} : memref<2x64x128xf32, #tpu.memory_space<vmem>>, vector<16xf32>,
        %swap3A_699 = arith.constant 1 : i32
        %swap3A_700 = arith.index_cast %swap3A_699 : i32 to index
        %swap3A_701 = arith.index_cast %scan3A_682 : i32 to index
        %swap3A_702 = arith.constant 64 : index
        %swap3A_703 = tpu.vector_load %arg11[%swap3A_700, %swap3A_701, %swap3A_702] {strides = array<i32>} : memref<2x64x128xf32, #tpu.memory_space<vmem>>, vector<16xf32>,
        tpu.vector_store %arg11[%swap3A_700, %swap3A_701, %swap3A_702], %bitcast3A_693 {strides = array<i32>} : memref<2x64x128xf32, #tpu.memory_space<vmem>>, vector<16xf32>,
        %get3A_704 = arith.constant 1 : i32
        %get3A_705 = arith.index_cast %get3A_704 : i32 to index
        %get3A_706 = arith.index_cast %scan3A_682 : i32 to index
        %get3A_707 = arith.constant 16 : index
        %get3A_708 = tpu.vector_load %arg10[%get3A_705, %get3A_706, %get3A_707] {strides = array<i32>} : memref<4x64x64xi32, #tpu.memory_space<vmem>>, vector<16xi32>,
        %shift_left3A_709 = arith.constant 16 : i32
        %shift_left3A_710 = vector.broadcast %shift_left3A_709 : i32 to vector<16xi32>
        %shift_left3A_711 = arith.shli %get3A_708, %shift_left3A_710 : vector<16xi32>
        %bitcast3A_712 = vector.bitcast %shift_left3A_711 : vector<16xi32> to vector<16xf32>
        %and3A_713 = arith.constant -65536 : i32
        %and3A_714 = vector.broadcast %and3A_713 : i32 to vector<16xi32>
        %and3A_715 = arith.andi %get3A_708, %and3A_714 : vector<16xi32>
        %bitcast3A_716 = vector.bitcast %and3A_715 : vector<16xi32> to vector<16xf32>
        %swap3A_717 = arith.constant 1 : i32
        %swap3A_718 = arith.index_cast %swap3A_717 : i32 to index
        %swap3A_719 = arith.index_cast %scan3A_682 : i32 to index
        %swap3A_720 = arith.constant 16 : index
        %swap3A_721 = tpu.vector_load %arg11[%swap3A_718, %swap3A_719, %swap3A_720] {strides = array<i32>} : memref<2x64x128xf32, #tpu.memory_space<vmem>>, vector<16xf32>,
        tpu.vector_store %arg11[%swap3A_718, %swap3A_719, %swap3A_720], %bitcast3A_712 {strides = array<i32>} : memref<2x64x128xf32, #tpu.memory_space<vmem>>, vector<16xf32>,
        %swap3A_722 = arith.constant 1 : i32
        %swap3A_723 = arith.index_cast %swap3A_722 : i32 to index
        %swap3A_724 = arith.index_cast %scan3A_682 : i32 to index
        %swap3A_725 = arith.constant 80 : index
        %swap3A_726 = tpu.vector_load %arg11[%swap3A_723, %swap3A_724, %swap3A_725] {strides = array<i32>} : memref<2x64x128xf32, #tpu.memory_space<vmem>>, vector<16xf32>,
        tpu.vector_store %arg11[%swap3A_723, %swap3A_724, %swap3A_725], %bitcast3A_716 {strides = array<i32>} : memref<2x64x128xf32, #tpu.memory_space<vmem>>, vector<16xf32>,
        %get3A_727 = arith.constant 1 : i32
        %get3A_728 = arith.index_cast %get3A_727 : i32 to index
        %get3A_729 = arith.index_cast %scan3A_682 : i32 to index
        %get3A_730 = arith.constant 32 : index
        %get3A_731 = tpu.vector_load %arg10[%get3A_728, %get3A_729, %get3A_730] {strides = array<i32>} : memref<4x64x64xi32, #tpu.memory_space<vmem>>, vector<16xi32>,
        %shift_left3A_732 = arith.constant 16 : i32
        %shift_left3A_733 = vector.broadcast %shift_left3A_732 : i32 to vector<16xi32>
        %shift_left3A_734 = arith.shli %get3A_731, %shift_left3A_733 : vector<16xi32>
        %bitcast3A_735 = vector.bitcast %shift_left3A_734 : vector<16xi32> to vector<16xf32>
        %and3A_736 = arith.constant -65536 : i32
        %and3A_737 = vector.broadcast %and3A_736 : i32 to vector<16xi32>
        %and3A_738 = arith.andi %get3A_731, %and3A_737 : vector<16xi32>
        %bitcast3A_739 = vector.bitcast %and3A_738 : vector<16xi32> to vector<16xf32>
        %swap3A_740 = arith.constant 1 : i32
        %swap3A_741 = arith.index_cast %swap3A_740 : i32 to index
        %swap3A_742 = arith.index_cast %scan3A_682 : i32 to index
        %swap3A_743 = arith.constant 32 : index
        %swap3A_744 = tpu.vector_load %arg11[%swap3A_741, %swap3A_742, %swap3A_743] {strides = array<i32>} : memref<2x64x128xf32, #tpu.memory_space<vmem>>, vector<16xf32>,
        tpu.vector_store %arg11[%swap3A_741, %swap3A_742, %swap3A_743], %bitcast3A_735 {strides = array<i32>} : memref<2x64x128xf32, #tpu.memory_space<vmem>>, vector<16xf32>,
        %swap3A_745 = arith.constant 1 : i32
        %swap3A_746 = arith.index_cast %swap3A_745 : i32 to index
        %swap3A_747 = arith.index_cast %scan3A_682 : i32 to index
        %swap3A_748 = arith.constant 96 : index
        %swap3A_749 = tpu.vector_load %arg11[%swap3A_746, %swap3A_747, %swap3A_748] {strides = array<i32>} : memref<2x64x128xf32, #tpu.memory_space<vmem>>, vector<16xf32>,
        tpu.vector_store %arg11[%swap3A_746, %swap3A_747, %swap3A_748], %bitcast3A_739 {strides = array<i32>} : memref<2x64x128xf32, #tpu.memory_space<vmem>>, vector<16xf32>,
        %get3A_750 = arith.constant 1 : i32
        %get3A_751 = arith.index_cast %get3A_750 : i32 to index
        %get3A_752 = arith.index_cast %scan3A_682 : i32 to index
        %get3A_753 = arith.constant 48 : index
        %get3A_754 = tpu.vector_load %arg10[%get3A_751, %get3A_752, %get3A_753] {strides = array<i32>} : memref<4x64x64xi32, #tpu.memory_space<vmem>>, vector<16xi32>,
        %shift_left3A_755 = arith.constant 16 : i32
        %shift_left3A_756 = vector.broadcast %shift_left3A_755 : i32 to vector<16xi32>
        %shift_left3A_757 = arith.shli %get3A_754, %shift_left3A_756 : vector<16xi32>
        %bitcast3A_758 = vector.bitcast %shift_left3A_757 : vector<16xi32> to vector<16xf32>
        %and3A_759 = arith.constant -65536 : i32
        %and3A_760 = vector.broadcast %and3A_759 : i32 to vector<16xi32>
        %and3A_761 = arith.andi %get3A_754, %and3A_760 : vector<16xi32>
        %bitcast3A_762 = vector.bitcast %and3A_761 : vector<16xi32> to vector<16xf32>
        %swap3A_763 = arith.constant 1 : i32
        %swap3A_764 = arith.index_cast %swap3A_763 : i32 to index
        %swap3A_765 = arith.index_cast %scan3A_682 : i32 to index
        %swap3A_766 = arith.constant 48 : index
        %swap3A_767 = tpu.vector_load %arg11[%swap3A_764, %swap3A_765, %swap3A_766] {strides = array<i32>} : memref<2x64x128xf32, #tpu.memory_space<vmem>>, vector<16xf32>,
        tpu.vector_store %arg11[%swap3A_764, %swap3A_765, %swap3A_766], %bitcast3A_758 {strides = array<i32>} : memref<2x64x128xf32, #tpu.memory_space<vmem>>, vector<16xf32>,
        %swap3A_768 = arith.constant 1 : i32
        %swap3A_769 = arith.index_cast %swap3A_768 : i32 to index
        %swap3A_770 = arith.index_cast %scan3A_682 : i32 to index
        %swap3A_771 = arith.constant 112 : index
        %swap3A_772 = tpu.vector_load %arg11[%swap3A_769, %swap3A_770, %swap3A_771] {strides = array<i32>} : memref<2x64x128xf32, #tpu.memory_space<vmem>>, vector<16xf32>,
        tpu.vector_store %arg11[%swap3A_769, %swap3A_770, %swap3A_771], %bitcast3A_762 {strides = array<i32>} : memref<2x64x128xf32, #tpu.memory_space<vmem>>, vector<16xf32>,
      }
      %scan3A_443 = arith.constant 64 : i32
      %dma_start3A_444 = arith.constant 1 : i32
      %dma_start3A_445 = arith.constant 1 : i32
      %dma_start3A_446 = arith.constant 1 : i32
      %dma_start3A_447 = arith.constant 0 : i32
      %dma_start3A_448 = arith.constant 0 : i32
      %dma_start3A_449 = tpu.memref_slice %arg11[%dma_start3A_444, %dma_start3A_447, %dma_start3A_448] : memref<2x64x128xf32, #tpu.memory_space<vmem>> -> memref<1x64x128xf32, #tpu.memory_space<vmem>>
      %dma_start3A_450 = tpu.memref_squeeze %dma_start3A_449 : memref<1x64x128xf32, #tpu.memory_space<vmem>> -> memref<64x128xf32, #tpu.memory_space<vmem>>
      %dma_start3A_451 = arith.constant 0 : i32
      %dma_start3A_452 = tpu.memref_slice %arg9[%dma_start3A_445, %dma_start3A_451] : memref<2x64xi32, #tpu.memory_space<vmem>> -> memref<1x64xi32, #tpu.memory_space<vmem>>
      %dma_start3A_453 = tpu.memref_squeeze %dma_start3A_452 : memref<1x64xi32, #tpu.memory_space<vmem>> -> memref<64xi32, #tpu.memory_space<vmem>>
      %dma_start3A_454 = arith.constant 0 : i32
      %dma_start3A_455 = arith.constant 0 : i32
      %dma_start3A_456 = tpu.memref_slice %arg6[%dma_start3A_454, %dma_start3A_455] : memref<10240x128xf32, #tpu.memory_space<vmem_shared>> -> memref<10240x128xf32, #tpu.memory_space<vmem_shared>>
      %dma_start3A_457 = tpu.memref_slice %arg13[%dma_start3A_446] : memref<2x!tpu.dma_semaphore, #tpu.memory_space<semaphore_mem>> -> memref<1x!tpu.dma_semaphore, #tpu.memory_space<semaphore_mem>>
      %dma_start3A_458 = tpu.memref_squeeze %dma_start3A_457 : memref<1x!tpu.dma_semaphore, #tpu.memory_space<semaphore_mem>> -> memref<!tpu.dma_semaphore, #tpu.memory_space<semaphore_mem>>
      tpu.enqueue_indirect_dma source(%dma_start3A_450 : memref<64x128xf32, #tpu.memory_space<vmem>>) target(%dma_start3A_456 : memref<10240x128xf32, #tpu.memory_space<vmem_shared>>) offsets(%dma_start3A_453 : memref<64xi32, #tpu.memory_space<vmem>>) semaphore(%dma_start3A_458 : memref<!tpu.dma_semaphore, #tpu.memory_space<semaphore_mem>>) {add = true}
      %add3A_459 = arith.constant 1 : i32
      %add3A_460 = arith.addi %scan3A_280, %add3A_459 : i32
      %lt3A_461 = arith.constant 40 : i32
      %lt3A_462 = arith.cmpi slt, %add3A_460, %lt3A_461 : i32
      %convert_element_type3A_463 = arith.extui %lt3A_462 : i1 to i32
      %cond3A_464 = arith.constant 0 : i32
      %cond3A_465 = arith.cmpi ne, %convert_element_type3A_463, %cond3A_464 : i32
      scf.if %cond3A_465 {
        %add3A_682 = arith.constant 4 : i32
        %add3A_683 = arith.addi %add3A_374, %add3A_682 : i32
        %get3A_684 = arith.index_cast %add3A_683 : i32 to index
        %get3A_685 = arith.constant 0 : index
        %get3A_686 = tpu.vector_load %arg7[%get3A_684, %get3A_685] {strides = array<i32>} : memref<160x64xi32, #tpu.memory_space<vmem>>, vector<16xi32>,
        %and3A_687 = arith.constant 65535 : i32
        %and3A_688 = vector.broadcast %and3A_687 : i32 to vector<16xi32>
        %and3A_689 = arith.andi %get3A_686, %and3A_688 : vector<16xi32>
        %swap3A_690 = arith.constant 1 : i32
        %swap3A_691 = arith.index_cast %swap3A_690 : i32 to index
        %swap3A_692 = arith.constant 0 : index
        %swap3A_693 = tpu.vector_load %arg8[%swap3A_691, %swap3A_692] {strides = array<i32>} : memref<4x64xi32, #tpu.memory_space<vmem>>, vector<16xi32>,
        tpu.vector_store %arg8[%swap3A_691, %swap3A_692], %and3A_689 {strides = array<i32>} : memref<4x64xi32, #tpu.memory_space<vmem>>, vector<16xi32>,
        %get3A_694 = arith.index_cast %add3A_683 : i32 to index
        %get3A_695 = arith.constant 16 : index
        %get3A_696 = tpu.vector_load %arg7[%get3A_694, %get3A_695] {strides = array<i32>} : memref<160x64xi32, #tpu.memory_space<vmem>>, vector<16xi32>,
        %and3A_697 = arith.constant 65535 : i32
        %and3A_698 = vector.broadcast %and3A_697 : i32 to vector<16xi32>
        %and3A_699 = arith.andi %get3A_696, %and3A_698 : vector<16xi32>
        %swap3A_700 = arith.constant 1 : i32
        %swap3A_701 = arith.index_cast %swap3A_700 : i32 to index
        %swap3A_702 = arith.constant 16 : index
        %swap3A_703 = tpu.vector_load %arg8[%swap3A_701, %swap3A_702] {strides = array<i32>} : memref<4x64xi32, #tpu.memory_space<vmem>>, vector<16xi32>,
        tpu.vector_store %arg8[%swap3A_701, %swap3A_702], %and3A_699 {strides = array<i32>} : memref<4x64xi32, #tpu.memory_space<vmem>>, vector<16xi32>,
        %get3A_704 = arith.index_cast %add3A_683 : i32 to index
        %get3A_705 = arith.constant 32 : index
        %get3A_706 = tpu.vector_load %arg7[%get3A_704, %get3A_705] {strides = array<i32>} : memref<160x64xi32, #tpu.memory_space<vmem>>, vector<16xi32>,
        %and3A_707 = arith.constant 65535 : i32
        %and3A_708 = vector.broadcast %and3A_707 : i32 to vector<16xi32>
        %and3A_709 = arith.andi %get3A_706, %and3A_708 : vector<16xi32>
        %swap3A_710 = arith.constant 1 : i32
        %swap3A_711 = arith.index_cast %swap3A_710 : i32 to index
        %swap3A_712 = arith.constant 32 : index
        %swap3A_713 = tpu.vector_load %arg8[%swap3A_711, %swap3A_712] {strides = array<i32>} : memref<4x64xi32, #tpu.memory_space<vmem>>, vector<16xi32>,
        tpu.vector_store %arg8[%swap3A_711, %swap3A_712], %and3A_709 {strides = array<i32>} : memref<4x64xi32, #tpu.memory_space<vmem>>, vector<16xi32>,
        %get3A_714 = arith.index_cast %add3A_683 : i32 to index
        %get3A_715 = arith.constant 48 : index
        %get3A_716 = tpu.vector_load %arg7[%get3A_714, %get3A_715] {strides = array<i32>} : memref<160x64xi32, #tpu.memory_space<vmem>>, vector<16xi32>,
        %and3A_717 = arith.constant 65535 : i32
        %and3A_718 = vector.broadcast %and3A_717 : i32 to vector<16xi32>
        %and3A_719 = arith.andi %get3A_716, %and3A_718 : vector<16xi32>
        %swap3A_720 = arith.constant 1 : i32
        %swap3A_721 = arith.index_cast %swap3A_720 : i32 to index
        %swap3A_722 = arith.constant 48 : index
        %swap3A_723 = tpu.vector_load %arg8[%swap3A_721, %swap3A_722] {strides = array<i32>} : memref<4x64xi32, #tpu.memory_space<vmem>>, vector<16xi32>,
        tpu.vector_store %arg8[%swap3A_721, %swap3A_722], %and3A_719 {strides = array<i32>} : memref<4x64xi32, #tpu.memory_space<vmem>>, vector<16xi32>,
        %dma_start3A_724 = arith.constant 1 : i32
        %dma_start3A_725 = arith.constant 1 : i32
        %dma_start3A_726 = arith.constant 1 : i32
        %dma_start3A_727 = arith.constant 0 : i32
        %dma_start3A_728 = arith.constant 0 : i32
        %dma_start3A_729 = tpu.memref_slice %arg10[%dma_start3A_725, %dma_start3A_727, %dma_start3A_728] : memref<4x64x64xi32, #tpu.memory_space<vmem>> -> memref<1x64x64xi32, #tpu.memory_space<vmem>>
        %dma_start3A_730 = tpu.memref_squeeze %dma_start3A_729 : memref<1x64x64xi32, #tpu.memory_space<vmem>> -> memref<64x64xi32, #tpu.memory_space<vmem>>
        %dma_start3A_731 = arith.constant 0 : i32
        %dma_start3A_732 = tpu.memref_slice %arg8[%dma_start3A_724, %dma_start3A_731] : memref<4x64xi32, #tpu.memory_space<vmem>> -> memref<1x64xi32, #tpu.memory_space<vmem>>
        %dma_start3A_733 = tpu.memref_squeeze %dma_start3A_732 : memref<1x64xi32, #tpu.memory_space<vmem>> -> memref<64xi32, #tpu.memory_space<vmem>>
        %dma_start3A_734 = arith.constant 0 : i32
        %dma_start3A_735 = arith.constant 0 : i32
        %dma_start3A_736 = tpu.memref_slice %arg2[%dma_start3A_734, %dma_start3A_735] : memref<10240x64xi32, #tpu.memory_space<hbm>> -> memref<10240x64xi32, #tpu.memory_space<hbm>>
        %dma_start3A_737 = tpu.memref_slice %arg12[%dma_start3A_726] : memref<4x!tpu.dma_semaphore, #tpu.memory_space<semaphore_mem>> -> memref<1x!tpu.dma_semaphore, #tpu.memory_space<semaphore_mem>>
        %dma_start3A_738 = tpu.memref_squeeze %dma_start3A_737 : memref<1x!tpu.dma_semaphore, #tpu.memory_space<semaphore_mem>> -> memref<!tpu.dma_semaphore, #tpu.memory_space<semaphore_mem>>
        tpu.enqueue_indirect_dma source(%dma_start3A_736 : memref<10240x64xi32, #tpu.memory_space<hbm>>) target(%dma_start3A_730 : memref<64x64xi32, #tpu.memory_space<vmem>>) offsets(%dma_start3A_733 : memref<64xi32, #tpu.memory_space<vmem>>) semaphore(%dma_start3A_738 : memref<!tpu.dma_semaphore, #tpu.memory_space<semaphore_mem>>)
      } else {
      }
      %mul3A_466 = arith.constant 4 : i32
      %mul3A_467 = arith.muli %scan3A_280, %mul3A_466 : i32
      %add3A_468 = arith.constant 2 : i32
      %add3A_469 = arith.addi %mul3A_467, %add3A_468 : i32
      %dma_wait3A_470 = arith.constant 2 : i32
      %dma_wait3A_471 = arith.constant 2 : i32
      %dma_wait3A_472 = arith.constant 0 : i32
      %dma_wait3A_473 = arith.constant 0 : i32
      %dma_wait3A_474 = tpu.memref_slice %arg10[%dma_wait3A_470, %dma_wait3A_472, %dma_wait3A_473] : memref<4x64x64xi32, #tpu.memory_space<vmem>> -> memref<1x64x64xi32, #tpu.memory_space<vmem>>
      %dma_wait3A_475 = tpu.memref_squeeze %dma_wait3A_474 : memref<1x64x64xi32, #tpu.memory_space<vmem>> -> memref<64x64xi32, #tpu.memory_space<vmem>>
      %dma_wait3A_476 = arith.constant 0 : i32
      %dma_wait3A_477 = arith.constant 0 : i32
      %dma_wait3A_478 = tpu.memref_slice %arg2[%dma_wait3A_476, %dma_wait3A_477] : memref<10240x64xi32, #tpu.memory_space<hbm>> -> memref<64x64xi32, #tpu.memory_space<hbm>>
      %dma_wait3A_479 = tpu.memref_slice %arg12[%dma_wait3A_471] : memref<4x!tpu.dma_semaphore, #tpu.memory_space<semaphore_mem>> -> memref<1x!tpu.dma_semaphore, #tpu.memory_space<semaphore_mem>>
      %dma_wait3A_480 = tpu.memref_squeeze %dma_wait3A_479 : memref<1x!tpu.dma_semaphore, #tpu.memory_space<semaphore_mem>> -> memref<!tpu.dma_semaphore, #tpu.memory_space<semaphore_mem>>
      %dma_wait3A_481 = arith.constant 0 : i32
      %dma_wait3A_482 = arith.constant 0 : i32
      %dma_wait3A_483 = tpu.memref_slice %arg10[%dma_wait3A_470, %dma_wait3A_481, %dma_wait3A_482] : memref<4x64x64xi32, #tpu.memory_space<vmem>> -> memref<1x64x64xi32, #tpu.memory_space<vmem>>
      %dma_wait3A_484 = tpu.memref_squeeze %dma_wait3A_483 : memref<1x64x64xi32, #tpu.memory_space<vmem>> -> memref<64x64xi32, #tpu.memory_space<vmem>>
      %dma_wait3A_485 = arith.constant 0 : i32
      %dma_wait3A_486 = arith.constant 0 : i32
      %dma_wait3A_487 = tpu.memref_slice %arg2[%dma_wait3A_485, %dma_wait3A_486] : memref<10240x64xi32, #tpu.memory_space<hbm>> -> memref<64x64xi32, #tpu.memory_space<hbm>>
      tpu.wait_dma2 semaphore(%dma_wait3A_480 : memref<!tpu.dma_semaphore, #tpu.memory_space<semaphore_mem>>) src(%dma_wait3A_487 : memref<64x64xi32, #tpu.memory_space<hbm>>) dst(%dma_wait3A_484 : memref<64x64xi32, #tpu.memory_space<vmem>>)
      %dma_wait3A_488 = arith.constant 0 : i32
      %dma_wait3A_489 = arith.constant 0 : i32
      %dma_wait3A_490 = arith.constant 0 : i32
      %dma_wait3A_491 = arith.constant 0 : i32
      %dma_wait3A_492 = tpu.memref_slice %arg11[%dma_wait3A_488, %dma_wait3A_490, %dma_wait3A_491] : memref<2x64x128xf32, #tpu.memory_space<vmem>> -> memref<1x64x128xf32, #tpu.memory_space<vmem>>
      %dma_wait3A_493 = tpu.memref_squeeze %dma_wait3A_492 : memref<1x64x128xf32, #tpu.memory_space<vmem>> -> memref<64x128xf32, #tpu.memory_space<vmem>>
      %dma_wait3A_494 = arith.constant 0 : i32
      %dma_wait3A_495 = arith.constant 0 : i32
      %dma_wait3A_496 = tpu.memref_slice %arg6[%dma_wait3A_494, %dma_wait3A_495] : memref<10240x128xf32, #tpu.memory_space<vmem_shared>> -> memref<64x128xf32, #tpu.memory_space<vmem_shared>>
      %dma_wait3A_497 = tpu.memref_slice %arg13[%dma_wait3A_489] : memref<2x!tpu.dma_semaphore, #tpu.memory_space<semaphore_mem>> -> memref<1x!tpu.dma_semaphore, #tpu.memory_space<semaphore_mem>>
      %dma_wait3A_498 = tpu.memref_squeeze %dma_wait3A_497 : memref<1x!tpu.dma_semaphore, #tpu.memory_space<semaphore_mem>> -> memref<!tpu.dma_semaphore, #tpu.memory_space<semaphore_mem>>
      %dma_wait3A_499 = arith.constant 0 : i32
      %dma_wait3A_500 = arith.constant 0 : i32
      %dma_wait3A_501 = tpu.memref_slice %arg6[%dma_wait3A_499, %dma_wait3A_500] : memref<10240x128xf32, #tpu.memory_space<vmem_shared>> -> memref<64x128xf32, #tpu.memory_space<vmem_shared>>
      %dma_wait3A_502 = arith.constant 0 : i32
      %dma_wait3A_503 = arith.constant 0 : i32
      %dma_wait3A_504 = tpu.memref_slice %arg11[%dma_wait3A_488, %dma_wait3A_502, %dma_wait3A_503] : memref<2x64x128xf32, #tpu.memory_space<vmem>> -> memref<1x64x128xf32, #tpu.memory_space<vmem>>
      %dma_wait3A_505 = tpu.memref_squeeze %dma_wait3A_504 : memref<1x64x128xf32, #tpu.memory_space<vmem>> -> memref<64x128xf32, #tpu.memory_space<vmem>>
      tpu.wait_dma2 semaphore(%dma_wait3A_498 : memref<!tpu.dma_semaphore, #tpu.memory_space<semaphore_mem>>) src(%dma_wait3A_505 : memref<64x128xf32, #tpu.memory_space<vmem>>) dst(%dma_wait3A_501 : memref<64x128xf32, #tpu.memory_space<vmem_shared>>)
      %get3A_506 = arith.index_cast %add3A_469 : i32 to index
      %get3A_507 = arith.constant 0 : index
      %get3A_508 = tpu.vector_load %arg7[%get3A_506, %get3A_507] {strides = array<i32>} : memref<160x64xi32, #tpu.memory_space<vmem>>, vector<16xi32>,
      %shift_right_logical3A_509 = arith.constant 16 : i32
      %shift_right_logical3A_510 = vector.broadcast %shift_right_logical3A_509 : i32 to vector<16xi32>
      %shift_right_logical3A_511 = arith.shrui %get3A_508, %shift_right_logical3A_510 : vector<16xi32>
      %swap3A_512 = arith.constant 0 : i32
      %swap3A_513 = arith.index_cast %swap3A_512 : i32 to index
      %swap3A_514 = arith.constant 0 : index
      %swap3A_515 = tpu.vector_load %arg9[%swap3A_513, %swap3A_514] {strides = array<i32>} : memref<2x64xi32, #tpu.memory_space<vmem>>, vector<16xi32>,
      tpu.vector_store %arg9[%swap3A_513, %swap3A_514], %shift_right_logical3A_511 {strides = array<i32>} : memref<2x64xi32, #tpu.memory_space<vmem>>, vector<16xi32>,
      %get3A_516 = arith.index_cast %add3A_469 : i32 to index
      %get3A_517 = arith.constant 16 : index
      %get3A_518 = tpu.vector_load %arg7[%get3A_516, %get3A_517] {strides = array<i32>} : memref<160x64xi32, #tpu.memory_space<vmem>>, vector<16xi32>,
      %shift_right_logical3A_519 = arith.constant 16 : i32
      %shift_right_logical3A_520 = vector.broadcast %shift_right_logical3A_519 : i32 to vector<16xi32>
      %shift_right_logical3A_521 = arith.shrui %get3A_518, %shift_right_logical3A_520 : vector<16xi32>
      %swap3A_522 = arith.constant 0 : i32
      %swap3A_523 = arith.index_cast %swap3A_522 : i32 to index
      %swap3A_524 = arith.constant 16 : index
      %swap3A_525 = tpu.vector_load %arg9[%swap3A_523, %swap3A_524] {strides = array<i32>} : memref<2x64xi32, #tpu.memory_space<vmem>>, vector<16xi32>,
      tpu.vector_store %arg9[%swap3A_523, %swap3A_524], %shift_right_logical3A_521 {strides = array<i32>} : memref<2x64xi32, #tpu.memory_space<vmem>>, vector<16xi32>,
      %get3A_526 = arith.index_cast %add3A_469 : i32 to index
      %get3A_527 = arith.constant 32 : index
      %get3A_528 = tpu.vector_load %arg7[%get3A_526, %get3A_527] {strides = array<i32>} : memref<160x64xi32, #tpu.memory_space<vmem>>, vector<16xi32>,
      %shift_right_logical3A_529 = arith.constant 16 : i32
      %shift_right_logical3A_530 = vector.broadcast %shift_right_logical3A_529 : i32 to vector<16xi32>
      %shift_right_logical3A_531 = arith.shrui %get3A_528, %shift_right_logical3A_530 : vector<16xi32>
      %swap3A_532 = arith.constant 0 : i32
      %swap3A_533 = arith.index_cast %swap3A_532 : i32 to index
      %swap3A_534 = arith.constant 32 : index
      %swap3A_535 = tpu.vector_load %arg9[%swap3A_533, %swap3A_534] {strides = array<i32>} : memref<2x64xi32, #tpu.memory_space<vmem>>, vector<16xi32>,
      tpu.vector_store %arg9[%swap3A_533, %swap3A_534], %shift_right_logical3A_531 {strides = array<i32>} : memref<2x64xi32, #tpu.memory_space<vmem>>, vector<16xi32>,
      %get3A_536 = arith.index_cast %add3A_469 : i32 to index
      %get3A_537 = arith.constant 48 : index
      %get3A_538 = tpu.vector_load %arg7[%get3A_536, %get3A_537] {strides = array<i32>} : memref<160x64xi32, #tpu.memory_space<vmem>>, vector<16xi32>,
      %shift_right_logical3A_539 = arith.constant 16 : i32
      %shift_right_logical3A_540 = vector.broadcast %shift_right_logical3A_539 : i32 to vector<16xi32>
      %shift_right_logical3A_541 = arith.shrui %get3A_538, %shift_right_logical3A_540 : vector<16xi32>
      %swap3A_542 = arith.constant 0 : i32
      %swap3A_543 = arith.index_cast %swap3A_542 : i32 to index
      %swap3A_544 = arith.constant 48 : index
      %swap3A_545 = tpu.vector_load %arg9[%swap3A_543, %swap3A_544] {strides = array<i32>} : memref<2x64xi32, #tpu.memory_space<vmem>>, vector<16xi32>,
      tpu.vector_store %arg9[%swap3A_543, %swap3A_544], %shift_right_logical3A_541 {strides = array<i32>} : memref<2x64xi32, #tpu.memory_space<vmem>>, vector<16xi32>,
      %scan3A_546 = arith.constant 0 : i32
      %scan3A_547 = arith.constant 0 : i32
      %scan3A_548 = arith.constant 64 : i32
      %scan3A_549 = arith.addi %scan3A_547, %scan3A_548 : i32
      %scan3A_550 = arith.constant 1 : i32
      scf.for %scan3A_682 = %scan3A_547 to %scan3A_549 step %scan3A_550  : i32 {
        %get3A_683 = arith.constant 2 : i32
        %get3A_684 = arith.index_cast %get3A_683 : i32 to index
        %get3A_685 = arith.index_cast %scan3A_682 : i32 to index
        %get3A_686 = arith.constant 0 : index
        %get3A_687 = tpu.vector_load %arg10[%get3A_684, %get3A_685, %get3A_686] {strides = array<i32>} : memref<4x64x64xi32, #tpu.memory_space<vmem>>, vector<16xi32>,
        %shift_left3A = arith.constant 16 : i32
        %shift_left3A_688 = vector.broadcast %shift_left3A : i32 to vector<16xi32>
        %shift_left3A_689 = arith.shli %get3A_687, %shift_left3A_688 : vector<16xi32>
        %bitcast3A = vector.bitcast %shift_left3A_689 : vector<16xi32> to vector<16xf32>
        %and3A_690 = arith.constant -65536 : i32
        %and3A_691 = vector.broadcast %and3A_690 : i32 to vector<16xi32>
        %and3A_692 = arith.andi %get3A_687, %and3A_691 : vector<16xi32>
        %bitcast3A_693 = vector.bitcast %and3A_692 : vector<16xi32> to vector<16xf32>
        %swap3A_694 = arith.constant 0 : i32
        %swap3A_695 = arith.index_cast %swap3A_694 : i32 to index
        %swap3A_696 = arith.index_cast %scan3A_682 : i32 to index
        %swap3A_697 = arith.constant 0 : index
        %swap3A_698 = tpu.vector_load %arg11[%swap3A_695, %swap3A_696, %swap3A_697] {strides = array<i32>} : memref<2x64x128xf32, #tpu.memory_space<vmem>>, vector<16xf32>,
        tpu.vector_store %arg11[%swap3A_695, %swap3A_696, %swap3A_697], %bitcast3A {strides = array<i32>} : memref<2x64x128xf32, #tpu.memory_space<vmem>>, vector<16xf32>,
        %swap3A_699 = arith.constant 0 : i32
        %swap3A_700 = arith.index_cast %swap3A_699 : i32 to index
        %swap3A_701 = arith.index_cast %scan3A_682 : i32 to index
        %swap3A_702 = arith.constant 64 : index
        %swap3A_703 = tpu.vector_load %arg11[%swap3A_700, %swap3A_701, %swap3A_702] {strides = array<i32>} : memref<2x64x128xf32, #tpu.memory_space<vmem>>, vector<16xf32>,
        tpu.vector_store %arg11[%swap3A_700, %swap3A_701, %swap3A_702], %bitcast3A_693 {strides = array<i32>} : memref<2x64x128xf32, #tpu.memory_space<vmem>>, vector<16xf32>,
        %get3A_704 = arith.constant 2 : i32
        %get3A_705 = arith.index_cast %get3A_704 : i32 to index
        %get3A_706 = arith.index_cast %scan3A_682 : i32 to index
        %get3A_707 = arith.constant 16 : index
        %get3A_708 = tpu.vector_load %arg10[%get3A_705, %get3A_706, %get3A_707] {strides = array<i32>} : memref<4x64x64xi32, #tpu.memory_space<vmem>>, vector<16xi32>,
        %shift_left3A_709 = arith.constant 16 : i32
        %shift_left3A_710 = vector.broadcast %shift_left3A_709 : i32 to vector<16xi32>
        %shift_left3A_711 = arith.shli %get3A_708, %shift_left3A_710 : vector<16xi32>
        %bitcast3A_712 = vector.bitcast %shift_left3A_711 : vector<16xi32> to vector<16xf32>
        %and3A_713 = arith.constant -65536 : i32
        %and3A_714 = vector.broadcast %and3A_713 : i32 to vector<16xi32>
        %and3A_715 = arith.andi %get3A_708, %and3A_714 : vector<16xi32>
        %bitcast3A_716 = vector.bitcast %and3A_715 : vector<16xi32> to vector<16xf32>
        %swap3A_717 = arith.constant 0 : i32
        %swap3A_718 = arith.index_cast %swap3A_717 : i32 to index
        %swap3A_719 = arith.index_cast %scan3A_682 : i32 to index
        %swap3A_720 = arith.constant 16 : index
        %swap3A_721 = tpu.vector_load %arg11[%swap3A_718, %swap3A_719, %swap3A_720] {strides = array<i32>} : memref<2x64x128xf32, #tpu.memory_space<vmem>>, vector<16xf32>,
        tpu.vector_store %arg11[%swap3A_718, %swap3A_719, %swap3A_720], %bitcast3A_712 {strides = array<i32>} : memref<2x64x128xf32, #tpu.memory_space<vmem>>, vector<16xf32>,
        %swap3A_722 = arith.constant 0 : i32
        %swap3A_723 = arith.index_cast %swap3A_722 : i32 to index
        %swap3A_724 = arith.index_cast %scan3A_682 : i32 to index
        %swap3A_725 = arith.constant 80 : index
        %swap3A_726 = tpu.vector_load %arg11[%swap3A_723, %swap3A_724, %swap3A_725] {strides = array<i32>} : memref<2x64x128xf32, #tpu.memory_space<vmem>>, vector<16xf32>,
        tpu.vector_store %arg11[%swap3A_723, %swap3A_724, %swap3A_725], %bitcast3A_716 {strides = array<i32>} : memref<2x64x128xf32, #tpu.memory_space<vmem>>, vector<16xf32>,
        %get3A_727 = arith.constant 2 : i32
        %get3A_728 = arith.index_cast %get3A_727 : i32 to index
        %get3A_729 = arith.index_cast %scan3A_682 : i32 to index
        %get3A_730 = arith.constant 32 : index
        %get3A_731 = tpu.vector_load %arg10[%get3A_728, %get3A_729, %get3A_730] {strides = array<i32>} : memref<4x64x64xi32, #tpu.memory_space<vmem>>, vector<16xi32>,
        %shift_left3A_732 = arith.constant 16 : i32
        %shift_left3A_733 = vector.broadcast %shift_left3A_732 : i32 to vector<16xi32>
        %shift_left3A_734 = arith.shli %get3A_731, %shift_left3A_733 : vector<16xi32>
        %bitcast3A_735 = vector.bitcast %shift_left3A_734 : vector<16xi32> to vector<16xf32>
        %and3A_736 = arith.constant -65536 : i32
        %and3A_737 = vector.broadcast %and3A_736 : i32 to vector<16xi32>
        %and3A_738 = arith.andi %get3A_731, %and3A_737 : vector<16xi32>
        %bitcast3A_739 = vector.bitcast %and3A_738 : vector<16xi32> to vector<16xf32>
        %swap3A_740 = arith.constant 0 : i32
        %swap3A_741 = arith.index_cast %swap3A_740 : i32 to index
        %swap3A_742 = arith.index_cast %scan3A_682 : i32 to index
        %swap3A_743 = arith.constant 32 : index
        %swap3A_744 = tpu.vector_load %arg11[%swap3A_741, %swap3A_742, %swap3A_743] {strides = array<i32>} : memref<2x64x128xf32, #tpu.memory_space<vmem>>, vector<16xf32>,
        tpu.vector_store %arg11[%swap3A_741, %swap3A_742, %swap3A_743], %bitcast3A_735 {strides = array<i32>} : memref<2x64x128xf32, #tpu.memory_space<vmem>>, vector<16xf32>,
        %swap3A_745 = arith.constant 0 : i32
        %swap3A_746 = arith.index_cast %swap3A_745 : i32 to index
        %swap3A_747 = arith.index_cast %scan3A_682 : i32 to index
        %swap3A_748 = arith.constant 96 : index
        %swap3A_749 = tpu.vector_load %arg11[%swap3A_746, %swap3A_747, %swap3A_748] {strides = array<i32>} : memref<2x64x128xf32, #tpu.memory_space<vmem>>, vector<16xf32>,
        tpu.vector_store %arg11[%swap3A_746, %swap3A_747, %swap3A_748], %bitcast3A_739 {strides = array<i32>} : memref<2x64x128xf32, #tpu.memory_space<vmem>>, vector<16xf32>,
        %get3A_750 = arith.constant 2 : i32
        %get3A_751 = arith.index_cast %get3A_750 : i32 to index
        %get3A_752 = arith.index_cast %scan3A_682 : i32 to index
        %get3A_753 = arith.constant 48 : index
        %get3A_754 = tpu.vector_load %arg10[%get3A_751, %get3A_752, %get3A_753] {strides = array<i32>} : memref<4x64x64xi32, #tpu.memory_space<vmem>>, vector<16xi32>,
        %shift_left3A_755 = arith.constant 16 : i32
        %shift_left3A_756 = vector.broadcast %shift_left3A_755 : i32 to vector<16xi32>
        %shift_left3A_757 = arith.shli %get3A_754, %shift_left3A_756 : vector<16xi32>
        %bitcast3A_758 = vector.bitcast %shift_left3A_757 : vector<16xi32> to vector<16xf32>
        %and3A_759 = arith.constant -65536 : i32
        %and3A_760 = vector.broadcast %and3A_759 : i32 to vector<16xi32>
        %and3A_761 = arith.andi %get3A_754, %and3A_760 : vector<16xi32>
        %bitcast3A_762 = vector.bitcast %and3A_761 : vector<16xi32> to vector<16xf32>
        %swap3A_763 = arith.constant 0 : i32
        %swap3A_764 = arith.index_cast %swap3A_763 : i32 to index
        %swap3A_765 = arith.index_cast %scan3A_682 : i32 to index
        %swap3A_766 = arith.constant 48 : index
        %swap3A_767 = tpu.vector_load %arg11[%swap3A_764, %swap3A_765, %swap3A_766] {strides = array<i32>} : memref<2x64x128xf32, #tpu.memory_space<vmem>>, vector<16xf32>,
        tpu.vector_store %arg11[%swap3A_764, %swap3A_765, %swap3A_766], %bitcast3A_758 {strides = array<i32>} : memref<2x64x128xf32, #tpu.memory_space<vmem>>, vector<16xf32>,
        %swap3A_768 = arith.constant 0 : i32
        %swap3A_769 = arith.index_cast %swap3A_768 : i32 to index
        %swap3A_770 = arith.index_cast %scan3A_682 : i32 to index
        %swap3A_771 = arith.constant 112 : index
        %swap3A_772 = tpu.vector_load %arg11[%swap3A_769, %swap3A_770, %swap3A_771] {strides = array<i32>} : memref<2x64x128xf32, #tpu.memory_space<vmem>>, vector<16xf32>,
        tpu.vector_store %arg11[%swap3A_769, %swap3A_770, %swap3A_771], %bitcast3A_762 {strides = array<i32>} : memref<2x64x128xf32, #tpu.memory_space<vmem>>, vector<16xf32>,
      }
      %scan3A_551 = arith.constant 64 : i32
      %dma_start3A_552 = arith.constant 0 : i32
      %dma_start3A_553 = arith.constant 0 : i32
      %dma_start3A_554 = arith.constant 0 : i32
      %dma_start3A_555 = arith.constant 0 : i32
      %dma_start3A_556 = arith.constant 0 : i32
      %dma_start3A_557 = tpu.memref_slice %arg11[%dma_start3A_552, %dma_start3A_555, %dma_start3A_556] : memref<2x64x128xf32, #tpu.memory_space<vmem>> -> memref<1x64x128xf32, #tpu.memory_space<vmem>>
      %dma_start3A_558 = tpu.memref_squeeze %dma_start3A_557 : memref<1x64x128xf32, #tpu.memory_space<vmem>> -> memref<64x128xf32, #tpu.memory_space<vmem>>
      %dma_start3A_559 = arith.constant 0 : i32
      %dma_start3A_560 = tpu.memref_slice %arg9[%dma_start3A_553, %dma_start3A_559] : memref<2x64xi32, #tpu.memory_space<vmem>> -> memref<1x64xi32, #tpu.memory_space<vmem>>
      %dma_start3A_561 = tpu.memref_squeeze %dma_start3A_560 : memref<1x64xi32, #tpu.memory_space<vmem>> -> memref<64xi32, #tpu.memory_space<vmem>>
      %dma_start3A_562 = arith.constant 0 : i32
      %dma_start3A_563 = arith.constant 0 : i32
      %dma_start3A_564 = tpu.memref_slice %arg6[%dma_start3A_562, %dma_start3A_563] : memref<10240x128xf32, #tpu.memory_space<vmem_shared>> -> memref<10240x128xf32, #tpu.memory_space<vmem_shared>>
      %dma_start3A_565 = tpu.memref_slice %arg13[%dma_start3A_554] : memref<2x!tpu.dma_semaphore, #tpu.memory_space<semaphore_mem>> -> memref<1x!tpu.dma_semaphore, #tpu.memory_space<semaphore_mem>>
      %dma_start3A_566 = tpu.memref_squeeze %dma_start3A_565 : memref<1x!tpu.dma_semaphore, #tpu.memory_space<semaphore_mem>> -> memref<!tpu.dma_semaphore, #tpu.memory_space<semaphore_mem>>
      tpu.enqueue_indirect_dma source(%dma_start3A_558 : memref<64x128xf32, #tpu.memory_space<vmem>>) target(%dma_start3A_564 : memref<10240x128xf32, #tpu.memory_space<vmem_shared>>) offsets(%dma_start3A_561 : memref<64xi32, #tpu.memory_space<vmem>>) semaphore(%dma_start3A_566 : memref<!tpu.dma_semaphore, #tpu.memory_space<semaphore_mem>>) {add = true}
      %add3A_567 = arith.constant 1 : i32
      %add3A_568 = arith.addi %scan3A_280, %add3A_567 : i32
      %lt3A_569 = arith.constant 40 : i32
      %lt3A_570 = arith.cmpi slt, %add3A_568, %lt3A_569 : i32
      %convert_element_type3A_571 = arith.extui %lt3A_570 : i1 to i32
      %cond3A_572 = arith.constant 0 : i32
      %cond3A_573 = arith.cmpi ne, %convert_element_type3A_571, %cond3A_572 : i32
      scf.if %cond3A_573 {
        %add3A_682 = arith.constant 4 : i32
        %add3A_683 = arith.addi %add3A_469, %add3A_682 : i32
        %get3A_684 = arith.index_cast %add3A_683 : i32 to index
        %get3A_685 = arith.constant 0 : index
        %get3A_686 = tpu.vector_load %arg7[%get3A_684, %get3A_685] {strides = array<i32>} : memref<160x64xi32, #tpu.memory_space<vmem>>, vector<16xi32>,
        %and3A_687 = arith.constant 65535 : i32
        %and3A_688 = vector.broadcast %and3A_687 : i32 to vector<16xi32>
        %and3A_689 = arith.andi %get3A_686, %and3A_688 : vector<16xi32>
        %swap3A_690 = arith.constant 2 : i32
        %swap3A_691 = arith.index_cast %swap3A_690 : i32 to index
        %swap3A_692 = arith.constant 0 : index
        %swap3A_693 = tpu.vector_load %arg8[%swap3A_691, %swap3A_692] {strides = array<i32>} : memref<4x64xi32, #tpu.memory_space<vmem>>, vector<16xi32>,
        tpu.vector_store %arg8[%swap3A_691, %swap3A_692], %and3A_689 {strides = array<i32>} : memref<4x64xi32, #tpu.memory_space<vmem>>, vector<16xi32>,
        %get3A_694 = arith.index_cast %add3A_683 : i32 to index
        %get3A_695 = arith.constant 16 : index
        %get3A_696 = tpu.vector_load %arg7[%get3A_694, %get3A_695] {strides = array<i32>} : memref<160x64xi32, #tpu.memory_space<vmem>>, vector<16xi32>,
        %and3A_697 = arith.constant 65535 : i32
        %and3A_698 = vector.broadcast %and3A_697 : i32 to vector<16xi32>
        %and3A_699 = arith.andi %get3A_696, %and3A_698 : vector<16xi32>
        %swap3A_700 = arith.constant 2 : i32
        %swap3A_701 = arith.index_cast %swap3A_700 : i32 to index
        %swap3A_702 = arith.constant 16 : index
        %swap3A_703 = tpu.vector_load %arg8[%swap3A_701, %swap3A_702] {strides = array<i32>} : memref<4x64xi32, #tpu.memory_space<vmem>>, vector<16xi32>,
        tpu.vector_store %arg8[%swap3A_701, %swap3A_702], %and3A_699 {strides = array<i32>} : memref<4x64xi32, #tpu.memory_space<vmem>>, vector<16xi32>,
        %get3A_704 = arith.index_cast %add3A_683 : i32 to index
        %get3A_705 = arith.constant 32 : index
        %get3A_706 = tpu.vector_load %arg7[%get3A_704, %get3A_705] {strides = array<i32>} : memref<160x64xi32, #tpu.memory_space<vmem>>, vector<16xi32>,
        %and3A_707 = arith.constant 65535 : i32
        %and3A_708 = vector.broadcast %and3A_707 : i32 to vector<16xi32>
        %and3A_709 = arith.andi %get3A_706, %and3A_708 : vector<16xi32>
        %swap3A_710 = arith.constant 2 : i32
        %swap3A_711 = arith.index_cast %swap3A_710 : i32 to index
        %swap3A_712 = arith.constant 32 : index
        %swap3A_713 = tpu.vector_load %arg8[%swap3A_711, %swap3A_712] {strides = array<i32>} : memref<4x64xi32, #tpu.memory_space<vmem>>, vector<16xi32>,
        tpu.vector_store %arg8[%swap3A_711, %swap3A_712], %and3A_709 {strides = array<i32>} : memref<4x64xi32, #tpu.memory_space<vmem>>, vector<16xi32>,
        %get3A_714 = arith.index_cast %add3A_683 : i32 to index
        %get3A_715 = arith.constant 48 : index
        %get3A_716 = tpu.vector_load %arg7[%get3A_714, %get3A_715] {strides = array<i32>} : memref<160x64xi32, #tpu.memory_space<vmem>>, vector<16xi32>,
        %and3A_717 = arith.constant 65535 : i32
        %and3A_718 = vector.broadcast %and3A_717 : i32 to vector<16xi32>
        %and3A_719 = arith.andi %get3A_716, %and3A_718 : vector<16xi32>
        %swap3A_720 = arith.constant 2 : i32
        %swap3A_721 = arith.index_cast %swap3A_720 : i32 to index
        %swap3A_722 = arith.constant 48 : index
        %swap3A_723 = tpu.vector_load %arg8[%swap3A_721, %swap3A_722] {strides = array<i32>} : memref<4x64xi32, #tpu.memory_space<vmem>>, vector<16xi32>,
        tpu.vector_store %arg8[%swap3A_721, %swap3A_722], %and3A_719 {strides = array<i32>} : memref<4x64xi32, #tpu.memory_space<vmem>>, vector<16xi32>,
        %dma_start3A_724 = arith.constant 2 : i32
        %dma_start3A_725 = arith.constant 2 : i32
        %dma_start3A_726 = arith.constant 2 : i32
        %dma_start3A_727 = arith.constant 0 : i32
        %dma_start3A_728 = arith.constant 0 : i32
        %dma_start3A_729 = tpu.memref_slice %arg10[%dma_start3A_725, %dma_start3A_727, %dma_start3A_728] : memref<4x64x64xi32, #tpu.memory_space<vmem>> -> memref<1x64x64xi32, #tpu.memory_space<vmem>>
        %dma_start3A_730 = tpu.memref_squeeze %dma_start3A_729 : memref<1x64x64xi32, #tpu.memory_space<vmem>> -> memref<64x64xi32, #tpu.memory_space<vmem>>
        %dma_start3A_731 = arith.constant 0 : i32
        %dma_start3A_732 = tpu.memref_slice %arg8[%dma_start3A_724, %dma_start3A_731] : memref<4x64xi32, #tpu.memory_space<vmem>> -> memref<1x64xi32, #tpu.memory_space<vmem>>
        %dma_start3A_733 = tpu.memref_squeeze %dma_start3A_732 : memref<1x64xi32, #tpu.memory_space<vmem>> -> memref<64xi32, #tpu.memory_space<vmem>>
        %dma_start3A_734 = arith.constant 0 : i32
        %dma_start3A_735 = arith.constant 0 : i32
        %dma_start3A_736 = tpu.memref_slice %arg2[%dma_start3A_734, %dma_start3A_735] : memref<10240x64xi32, #tpu.memory_space<hbm>> -> memref<10240x64xi32, #tpu.memory_space<hbm>>
        %dma_start3A_737 = tpu.memref_slice %arg12[%dma_start3A_726] : memref<4x!tpu.dma_semaphore, #tpu.memory_space<semaphore_mem>> -> memref<1x!tpu.dma_semaphore, #tpu.memory_space<semaphore_mem>>
        %dma_start3A_738 = tpu.memref_squeeze %dma_start3A_737 : memref<1x!tpu.dma_semaphore, #tpu.memory_space<semaphore_mem>> -> memref<!tpu.dma_semaphore, #tpu.memory_space<semaphore_mem>>
        tpu.enqueue_indirect_dma source(%dma_start3A_736 : memref<10240x64xi32, #tpu.memory_space<hbm>>) target(%dma_start3A_730 : memref<64x64xi32, #tpu.memory_space<vmem>>) offsets(%dma_start3A_733 : memref<64xi32, #tpu.memory_space<vmem>>) semaphore(%dma_start3A_738 : memref<!tpu.dma_semaphore, #tpu.memory_space<semaphore_mem>>)
      } else {
      }
      %mul3A_574 = arith.constant 4 : i32
      %mul3A_575 = arith.muli %scan3A_280, %mul3A_574 : i32
      %add3A_576 = arith.constant 3 : i32
      %add3A_577 = arith.addi %mul3A_575, %add3A_576 : i32
      %dma_wait3A_578 = arith.constant 3 : i32
      %dma_wait3A_579 = arith.constant 3 : i32
      %dma_wait3A_580 = arith.constant 0 : i32
      %dma_wait3A_581 = arith.constant 0 : i32
      %dma_wait3A_582 = tpu.memref_slice %arg10[%dma_wait3A_578, %dma_wait3A_580, %dma_wait3A_581] : memref<4x64x64xi32, #tpu.memory_space<vmem>> -> memref<1x64x64xi32, #tpu.memory_space<vmem>>
      %dma_wait3A_583 = tpu.memref_squeeze %dma_wait3A_582 : memref<1x64x64xi32, #tpu.memory_space<vmem>> -> memref<64x64xi32, #tpu.memory_space<vmem>>
      %dma_wait3A_584 = arith.constant 0 : i32
      %dma_wait3A_585 = arith.constant 0 : i32
      %dma_wait3A_586 = tpu.memref_slice %arg2[%dma_wait3A_584, %dma_wait3A_585] : memref<10240x64xi32, #tpu.memory_space<hbm>> -> memref<64x64xi32, #tpu.memory_space<hbm>>
      %dma_wait3A_587 = tpu.memref_slice %arg12[%dma_wait3A_579] : memref<4x!tpu.dma_semaphore, #tpu.memory_space<semaphore_mem>> -> memref<1x!tpu.dma_semaphore, #tpu.memory_space<semaphore_mem>>
      %dma_wait3A_588 = tpu.memref_squeeze %dma_wait3A_587 : memref<1x!tpu.dma_semaphore, #tpu.memory_space<semaphore_mem>> -> memref<!tpu.dma_semaphore, #tpu.memory_space<semaphore_mem>>
      %dma_wait3A_589 = arith.constant 0 : i32
      %dma_wait3A_590 = arith.constant 0 : i32
      %dma_wait3A_591 = tpu.memref_slice %arg10[%dma_wait3A_578, %dma_wait3A_589, %dma_wait3A_590] : memref<4x64x64xi32, #tpu.memory_space<vmem>> -> memref<1x64x64xi32, #tpu.memory_space<vmem>>
      %dma_wait3A_592 = tpu.memref_squeeze %dma_wait3A_591 : memref<1x64x64xi32, #tpu.memory_space<vmem>> -> memref<64x64xi32, #tpu.memory_space<vmem>>
      %dma_wait3A_593 = arith.constant 0 : i32
      %dma_wait3A_594 = arith.constant 0 : i32
      %dma_wait3A_595 = tpu.memref_slice %arg2[%dma_wait3A_593, %dma_wait3A_594] : memref<10240x64xi32, #tpu.memory_space<hbm>> -> memref<64x64xi32, #tpu.memory_space<hbm>>
      tpu.wait_dma2 semaphore(%dma_wait3A_588 : memref<!tpu.dma_semaphore, #tpu.memory_space<semaphore_mem>>) src(%dma_wait3A_595 : memref<64x64xi32, #tpu.memory_space<hbm>>) dst(%dma_wait3A_592 : memref<64x64xi32, #tpu.memory_space<vmem>>)
      %dma_wait3A_596 = arith.constant 1 : i32
      %dma_wait3A_597 = arith.constant 1 : i32
      %dma_wait3A_598 = arith.constant 0 : i32
      %dma_wait3A_599 = arith.constant 0 : i32
      %dma_wait3A_600 = tpu.memref_slice %arg11[%dma_wait3A_596, %dma_wait3A_598, %dma_wait3A_599] : memref<2x64x128xf32, #tpu.memory_space<vmem>> -> memref<1x64x128xf32, #tpu.memory_space<vmem>>
      %dma_wait3A_601 = tpu.memref_squeeze %dma_wait3A_600 : memref<1x64x128xf32, #tpu.memory_space<vmem>> -> memref<64x128xf32, #tpu.memory_space<vmem>>
      %dma_wait3A_602 = arith.constant 0 : i32
      %dma_wait3A_603 = arith.constant 0 : i32
      %dma_wait3A_604 = tpu.memref_slice %arg6[%dma_wait3A_602, %dma_wait3A_603] : memref<10240x128xf32, #tpu.memory_space<vmem_shared>> -> memref<64x128xf32, #tpu.memory_space<vmem_shared>>
      %dma_wait3A_605 = tpu.memref_slice %arg13[%dma_wait3A_597] : memref<2x!tpu.dma_semaphore, #tpu.memory_space<semaphore_mem>> -> memref<1x!tpu.dma_semaphore, #tpu.memory_space<semaphore_mem>>
      %dma_wait3A_606 = tpu.memref_squeeze %dma_wait3A_605 : memref<1x!tpu.dma_semaphore, #tpu.memory_space<semaphore_mem>> -> memref<!tpu.dma_semaphore, #tpu.memory_space<semaphore_mem>>
      %dma_wait3A_607 = arith.constant 0 : i32
      %dma_wait3A_608 = arith.constant 0 : i32
      %dma_wait3A_609 = tpu.memref_slice %arg6[%dma_wait3A_607, %dma_wait3A_608] : memref<10240x128xf32, #tpu.memory_space<vmem_shared>> -> memref<64x128xf32, #tpu.memory_space<vmem_shared>>
      %dma_wait3A_610 = arith.constant 0 : i32
      %dma_wait3A_611 = arith.constant 0 : i32
      %dma_wait3A_612 = tpu.memref_slice %arg11[%dma_wait3A_596, %dma_wait3A_610, %dma_wait3A_611] : memref<2x64x128xf32, #tpu.memory_space<vmem>> -> memref<1x64x128xf32, #tpu.memory_space<vmem>>
      %dma_wait3A_613 = tpu.memref_squeeze %dma_wait3A_612 : memref<1x64x128xf32, #tpu.memory_space<vmem>> -> memref<64x128xf32, #tpu.memory_space<vmem>>
      tpu.wait_dma2 semaphore(%dma_wait3A_606 : memref<!tpu.dma_semaphore, #tpu.memory_space<semaphore_mem>>) src(%dma_wait3A_613 : memref<64x128xf32, #tpu.memory_space<vmem>>) dst(%dma_wait3A_609 : memref<64x128xf32, #tpu.memory_space<vmem_shared>>)
      %get3A_614 = arith.index_cast %add3A_577 : i32 to index
      %get3A_615 = arith.constant 0 : index
      %get3A_616 = tpu.vector_load %arg7[%get3A_614, %get3A_615] {strides = array<i32>} : memref<160x64xi32, #tpu.memory_space<vmem>>, vector<16xi32>,
      %shift_right_logical3A_617 = arith.constant 16 : i32
      %shift_right_logical3A_618 = vector.broadcast %shift_right_logical3A_617 : i32 to vector<16xi32>
      %shift_right_logical3A_619 = arith.shrui %get3A_616, %shift_right_logical3A_618 : vector<16xi32>
      %swap3A_620 = arith.constant 1 : i32
      %swap3A_621 = arith.index_cast %swap3A_620 : i32 to index
      %swap3A_622 = arith.constant 0 : index
      %swap3A_623 = tpu.vector_load %arg9[%swap3A_621, %swap3A_622] {strides = array<i32>} : memref<2x64xi32, #tpu.memory_space<vmem>>, vector<16xi32>,
      tpu.vector_store %arg9[%swap3A_621, %swap3A_622], %shift_right_logical3A_619 {strides = array<i32>} : memref<2x64xi32, #tpu.memory_space<vmem>>, vector<16xi32>,
      %get3A_624 = arith.index_cast %add3A_577 : i32 to index
      %get3A_625 = arith.constant 16 : index
      %get3A_626 = tpu.vector_load %arg7[%get3A_624, %get3A_625] {strides = array<i32>} : memref<160x64xi32, #tpu.memory_space<vmem>>, vector<16xi32>,
      %shift_right_logical3A_627 = arith.constant 16 : i32
      %shift_right_logical3A_628 = vector.broadcast %shift_right_logical3A_627 : i32 to vector<16xi32>
      %shift_right_logical3A_629 = arith.shrui %get3A_626, %shift_right_logical3A_628 : vector<16xi32>
      %swap3A_630 = arith.constant 1 : i32
      %swap3A_631 = arith.index_cast %swap3A_630 : i32 to index
      %swap3A_632 = arith.constant 16 : index
      %swap3A_633 = tpu.vector_load %arg9[%swap3A_631, %swap3A_632] {strides = array<i32>} : memref<2x64xi32, #tpu.memory_space<vmem>>, vector<16xi32>,
      tpu.vector_store %arg9[%swap3A_631, %swap3A_632], %shift_right_logical3A_629 {strides = array<i32>} : memref<2x64xi32, #tpu.memory_space<vmem>>, vector<16xi32>,
      %get3A_634 = arith.index_cast %add3A_577 : i32 to index
      %get3A_635 = arith.constant 32 : index
      %get3A_636 = tpu.vector_load %arg7[%get3A_634, %get3A_635] {strides = array<i32>} : memref<160x64xi32, #tpu.memory_space<vmem>>, vector<16xi32>,
      %shift_right_logical3A_637 = arith.constant 16 : i32
      %shift_right_logical3A_638 = vector.broadcast %shift_right_logical3A_637 : i32 to vector<16xi32>
      %shift_right_logical3A_639 = arith.shrui %get3A_636, %shift_right_logical3A_638 : vector<16xi32>
      %swap3A_640 = arith.constant 1 : i32
      %swap3A_641 = arith.index_cast %swap3A_640 : i32 to index
      %swap3A_642 = arith.constant 32 : index
      %swap3A_643 = tpu.vector_load %arg9[%swap3A_641, %swap3A_642] {strides = array<i32>} : memref<2x64xi32, #tpu.memory_space<vmem>>, vector<16xi32>,
      tpu.vector_store %arg9[%swap3A_641, %swap3A_642], %shift_right_logical3A_639 {strides = array<i32>} : memref<2x64xi32, #tpu.memory_space<vmem>>, vector<16xi32>,
      %get3A_644 = arith.index_cast %add3A_577 : i32 to index
      %get3A_645 = arith.constant 48 : index
      %get3A_646 = tpu.vector_load %arg7[%get3A_644, %get3A_645] {strides = array<i32>} : memref<160x64xi32, #tpu.memory_space<vmem>>, vector<16xi32>,
      %shift_right_logical3A_647 = arith.constant 16 : i32
      %shift_right_logical3A_648 = vector.broadcast %shift_right_logical3A_647 : i32 to vector<16xi32>
      %shift_right_logical3A_649 = arith.shrui %get3A_646, %shift_right_logical3A_648 : vector<16xi32>
      %swap3A_650 = arith.constant 1 : i32
      %swap3A_651 = arith.index_cast %swap3A_650 : i32 to index
      %swap3A_652 = arith.constant 48 : index
      %swap3A_653 = tpu.vector_load %arg9[%swap3A_651, %swap3A_652] {strides = array<i32>} : memref<2x64xi32, #tpu.memory_space<vmem>>, vector<16xi32>,
      tpu.vector_store %arg9[%swap3A_651, %swap3A_652], %shift_right_logical3A_649 {strides = array<i32>} : memref<2x64xi32, #tpu.memory_space<vmem>>, vector<16xi32>,
      %scan3A_654 = arith.constant 0 : i32
      %scan3A_655 = arith.constant 0 : i32
      %scan3A_656 = arith.constant 64 : i32
      %scan3A_657 = arith.addi %scan3A_655, %scan3A_656 : i32
      %scan3A_658 = arith.constant 1 : i32
      scf.for %scan3A_682 = %scan3A_655 to %scan3A_657 step %scan3A_658  : i32 {
        %get3A_683 = arith.constant 3 : i32
        %get3A_684 = arith.index_cast %get3A_683 : i32 to index
        %get3A_685 = arith.index_cast %scan3A_682 : i32 to index
        %get3A_686 = arith.constant 0 : index
        %get3A_687 = tpu.vector_load %arg10[%get3A_684, %get3A_685, %get3A_686] {strides = array<i32>} : memref<4x64x64xi32, #tpu.memory_space<vmem>>, vector<16xi32>,
        %shift_left3A = arith.constant 16 : i32
        %shift_left3A_688 = vector.broadcast %shift_left3A : i32 to vector<16xi32>
        %shift_left3A_689 = arith.shli %get3A_687, %shift_left3A_688 : vector<16xi32>
        %bitcast3A = vector.bitcast %shift_left3A_689 : vector<16xi32> to vector<16xf32>
        %and3A_690 = arith.constant -65536 : i32
        %and3A_691 = vector.broadcast %and3A_690 : i32 to vector<16xi32>
        %and3A_692 = arith.andi %get3A_687, %and3A_691 : vector<16xi32>
        %bitcast3A_693 = vector.bitcast %and3A_692 : vector<16xi32> to vector<16xf32>
        %swap3A_694 = arith.constant 1 : i32
        %swap3A_695 = arith.index_cast %swap3A_694 : i32 to index
        %swap3A_696 = arith.index_cast %scan3A_682 : i32 to index
        %swap3A_697 = arith.constant 0 : index
        %swap3A_698 = tpu.vector_load %arg11[%swap3A_695, %swap3A_696, %swap3A_697] {strides = array<i32>} : memref<2x64x128xf32, #tpu.memory_space<vmem>>, vector<16xf32>,
        tpu.vector_store %arg11[%swap3A_695, %swap3A_696, %swap3A_697], %bitcast3A {strides = array<i32>} : memref<2x64x128xf32, #tpu.memory_space<vmem>>, vector<16xf32>,
        %swap3A_699 = arith.constant 1 : i32
        %swap3A_700 = arith.index_cast %swap3A_699 : i32 to index
        %swap3A_701 = arith.index_cast %scan3A_682 : i32 to index
        %swap3A_702 = arith.constant 64 : index
        %swap3A_703 = tpu.vector_load %arg11[%swap3A_700, %swap3A_701, %swap3A_702] {strides = array<i32>} : memref<2x64x128xf32, #tpu.memory_space<vmem>>, vector<16xf32>,
        tpu.vector_store %arg11[%swap3A_700, %swap3A_701, %swap3A_702], %bitcast3A_693 {strides = array<i32>} : memref<2x64x128xf32, #tpu.memory_space<vmem>>, vector<16xf32>,
        %get3A_704 = arith.constant 3 : i32
        %get3A_705 = arith.index_cast %get3A_704 : i32 to index
        %get3A_706 = arith.index_cast %scan3A_682 : i32 to index
        %get3A_707 = arith.constant 16 : index
        %get3A_708 = tpu.vector_load %arg10[%get3A_705, %get3A_706, %get3A_707] {strides = array<i32>} : memref<4x64x64xi32, #tpu.memory_space<vmem>>, vector<16xi32>,
        %shift_left3A_709 = arith.constant 16 : i32
        %shift_left3A_710 = vector.broadcast %shift_left3A_709 : i32 to vector<16xi32>
        %shift_left3A_711 = arith.shli %get3A_708, %shift_left3A_710 : vector<16xi32>
        %bitcast3A_712 = vector.bitcast %shift_left3A_711 : vector<16xi32> to vector<16xf32>
        %and3A_713 = arith.constant -65536 : i32
        %and3A_714 = vector.broadcast %and3A_713 : i32 to vector<16xi32>
        %and3A_715 = arith.andi %get3A_708, %and3A_714 : vector<16xi32>
        %bitcast3A_716 = vector.bitcast %and3A_715 : vector<16xi32> to vector<16xf32>
        %swap3A_717 = arith.constant 1 : i32
        %swap3A_718 = arith.index_cast %swap3A_717 : i32 to index
        %swap3A_719 = arith.index_cast %scan3A_682 : i32 to index
        %swap3A_720 = arith.constant 16 : index
        %swap3A_721 = tpu.vector_load %arg11[%swap3A_718, %swap3A_719, %swap3A_720] {strides = array<i32>} : memref<2x64x128xf32, #tpu.memory_space<vmem>>, vector<16xf32>,
        tpu.vector_store %arg11[%swap3A_718, %swap3A_719, %swap3A_720], %bitcast3A_712 {strides = array<i32>} : memref<2x64x128xf32, #tpu.memory_space<vmem>>, vector<16xf32>,
        %swap3A_722 = arith.constant 1 : i32
        %swap3A_723 = arith.index_cast %swap3A_722 : i32 to index
        %swap3A_724 = arith.index_cast %scan3A_682 : i32 to index
        %swap3A_725 = arith.constant 80 : index
        %swap3A_726 = tpu.vector_load %arg11[%swap3A_723, %swap3A_724, %swap3A_725] {strides = array<i32>} : memref<2x64x128xf32, #tpu.memory_space<vmem>>, vector<16xf32>,
        tpu.vector_store %arg11[%swap3A_723, %swap3A_724, %swap3A_725], %bitcast3A_716 {strides = array<i32>} : memref<2x64x128xf32, #tpu.memory_space<vmem>>, vector<16xf32>,
        %get3A_727 = arith.constant 3 : i32
        %get3A_728 = arith.index_cast %get3A_727 : i32 to index
        %get3A_729 = arith.index_cast %scan3A_682 : i32 to index
        %get3A_730 = arith.constant 32 : index
        %get3A_731 = tpu.vector_load %arg10[%get3A_728, %get3A_729, %get3A_730] {strides = array<i32>} : memref<4x64x64xi32, #tpu.memory_space<vmem>>, vector<16xi32>,
        %shift_left3A_732 = arith.constant 16 : i32
        %shift_left3A_733 = vector.broadcast %shift_left3A_732 : i32 to vector<16xi32>
        %shift_left3A_734 = arith.shli %get3A_731, %shift_left3A_733 : vector<16xi32>
        %bitcast3A_735 = vector.bitcast %shift_left3A_734 : vector<16xi32> to vector<16xf32>
        %and3A_736 = arith.constant -65536 : i32
        %and3A_737 = vector.broadcast %and3A_736 : i32 to vector<16xi32>
        %and3A_738 = arith.andi %get3A_731, %and3A_737 : vector<16xi32>
        %bitcast3A_739 = vector.bitcast %and3A_738 : vector<16xi32> to vector<16xf32>
        %swap3A_740 = arith.constant 1 : i32
        %swap3A_741 = arith.index_cast %swap3A_740 : i32 to index
        %swap3A_742 = arith.index_cast %scan3A_682 : i32 to index
        %swap3A_743 = arith.constant 32 : index
        %swap3A_744 = tpu.vector_load %arg11[%swap3A_741, %swap3A_742, %swap3A_743] {strides = array<i32>} : memref<2x64x128xf32, #tpu.memory_space<vmem>>, vector<16xf32>,
        tpu.vector_store %arg11[%swap3A_741, %swap3A_742, %swap3A_743], %bitcast3A_735 {strides = array<i32>} : memref<2x64x128xf32, #tpu.memory_space<vmem>>, vector<16xf32>,
        %swap3A_745 = arith.constant 1 : i32
        %swap3A_746 = arith.index_cast %swap3A_745 : i32 to index
        %swap3A_747 = arith.index_cast %scan3A_682 : i32 to index
        %swap3A_748 = arith.constant 96 : index
        %swap3A_749 = tpu.vector_load %arg11[%swap3A_746, %swap3A_747, %swap3A_748] {strides = array<i32>} : memref<2x64x128xf32, #tpu.memory_space<vmem>>, vector<16xf32>,
        tpu.vector_store %arg11[%swap3A_746, %swap3A_747, %swap3A_748], %bitcast3A_739 {strides = array<i32>} : memref<2x64x128xf32, #tpu.memory_space<vmem>>, vector<16xf32>,
        %get3A_750 = arith.constant 3 : i32
        %get3A_751 = arith.index_cast %get3A_750 : i32 to index
        %get3A_752 = arith.index_cast %scan3A_682 : i32 to index
        %get3A_753 = arith.constant 48 : index
        %get3A_754 = tpu.vector_load %arg10[%get3A_751, %get3A_752, %get3A_753] {strides = array<i32>} : memref<4x64x64xi32, #tpu.memory_space<vmem>>, vector<16xi32>,
        %shift_left3A_755 = arith.constant 16 : i32
        %shift_left3A_756 = vector.broadcast %shift_left3A_755 : i32 to vector<16xi32>
        %shift_left3A_757 = arith.shli %get3A_754, %shift_left3A_756 : vector<16xi32>
        %bitcast3A_758 = vector.bitcast %shift_left3A_757 : vector<16xi32> to vector<16xf32>
        %and3A_759 = arith.constant -65536 : i32
        %and3A_760 = vector.broadcast %and3A_759 : i32 to vector<16xi32>
        %and3A_761 = arith.andi %get3A_754, %and3A_760 : vector<16xi32>
        %bitcast3A_762 = vector.bitcast %and3A_761 : vector<16xi32> to vector<16xf32>
        %swap3A_763 = arith.constant 1 : i32
        %swap3A_764 = arith.index_cast %swap3A_763 : i32 to index
        %swap3A_765 = arith.index_cast %scan3A_682 : i32 to index
        %swap3A_766 = arith.constant 48 : index
        %swap3A_767 = tpu.vector_load %arg11[%swap3A_764, %swap3A_765, %swap3A_766] {strides = array<i32>} : memref<2x64x128xf32, #tpu.memory_space<vmem>>, vector<16xf32>,
        tpu.vector_store %arg11[%swap3A_764, %swap3A_765, %swap3A_766], %bitcast3A_758 {strides = array<i32>} : memref<2x64x128xf32, #tpu.memory_space<vmem>>, vector<16xf32>,
        %swap3A_768 = arith.constant 1 : i32
        %swap3A_769 = arith.index_cast %swap3A_768 : i32 to index
        %swap3A_770 = arith.index_cast %scan3A_682 : i32 to index
        %swap3A_771 = arith.constant 112 : index
        %swap3A_772 = tpu.vector_load %arg11[%swap3A_769, %swap3A_770, %swap3A_771] {strides = array<i32>} : memref<2x64x128xf32, #tpu.memory_space<vmem>>, vector<16xf32>,
        tpu.vector_store %arg11[%swap3A_769, %swap3A_770, %swap3A_771], %bitcast3A_762 {strides = array<i32>} : memref<2x64x128xf32, #tpu.memory_space<vmem>>, vector<16xf32>,
      }
      %scan3A_659 = arith.constant 64 : i32
      %dma_start3A_660 = arith.constant 1 : i32
      %dma_start3A_661 = arith.constant 1 : i32
      %dma_start3A_662 = arith.constant 1 : i32
      %dma_start3A_663 = arith.constant 0 : i32
      %dma_start3A_664 = arith.constant 0 : i32
      %dma_start3A_665 = tpu.memref_slice %arg11[%dma_start3A_660, %dma_start3A_663, %dma_start3A_664] : memref<2x64x128xf32, #tpu.memory_space<vmem>> -> memref<1x64x128xf32, #tpu.memory_space<vmem>>
      %dma_start3A_666 = tpu.memref_squeeze %dma_start3A_665 : memref<1x64x128xf32, #tpu.memory_space<vmem>> -> memref<64x128xf32, #tpu.memory_space<vmem>>
      %dma_start3A_667 = arith.constant 0 : i32
      %dma_start3A_668 = tpu.memref_slice %arg9[%dma_start3A_661, %dma_start3A_667] : memref<2x64xi32, #tpu.memory_space<vmem>> -> memref<1x64xi32, #tpu.memory_space<vmem>>
      %dma_start3A_669 = tpu.memref_squeeze %dma_start3A_668 : memref<1x64xi32, #tpu.memory_space<vmem>> -> memref<64xi32, #tpu.memory_space<vmem>>
      %dma_start3A_670 = arith.constant 0 : i32
      %dma_start3A_671 = arith.constant 0 : i32
      %dma_start3A_672 = tpu.memref_slice %arg6[%dma_start3A_670, %dma_start3A_671] : memref<10240x128xf32, #tpu.memory_space<vmem_shared>> -> memref<10240x128xf32, #tpu.memory_space<vmem_shared>>
      %dma_start3A_673 = tpu.memref_slice %arg13[%dma_start3A_662] : memref<2x!tpu.dma_semaphore, #tpu.memory_space<semaphore_mem>> -> memref<1x!tpu.dma_semaphore, #tpu.memory_space<semaphore_mem>>
      %dma_start3A_674 = tpu.memref_squeeze %dma_start3A_673 : memref<1x!tpu.dma_semaphore, #tpu.memory_space<semaphore_mem>> -> memref<!tpu.dma_semaphore, #tpu.memory_space<semaphore_mem>>
      tpu.enqueue_indirect_dma source(%dma_start3A_666 : memref<64x128xf32, #tpu.memory_space<vmem>>) target(%dma_start3A_672 : memref<10240x128xf32, #tpu.memory_space<vmem_shared>>) offsets(%dma_start3A_669 : memref<64xi32, #tpu.memory_space<vmem>>) semaphore(%dma_start3A_674 : memref<!tpu.dma_semaphore, #tpu.memory_space<semaphore_mem>>) {add = true}
      %add3A_675 = arith.constant 1 : i32
      %add3A_676 = arith.addi %scan3A_280, %add3A_675 : i32
      %lt3A_677 = arith.constant 40 : i32
      %lt3A_678 = arith.cmpi slt, %add3A_676, %lt3A_677 : i32
      %convert_element_type3A_679 = arith.extui %lt3A_678 : i1 to i32
      %cond3A_680 = arith.constant 0 : i32
      %cond3A_681 = arith.cmpi ne, %convert_element_type3A_679, %cond3A_680 : i32
      scf.if %cond3A_681 {
        %add3A_682 = arith.constant 4 : i32
        %add3A_683 = arith.addi %add3A_577, %add3A_682 : i32
        %get3A_684 = arith.index_cast %add3A_683 : i32 to index
        %get3A_685 = arith.constant 0 : index
        %get3A_686 = tpu.vector_load %arg7[%get3A_684, %get3A_685] {strides = array<i32>} : memref<160x64xi32, #tpu.memory_space<vmem>>, vector<16xi32>,
        %and3A_687 = arith.constant 65535 : i32
        %and3A_688 = vector.broadcast %and3A_687 : i32 to vector<16xi32>
        %and3A_689 = arith.andi %get3A_686, %and3A_688 : vector<16xi32>
        %swap3A_690 = arith.constant 3 : i32
        %swap3A_691 = arith.index_cast %swap3A_690 : i32 to index
        %swap3A_692 = arith.constant 0 : index
        %swap3A_693 = tpu.vector_load %arg8[%swap3A_691, %swap3A_692] {strides = array<i32>} : memref<4x64xi32, #tpu.memory_space<vmem>>, vector<16xi32>,
        tpu.vector_store %arg8[%swap3A_691, %swap3A_692], %and3A_689 {strides = array<i32>} : memref<4x64xi32, #tpu.memory_space<vmem>>, vector<16xi32>,
        %get3A_694 = arith.index_cast %add3A_683 : i32 to index
        %get3A_695 = arith.constant 16 : index
        %get3A_696 = tpu.vector_load %arg7[%get3A_694, %get3A_695] {strides = array<i32>} : memref<160x64xi32, #tpu.memory_space<vmem>>, vector<16xi32>,
        %and3A_697 = arith.constant 65535 : i32
        %and3A_698 = vector.broadcast %and3A_697 : i32 to vector<16xi32>
        %and3A_699 = arith.andi %get3A_696, %and3A_698 : vector<16xi32>
        %swap3A_700 = arith.constant 3 : i32
        %swap3A_701 = arith.index_cast %swap3A_700 : i32 to index
        %swap3A_702 = arith.constant 16 : index
        %swap3A_703 = tpu.vector_load %arg8[%swap3A_701, %swap3A_702] {strides = array<i32>} : memref<4x64xi32, #tpu.memory_space<vmem>>, vector<16xi32>,
        tpu.vector_store %arg8[%swap3A_701, %swap3A_702], %and3A_699 {strides = array<i32>} : memref<4x64xi32, #tpu.memory_space<vmem>>, vector<16xi32>,
        %get3A_704 = arith.index_cast %add3A_683 : i32 to index
        %get3A_705 = arith.constant 32 : index
        %get3A_706 = tpu.vector_load %arg7[%get3A_704, %get3A_705] {strides = array<i32>} : memref<160x64xi32, #tpu.memory_space<vmem>>, vector<16xi32>,
        %and3A_707 = arith.constant 65535 : i32
        %and3A_708 = vector.broadcast %and3A_707 : i32 to vector<16xi32>
        %and3A_709 = arith.andi %get3A_706, %and3A_708 : vector<16xi32>
        %swap3A_710 = arith.constant 3 : i32
        %swap3A_711 = arith.index_cast %swap3A_710 : i32 to index
        %swap3A_712 = arith.constant 32 : index
        %swap3A_713 = tpu.vector_load %arg8[%swap3A_711, %swap3A_712] {strides = array<i32>} : memref<4x64xi32, #tpu.memory_space<vmem>>, vector<16xi32>,
        tpu.vector_store %arg8[%swap3A_711, %swap3A_712], %and3A_709 {strides = array<i32>} : memref<4x64xi32, #tpu.memory_space<vmem>>, vector<16xi32>,
        %get3A_714 = arith.index_cast %add3A_683 : i32 to index
        %get3A_715 = arith.constant 48 : index
        %get3A_716 = tpu.vector_load %arg7[%get3A_714, %get3A_715] {strides = array<i32>} : memref<160x64xi32, #tpu.memory_space<vmem>>, vector<16xi32>,
        %and3A_717 = arith.constant 65535 : i32
        %and3A_718 = vector.broadcast %and3A_717 : i32 to vector<16xi32>
        %and3A_719 = arith.andi %get3A_716, %and3A_718 : vector<16xi32>
        %swap3A_720 = arith.constant 3 : i32
        %swap3A_721 = arith.index_cast %swap3A_720 : i32 to index
        %swap3A_722 = arith.constant 48 : index
        %swap3A_723 = tpu.vector_load %arg8[%swap3A_721, %swap3A_722] {strides = array<i32>} : memref<4x64xi32, #tpu.memory_space<vmem>>, vector<16xi32>,
        tpu.vector_store %arg8[%swap3A_721, %swap3A_722], %and3A_719 {strides = array<i32>} : memref<4x64xi32, #tpu.memory_space<vmem>>, vector<16xi32>,
        %dma_start3A_724 = arith.constant 3 : i32
        %dma_start3A_725 = arith.constant 3 : i32
        %dma_start3A_726 = arith.constant 3 : i32
        %dma_start3A_727 = arith.constant 0 : i32
        %dma_start3A_728 = arith.constant 0 : i32
        %dma_start3A_729 = tpu.memref_slice %arg10[%dma_start3A_725, %dma_start3A_727, %dma_start3A_728] : memref<4x64x64xi32, #tpu.memory_space<vmem>> -> memref<1x64x64xi32, #tpu.memory_space<vmem>>
        %dma_start3A_730 = tpu.memref_squeeze %dma_start3A_729 : memref<1x64x64xi32, #tpu.memory_space<vmem>> -> memref<64x64xi32, #tpu.memory_space<vmem>>
        %dma_start3A_731 = arith.constant 0 : i32
        %dma_start3A_732 = tpu.memref_slice %arg8[%dma_start3A_724, %dma_start3A_731] : memref<4x64xi32, #tpu.memory_space<vmem>> -> memref<1x64xi32, #tpu.memory_space<vmem>>
        %dma_start3A_733 = tpu.memref_squeeze %dma_start3A_732 : memref<1x64xi32, #tpu.memory_space<vmem>> -> memref<64xi32, #tpu.memory_space<vmem>>
        %dma_start3A_734 = arith.constant 0 : i32
        %dma_start3A_735 = arith.constant 0 : i32
        %dma_start3A_736 = tpu.memref_slice %arg2[%dma_start3A_734, %dma_start3A_735] : memref<10240x64xi32, #tpu.memory_space<hbm>> -> memref<10240x64xi32, #tpu.memory_space<hbm>>
        %dma_start3A_737 = tpu.memref_slice %arg12[%dma_start3A_726] : memref<4x!tpu.dma_semaphore, #tpu.memory_space<semaphore_mem>> -> memref<1x!tpu.dma_semaphore, #tpu.memory_space<semaphore_mem>>
        %dma_start3A_738 = tpu.memref_squeeze %dma_start3A_737 : memref<1x!tpu.dma_semaphore, #tpu.memory_space<semaphore_mem>> -> memref<!tpu.dma_semaphore, #tpu.memory_space<semaphore_mem>>
        tpu.enqueue_indirect_dma source(%dma_start3A_736 : memref<10240x64xi32, #tpu.memory_space<hbm>>) target(%dma_start3A_730 : memref<64x64xi32, #tpu.memory_space<vmem>>) offsets(%dma_start3A_733 : memref<64xi32, #tpu.memory_space<vmem>>) semaphore(%dma_start3A_738 : memref<!tpu.dma_semaphore, #tpu.memory_space<semaphore_mem>>)
      } else {
      }
    }
    %scan3A_239 = arith.constant 40 : i32
    %dma_wait3A = arith.constant 0 : i32
    %dma_wait3A_240 = arith.constant 0 : i32
    %dma_wait3A_241 = arith.constant 0 : i32
    %dma_wait3A_242 = arith.constant 0 : i32
    %dma_wait3A_243 = tpu.memref_slice %arg11[%dma_wait3A, %dma_wait3A_241, %dma_wait3A_242] : memref<2x64x128xf32, #tpu.memory_space<vmem>> -> memref<1x64x128xf32, #tpu.memory_space<vmem>>
    %dma_wait3A_244 = tpu.memref_squeeze %dma_wait3A_243 : memref<1x64x128xf32, #tpu.memory_space<vmem>> -> memref<64x128xf32, #tpu.memory_space<vmem>>
    %dma_wait3A_245 = arith.constant 0 : i32
    %dma_wait3A_246 = arith.constant 0 : i32
    %dma_wait3A_247 = tpu.memref_slice %arg6[%dma_wait3A_245, %dma_wait3A_246] : memref<10240x128xf32, #tpu.memory_space<vmem_shared>> -> memref<64x128xf32, #tpu.memory_space<vmem_shared>>
    %dma_wait3A_248 = tpu.memref_slice %arg13[%dma_wait3A_240] : memref<2x!tpu.dma_semaphore, #tpu.memory_space<semaphore_mem>> -> memref<1x!tpu.dma_semaphore, #tpu.memory_space<semaphore_mem>>
    %dma_wait3A_249 = tpu.memref_squeeze %dma_wait3A_248 : memref<1x!tpu.dma_semaphore, #tpu.memory_space<semaphore_mem>> -> memref<!tpu.dma_semaphore, #tpu.memory_space<semaphore_mem>>
    %dma_wait3A_250 = arith.constant 0 : i32
    %dma_wait3A_251 = arith.constant 0 : i32
    %dma_wait3A_252 = tpu.memref_slice %arg6[%dma_wait3A_250, %dma_wait3A_251] : memref<10240x128xf32, #tpu.memory_space<vmem_shared>> -> memref<64x128xf32, #tpu.memory_space<vmem_shared>>
    %dma_wait3A_253 = arith.constant 0 : i32
    %dma_wait3A_254 = arith.constant 0 : i32
    %dma_wait3A_255 = tpu.memref_slice %arg11[%dma_wait3A, %dma_wait3A_253, %dma_wait3A_254] : memref<2x64x128xf32, #tpu.memory_space<vmem>> -> memref<1x64x128xf32, #tpu.memory_space<vmem>>
    %dma_wait3A_256 = tpu.memref_squeeze %dma_wait3A_255 : memref<1x64x128xf32, #tpu.memory_space<vmem>> -> memref<64x128xf32, #tpu.memory_space<vmem>>
    tpu.wait_dma2 semaphore(%dma_wait3A_249 : memref<!tpu.dma_semaphore, #tpu.memory_space<semaphore_mem>>) src(%dma_wait3A_256 : memref<64x128xf32, #tpu.memory_space<vmem>>) dst(%dma_wait3A_252 : memref<64x128xf32, #tpu.memory_space<vmem_shared>>)
    %dma_wait3A_257 = arith.constant 1 : i32
    %dma_wait3A_258 = arith.constant 1 : i32
    %dma_wait3A_259 = arith.constant 0 : i32
    %dma_wait3A_260 = arith.constant 0 : i32
    %dma_wait3A_261 = tpu.memref_slice %arg11[%dma_wait3A_257, %dma_wait3A_259, %dma_wait3A_260] : memref<2x64x128xf32, #tpu.memory_space<vmem>> -> memref<1x64x128xf32, #tpu.memory_space<vmem>>
    %dma_wait3A_262 = tpu.memref_squeeze %dma_wait3A_261 : memref<1x64x128xf32, #tpu.memory_space<vmem>> -> memref<64x128xf32, #tpu.memory_space<vmem>>
    %dma_wait3A_263 = arith.constant 0 : i32
    %dma_wait3A_264 = arith.constant 0 : i32
    %dma_wait3A_265 = tpu.memref_slice %arg6[%dma_wait3A_263, %dma_wait3A_264] : memref<10240x128xf32, #tpu.memory_space<vmem_shared>> -> memref<64x128xf32, #tpu.memory_space<vmem_shared>>
    %dma_wait3A_266 = tpu.memref_slice %arg13[%dma_wait3A_258] : memref<2x!tpu.dma_semaphore, #tpu.memory_space<semaphore_mem>> -> memref<1x!tpu.dma_semaphore, #tpu.memory_space<semaphore_mem>>
    %dma_wait3A_267 = tpu.memref_squeeze %dma_wait3A_266 : memref<1x!tpu.dma_semaphore, #tpu.memory_space<semaphore_mem>> -> memref<!tpu.dma_semaphore, #tpu.memory_space<semaphore_mem>>
    %dma_wait3A_268 = arith.constant 0 : i32
    %dma_wait3A_269 = arith.constant 0 : i32
    %dma_wait3A_270 = tpu.memref_slice %arg6[%dma_wait3A_268, %dma_wait3A_269] : memref<10240x128xf32, #tpu.memory_space<vmem_shared>> -> memref<64x128xf32, #tpu.memory_space<vmem_shared>>
    %dma_wait3A_271 = arith.constant 0 : i32
    %dma_wait3A_272 = arith.constant 0 : i32
    %dma_wait3A_273 = tpu.memref_slice %arg11[%dma_wait3A_257, %dma_wait3A_271, %dma_wait3A_272] : memref<2x64x128xf32, #tpu.memory_space<vmem>> -> memref<1x64x128xf32, #tpu.memory_space<vmem>>
    %dma_wait3A_274 = tpu.memref_squeeze %dma_wait3A_273 : memref<1x64x128xf32, #tpu.memory_space<vmem>> -> memref<64x128xf32, #tpu.memory_space<vmem>>
    tpu.wait_dma2 semaphore(%dma_wait3A_267 : memref<!tpu.dma_semaphore, #tpu.memory_space<semaphore_mem>>) src(%dma_wait3A_274 : memref<64x128xf32, #tpu.memory_space<vmem>>) dst(%dma_wait3A_270 : memref<64x128xf32, #tpu.memory_space<vmem_shared>>)
    %barrier3A_275 = arith.constant 0 : index
    tpu.barrier barrier_id(%barrier3A_275)
    %mul3A_276 = arith.constant 640 : i32
    %mul3A_277 = arith.muli %arg1, %mul3A_276 : i32
    %mul3A_278 = arith.constant 640 : i32
    %mul3A_279 = arith.muli %arg1, %mul3A_278 : i32
    "tpu.region"() ({
      %run_scoped3A = tpu.sem_alloc : memref<!tpu.dma_semaphore, #tpu.memory_space<semaphore_mem>>
      %dma_start3A_280 = arith.constant 0 : i32
      %dma_start3A_281 = tpu.memref_slice %arg5[%arg0, %mul3A_279, %dma_start3A_280] : memref<2x10240x128xf32, #tpu.memory_space<hbm>> -> memref<1x640x128xf32, #tpu.memory_space<hbm>>
      %dma_start3A_282 = tpu.memref_squeeze %dma_start3A_281 : memref<1x640x128xf32, #tpu.memory_space<hbm>> -> memref<640x128xf32, #tpu.memory_space<hbm>>
      %dma_start3A_283 = arith.constant 0 : i32
      %dma_start3A_284 = tpu.memref_slice %arg6[%mul3A_277, %dma_start3A_283] : memref<10240x128xf32, #tpu.memory_space<vmem_shared>> -> memref<640x128xf32, #tpu.memory_space<vmem_shared>>
      tpu.enqueue_dma source(%dma_start3A_284 : memref<640x128xf32, #tpu.memory_space<vmem_shared>>) target(%dma_start3A_282 : memref<640x128xf32, #tpu.memory_space<hbm>>) target_semaphore(%run_scoped3A : memref<!tpu.dma_semaphore, #tpu.memory_space<semaphore_mem>>)
      %dma_wait3A_285 = arith.constant 0 : i32
      %dma_wait3A_286 = tpu.memref_slice %arg5[%arg0, %mul3A_279, %dma_wait3A_285] : memref<2x10240x128xf32, #tpu.memory_space<hbm>> -> memref<1x640x128xf32, #tpu.memory_space<hbm>>
      %dma_wait3A_287 = tpu.memref_squeeze %dma_wait3A_286 : memref<1x640x128xf32, #tpu.memory_space<hbm>> -> memref<640x128xf32, #tpu.memory_space<hbm>>
      %dma_wait3A_288 = arith.constant 0 : i32
      %dma_wait3A_289 = tpu.memref_slice %arg6[%mul3A_277, %dma_wait3A_288] : memref<10240x128xf32, #tpu.memory_space<vmem_shared>> -> memref<640x128xf32, #tpu.memory_space<vmem_shared>>
      tpu.wait_dma2 semaphore(%run_scoped3A : memref<!tpu.dma_semaphore, #tpu.memory_space<semaphore_mem>>) src(%dma_wait3A_289 : memref<640x128xf32, #tpu.memory_space<vmem_shared>>) dst(%dma_wait3A_287 : memref<640x128xf32, #tpu.memory_space<hbm>>)
      tpu.yield
    }) : () -> ()
    return
  }
}

#map = affine_map<(d0, d1) -> (0, 0, 0)>
module attributes {stable_mosaic.version = 14 : i64} {
  func.func @_sc_hist(%arg0: i32, %arg1: i32, %arg2: memref<32x640x16xi32, #tpu.memory_space<hbm>>, %arg3: memref<2x32x10240xf32, #tpu.memory_space<hbm>>, %arg4: memref<640x16xi32, #tpu.memory_space<vmem>>, %arg5: memref<10240xf32, #tpu.memory_space<vmem>>, %arg6: memref<10240xf32, #tpu.memory_space<vmem>>) attributes {dimension_semantics = [#tpu.dimension_semantics<core_parallel>, #tpu.dimension_semantics<subcore_parallel>], iteration_bounds = array<i64: 2, 16>, scalar_prefetch = 0 : i64, scratch_operands = 3 : i64, tpu.core_type = #tpu.core_type<sc_vector_subcore>, window_params = [{transform_indices = #map}, {transform_indices = #map}]} {
    %mul3A = arith.constant 16 : i32
    %mul3A_0 = arith.muli %arg0, %mul3A : i32
    %add3A = arith.addi %mul3A_0, %arg1 : i32
    "tpu.region"() ({
      %run_scoped3A_16 = tpu.sem_alloc : memref<!tpu.dma_semaphore, #tpu.memory_space<semaphore_mem>>
      %dma_start3A = arith.constant 0 : i32
      %dma_start3A_17 = arith.constant 0 : i32
      %dma_start3A_18 = tpu.memref_slice %arg2[%add3A, %dma_start3A, %dma_start3A_17] : memref<32x640x16xi32, #tpu.memory_space<hbm>> -> memref<1x640x16xi32, #tpu.memory_space<hbm>>
      %dma_start3A_19 = tpu.memref_squeeze %dma_start3A_18 : memref<1x640x16xi32, #tpu.memory_space<hbm>> -> memref<640x16xi32, #tpu.memory_space<hbm>>
      %dma_start3A_20 = arith.constant 0 : i32
      %dma_start3A_21 = arith.constant 0 : i32
      %dma_start3A_22 = tpu.memref_slice %arg2[%add3A, %dma_start3A_20, %dma_start3A_21] : memref<32x640x16xi32, #tpu.memory_space<hbm>> -> memref<1x640x16xi32, #tpu.memory_space<hbm>>
      %dma_start3A_23 = tpu.memref_squeeze %dma_start3A_22 : memref<1x640x16xi32, #tpu.memory_space<hbm>> -> memref<640x16xi32, #tpu.memory_space<hbm>>
      tpu.enqueue_dma source(%dma_start3A_23 : memref<640x16xi32, #tpu.memory_space<hbm>>) target(%arg4 : memref<640x16xi32, #tpu.memory_space<vmem>>) target_semaphore(%run_scoped3A_16 : memref<!tpu.dma_semaphore, #tpu.memory_space<semaphore_mem>>)
      %dma_wait3A = arith.constant 0 : i32
      %dma_wait3A_24 = arith.constant 0 : i32
      %dma_wait3A_25 = tpu.memref_slice %arg2[%add3A, %dma_wait3A, %dma_wait3A_24] : memref<32x640x16xi32, #tpu.memory_space<hbm>> -> memref<1x640x16xi32, #tpu.memory_space<hbm>>
      %dma_wait3A_26 = tpu.memref_squeeze %dma_wait3A_25 : memref<1x640x16xi32, #tpu.memory_space<hbm>> -> memref<640x16xi32, #tpu.memory_space<hbm>>
      %dma_wait3A_27 = arith.constant 0 : i32
      %dma_wait3A_28 = arith.constant 0 : i32
      %dma_wait3A_29 = tpu.memref_slice %arg2[%add3A, %dma_wait3A_27, %dma_wait3A_28] : memref<32x640x16xi32, #tpu.memory_space<hbm>> -> memref<1x640x16xi32, #tpu.memory_space<hbm>>
      %dma_wait3A_30 = tpu.memref_squeeze %dma_wait3A_29 : memref<1x640x16xi32, #tpu.memory_space<hbm>> -> memref<640x16xi32, #tpu.memory_space<hbm>>
      tpu.wait_dma2 semaphore(%run_scoped3A_16 : memref<!tpu.dma_semaphore, #tpu.memory_space<semaphore_mem>>) src(%dma_wait3A_30 : memref<640x16xi32, #tpu.memory_space<hbm>>) dst(%arg4 : memref<640x16xi32, #tpu.memory_space<vmem>>)
      tpu.yield
    }) : () -> ()
    %broadcast_in_dim3A = arith.constant 0.000000e+00 : f32
    %broadcast_in_dim3A_1 = vector.broadcast %broadcast_in_dim3A : f32 to vector<16xf32>
    %scan3A = arith.constant 0 : i32
    %scan3A_2 = arith.constant 0 : i32
    %scan3A_3 = arith.constant 640 : i32
    %scan3A_4 = arith.addi %scan3A_2, %scan3A_3 : i32
    %scan3A_5 = arith.constant 1 : i32
    scf.for %scan3A_16 = %scan3A_2 to %scan3A_4 step %scan3A_5  : i32 {
      %mul3A_17 = arith.constant 16 : i32
      %mul3A_18 = arith.muli %scan3A_16, %mul3A_17 : i32
      %swap3A = arith.index_cast %mul3A_18 : i32 to index
      %swap3A_19 = tpu.vector_load %arg5[%swap3A] {strides = array<i32>} : memref<10240xf32, #tpu.memory_space<vmem>>, vector<16xf32>,
      tpu.vector_store %arg5[%swap3A], %broadcast_in_dim3A_1 {strides = array<i32>} : memref<10240xf32, #tpu.memory_space<vmem>>, vector<16xf32>,
      %mul3A_20 = arith.constant 16 : i32
      %mul3A_21 = arith.muli %scan3A_16, %mul3A_20 : i32
      %swap3A_22 = arith.index_cast %mul3A_21 : i32 to index
      %swap3A_23 = tpu.vector_load %arg6[%swap3A_22] {strides = array<i32>} : memref<10240xf32, #tpu.memory_space<vmem>>, vector<16xf32>,
      tpu.vector_store %arg6[%swap3A_22], %broadcast_in_dim3A_1 {strides = array<i32>} : memref<10240xf32, #tpu.memory_space<vmem>>, vector<16xf32>,
    }
    %scan3A_6 = arith.constant 640 : i32
    %broadcast_in_dim3A_7 = arith.constant 1.000000e+00 : f32
    %broadcast_in_dim3A_8 = vector.broadcast %broadcast_in_dim3A_7 : f32 to vector<16xf32>
    %scan3A_9 = arith.constant 0 : i32
    %scan3A_10 = arith.constant 0 : i32
    %scan3A_11 = arith.constant 640 : i32
    %scan3A_12 = arith.addi %scan3A_10, %scan3A_11 : i32
    %scan3A_13 = arith.constant 1 : i32
    scf.for %scan3A_16 = %scan3A_10 to %scan3A_12 step %scan3A_13  : i32 {
      %get3A = arith.index_cast %scan3A_16 : i32 to index
      %get3A_17 = arith.constant 0 : index
      %get3A_18 = tpu.vector_load %arg4[%get3A, %get3A_17] {strides = array<i32>} : memref<640x16xi32, #tpu.memory_space<vmem>>, vector<16xi32>,
      %and3A = arith.constant 65535 : i32
      %and3A_19 = vector.broadcast %and3A : i32 to vector<16xi32>
      %and3A_20 = arith.andi %get3A_18, %and3A_19 : vector<16xi32>
      tpu.vector_store_idx %arg5[%and3A_20], %broadcast_in_dim3A_8 {add = true} : memref<10240xf32, #tpu.memory_space<vmem>>[vector<16xi32>], vector<16xf32>,
      %shift_right_logical3A = arith.constant 16 : i32
      %shift_right_logical3A_21 = vector.broadcast %shift_right_logical3A : i32 to vector<16xi32>
      %shift_right_logical3A_22 = arith.shrui %get3A_18, %shift_right_logical3A_21 : vector<16xi32>
      tpu.vector_store_idx %arg6[%shift_right_logical3A_22], %broadcast_in_dim3A_8 {add = true} : memref<10240xf32, #tpu.memory_space<vmem>>[vector<16xi32>], vector<16xf32>,
    }
    %scan3A_14 = arith.constant 640 : i32
    %run_scoped3A = arith.constant 0 : i32
    "tpu.region"() ({
      %run_scoped3A_16 = tpu.sem_alloc : memref<!tpu.dma_semaphore, #tpu.memory_space<semaphore_mem>>
      %dma_start3A = arith.constant 0 : i32
      %dma_start3A_17 = tpu.memref_slice %arg3[%run_scoped3A, %add3A, %dma_start3A] : memref<2x32x10240xf32, #tpu.memory_space<hbm>> -> memref<1x1x10240xf32, #tpu.memory_space<hbm>>
      %dma_start3A_18 = tpu.memref_squeeze %dma_start3A_17 : memref<1x1x10240xf32, #tpu.memory_space<hbm>> -> memref<10240xf32, #tpu.memory_space<hbm>>
      %dma_start3A_19 = arith.constant 0 : i32
      %dma_start3A_20 = tpu.memref_slice %arg3[%run_scoped3A, %add3A, %dma_start3A_19] : memref<2x32x10240xf32, #tpu.memory_space<hbm>> -> memref<1x1x10240xf32, #tpu.memory_space<hbm>>
      %dma_start3A_21 = tpu.memref_squeeze %dma_start3A_20 : memref<1x1x10240xf32, #tpu.memory_space<hbm>> -> memref<10240xf32, #tpu.memory_space<hbm>>
      tpu.enqueue_dma source(%arg5 : memref<10240xf32, #tpu.memory_space<vmem>>) target(%dma_start3A_21 : memref<10240xf32, #tpu.memory_space<hbm>>) target_semaphore(%run_scoped3A_16 : memref<!tpu.dma_semaphore, #tpu.memory_space<semaphore_mem>>)
      %dma_wait3A = arith.constant 0 : i32
      %dma_wait3A_22 = tpu.memref_slice %arg3[%run_scoped3A, %add3A, %dma_wait3A] : memref<2x32x10240xf32, #tpu.memory_space<hbm>> -> memref<1x1x10240xf32, #tpu.memory_space<hbm>>
      %dma_wait3A_23 = tpu.memref_squeeze %dma_wait3A_22 : memref<1x1x10240xf32, #tpu.memory_space<hbm>> -> memref<10240xf32, #tpu.memory_space<hbm>>
      %dma_wait3A_24 = arith.constant 0 : i32
      %dma_wait3A_25 = tpu.memref_slice %arg3[%run_scoped3A, %add3A, %dma_wait3A_24] : memref<2x32x10240xf32, #tpu.memory_space<hbm>> -> memref<1x1x10240xf32, #tpu.memory_space<hbm>>
      %dma_wait3A_26 = tpu.memref_squeeze %dma_wait3A_25 : memref<1x1x10240xf32, #tpu.memory_space<hbm>> -> memref<10240xf32, #tpu.memory_space<hbm>>
      tpu.wait_dma2 semaphore(%run_scoped3A_16 : memref<!tpu.dma_semaphore, #tpu.memory_space<semaphore_mem>>) src(%arg5 : memref<10240xf32, #tpu.memory_space<vmem>>) dst(%dma_wait3A_26 : memref<10240xf32, #tpu.memory_space<hbm>>)
      tpu.yield
    }) : () -> ()
    %run_scoped3A_15 = arith.constant 1 : i32
    "tpu.region"() ({
      %run_scoped3A_16 = tpu.sem_alloc : memref<!tpu.dma_semaphore, #tpu.memory_space<semaphore_mem>>
      %dma_start3A = arith.constant 0 : i32
      %dma_start3A_17 = tpu.memref_slice %arg3[%run_scoped3A_15, %add3A, %dma_start3A] : memref<2x32x10240xf32, #tpu.memory_space<hbm>> -> memref<1x1x10240xf32, #tpu.memory_space<hbm>>
      %dma_start3A_18 = tpu.memref_squeeze %dma_start3A_17 : memref<1x1x10240xf32, #tpu.memory_space<hbm>> -> memref<10240xf32, #tpu.memory_space<hbm>>
      %dma_start3A_19 = arith.constant 0 : i32
      %dma_start3A_20 = tpu.memref_slice %arg3[%run_scoped3A_15, %add3A, %dma_start3A_19] : memref<2x32x10240xf32, #tpu.memory_space<hbm>> -> memref<1x1x10240xf32, #tpu.memory_space<hbm>>
      %dma_start3A_21 = tpu.memref_squeeze %dma_start3A_20 : memref<1x1x10240xf32, #tpu.memory_space<hbm>> -> memref<10240xf32, #tpu.memory_space<hbm>>
      tpu.enqueue_dma source(%arg6 : memref<10240xf32, #tpu.memory_space<vmem>>) target(%dma_start3A_21 : memref<10240xf32, #tpu.memory_space<hbm>>) target_semaphore(%run_scoped3A_16 : memref<!tpu.dma_semaphore, #tpu.memory_space<semaphore_mem>>)
      %dma_wait3A = arith.constant 0 : i32
      %dma_wait3A_22 = tpu.memref_slice %arg3[%run_scoped3A_15, %add3A, %dma_wait3A] : memref<2x32x10240xf32, #tpu.memory_space<hbm>> -> memref<1x1x10240xf32, #tpu.memory_space<hbm>>
      %dma_wait3A_23 = tpu.memref_squeeze %dma_wait3A_22 : memref<1x1x10240xf32, #tpu.memory_space<hbm>> -> memref<10240xf32, #tpu.memory_space<hbm>>
      %dma_wait3A_24 = arith.constant 0 : i32
      %dma_wait3A_25 = tpu.memref_slice %arg3[%run_scoped3A_15, %add3A, %dma_wait3A_24] : memref<2x32x10240xf32, #tpu.memory_space<hbm>> -> memref<1x1x10240xf32, #tpu.memory_space<hbm>>
      %dma_wait3A_26 = tpu.memref_squeeze %dma_wait3A_25 : memref<1x1x10240xf32, #tpu.memory_space<hbm>> -> memref<10240xf32, #tpu.memory_space<hbm>>
      tpu.wait_dma2 semaphore(%run_scoped3A_16 : memref<!tpu.dma_semaphore, #tpu.memory_space<semaphore_mem>>) src(%arg6 : memref<10240xf32, #tpu.memory_space<vmem>>) dst(%dma_wait3A_26 : memref<10240xf32, #tpu.memory_space<hbm>>)
      tpu.yield
    }) : () -> ()
    return
  }
}

module attributes {stable_mosaic.version = 14 : i64} {
  func.func @_tc_prep(%arg0: i32, %arg1: memref<1280x128xf32, #tpu.memory_space<vmem>>, %arg2: memref<1280x128xf32, #tpu.memory_space<vmem>>, %arg3: memref<1280x128xf32, #tpu.memory_space<vmem>>, %arg4: memref<1x128xf32, #tpu.memory_space<vmem>>, %arg5: memref<1280x64xf32, #tpu.memory_space<vmem>>, %arg6: memref<1280x128xbf16, #tpu.memory_space<vmem>>, %arg7: memref<1280x128xf32, #tpu.memory_space<vmem>>, %arg8: memref<1280x128xf32, #tpu.memory_space<vmem>>) attributes {dimension_semantics = [#tpu.dimension_semantics<arbitrary>], iteration_bounds = array<i64: 8>, scalar_prefetch = 0 : i64, scratch_operands = 0 : i64, tpu.core_type = #tpu.core_type<tc>, window_params = [{transform_indices = @transform_0, window_bounds = array<i64: 1280, 128>}, {transform_indices = @transform_1, window_bounds = array<i64: 1280, 128>}, {transform_indices = @transform_2, window_bounds = array<i64: 1280, 128>}, {pipeline_mode = #tpu.pipeline_mode<synchronous>, transform_indices = @transform_3, window_bounds = array<i64: 1, 128>}, {transform_indices = @transform_4, window_bounds = array<i64: 1280, 64>}, {transform_indices = @transform_5, window_bounds = array<i64: 1280, 128>}, {transform_indices = @transform_6, window_bounds = array<i64: 1280, 128>}, {transform_indices = @transform_7, window_bounds = array<i64: 1280, 128>}]} {
    %get3A = arith.constant 0 : index
    %get3A_0 = arith.constant 0 : index
    %get3A_1 = vector.load %arg5[%get3A, %get3A_0] : memref<1280x64xf32, #tpu.memory_space<vmem>>, vector<1280x64xf32>
    %slice3A = vector.extract_strided_slice %get3A_1 {offsets = [0, 0], sizes = [1280, 32], strides = [1, 1]} : vector<1280x64xf32> to vector<1280x32xf32>
    %reduce_sum3A = arith.constant dense<0.000000e+00> : vector<1280xf32>
    %reduce_sum3A_2 = vector.multi_reduction <add>, %slice3A, %reduce_sum3A [1] : vector<1280x32xf32> to vector<1280xf32>
    %broadcast_in_dim3A = vector.shape_cast %reduce_sum3A_2 : vector<1280xf32> to vector<1280x1xf32>
    %slice3A_3 = vector.extract_strided_slice %get3A_1 {offsets = [0, 32], sizes = [1280, 32], strides = [1, 1]} : vector<1280x64xf32> to vector<1280x32xf32>
    %reduce_sum3A_4 = arith.constant dense<0.000000e+00> : vector<1280xf32>
    %reduce_sum3A_5 = vector.multi_reduction <add>, %slice3A_3, %reduce_sum3A_4 [1] : vector<1280x32xf32> to vector<1280xf32>
    %broadcast_in_dim3A_6 = vector.shape_cast %reduce_sum3A_5 : vector<1280xf32> to vector<1280x1xf32>
    %max3A = arith.constant 1.000000e+00 : f32
    %max3A_7 = vector.broadcast %max3A : f32 to vector<1280x1xf32>
    %max3A_8 = arith.maximumf %broadcast_in_dim3A, %max3A_7 : vector<1280x1xf32>
    %rsqrt3A = math.rsqrt %max3A_8 : vector<1280x1xf32>
    %max3A_9 = arith.constant 1.000000e+00 : f32
    %max3A_10 = vector.broadcast %max3A_9 : f32 to vector<1280x1xf32>
    %max3A_11 = arith.maximumf %broadcast_in_dim3A_6, %max3A_10 : vector<1280x1xf32>
    %rsqrt3A_12 = math.rsqrt %max3A_11 : vector<1280x1xf32>
    %get3A_13 = arith.constant 0 : index
    %get3A_14 = arith.constant 0 : index
    %get3A_15 = vector.load %arg2[%get3A_13, %get3A_14] : memref<1280x128xf32, #tpu.memory_space<vmem>>, vector<1280x128xf32>
    %get3A_16 = arith.constant 0 : index
    %get3A_17 = arith.constant 0 : index
    %get3A_18 = vector.load %arg4[%get3A_16, %get3A_17] : memref<1x128xf32, #tpu.memory_space<vmem>>, vector<1x128xf32>
    %mul3A = vector.broadcast %get3A_18 : vector<1x128xf32> to vector<1280x128xf32>
    %mul3A_19 = arith.mulf %get3A_15, %mul3A : vector<1280x128xf32>
    %sub3A = arith.constant 1.000000e+00 : f32
    %sub3A_20 = vector.broadcast %sub3A : f32 to vector<1280x128xf32>
    %sub3A_21 = arith.subf %sub3A_20, %get3A_15 : vector<1280x128xf32>
    %get3A_22 = arith.constant 0 : index
    %get3A_23 = arith.constant 0 : index
    %get3A_24 = vector.load %arg1[%get3A_22, %get3A_23] : memref<1280x128xf32, #tpu.memory_space<vmem>>, vector<1280x128xf32>
    %mul3A_25 = arith.mulf %sub3A_21, %get3A_24 : vector<1280x128xf32>
    %add3A = arith.addf %mul3A_19, %mul3A_25 : vector<1280x128xf32>
    %get3A_26 = arith.constant 0 : index
    %get3A_27 = arith.constant 0 : index
    %get3A_28 = vector.load %arg3[%get3A_26, %get3A_27] : memref<1280x128xf32, #tpu.memory_space<vmem>>, vector<1280x128xf32>
    %add3A_29 = arith.addf %add3A, %get3A_28 : vector<1280x128xf32>
    %mul3A_30 = vector.broadcast %rsqrt3A : vector<1280x1xf32> to vector<1280x128xf32>
    %mul3A_31 = arith.mulf %add3A_29, %mul3A_30 : vector<1280x128xf32>
    %convert_element_type3A = arith.truncf %mul3A_31 : vector<1280x128xf32> to vector<1280x128xbf16>
    %swap3A = arith.constant 0 : index
    %swap3A_32 = arith.constant 0 : index
    %swap3A_33 = vector.load %arg6[%swap3A, %swap3A_32] : memref<1280x128xbf16, #tpu.memory_space<vmem>>, vector<1280x128xbf16>
    tpu.vector_store %arg6[%swap3A, %swap3A_32], %convert_element_type3A {strides = array<i32>} : memref<1280x128xbf16, #tpu.memory_space<vmem>>, vector<1280x128xbf16>,
    %broadcast_in_dim3A_34 = vector.shape_cast %rsqrt3A_12 : vector<1280x1xf32> to vector<1280x1xf32>
    %broadcast_in_dim3A_35 = vector.broadcast %broadcast_in_dim3A_34 : vector<1280x1xf32> to vector<1280x128xf32>
    %swap3A_36 = arith.constant 0 : index
    %swap3A_37 = arith.constant 0 : index
    %swap3A_38 = vector.load %arg7[%swap3A_36, %swap3A_37] : memref<1280x128xf32, #tpu.memory_space<vmem>>, vector<1280x128xf32>
    tpu.vector_store %arg7[%swap3A_36, %swap3A_37], %broadcast_in_dim3A_35 {strides = array<i32>} : memref<1280x128xf32, #tpu.memory_space<vmem>>, vector<1280x128xf32>,
    %broadcast_in_dim3A_39 = vector.shape_cast %rsqrt3A : vector<1280x1xf32> to vector<1280x1xf32>
    %broadcast_in_dim3A_40 = vector.broadcast %broadcast_in_dim3A_39 : vector<1280x1xf32> to vector<1280x128xf32>
    %swap3A_41 = arith.constant 0 : index
    %swap3A_42 = arith.constant 0 : index
    %swap3A_43 = vector.load %arg8[%swap3A_41, %swap3A_42] : memref<1280x128xf32, #tpu.memory_space<vmem>>, vector<1280x128xf32>
    tpu.vector_store %arg8[%swap3A_41, %swap3A_42], %broadcast_in_dim3A_40 {strides = array<i32>} : memref<1280x128xf32, #tpu.memory_space<vmem>>, vector<1280x128xf32>,
    return
  }
  func.func @transform_0(%arg0: i32) -> (i32, i32) {
    %c0_i32 = arith.constant 0 : i32
    %c0_i32_0 = arith.constant 0 : i32
    return %arg0, %c0_i32 : i32, i32
  }
  func.func @transform_1(%arg0: i32) -> (i32, i32) {
    %c0_i32 = arith.constant 0 : i32
    %c0_i32_0 = arith.constant 0 : i32
    return %arg0, %c0_i32 : i32, i32
  }
  func.func @transform_2(%arg0: i32) -> (i32, i32) {
    %c0_i32 = arith.constant 0 : i32
    %c0_i32_0 = arith.constant 0 : i32
    return %arg0, %c0_i32 : i32, i32
  }
  func.func @transform_3(%arg0: i32) -> (i32, i32) {
    %c0_i32 = arith.constant 0 : i32
    %c0_i32_0 = arith.constant 0 : i32
    %c0_i32_1 = arith.constant 0 : i32
    return %c0_i32, %c0_i32_0 : i32, i32
  }
  func.func @transform_4(%arg0: i32) -> (i32, i32) {
    %c0_i32 = arith.constant 0 : i32
    %c0_i32_0 = arith.constant 0 : i32
    return %arg0, %c0_i32 : i32, i32
  }
  func.func @transform_5(%arg0: i32) -> (i32, i32) {
    %c0_i32 = arith.constant 0 : i32
    %c0_i32_0 = arith.constant 0 : i32
    return %arg0, %c0_i32 : i32, i32
  }
  func.func @transform_6(%arg0: i32) -> (i32, i32) {
    %c0_i32 = arith.constant 0 : i32
    %c0_i32_0 = arith.constant 0 : i32
    return %arg0, %c0_i32 : i32, i32
  }
  func.func @transform_7(%arg0: i32) -> (i32, i32) {
    %c0_i32 = arith.constant 0 : i32
    %c0_i32_0 = arith.constant 0 : i32
    return %arg0, %c0_i32 : i32, i32
  }
}

module attributes {stable_mosaic.version = 14 : i64} {
  func.func @_tc_layer1(%arg0: i32, %arg1: memref<2x1280x128xf32, #tpu.memory_space<vmem>>, %arg2: memref<1280x128xf32, #tpu.memory_space<vmem>>, %arg3: memref<1280x128xf32, #tpu.memory_space<vmem>>, %arg4: memref<128x128xf32, #tpu.memory_space<vmem>>, %arg5: memref<1x128xf32, #tpu.memory_space<vmem>>, %arg6: memref<1x128xf32, #tpu.memory_space<vmem>>, %arg7: memref<1x128xf32, #tpu.memory_space<vmem>>, %arg8: memref<1280x128xbf16, #tpu.memory_space<vmem>>) attributes {dimension_semantics = [#tpu.dimension_semantics<arbitrary>], iteration_bounds = array<i64: 8>, scalar_prefetch = 0 : i64, scratch_operands = 0 : i64, tpu.core_type = #tpu.core_type<tc>, window_params = [{transform_indices = @transform_0, window_bounds = array<i64: 2, 1280, 128>}, {transform_indices = @transform_1, window_bounds = array<i64: 1280, 128>}, {transform_indices = @transform_2, window_bounds = array<i64: 1280, 128>}, {pipeline_mode = #tpu.pipeline_mode<synchronous>, transform_indices = @transform_3, window_bounds = array<i64: 128, 128>}, {pipeline_mode = #tpu.pipeline_mode<synchronous>, transform_indices = @transform_4, window_bounds = array<i64: 1, 128>}, {pipeline_mode = #tpu.pipeline_mode<synchronous>, transform_indices = @transform_5, window_bounds = array<i64: 1, 128>}, {pipeline_mode = #tpu.pipeline_mode<synchronous>, transform_indices = @transform_6, window_bounds = array<i64: 1, 128>}, {transform_indices = @transform_7, window_bounds = array<i64: 1280, 128>}]} {
    %get3A = arith.constant 0 : index
    %get3A_0 = arith.constant 0 : index
    %get3A_1 = arith.constant 0 : index
    %get3A_2 = vector.load %arg1[%get3A, %get3A_0, %get3A_1] : memref<2x1280x128xf32, #tpu.memory_space<vmem>>, vector<1x1280x128xf32>
    %get3A_3 = vector.shape_cast %get3A_2 : vector<1x1280x128xf32> to vector<1280x128xf32>
    %get3A_4 = arith.constant 1 : index
    %get3A_5 = arith.constant 0 : index
    %get3A_6 = arith.constant 0 : index
    %get3A_7 = vector.load %arg1[%get3A_4, %get3A_5, %get3A_6] : memref<2x1280x128xf32, #tpu.memory_space<vmem>>, vector<1x1280x128xf32>
    %get3A_8 = vector.shape_cast %get3A_7 : vector<1x1280x128xf32> to vector<1280x128xf32>
    %add3A = arith.addf %get3A_3, %get3A_8 : vector<1280x128xf32>
    %get3A_9 = arith.constant 0 : index
    %get3A_10 = arith.constant 0 : index
    %get3A_11 = vector.load %arg2[%get3A_9, %get3A_10] : memref<1280x128xf32, #tpu.memory_space<vmem>>, vector<1280x128xf32>
    %mul3A = arith.mulf %add3A, %get3A_11 : vector<1280x128xf32>
    %get3A_12 = arith.constant 0 : index
    %get3A_13 = arith.constant 0 : index
    %get3A_14 = vector.load %arg4[%get3A_12, %get3A_13] : memref<128x128xf32, #tpu.memory_space<vmem>>, vector<128x128xf32>
    %dot_general3A = arith.constant dense<0.000000e+00> : vector<1280x128xf32>
    %dot_general3A_15 = tpu.matmul %mul3A, %get3A_14, %dot_general3A {dimension_numbers = #tpu.dot_dimension_numbers<[1], [0], [0], [1], [0, 0, 1, 1], [], []>, precision = #tpu.contract_precision<fp32>, transpose_lhs_hint = false} : vector<1280x128xf32>, vector<128x128xf32>, vector<1280x128xf32> -> vector<1280x128xf32>
    %get3A_16 = arith.constant 0 : index
    %get3A_17 = arith.constant 0 : index
    %get3A_18 = vector.load %arg5[%get3A_16, %get3A_17] : memref<1x128xf32, #tpu.memory_space<vmem>>, vector<1x128xf32>
    %add3A_19 = vector.broadcast %get3A_18 : vector<1x128xf32> to vector<1280x128xf32>
    %add3A_20 = arith.addf %dot_general3A_15, %add3A_19 : vector<1280x128xf32>
    %get3A_21 = arith.constant 0 : index
    %get3A_22 = arith.constant 0 : index
    %get3A_23 = vector.load %arg6[%get3A_21, %get3A_22] : memref<1x128xf32, #tpu.memory_space<vmem>>, vector<1x128xf32>
    %get3A_24 = arith.constant 0 : index
    %get3A_25 = arith.constant 0 : index
    %get3A_26 = vector.load %arg7[%get3A_24, %get3A_25] : memref<1x128xf32, #tpu.memory_space<vmem>>, vector<1x128xf32>
    %reduce_sum3A = arith.constant dense<0.000000e+00> : vector<1280xf32>
    %reduce_sum3A_27 = vector.multi_reduction <add>, %add3A_20, %reduce_sum3A [1] : vector<1280x128xf32> to vector<1280xf32>
    %broadcast_in_dim3A = vector.shape_cast %reduce_sum3A_27 : vector<1280xf32> to vector<1280x1xf32>
    %div3A = arith.constant 1.280000e+02 : f32
    %div3A_28 = vector.broadcast %div3A : f32 to vector<1280x1xf32>
    %div3A_29 = arith.divf %broadcast_in_dim3A, %div3A_28 : vector<1280x1xf32>
    %jit3A = arith.constant 0 : i32
    %reduce_sum3A_30 = arith.constant dense<0.000000e+00> : vector<1280xf32>
    %reduce_sum3A_31 = vector.multi_reduction <add>, %add3A_20, %reduce_sum3A_30 [1] : vector<1280x128xf32> to vector<1280xf32>
    %broadcast_in_dim3A_32 = vector.shape_cast %reduce_sum3A_31 : vector<1280xf32> to vector<1280x1xf32>
    %div3A_33 = arith.constant 1.280000e+02 : f32
    %div3A_34 = vector.broadcast %div3A_33 : f32 to vector<1280x1xf32>
    %div3A_35 = arith.divf %broadcast_in_dim3A_32, %div3A_34 : vector<1280x1xf32>
    %sub3A = vector.broadcast %div3A_35 : vector<1280x1xf32> to vector<1280x128xf32>
    %sub3A_36 = arith.subf %add3A_20, %sub3A : vector<1280x128xf32>
    %square3A = arith.mulf %sub3A_36, %sub3A_36 : vector<1280x128xf32>
    %convert_element_type3A = arith.sitofp %jit3A : i32 to f32
    %sub3A_37 = arith.constant 1.280000e+02 : f32
    %sub3A_38 = arith.subf %sub3A_37, %convert_element_type3A : f32
    %reduce_sum3A_39 = arith.constant dense<0.000000e+00> : vector<1280xf32>
    %reduce_sum3A_40 = vector.multi_reduction <add>, %square3A, %reduce_sum3A_39 [1] : vector<1280x128xf32> to vector<1280xf32>
    %broadcast_in_dim3A_41 = vector.shape_cast %reduce_sum3A_40 : vector<1280xf32> to vector<1280x1xf32>
    %div3A_42 = vector.broadcast %sub3A_38 : f32 to vector<1280x1xf32>
    %div3A_43 = arith.divf %broadcast_in_dim3A_41, %div3A_42 : vector<1280x1xf32>
    %gt3A = arith.constant 0.000000e+00 : f32
    %gt3A_44 = arith.cmpf ogt, %sub3A_38, %gt3A : f32
    %jit3A_45 = arith.constant 0x7FC00000 : f32
    %broadcast_in_dim3A_46 = vector.broadcast %jit3A_45 : f32 to vector<1280x1xf32>
    %select_n3A = arith.select %gt3A_44, %div3A_43, %broadcast_in_dim3A_46 : vector<1280x1xf32>
    %sub3A_47 = vector.broadcast %div3A_29 : vector<1280x1xf32> to vector<1280x128xf32>
    %sub3A_48 = arith.subf %add3A_20, %sub3A_47 : vector<1280x128xf32>
    %add3A_49 = arith.constant 9.99999974E-6 : f32
    %add3A_50 = vector.broadcast %add3A_49 : f32 to vector<1280x1xf32>
    %add3A_51 = arith.addf %select_n3A, %add3A_50 : vector<1280x1xf32>
    %rsqrt3A = math.rsqrt %add3A_51 : vector<1280x1xf32>
    %mul3A_52 = vector.broadcast %rsqrt3A : vector<1280x1xf32> to vector<1280x128xf32>
    %mul3A_53 = arith.mulf %sub3A_48, %mul3A_52 : vector<1280x128xf32>
    %mul3A_54 = vector.broadcast %get3A_23 : vector<1x128xf32> to vector<1280x128xf32>
    %mul3A_55 = arith.mulf %mul3A_53, %mul3A_54 : vector<1280x128xf32>
    %add3A_56 = vector.broadcast %get3A_26 : vector<1x128xf32> to vector<1280x128xf32>
    %add3A_57 = arith.addf %mul3A_55, %add3A_56 : vector<1280x128xf32>
    %max3A = arith.constant 0.000000e+00 : f32
    %max3A_58 = vector.broadcast %max3A : f32 to vector<1280x128xf32>
    %max3A_59 = arith.maximumf %add3A_57, %max3A_58 : vector<1280x128xf32>
    %get3A_60 = arith.constant 0 : index
    %get3A_61 = arith.constant 0 : index
    %get3A_62 = vector.load %arg3[%get3A_60, %get3A_61] : memref<1280x128xf32, #tpu.memory_space<vmem>>, vector<1280x128xf32>
    %mul3A_63 = arith.mulf %max3A_59, %get3A_62 : vector<1280x128xf32>
    %convert_element_type3A_64 = arith.truncf %mul3A_63 : vector<1280x128xf32> to vector<1280x128xbf16>
    %swap3A = arith.constant 0 : index
    %swap3A_65 = arith.constant 0 : index
    %swap3A_66 = vector.load %arg8[%swap3A, %swap3A_65] : memref<1280x128xbf16, #tpu.memory_space<vmem>>, vector<1280x128xbf16>
    tpu.vector_store %arg8[%swap3A, %swap3A_65], %convert_element_type3A_64 {strides = array<i32>} : memref<1280x128xbf16, #tpu.memory_space<vmem>>, vector<1280x128xbf16>,
    return
  }
  func.func @transform_0(%arg0: i32) -> (i32, i32, i32) {
    %c0_i32 = arith.constant 0 : i32
    %c0_i32_0 = arith.constant 0 : i32
    %c0_i32_1 = arith.constant 0 : i32
    return %c0_i32, %arg0, %c0_i32_0 : i32, i32, i32
  }
  func.func @transform_1(%arg0: i32) -> (i32, i32) {
    %c0_i32 = arith.constant 0 : i32
    %c0_i32_0 = arith.constant 0 : i32
    return %arg0, %c0_i32 : i32, i32
  }
  func.func @transform_2(%arg0: i32) -> (i32, i32) {
    %c0_i32 = arith.constant 0 : i32
    %c0_i32_0 = arith.constant 0 : i32
    return %arg0, %c0_i32 : i32, i32
  }
  func.func @transform_3(%arg0: i32) -> (i32, i32) {
    %c0_i32 = arith.constant 0 : i32
    %c0_i32_0 = arith.constant 0 : i32
    %c0_i32_1 = arith.constant 0 : i32
    return %c0_i32, %c0_i32_0 : i32, i32
  }
  func.func @transform_4(%arg0: i32) -> (i32, i32) {
    %c0_i32 = arith.constant 0 : i32
    %c0_i32_0 = arith.constant 0 : i32
    %c0_i32_1 = arith.constant 0 : i32
    return %c0_i32, %c0_i32_0 : i32, i32
  }
  func.func @transform_5(%arg0: i32) -> (i32, i32) {
    %c0_i32 = arith.constant 0 : i32
    %c0_i32_0 = arith.constant 0 : i32
    %c0_i32_1 = arith.constant 0 : i32
    return %c0_i32, %c0_i32_0 : i32, i32
  }
  func.func @transform_6(%arg0: i32) -> (i32, i32) {
    %c0_i32 = arith.constant 0 : i32
    %c0_i32_0 = arith.constant 0 : i32
    %c0_i32_1 = arith.constant 0 : i32
    return %c0_i32, %c0_i32_0 : i32, i32
  }
  func.func @transform_7(%arg0: i32) -> (i32, i32) {
    %c0_i32 = arith.constant 0 : i32
    %c0_i32_0 = arith.constant 0 : i32
    return %arg0, %c0_i32 : i32, i32
  }
}

module attributes {stable_mosaic.version = 14 : i64} {
  func.func @_tc_final(%arg0: i32, %arg1: memref<2x1280x128xf32, #tpu.memory_space<vmem>>, %arg2: memref<1280x128xf32, #tpu.memory_space<vmem>>, %arg3: memref<128x128xf32, #tpu.memory_space<vmem>>, %arg4: memref<1x128xf32, #tpu.memory_space<vmem>>, %arg5: memref<1x128xf32, #tpu.memory_space<vmem>>, %arg6: memref<1x128xf32, #tpu.memory_space<vmem>>, %arg7: memref<128x128xf32, #tpu.memory_space<vmem>>, %arg8: memref<1x128xf32, #tpu.memory_space<vmem>>, %arg9: memref<128x128xf32, #tpu.memory_space<vmem>>, %arg10: memref<1x128xf32, #tpu.memory_space<vmem>>, %arg11: memref<1280x128xf32, #tpu.memory_space<vmem>>, %arg12: memref<1280x128xf32, #tpu.memory_space<vmem>>) attributes {dimension_semantics = [#tpu.dimension_semantics<arbitrary>], iteration_bounds = array<i64: 8>, scalar_prefetch = 0 : i64, scratch_operands = 0 : i64, tpu.core_type = #tpu.core_type<tc>, window_params = [{transform_indices = @transform_0, window_bounds = array<i64: 2, 1280, 128>}, {transform_indices = @transform_1, window_bounds = array<i64: 1280, 128>}, {pipeline_mode = #tpu.pipeline_mode<synchronous>, transform_indices = @transform_2, window_bounds = array<i64: 128, 128>}, {pipeline_mode = #tpu.pipeline_mode<synchronous>, transform_indices = @transform_3, window_bounds = array<i64: 1, 128>}, {pipeline_mode = #tpu.pipeline_mode<synchronous>, transform_indices = @transform_4, window_bounds = array<i64: 1, 128>}, {pipeline_mode = #tpu.pipeline_mode<synchronous>, transform_indices = @transform_5, window_bounds = array<i64: 1, 128>}, {pipeline_mode = #tpu.pipeline_mode<synchronous>, transform_indices = @transform_6, window_bounds = array<i64: 128, 128>}, {pipeline_mode = #tpu.pipeline_mode<synchronous>, transform_indices = @transform_7, window_bounds = array<i64: 1, 128>}, {pipeline_mode = #tpu.pipeline_mode<synchronous>, transform_indices = @transform_8, window_bounds = array<i64: 128, 128>}, {pipeline_mode = #tpu.pipeline_mode<synchronous>, transform_indices = @transform_9, window_bounds = array<i64: 1, 128>}, {transform_indices = @transform_10, window_bounds = array<i64: 1280, 128>}, {transform_indices = @transform_11, window_bounds = array<i64: 1280, 128>}]} {
    %get3A = arith.constant 0 : index
    %get3A_0 = arith.constant 0 : index
    %get3A_1 = arith.constant 0 : index
    %get3A_2 = vector.load %arg1[%get3A, %get3A_0, %get3A_1] : memref<2x1280x128xf32, #tpu.memory_space<vmem>>, vector<1x1280x128xf32>
    %get3A_3 = vector.shape_cast %get3A_2 : vector<1x1280x128xf32> to vector<1280x128xf32>
    %get3A_4 = arith.constant 1 : index
    %get3A_5 = arith.constant 0 : index
    %get3A_6 = arith.constant 0 : index
    %get3A_7 = vector.load %arg1[%get3A_4, %get3A_5, %get3A_6] : memref<2x1280x128xf32, #tpu.memory_space<vmem>>, vector<1x1280x128xf32>
    %get3A_8 = vector.shape_cast %get3A_7 : vector<1x1280x128xf32> to vector<1280x128xf32>
    %add3A = arith.addf %get3A_3, %get3A_8 : vector<1280x128xf32>
    %get3A_9 = arith.constant 0 : index
    %get3A_10 = arith.constant 0 : index
    %get3A_11 = vector.load %arg2[%get3A_9, %get3A_10] : memref<1280x128xf32, #tpu.memory_space<vmem>>, vector<1280x128xf32>
    %mul3A = arith.mulf %add3A, %get3A_11 : vector<1280x128xf32>
    %get3A_12 = arith.constant 0 : index
    %get3A_13 = arith.constant 0 : index
    %get3A_14 = vector.load %arg3[%get3A_12, %get3A_13] : memref<128x128xf32, #tpu.memory_space<vmem>>, vector<128x128xf32>
    %dot_general3A = arith.constant dense<0.000000e+00> : vector<1280x128xf32>
    %dot_general3A_15 = tpu.matmul %mul3A, %get3A_14, %dot_general3A {dimension_numbers = #tpu.dot_dimension_numbers<[1], [0], [0], [1], [0, 0, 1, 1], [], []>, precision = #tpu.contract_precision<fp32>, transpose_lhs_hint = false} : vector<1280x128xf32>, vector<128x128xf32>, vector<1280x128xf32> -> vector<1280x128xf32>
    %get3A_16 = arith.constant 0 : index
    %get3A_17 = arith.constant 0 : index
    %get3A_18 = vector.load %arg4[%get3A_16, %get3A_17] : memref<1x128xf32, #tpu.memory_space<vmem>>, vector<1x128xf32>
    %add3A_19 = vector.broadcast %get3A_18 : vector<1x128xf32> to vector<1280x128xf32>
    %add3A_20 = arith.addf %dot_general3A_15, %add3A_19 : vector<1280x128xf32>
    %get3A_21 = arith.constant 0 : index
    %get3A_22 = arith.constant 0 : index
    %get3A_23 = vector.load %arg5[%get3A_21, %get3A_22] : memref<1x128xf32, #tpu.memory_space<vmem>>, vector<1x128xf32>
    %get3A_24 = arith.constant 0 : index
    %get3A_25 = arith.constant 0 : index
    %get3A_26 = vector.load %arg6[%get3A_24, %get3A_25] : memref<1x128xf32, #tpu.memory_space<vmem>>, vector<1x128xf32>
    %reduce_sum3A = arith.constant dense<0.000000e+00> : vector<1280xf32>
    %reduce_sum3A_27 = vector.multi_reduction <add>, %add3A_20, %reduce_sum3A [1] : vector<1280x128xf32> to vector<1280xf32>
    %broadcast_in_dim3A = vector.shape_cast %reduce_sum3A_27 : vector<1280xf32> to vector<1280x1xf32>
    %div3A = arith.constant 1.280000e+02 : f32
    %div3A_28 = vector.broadcast %div3A : f32 to vector<1280x1xf32>
    %div3A_29 = arith.divf %broadcast_in_dim3A, %div3A_28 : vector<1280x1xf32>
    %jit3A = arith.constant 0 : i32
    %reduce_sum3A_30 = arith.constant dense<0.000000e+00> : vector<1280xf32>
    %reduce_sum3A_31 = vector.multi_reduction <add>, %add3A_20, %reduce_sum3A_30 [1] : vector<1280x128xf32> to vector<1280xf32>
    %broadcast_in_dim3A_32 = vector.shape_cast %reduce_sum3A_31 : vector<1280xf32> to vector<1280x1xf32>
    %div3A_33 = arith.constant 1.280000e+02 : f32
    %div3A_34 = vector.broadcast %div3A_33 : f32 to vector<1280x1xf32>
    %div3A_35 = arith.divf %broadcast_in_dim3A_32, %div3A_34 : vector<1280x1xf32>
    %sub3A = vector.broadcast %div3A_35 : vector<1280x1xf32> to vector<1280x128xf32>
    %sub3A_36 = arith.subf %add3A_20, %sub3A : vector<1280x128xf32>
    %square3A = arith.mulf %sub3A_36, %sub3A_36 : vector<1280x128xf32>
    %convert_element_type3A = arith.sitofp %jit3A : i32 to f32
    %sub3A_37 = arith.constant 1.280000e+02 : f32
    %sub3A_38 = arith.subf %sub3A_37, %convert_element_type3A : f32
    %reduce_sum3A_39 = arith.constant dense<0.000000e+00> : vector<1280xf32>
    %reduce_sum3A_40 = vector.multi_reduction <add>, %square3A, %reduce_sum3A_39 [1] : vector<1280x128xf32> to vector<1280xf32>
    %broadcast_in_dim3A_41 = vector.shape_cast %reduce_sum3A_40 : vector<1280xf32> to vector<1280x1xf32>
    %div3A_42 = vector.broadcast %sub3A_38 : f32 to vector<1280x1xf32>
    %div3A_43 = arith.divf %broadcast_in_dim3A_41, %div3A_42 : vector<1280x1xf32>
    %gt3A = arith.constant 0.000000e+00 : f32
    %gt3A_44 = arith.cmpf ogt, %sub3A_38, %gt3A : f32
    %jit3A_45 = arith.constant 0x7FC00000 : f32
    %broadcast_in_dim3A_46 = vector.broadcast %jit3A_45 : f32 to vector<1280x1xf32>
    %select_n3A = arith.select %gt3A_44, %div3A_43, %broadcast_in_dim3A_46 : vector<1280x1xf32>
    %sub3A_47 = vector.broadcast %div3A_29 : vector<1280x1xf32> to vector<1280x128xf32>
    %sub3A_48 = arith.subf %add3A_20, %sub3A_47 : vector<1280x128xf32>
    %add3A_49 = arith.constant 9.99999974E-6 : f32
    %add3A_50 = vector.broadcast %add3A_49 : f32 to vector<1280x1xf32>
    %add3A_51 = arith.addf %select_n3A, %add3A_50 : vector<1280x1xf32>
    %rsqrt3A = math.rsqrt %add3A_51 : vector<1280x1xf32>
    %mul3A_52 = vector.broadcast %rsqrt3A : vector<1280x1xf32> to vector<1280x128xf32>
    %mul3A_53 = arith.mulf %sub3A_48, %mul3A_52 : vector<1280x128xf32>
    %mul3A_54 = vector.broadcast %get3A_23 : vector<1x128xf32> to vector<1280x128xf32>
    %mul3A_55 = arith.mulf %mul3A_53, %mul3A_54 : vector<1280x128xf32>
    %add3A_56 = vector.broadcast %get3A_26 : vector<1x128xf32> to vector<1280x128xf32>
    %add3A_57 = arith.addf %mul3A_55, %add3A_56 : vector<1280x128xf32>
    %swap3A = arith.constant 0 : index
    %swap3A_58 = arith.constant 0 : index
    %swap3A_59 = vector.load %arg11[%swap3A, %swap3A_58] : memref<1280x128xf32, #tpu.memory_space<vmem>>, vector<1280x128xf32>
    tpu.vector_store %arg11[%swap3A, %swap3A_58], %add3A_57 {strides = array<i32>} : memref<1280x128xf32, #tpu.memory_space<vmem>>, vector<1280x128xf32>,
    %get3A_60 = arith.constant 0 : index
    %get3A_61 = arith.constant 0 : index
    %get3A_62 = vector.load %arg7[%get3A_60, %get3A_61] : memref<128x128xf32, #tpu.memory_space<vmem>>, vector<128x128xf32>
    %dot_general3A_63 = arith.constant dense<0.000000e+00> : vector<1280x128xf32>
    %dot_general3A_64 = tpu.matmul %add3A_57, %get3A_62, %dot_general3A_63 {dimension_numbers = #tpu.dot_dimension_numbers<[1], [0], [0], [1], [0, 0, 1, 1], [], []>, precision = #tpu.contract_precision<fp32>, transpose_lhs_hint = false} : vector<1280x128xf32>, vector<128x128xf32>, vector<1280x128xf32> -> vector<1280x128xf32>
    %get3A_65 = arith.constant 0 : index
    %get3A_66 = arith.constant 0 : index
    %get3A_67 = vector.load %arg8[%get3A_65, %get3A_66] : memref<1x128xf32, #tpu.memory_space<vmem>>, vector<1x128xf32>
    %add3A_68 = vector.broadcast %get3A_67 : vector<1x128xf32> to vector<1280x128xf32>
    %add3A_69 = arith.addf %dot_general3A_64, %add3A_68 : vector<1280x128xf32>
    %max3A = arith.constant 0.000000e+00 : f32
    %max3A_70 = vector.broadcast %max3A : f32 to vector<1280x128xf32>
    %max3A_71 = arith.maximumf %add3A_69, %max3A_70 : vector<1280x128xf32>
    %get3A_72 = arith.constant 0 : index
    %get3A_73 = arith.constant 0 : index
    %get3A_74 = vector.load %arg9[%get3A_72, %get3A_73] : memref<128x128xf32, #tpu.memory_space<vmem>>, vector<128x128xf32>
    %dot_general3A_75 = arith.constant dense<0.000000e+00> : vector<1280x128xf32>
    %dot_general3A_76 = tpu.matmul %max3A_71, %get3A_74, %dot_general3A_75 {dimension_numbers = #tpu.dot_dimension_numbers<[1], [0], [0], [1], [0, 0, 1, 1], [], []>, precision = #tpu.contract_precision<fp32>, transpose_lhs_hint = false} : vector<1280x128xf32>, vector<128x128xf32>, vector<1280x128xf32> -> vector<1280x128xf32>
    %get3A_77 = arith.constant 0 : index
    %get3A_78 = arith.constant 0 : index
    %get3A_79 = vector.load %arg10[%get3A_77, %get3A_78] : memref<1x128xf32, #tpu.memory_space<vmem>>, vector<1x128xf32>
    %add3A_80 = vector.broadcast %get3A_79 : vector<1x128xf32> to vector<1280x128xf32>
    %add3A_81 = arith.addf %dot_general3A_76, %add3A_80 : vector<1280x128xf32>
    %swap3A_82 = arith.constant 0 : index
    %swap3A_83 = arith.constant 0 : index
    %swap3A_84 = vector.load %arg12[%swap3A_82, %swap3A_83] : memref<1280x128xf32, #tpu.memory_space<vmem>>, vector<1280x128xf32>
    tpu.vector_store %arg12[%swap3A_82, %swap3A_83], %add3A_81 {strides = array<i32>} : memref<1280x128xf32, #tpu.memory_space<vmem>>, vector<1280x128xf32>,
    return
  }
  func.func @transform_0(%arg0: i32) -> (i32, i32, i32) {
    %c0_i32 = arith.constant 0 : i32
    %c0_i32_0 = arith.constant 0 : i32
    %c0_i32_1 = arith.constant 0 : i32
    return %c0_i32, %arg0, %c0_i32_0 : i32, i32, i32
  }
  func.func @transform_1(%arg0: i32) -> (i32, i32) {
    %c0_i32 = arith.constant 0 : i32
    %c0_i32_0 = arith.constant 0 : i32
    return %arg0, %c0_i32 : i32, i32
  }
  func.func @transform_2(%arg0: i32) -> (i32, i32) {
    %c0_i32 = arith.constant 0 : i32
    %c0_i32_0 = arith.constant 0 : i32
    %c0_i32_1 = arith.constant 0 : i32
    return %c0_i32, %c0_i32_0 : i32, i32
  }
  func.func @transform_3(%arg0: i32) -> (i32, i32) {
    %c0_i32 = arith.constant 0 : i32
    %c0_i32_0 = arith.constant 0 : i32
    %c0_i32_1 = arith.constant 0 : i32
    return %c0_i32, %c0_i32_0 : i32, i32
  }
  func.func @transform_4(%arg0: i32) -> (i32, i32) {
    %c0_i32 = arith.constant 0 : i32
    %c0_i32_0 = arith.constant 0 : i32
    %c0_i32_1 = arith.constant 0 : i32
    return %c0_i32, %c0_i32_0 : i32, i32
  }
  func.func @transform_5(%arg0: i32) -> (i32, i32) {
    %c0_i32 = arith.constant 0 : i32
    %c0_i32_0 = arith.constant 0 : i32
    %c0_i32_1 = arith.constant 0 : i32
    return %c0_i32, %c0_i32_0 : i32, i32
  }
  func.func @transform_6(%arg0: i32) -> (i32, i32) {
    %c0_i32 = arith.constant 0 : i32
    %c0_i32_0 = arith.constant 0 : i32
    %c0_i32_1 = arith.constant 0 : i32
    return %c0_i32, %c0_i32_0 : i32, i32
  }
  func.func @transform_7(%arg0: i32) -> (i32, i32) {
    %c0_i32 = arith.constant 0 : i32
    %c0_i32_0 = arith.constant 0 : i32
    %c0_i32_1 = arith.constant 0 : i32
    return %c0_i32, %c0_i32_0 : i32, i32
  }
  func.func @transform_8(%arg0: i32) -> (i32, i32) {
    %c0_i32 = arith.constant 0 : i32
    %c0_i32_0 = arith.constant 0 : i32
    %c0_i32_1 = arith.constant 0 : i32
    return %c0_i32, %c0_i32_0 : i32, i32
  }
  func.func @transform_9(%arg0: i32) -> (i32, i32) {
    %c0_i32 = arith.constant 0 : i32
    %c0_i32_0 = arith.constant 0 : i32
    %c0_i32_1 = arith.constant 0 : i32
    return %c0_i32, %c0_i32_0 : i32, i32
  }
  func.func @transform_10(%arg0: i32) -> (i32, i32) {
    %c0_i32 = arith.constant 0 : i32
    %c0_i32_0 = arith.constant 0 : i32
    return %arg0, %c0_i32 : i32, i32
  }
  func.func @transform_11(%arg0: i32) -> (i32, i32) {
    %c0_i32 = arith.constant 0 : i32
    %c0_i32_0 = arith.constant 0 : i32
    return %arg0, %c0_i32 : i32, i32
  }
}

</mosaic_0001>

<sc_bundles>
// kernel: kernel.11.cloned.1.call-start
scs
__scs_entry_jumppad:
0x0: {  	(pc) =	sbr.rel $0x88, $3  }
0x1: {  	(tag) =	ssettag $0x0;
	lr =	simm.s32 $0x1  }
0x2: {  	[smem:$0x3F92] =	sst lr;
	_ =	strace $0xD0000000  }
0x3: {  	_ = 	snop  }
0x4: {  	_ = 	snop  }
0x5: {  	_ = 	snop  }
0x6: {  	_ = 	snop  }
0x7: {  	_ = 	snop  }
__scs_overlays_trampoline_lowered:
0x8: {  	[smem:$0x3FA1] =	sst s0  }
0x9: {  	[smem:$0x3FA2] =	sst s1  }
0xa: {  	[smem:$0x3FA3] =	sst s2  }
0xb: {  	[smem:$0x3FA4] =	sst s3  }
0xc: {  	[smem:$0x3FA5] =	sst s4  }
0xd: {  	[smem:$0x3FA6] =	sst s5  }
0xe: {  	[smem:$0x3FA7] =	sst s6  }
0xf: {  	[smem:$0x3FA8] =	sst s7  }
0x10: {  	[smem:$0x3FA9] =	sst s8  }
0x11: {  	[smem:$0x3FAA] =	sst s9;
	s0 =	simm.s32 @!p0 $0x0  }
0x12: {  	s1 =	sld [smem:$0x3F90];
	s0 =	simm.s32 @p0 $0x1  }
0x13: {  	[smem:$0x3FAB] =	sst s0;
	s0 =	simm.s32 @!p1 $0x0  }
0x14: {  	s2 =	sld [smem:$0x3F8F];
	s0 =	simm.s32 @p1 $0x1  }
0x15: {  	[smem:$0x3FAC] =	sst s0;
	s0 =	simm.s32 @!p2 $0x0  }
0x16: {  	s3 =	sld [smem:$0x3FDB];
	s0 =	simm.s32 @p2 $0x1  }
0x17: {  	s4 =	simm.s32 $0x1BF5;
	[smem:$0x3FAE] =	sst s0  }
0x18: {  	s0 =	sld [smem:$0x3F91];
	_ =	swait.ge [sflag:s4], $0x0  }
0x19: {  	s7 =	sld [smem:$0x3F92]  }
0x1a: {  	s8 =	sadd.s32 $0xFFFFE003, lr  }
0x1b: {  	s9 =	sadd.s32 $0xFFFFFEF7, lr;
	s5 =	simm.s32 $0xFFFFFFFF;
	p2 =	slt.u32 s8, $0xFFFFF086  }
0x1c: {  	p1 =	slt.u32 s9, $0xF7A;
	s5 =	simm.s32 @!p2 $0x0  }
0x1d: {  	s5 =	simm.s32 @p1 $0x1;
	p0 =	seq.s32 s7, s2  }
0x1e: {  	s7 =	smul.u32 @!p0 $0xF7A, s2;
	p2 =	seq.s32 @!p0 s5, $0x0  }
0x1f: {  	s9 =	smul.u32 $0xF7A, s1;
	s8 =	simm.s32 @!p0 $0x1BF5;
	p2 =	por !p2, p0  }
0x20: {  	[sflag:s8] =	ssyncset.s32 @!p0 $0xFFFFF086;
	s6 =	sadd.s32 @!p0 s3, s7;
	s7 =	simm.s32 @!p0 $0x108  }
0x21: {  	s3 =	sadd.s32 s3, s9;
	s6 =	sadd.s32 @!p0 $0x88, s6;
	s7 =	simm.s32 @p2 $0x1082  }
0x22: {  	[simem:s7], [sflag:s8] =	dma.local @!p0 [hbm:s6], $0xF7A  }
0x23: {  	s9 =	sor.u32 $0xD0000000, s2;
	s6 =	simm.s32 $0x108;
	_ =	swait.ge @!p0 [sflag:s8], $0x0  }
0x24: {  	s3 =	sadd.s32 $0x88, s3;
	s6 =	simm.s32 @!p1 $0x1082;
	[sflag:s4] =	ssyncset.s32 $0xFFFFF086  }
0x25: {  	[simem:s6], [sflag:s4] =	dma.local [hbm:s3], $0xF7A  }
0x26: {  	[smem:$0x3F92] =	sst s1;
	(tag) =	ssettag s2;
	_ =	strace s9  }
0x27: {  	s1 =	sld [smem:$0x3FA2]  }
0x28: {  	s2 =	sld [smem:$0x3FA3]  }
0x29: {  	s4 =	sld [smem:$0x3FA5]  }
0x2a: {  	p0 =	seq.s32 s5, $0x0;
	s5 =	sld [smem:$0x3FA6]  }
0x2b: {  	s6 =	sld [smem:$0x3FA7]  }
0x2c: {  	s7 =	sld [smem:$0x3FA8]  }
0x2d: {  	s3 =	simm.s32 $0x108;
	s8 =	sld [smem:$0x3FA9]  }
0x2e: {  	s3 =	simm.s32 @!p0 $0x1082;
	s9 =	sld [smem:$0x3FAA]  }
0x2f: {  	lr =	sadd.s32 s0, s3;
	s0 =	sld [smem:$0x3FA1]  }
0x30: {  	s3 =	sld [smem:$0x3FA4]  }
0x31: {  	[smem:$0x3FAD] =	sst s10  }
0x32: {  	s10 =	sld [smem:$0x3FAB];
	_ =	sdelay $0x3  }
0x33: {  	p0 =	seq.s32 s10, $0x1;
	s10 =	sld [smem:$0x3FAD];
	_ =	sdelay $0x3  }
0x34: {  	[smem:$0x3FAD] =	sst s10  }
0x35: {  	s10 =	sld [smem:$0x3FAC];
	_ =	sdelay $0x3  }
0x36: {  	p1 =	seq.s32 s10, $0x1;
	s10 =	sld [smem:$0x3FAD];
	_ =	sdelay $0x3  }
0x37: {  	[smem:$0x3FAD] =	sst s10  }
0x38: {  	s10 =	sld [smem:$0x3FAE]  }
0x39: {  	_ = 	snop;
	(pc) =	sbr.ind lr, $3  }
0x3a: {  	_ = 	snop  }
0x3b: {  	_ = 	snop  }
0x3c: {  	p2 =	seq.s32 s10, $0x1;
	s10 =	sld [smem:$0x3FAD]  }
0x3d: {  	_ =	shalt  }
0x3e: {  	_ =	shalt  }
0x3f: {  	_ =	shalt  }
0x40: {  	_ =	shalt  }
0x41: {  	_ =	shalt  }
0x42: {  	_ =	shalt  }
0x43: {  	_ =	shalt  }
0x44: {  	_ =	shalt  }
0x45: {  	_ =	shalt  }
0x46: {  	_ =	shalt  }
0x47: {  	_ =	shalt  }
0x48: {  	_ =	shalt  }
0x49: {  	_ =	shalt  }
0x4a: {  	_ =	shalt  }
0x4b: {  	_ =	shalt  }
0x4c: {  	_ =	shalt  }
0x4d: {  	_ =	shalt  }
0x4e: {  	_ =	shalt  }
0x4f: {  	_ =	shalt  }
0x50: {  	_ =	shalt  }
0x51: {  	_ =	shalt  }
0x52: {  	_ =	shalt  }
0x53: {  	_ =	shalt  }
0x54: {  	_ =	shalt  }
0x55: {  	_ =	shalt  }
0x56: {  	_ =	shalt  }
0x57: {  	_ =	shalt  }
0x58: {  	_ =	shalt  }
0x59: {  	_ =	shalt  }
0x5a: {  	_ =	shalt  }
0x5b: {  	_ =	shalt  }
0x5c: {  	_ =	shalt  }
0x5d: {  	_ =	shalt  }
0x5e: {  	_ =	shalt  }
0x5f: {  	_ =	shalt  }
0x60: {  	_ =	shalt  }
0x61: {  	_ =	shalt  }
0x62: {  	_ =	shalt  }
0x63: {  	_ =	shalt  }
0x64: {  	_ =	shalt  }
0x65: {  	_ =	shalt  }
0x66: {  	_ =	shalt  }
0x67: {  	_ =	shalt  }
0x68: {  	_ =	shalt  }
0x69: {  	_ =	shalt  }
0x6a: {  	_ =	shalt  }
0x6b: {  	_ =	shalt  }
0x6c: {  	_ =	shalt  }
0x6d: {  	_ =	shalt  }
0x6e: {  	_ =	shalt  }
0x6f: {  	_ =	shalt  }
0x70: {  	_ =	shalt  }
0x71: {  	_ =	shalt  }
0x72: {  	_ =	shalt  }
0x73: {  	_ =	shalt  }
0x74: {  	_ =	shalt  }
0x75: {  	_ =	shalt  }
0x76: {  	_ =	shalt  }
0x77: {  	_ =	shalt  }
0x78: {  	_ =	shalt  }
0x79: {  	_ =	shalt  }
0x7a: {  	_ =	shalt  }
0x7b: {  	_ =	shalt  }
0x7c: {  	_ =	shalt  }
0x7d: {  	_ =	shalt  }
0x7e: {  	_ =	shalt  }
0x7f: {  	_ =	shalt  }
0x80: {  	_ =	shalt  }
0x81: {  	_ =	shalt  }
0x82: {  	_ =	shalt  }
0x83: {  	_ =	shalt  }
0x84: {  	_ =	shalt  }
0x85: {  	_ =	shalt  }
0x86: {  	_ =	shalt  }
0x87: {  	_ =	shalt  }
.Lfunc_end0:
.L_simem_size_0:
called_computation.1_lowered:
.L_overlay_start_0:
0x88: {  	s2 =	sld [smem:$0x3FD9]  }
0x89: {  	s3 =	sld [smem:$0x3FFE];
	_ =	sdelay $0x1  }
0x8a: {  	s1 =	srdreg.scid  }
0x8b: {  	s0 =	sand.u32 $0x1, s1  }
0x8c: {  	s14 =	sshll.u32 s0, $0xA;
	s2 =	sadd.s32 s3, s2  }
0x8d: {  	s2 =	sadd.s32 s2, s14  }
0x8e: {  	[smem:$0x3FB9] =	sst s2  }
0x8f: {  	_ = 	snop  }
0x90: {  	s2 =	sld [smem:$0x3FD0];
	_ =	sdelay $0x2  }
0x91: {  	s15 =	simm.s32 $0xA;
	s4 =	simm.s32 $0x10  }
0x92: {  	[smem:s4], [sflag:s15] =	dma.local [hbm:s2], $0x1  }
0x93: {  	_ =	swait.eq [sflag:s15], $0x1  }
0x94: {  	s16 =	sld [smem:$0x10];
	[sflag:s15] =	ssyncset.done $0x0  }
0x95: {  	s17 =	sld [smem:$0x11];
	[sflag:s15] =	ssyncadd.s32 $0xFFFFFFFF  }
0x96: {  	s18 =	sld [smem:$0x13];
	(tm) =	ssettm $0x1  }
0x97: {  	s5 =	sld [smem:$0x3FFB];
	_ =	sdelay $0x3  }
0x98: {  	_ =	strace s5  }
0x99: {  	s5 =	sld [smem:$0x3FFC];
	_ =	sdelay $0x3  }
0x9a: {  	_ =	strace s5  }
0x9b: {  	s5 =	sld [smem:$0x3FFD];
	_ =	sdelay $0x3  }
0x9c: {  	_ =	strace s5  }
0x9d: {  	_ =	strace $0x8FFFFFFF  }
0x9e: {  	s19 =	sld [smem:$0x3FDB];
	_ =	sdelay $0x1  }
0x9f: {  	s6 =	simm.s32 $_scs_section_size  }
0xa0: {  	s7 =	simm.s32 $_size__tile_overlayer_lowered;
	s8 =	simm.s32 $_tile_overlayer_lowered  }
0xa1: {  	s22 =	simm.s32 $0x1BFF;
	s21 =	sshll.u32 s8, $0x1;
	s5 =	sadd.s32 s6, s19  }
0xa2: {  	s9 =	simm.s32 $0x0;
	s20 =	sshll.u32 s7, $0x1;
	s7 =	sadd.s32 s21, s5  }
0xa3: {  	[timem:s9], [sflag:s22] =	dma.local [hbm:s7], s20  }
0xa4: {  	_ =	swait.ge [sflag:s22], s20  }
0xa5: {  	s6 =	ssub.s32 $0x0, s20;
	[sflag:s22] =	ssyncset.done $0x0  }
0xa6: {  	[sflag:s22] =	ssyncadd.s32 s6;
	_ =	sdelay $0x1  }
0xa7: {  	s23 =	simm.s32 $0x1B8B  }
0xa8: {  	_ =	swait.ge [sflag:s23], $0x1  }
0xa9: {  	[sflag:s23] =	ssyncset.done $0x0  }
0xaa: {  	s25 =	simm.s32 $0x1B8E;
	s24 =	sld [smem:$0x3FFE];
	[sflag:s23] =	ssyncadd.s32 $0xFFFFFFFF  }
0xab: {  	s26 =	simm.s32 $execute0_lowered;
	[smem:$0x3FD2] =	sst s25  }
0xac: {  	s7 =	sshll.u32 s26, $0x1;
	_ =	strace $0x80000049;
	[dreg:$0x1] =	wrdreg $0xFFFFFFFF  }
0xad: {  	s28 =	simm.s32 $_size_execute0_lowered;
	s5 =	sadd.s32 s5, s7;
	[dreg:$0x0] =	wrdreg $0x0  }
0xae: {  	s7 =	sshll.u32 s28, $0x1;
	[dreg:$0x2] =	wrdreg s5  }
0xaf: {  	[dreg:$0x3] =	wrdreg s7  }
0xb0: {  	[dreg:$0x4] =	wrdreg $0xC0  }
0xb1: {  	_ =	task [dreg:s9], $0x5FFFF  }
0xb2: {  	[dreg:$0x1] =	wrdreg $0xFFFFFFFF  }
0xb3: {  	[dreg:$0x0] =	wrdreg $0x60  }
0xb4: {  	[dreg:$0x2] =	wrdreg s18  }
0xb5: {  	[dreg:$0x3] =	wrdreg s17  }
0xb6: {  	[dreg:$0x4] =	wrdreg s16  }
0xb7: {  	[dreg:$0x5] =	wrdreg s24  }
0xb8: {  	[dreg:$0x6] =	wrdreg $0x0  }
0xb9: {  	[dreg:$0x7] =	wrdreg $0x9  }
0xba: {  	_ =	task.clear_ibuf [dreg:s9], $0x8FFFF;
	_ =	strace $0x90000049  }
0xbb: {  	s29 =	simm.s32 $0x9;
	_ =	strace $0x8000004B  }
0xbc: {  	_ =	swait.ge [sflag:s29], $0x1  }
0xbd: {  	[sflag:s29] =	ssyncadd.s32 $0xFFFFFFFF  }
0xbe: {  	_ =	strace $0x9000004B  }
0xbf: {  	_ =	sfence  }
0xc0: {  	s30 =	sld [smem:$0x0];
	_ =	sdelay $0x2  }
0xc1: {  	s31 =	sshll.u32 s1, $0xD;
	s1 =	sshrl.u32 s1, $0x2  }
0xc2: {  	s3 =	sand.u32 $0x4000, s31;
	s1 =	sadd.s32 s1, s30  }
0xc3: {  	s0 =	sor.u32 s3, s0;
	s1 =	sshll.u32 s1, $0x11  }
0xc4: {  	s0 =	sor.u32 s1, s0  }
0xc5: {  	s0 =	sadd.s32 $0x8F2B, s0  }
0xc6: {  	[sflag:s0] =	ssyncadd.remote.s32 $0x1  }
0xc7: {  	_ =	sfence.sel $0xFFFF  }
0xc8: {  	[dreg:$0x0] =	wrdreg $0xFFFFFFFF;
	(pc) =	sbr.abs _section_cstart, $3  }
0xc9: {  	[dreg:$0x1] =	wrdreg $0xFFFFFFFF  }
0xca: {  	_ =	task.clear_ibuf [dreg:s9], $0x2FFFF;
	_ =	strace $0x9FFFFFFF  }
0xcb: {  	(tm) =	ssettm $0x7FFFFFFF  }
tec
execute0_lowered:
.L_overlay_start_1:
0x0: {  	(tag) =	ssettag $0x1  }
0x1: {  	s1 =	rddreg [dreg:$0x0]  }
0x2: {  	s0 =	rddreg [dreg:$0x1]  }
0x3: {  	s2 =	rddreg [dreg:$0x3]  }
0x4: {  	s4 =	rddreg [dreg:$0x4];
	s5 =	simm.s32 $0x0;
	s3 =	srdreg.scid  }
0x5: {  	s10 =	stileid.u32;
	s11 =	simm.s32 $0x7;
	s13 =	simm.s32 $0x40  }
0x6: {  	s14 =	simm.s32 $0x16800;
	s15 =	simm.s32 $0x16980;
	s19 =	simm.s32 $0x18980  }
0x7: {  	s20 =	simm.s32 $0x168C0;
	s21 =	simm.s32 $0x19980;
	s22 =	simm.s32 $0x1  }
0x8: {  	s23 =	simm.s32 $0x16900;
	s24 =	simm.s32 $0x1A980;
	s28 =	simm.s32 $0x16940  }
0x9: {  	s29 =	simm.s32 $0x1C980;
	s30 =	simm.s32 $0x3;
	s31 =	simm.s32 $0x5  }
0xa: {  	[smem:$0x7FF] =	sst s5;
	s3 =	sand.u32 $0x1, s3;
	s25 =	smul.u32 $0x14000, s10  }
0xb: {  	s26 =	sshll.u32 s10, $0x6;
	s6 =	ssub.s32 $0x2, s3;
	s7 =	sshll.u32 s3, $0x4  }
0xc: {  	s3 =	smul.u32 $0x140000, s3;
	_ =	strace $0x8000004A;
	s8 =	sshrl.u32 s6, $0x1  }
0xd: {  	s7 =	sor.u32 s10, s7;
	s5 =	sadd.s32 s25, s4;
	s9 =	ssub.s32 s6, s8  }
0xe: {  	s7 =	smul.u32 $0x500, s7;
	s3 =	sadd.s32 s25, s3;
	s6 =	sor.u32 $0x1C07, s26  }
0xf: {  	s10 =	sshrl.u32 s5, $0x3;
	s25 =	simm.s32 $0x2;
	s26 =	simm.s32 $0x6  }
0x10: {  	s3 =	sshrl.u32 s3, $0x3;
	s9 =	smax.u32 s9, $0x1;
	s7 =	sadd.s32 s0, s7  }
0x11: {  	s8 =	sadd.s32 s2, s3;
	s0 =	simm.s32 $0x4;
	s3 =	simm.s32 $0x0  }
.LBB2_1:
0x12: {  	s2 =	rddreg [dreg:$0x2]  }
0x13: {  	[spmem:s10], [sflag:s6] =	dma.local [hbm:s2], $0x2800  }
0x14: {  	_ =	swait.ge [sflag:s11], $0x2800  }
0x15: {  	[sflag:s11] =	ssyncset.done $0x0  }
0x16: {  	s12 =	simm.s32 $0x0;
	s5 =	simm.s32 $0x14000;
	[sflag:s11] =	ssyncadd.s32 $0xFFFFD800  }
0x17: {  	[tilespmem:s5], [sflag:$0x7] =	stream.linear.gather [hbm4b:s7+s12], $0x2800, $0x38;
	[tilespmem:$0x1E980] =	vst v63  }
0x18: {  	_ =	swait.ge [sflag:s11], $0x2800  }
0x19: {  	[sflag:s11] =	ssyncset.done $0x0  }
0x1a: {  	[sflag:s11] =	ssyncadd.s32 $0xFFFFD800  }
0x1b: {  	[bflag:$0x0] =	sbarrier.arrive $0xFFFF  }
0x1c: {  	v0 =	vld [tilespmem:$0x14000]  }
0x1d: {  	v1 =	vld [tilespmem:$0x14010]  }
0x1e: {  	v2 =	vld [tilespmem:$0x14020]  }
0x1f: {  	v3 =	vld [tilespmem:$0x14030];
	_ =	sdelay $0x1  }
0x20: {  	v0 =	vand.u32 $0xFFFF, v0  }
0x21: {  	v40 =	vand.u32 $0xFFFF, v1;
	[tilespmem:$0x16800] =	vst v0  }
0x22: {  	v41 =	vand.u32 $0xFFFF, v2;
	[tilespmem:$0x16810] =	vst v40  }
0x23: {  	v42 =	vand.u32 $0xFFFF, v3;
	[tilespmem:$0x16820] =	vst v41  }
0x24: {  	[tilespmem:$0x16830] =	vst v42  }
0x25: {  	[tilespmem:s15], [sflag:$0x1] =	stream.indirect.gather [hbm4b:s1+s13], $0x40, s14, s13, $0xb8;
	[tilespmem:$0x1E980] =	vst v63  }
0x26: {  	v43 =	vld [tilespmem:$0x14040]  }
0x27: {  	v44 =	vld [tilespmem:$0x14050]  }
0x28: {  	v45 =	vld [tilespmem:$0x14060]  }
0x29: {  	v46 =	vld [tilespmem:$0x14070];
	_ =	sdelay $0x1  }
0x2a: {  	v0 =	vand.u32 $0xFFFF, v43  }
0x2b: {  	v47 =	vand.u32 $0xFFFF, v44;
	[tilespmem:$0x16840] =	vst v0  }
0x2c: {  	v48 =	vand.u32 $0xFFFF, v45;
	[tilespmem:$0x16850] =	vst v47  }
0x2d: {  	v49 =	vand.u32 $0xFFFF, v46;
	[tilespmem:$0x16860] =	vst v48  }
0x2e: {  	s16 =	simm.s32 $0x16840;
	s17 =	simm.s32 $0x17980;
	[tilespmem:$0x16870] =	vst v49  }
0x2f: {  	[tilespmem:s17], [sflag:$0x2] =	stream.indirect.gather [hbm4b:s1+s13], $0x40, s16, s13, $0xb8;
	[tilespmem:$0x1E980] =	vst v63  }
0x30: {  	v50 =	vld [tilespmem:$0x14080]  }
0x31: {  	v51 =	vld [tilespmem:$0x14090]  }
0x32: {  	v52 =	vld [tilespmem:$0x140A0]  }
0x33: {  	v53 =	vld [tilespmem:$0x140B0];
	_ =	sdelay $0x1  }
0x34: {  	v0 =	vand.u32 $0xFFFF, v50  }
0x35: {  	v54 =	vand.u32 $0xFFFF, v51;
	[tilespmem:$0x16880] =	vst v0  }
0x36: {  	v55 =	vand.u32 $0xFFFF, v52;
	[tilespmem:$0x16890] =	vst v54  }
0x37: {  	v56 =	vand.u32 $0xFFFF, v53;
	[tilespmem:$0x168A0] =	vst v55  }
0x38: {  	s18 =	simm.s32 $0x16880;
	[tilespmem:$0x168B0] =	vst v56  }
0x39: {  	[tilespmem:s19], [sflag:$0x3] =	stream.indirect.gather [hbm4b:s1+s13], $0x40, s18, s13, $0xb8;
	[tilespmem:$0x1E980] =	vst v63  }
0x3a: {  	v57 =	vld [tilespmem:$0x140C0]  }
0x3b: {  	v58 =	vld [tilespmem:$0x140D0]  }
0x3c: {  	v59 =	vld [tilespmem:$0x140E0]  }
0x3d: {  	v60 =	vld [tilespmem:$0x140F0];
	_ =	sdelay $0x1  }
0x3e: {  	v0 =	vand.u32 $0xFFFF, v57  }
0x3f: {  	v61 =	vand.u32 $0xFFFF, v58;
	[tilespmem:$0x168C0] =	vst v0  }
0x40: {  	v62 =	vand.u32 $0xFFFF, v59;
	[tilespmem:$0x168D0] =	vst v61  }
0x41: {  	v63 =	vand.u32 $0xFFFF, v60;
	[tilespmem:$0x168E0] =	vst v62  }
0x42: {  	s5 =	simm.s32 $0x0;
	[tilespmem:$0x168F0] =	vst v63  }
0x43: {  	[tilespmem:s21], [sflag:$0x4] =	stream.indirect.gather [hbm4b:s1+s13], $0x40, s20, s13, $0xb8;
	[tilespmem:$0x1E980] =	vst v63  }
.LBB2_2:
0x44: {  	_ =	swait.ge [sflag:s22], $0x1000  }
0x45: {  	p0 =	seq.s32 s5, $0x0;
	[sflag:s22] =	ssyncset.done $0x0  }
0x46: {  	s2 =	simm.s32 @!p0 $0x5;
	[sflag:s22] =	ssyncadd.s32 $0xFFFFF000  }
0x47: {  	_ =	swait.ge @!p0 [sflag:s2], $0x2000  }
0x48: {  	s12 =	sshll.u32 s5, $0x8;
	[sflag:s2] =	ssyncset.done @!p0 $0x0  }
0x49: {  	[sflag:s2] =	ssyncadd.s32 @!p0 $0xFFFFE000;
	s2 =	sand.u32 $0x3FFFFF00, s12  }
0x4a: {  	v0 =	vld [tilespmem:s2+$0x14000];
	_ =	sdelay $0x4  }
0x4b: {  	v0 =	vshrl.u32 v0, $0x10  }
0x4c: {  	[tilespmem:$0x16900] =	vst v0  }
0x4d: {  	v0 =	vld [tilespmem:s2+$0x14010];
	_ =	sdelay $0x4  }
0x4e: {  	v0 =	vshrl.u32 v0, $0x10  }
0x4f: {  	[tilespmem:$0x16910] =	vst v0  }
0x50: {  	v0 =	vld [tilespmem:s2+$0x14020];
	_ =	sdelay $0x4  }
0x51: {  	v0 =	vshrl.u32 v0, $0x10  }
0x52: {  	[tilespmem:$0x16920] =	vst v0  }
0x53: {  	v0 =	vld [tilespmem:s2+$0x14030];
	_ =	sdelay $0x4  }
0x54: {  	v0 =	vshrl.u32 v0, $0x10  }
0x55: {  	s16 =	simm.s32 $0x0;
	[tilespmem:$0x16930] =	vst v0  }
0x56: {  	v0 =	vld [tilespmem:s16+$0x16980];
	_ =	sdelay $0x4  }
0x57: {  	s12 =	simm.s32 $0x1A9C0;
	v1 =	vshll.u32 v0, $0x10  }
0x58: {  	v0 =	vand.u32 $0xFFFF0000, v0;
	[tilespmem:s12+$0xFFFFFFC0] =	vst v1  }
0x59: {  	[tilespmem:s12+$0x0] =	vst v0  }
0x5a: {  	v0 =	vld [tilespmem:s16+$0x16990];
	_ =	sdelay $0x4  }
0x5b: {  	v1 =	vshll.u32 v0, $0x10  }
0x5c: {  	v0 =	vand.u32 $0xFFFF0000, v0;
	[tilespmem:s12+$0xFFFFFFD0] =	vst v1  }
0x5d: {  	[tilespmem:s12+$0x10] =	vst v0  }
0x5e: {  	v0 =	vld [tilespmem:s16+$0x169A0];
	_ =	sdelay $0x4  }
0x5f: {  	v1 =	vand.u32 $0xFFFF0000, v0  }
0x60: {  	v0 =	vshll.u32 v0, $0x10;
	[tilespmem:s12+$0x20] =	vst v1  }
0x61: {  	[tilespmem:s12+$0xFFFFFFE0] =	vst v0  }
0x62: {  	v0 =	vld [tilespmem:s16+$0x169B0];
	_ =	sdelay $0x4  }
0x63: {  	v1 =	vshll.u32 v0, $0x10  }
0x64: {  	v0 =	vand.u32 $0xFFFF0000, v0;
	[tilespmem:s12+$0xFFFFFFF0] =	vst v1  }
0x65: {  	s16 =	simm.s32 $0x40;
	[tilespmem:s12+$0x30] =	vst v0  }
0x66: {  	v0 =	vld [tilespmem:s16+$0x16980]  }
0x67: {  	s17 =	simm.s32 $0x200  }
.LBB2_3:
0x68: {  	p1 =	sne.s32 s17, $0x3F00;
	_ =	sdelay $0x2  }
0x69: {  	s12 =	sadd.s32 $0x80, s12;
	v1 =	vshll.u32 v0, $0x10  }
0x6a: {  	v0 =	vand.u32 $0xFFFF0000, v0;
	[tilespmem:s12+$0xFFFFFFC0] =	vst v1  }
0x6b: {  	[tilespmem:s12+$0x0] =	vst v0  }
0x6c: {  	v0 =	vld [tilespmem:s16+$0x16990];
	_ =	sdelay $0x4  }
0x6d: {  	v1 =	vshll.u32 v0, $0x10  }
0x6e: {  	v0 =	vand.u32 $0xFFFF0000, v0;
	[tilespmem:s12+$0xFFFFFFD0] =	vst v1  }
0x6f: {  	[tilespmem:s12+$0x10] =	vst v0  }
0x70: {  	v0 =	vld [tilespmem:s16+$0x169A0];
	_ =	sdelay $0x4  }
0x71: {  	v1 =	vshll.u32 v0, $0x10;
	v0 =	vand.u32 $0xFFFF0000, v0  }
0x72: {  	[tilespmem:s12+$0x20] =	vst v0  }
0x73: {  	[tilespmem:s12+$0xFFFFFFE0] =	vst v1  }
0x74: {  	v0 =	vld [tilespmem:s16+$0x169B0];
	_ =	sdelay $0x4  }
.Ltmp0:
0x75: {  	v1 =	vshll.u32 v0, $0x10;
	v0 =	vand.u32 $0xFFFF0000, v0;
	(pc) =	sbr.rel @p1 .LBB2_3-.Ltmp0, $4  }
0x76: {  	[tilespmem:s12+$0xFFFFFFF0] =	vst v1  }
0x77: {  	s16 =	sshra.s32 s17, $0x2;
	[tilespmem:s12+$0x30] =	vst v0  }
0x78: {  	v0 =	vld [tilespmem:s16+$0x16980]  }
0x79: {  	s17 =	sadd.s32 $0x100, s17  }
0x7a: {  	_ =	sdelay $0x2  }
0x7b: {  	s12 =	sadd.s32 $0x80, s12;
	v1 =	vshll.u32 v0, $0x10  }
0x7c: {  	v60 =	vand.u32 $0xFFFF0000, v0;
	[tilespmem:s12+$0xFFFFFFC0] =	vst v1  }
0x7d: {  	[tilespmem:s12+$0x0] =	vst v60  }
0x7e: {  	v0 =	vld [tilespmem:s16+$0x16990];
	_ =	sdelay $0x4  }
0x7f: {  	v61 =	vshll.u32 v0, $0x10  }
0x80: {  	v0 =	vand.u32 $0xFFFF0000, v0;
	[tilespmem:s12+$0xFFFFFFD0] =	vst v61  }
0x81: {  	[tilespmem:s12+$0x10] =	vst v0  }
0x82: {  	v0 =	vld [tilespmem:s16+$0x169A0];
	_ =	sdelay $0x4  }
0x83: {  	v62 =	vand.u32 $0xFFFF0000, v0  }
0x84: {  	v0 =	vshll.u32 v0, $0x10;
	[tilespmem:s12+$0x20] =	vst v62  }
0x85: {  	[tilespmem:s12+$0xFFFFFFE0] =	vst v0  }
0x86: {  	v0 =	vld [tilespmem:s16+$0x169B0];
	_ =	sdelay $0x2  }
0x87: {  	p1 =	sne.s32 s5, $0x27  }
.Ltmp1:
0x88: {  	_ = 	snop;
	(pc) =	sbr.rel @p1 .LBB2_6-.Ltmp1, $4  }
0x89: {  	v63 =	vshll.u32 v0, $0x10  }
0x8a: {  	v0 =	vand.u32 $0xFFFF0000, v0;
	[tilespmem:s12+$0xFFFFFFF0] =	vst v63  }
0x8b: {  	[tilespmem:s12+$0x30] =	vst v0  }
0x8c: {  	[spmem:s4] =	stream.indirect.scatter.add.f32 [tilespmem:s24], [sflag:$0x5], $0x80, s23, s13, $0xb8;
	[tilespmem:$0x1E980] =	vst v63  }
.Ltmp2:
0x8d: {  	(pc) =	sbr.rel .LBB2_7-.Ltmp2, $4  }
0x8e: {  	_ = 	snop  }
0x8f: {  	_ =	swait.ge [sflag:s25], $0x1000  }
0x90: {  	[sflag:s25] =	ssyncset.done $0x0  }
0x91: {  	[sflag:s25] =	ssyncadd.s32 $0xFFFFF000  }
.LBB2_6:
0x92: {  	v0 =	vld [tilespmem:s2+$0x14100];
	_ =	sdelay $0x4  }
0x93: {  	v0 =	vand.u32 $0xFFFF, v0  }
0x94: {  	[tilespmem:$0x16800] =	vst v0  }
0x95: {  	v0 =	vld [tilespmem:s2+$0x14110];
	_ =	sdelay $0x4  }
0x96: {  	v0 =	vand.u32 $0xFFFF, v0  }
0x97: {  	[tilespmem:$0x16810] =	vst v0  }
0x98: {  	v0 =	vld [tilespmem:s2+$0x14120];
	_ =	sdelay $0x4  }
0x99: {  	v0 =	vand.u32 $0xFFFF, v0  }
0x9a: {  	[tilespmem:$0x16820] =	vst v0  }
0x9b: {  	v0 =	vld [tilespmem:s2+$0x14130];
	_ =	sdelay $0x4  }
0x9c: {  	v0 =	vand.u32 $0xFFFF, v0  }
.Ltmp3:
0x9d: {  	[tilespmem:$0x16830] =	vst v0;
	(pc) =	sbr.rel @p0 .LBB2_8-.Ltmp3, $4  }
0x9e: {  	[tilespmem:s15], [sflag:$0x1] =	stream.indirect.gather [hbm4b:s1+s13], $0x40, s14, s13, $0xb8;
	[tilespmem:$0x1E980] =	vst v63  }
0x9f: {  	_ =	swait.ge [sflag:s25], $0x1000  }
0xa0: {  	[sflag:s25] =	ssyncset.done $0x0  }
0xa1: {  	[sflag:s25] =	ssyncadd.s32 $0xFFFFF000  }
.LBB2_7:
0xa2: {  	_ =	swait.ge [sflag:s26], $0x2000  }
0xa3: {  	[sflag:s26] =	ssyncset.done $0x0  }
0xa4: {  	[sflag:s26] =	ssyncadd.s32 $0xFFFFE000  }
.LBB2_8:
0xa5: {  	v0 =	vld [tilespmem:s2+$0x14040];
	_ =	sdelay $0x4  }
0xa6: {  	v0 =	vshrl.u32 v0, $0x10  }
0xa7: {  	[tilespmem:$0x16940] =	vst v0  }
0xa8: {  	v0 =	vld [tilespmem:s2+$0x14050];
	_ =	sdelay $0x4  }
0xa9: {  	v0 =	vshrl.u32 v0, $0x10  }
0xaa: {  	[tilespmem:$0x16950] =	vst v0  }
0xab: {  	v0 =	vld [tilespmem:s2+$0x14060];
	_ =	sdelay $0x4  }
0xac: {  	v0 =	vshrl.u32 v0, $0x10  }
0xad: {  	[tilespmem:$0x16960] =	vst v0  }
0xae: {  	v0 =	vld [tilespmem:s2+$0x14070];
	_ =	sdelay $0x4  }
0xaf: {  	v0 =	vshrl.u32 v0, $0x10  }
0xb0: {  	s12 =	simm.s32 $0x0;
	[tilespmem:$0x16970] =	vst v0  }
0xb1: {  	v0 =	vld [tilespmem:s12+$0x17980];
	_ =	sdelay $0x4  }
0xb2: {  	s16 =	simm.s32 $0x1C9F0;
	v1 =	vshll.u32 v0, $0x10  }
0xb3: {  	v0 =	vand.u32 $0xFFFF0000, v0;
	[tilespmem:s16+$0xFFFFFF90] =	vst v1  }
0xb4: {  	[tilespmem:s16+$0xFFFFFFD0] =	vst v0  }
0xb5: {  	v0 =	vld [tilespmem:s12+$0x17990];
	_ =	sdelay $0x4  }
0xb6: {  	v1 =	vshll.u32 v0, $0x10  }
0xb7: {  	v0 =	vand.u32 $0xFFFF0000, v0;
	[tilespmem:s16+$0xFFFFFFA0] =	vst v1  }
0xb8: {  	[tilespmem:s16+$0xFFFFFFE0] =	vst v0  }
0xb9: {  	v0 =	vld [tilespmem:s12+$0x179A0];
	_ =	sdelay $0x4  }
0xba: {  	v1 =	vand.u32 $0xFFFF0000, v0  }
0xbb: {  	v0 =	vshll.u32 v0, $0x10;
	[tilespmem:s16+$0xFFFFFFF0] =	vst v1  }
0xbc: {  	[tilespmem:s16+$0xFFFFFFB0] =	vst v0  }
0xbd: {  	v0 =	vld [tilespmem:s12+$0x179B0];
	_ =	sdelay $0x4  }
0xbe: {  	v1 =	vshll.u32 v0, $0x10  }
0xbf: {  	v0 =	vand.u32 $0xFFFF0000, v0;
	[tilespmem:s16+$0xFFFFFFC0] =	vst v1  }
0xc0: {  	s17 =	simm.s32 $0x40;
	[tilespmem:s16+$0x0] =	vst v0  }
0xc1: {  	v0 =	vld [tilespmem:s17+$0x17980]  }
0xc2: {  	s18 =	simm.s32 $0x200;
	s12 =	sadd.s32 $0x1, s5  }
.LBB2_9:
0xc3: {  	p0 =	sne.s32 s18, $0x3F00;
	_ =	sdelay $0x2  }
0xc4: {  	s16 =	sadd.s32 $0x80, s16;
	v1 =	vshll.u32 v0, $0x10  }
0xc5: {  	v0 =	vand.u32 $0xFFFF0000, v0;
	[tilespmem:s16+$0xFFFFFF90] =	vst v1  }
0xc6: {  	[tilespmem:s16+$0xFFFFFFD0] =	vst v0  }
0xc7: {  	v0 =	vld [tilespmem:s17+$0x17990];
	_ =	sdelay $0x4  }
0xc8: {  	v1 =	vshll.u32 v0, $0x10  }
0xc9: {  	v0 =	vand.u32 $0xFFFF0000, v0;
	[tilespmem:s16+$0xFFFFFFA0] =	vst v1  }
0xca: {  	[tilespmem:s16+$0xFFFFFFE0] =	vst v0  }
0xcb: {  	v0 =	vld [tilespmem:s17+$0x179A0];
	_ =	sdelay $0x4  }
0xcc: {  	v1 =	vshll.u32 v0, $0x10;
	v0 =	vand.u32 $0xFFFF0000, v0  }
0xcd: {  	[tilespmem:s16+$0xFFFFFFF0] =	vst v0  }
0xce: {  	[tilespmem:s16+$0xFFFFFFB0] =	vst v1  }
0xcf: {  	v0 =	vld [tilespmem:s17+$0x179B0];
	_ =	sdelay $0x4  }
.Ltmp4:
0xd0: {  	v1 =	vshll.u32 v0, $0x10;
	v0 =	vand.u32 $0xFFFF0000, v0;
	(pc) =	sbr.rel @p0 .LBB2_9-.Ltmp4, $4  }
0xd1: {  	[tilespmem:s16+$0xFFFFFFC0] =	vst v1  }
0xd2: {  	s17 =	sshra.s32 s18, $0x2;
	[tilespmem:s16+$0x0] =	vst v0  }
0xd3: {  	v0 =	vld [tilespmem:s17+$0x17980]  }
0xd4: {  	s18 =	sadd.s32 $0x100, s18  }
0xd5: {  	_ =	sdelay $0x2  }
0xd6: {  	s16 =	sadd.s32 $0x80, s16;
	v1 =	vshll.u32 v0, $0x10  }
0xd7: {  	v0 =	vand.u32 $0xFFFF0000, v0;
	[tilespmem:s16+$0xFFFFFF90] =	vst v1  }
0xd8: {  	[tilespmem:s16+$0xFFFFFFD0] =	vst v0  }
0xd9: {  	v0 =	vld [tilespmem:s17+$0x17990];
	_ =	sdelay $0x4  }
0xda: {  	v1 =	vshll.u32 v0, $0x10  }
0xdb: {  	v0 =	vand.u32 $0xFFFF0000, v0;
	[tilespmem:s16+$0xFFFFFFA0] =	vst v1  }
0xdc: {  	[tilespmem:s16+$0xFFFFFFE0] =	vst v0  }
0xdd: {  	v0 =	vld [tilespmem:s17+$0x179A0];
	_ =	sdelay $0x4  }
0xde: {  	v1 =	vand.u32 $0xFFFF0000, v0  }
0xdf: {  	v0 =	vshll.u32 v0, $0x10;
	[tilespmem:s16+$0xFFFFFFF0] =	vst v1  }
0xe0: {  	[tilespmem:s16+$0xFFFFFFB0] =	vst v0  }
0xe1: {  	v0 =	vld [tilespmem:s17+$0x179B0];
	_ =	sdelay $0x4  }
0xe2: {  	v1 =	vshll.u32 v0, $0x10  }
0xe3: {  	v0 =	vand.u32 $0xFFFF0000, v0;
	[tilespmem:s16+$0xFFFFFFC0] =	vst v1  }
0xe4: {  	p0 =	seq.s32 s5, $0x27;
	[tilespmem:s16+$0x0] =	vst v0  }
0xe5: {  	[spmem:s4] =	stream.indirect.scatter.add.f32 [tilespmem:s29], [sflag:$0x6], $0x80, s28, s13, $0xb8;
	[tilespmem:$0x1E980] =	vst v63  }
0xe6: {  	v0 =	vld @!p0 [tilespmem:s2+$0x14140];
	_ =	sdelay $0x4  }
0xe7: {  	v0 =	vand.u32 @!p0 $0xFFFF, v0  }
0xe8: {  	[tilespmem:$0x16840] =	vst @!p0 v0  }
0xe9: {  	v0 =	vld @!p0 [tilespmem:s2+$0x14150];
	_ =	sdelay $0x4  }
0xea: {  	v0 =	vand.u32 @!p0 $0xFFFF, v0  }
0xeb: {  	[tilespmem:$0x16850] =	vst @!p0 v0  }
0xec: {  	v0 =	vld @!p0 [tilespmem:s2+$0x14160];
	_ =	sdelay $0x4  }
0xed: {  	v0 =	vand.u32 @!p0 $0xFFFF, v0  }
0xee: {  	[tilespmem:$0x16860] =	vst @!p0 v0  }
0xef: {  	v0 =	vld @!p0 [tilespmem:s2+$0x14170];
	_ =	sdelay $0x4  }
0xf0: {  	v0 =	vand.u32 @!p0 $0xFFFF, v0  }
0xf1: {  	s5 =	simm.s32 @!p0 $0x40;
	s17 =	simm.s32 @!p0 $0x17980;
	s16 =	simm.s32 @!p0 $0x16840;
	[tilespmem:$0x16870] =	vst @!p0 v0  }
0xf2: {  	[tilespmem:s17], [sflag:$0x2] =	stream.indirect.gather @!p0 [hbm4b:s1+s5], $0x40, s16, s5, $0xb8;
	[tilespmem:$0x1E980] =	vst v63  }
0xf3: {  	_ =	swait.ge [sflag:s30], $0x1000  }
0xf4: {  	[sflag:s30] =	ssyncset.done $0x0  }
0xf5: {  	[sflag:s30] =	ssyncadd.s32 $0xFFFFF000  }
0xf6: {  	_ =	swait.ge [sflag:s31], $0x2000  }
0xf7: {  	[sflag:s31] =	ssyncset.done $0x0  }
0xf8: {  	[sflag:s31] =	ssyncadd.s32 $0xFFFFE000  }
0xf9: {  	v0 =	vld [tilespmem:s2+$0x14080];
	_ =	sdelay $0x4  }
0xfa: {  	v0 =	vshrl.u32 v0, $0x10  }
0xfb: {  	[tilespmem:$0x16900] =	vst v0  }
0xfc: {  	v0 =	vld [tilespmem:s2+$0x14090];
	_ =	sdelay $0x4  }
0xfd: {  	v0 =	vshrl.u32 v0, $0x10  }
0xfe: {  	[tilespmem:$0x16910] =	vst v0  }
0xff: {  	v0 =	vld [tilespmem:s2+$0x140A0];
	_ =	sdelay $0x4  }
0x100: {  	v0 =	vshrl.u32 v0, $0x10  }
0x101: {  	[tilespmem:$0x16920] =	vst v0  }
0x102: {  	v0 =	vld [tilespmem:s2+$0x140B0];
	_ =	sdelay $0x4  }
0x103: {  	v0 =	vshrl.u32 v0, $0x10  }
0x104: {  	s18 =	simm.s32 $0x0;
	[tilespmem:$0x16930] =	vst v0  }
0x105: {  	v0 =	vld [tilespmem:s18+$0x18980];
	_ =	sdelay $0x4  }
0x106: {  	s5 =	simm.s32 $0x1A9C0;
	v1 =	vshll.u32 v0, $0x10  }
0x107: {  	v0 =	vand.u32 $0xFFFF0000, v0;
	[tilespmem:s5+$0xFFFFFFC0] =	vst v1  }
0x108: {  	[tilespmem:s5+$0x0] =	vst v0  }
0x109: {  	v0 =	vld [tilespmem:s18+$0x18990];
	_ =	sdelay $0x4  }
0x10a: {  	v1 =	vshll.u32 v0, $0x10  }
0x10b: {  	v0 =	vand.u32 $0xFFFF0000, v0;
	[tilespmem:s5+$0xFFFFFFD0] =	vst v1  }
0x10c: {  	[tilespmem:s5+$0x10] =	vst v0  }
0x10d: {  	v0 =	vld [tilespmem:s18+$0x189A0];
	_ =	sdelay $0x4  }
0x10e: {  	v1 =	vand.u32 $0xFFFF0000, v0  }
0x10f: {  	v0 =	vshll.u32 v0, $0x10;
	[tilespmem:s5+$0x20] =	vst v1  }
0x110: {  	[tilespmem:s5+$0xFFFFFFE0] =	vst v0  }
0x111: {  	v0 =	vld [tilespmem:s18+$0x189B0];
	_ =	sdelay $0x4  }
0x112: {  	v1 =	vshll.u32 v0, $0x10  }
0x113: {  	v0 =	vand.u32 $0xFFFF0000, v0;
	[tilespmem:s5+$0xFFFFFFF0] =	vst v1  }
0x114: {  	s16 =	simm.s32 $0x40;
	[tilespmem:s5+$0x30] =	vst v0  }
0x115: {  	v0 =	vld [tilespmem:s16+$0x18980]  }
0x116: {  	s17 =	simm.s32 $0x200  }
.LBB2_11:
0x117: {  	p1 =	sne.s32 s17, $0x3F00;
	_ =	sdelay $0x2  }
0x118: {  	s5 =	sadd.s32 $0x80, s5;
	v1 =	vshll.u32 v0, $0x10  }
0x119: {  	v0 =	vand.u32 $0xFFFF0000, v0;
	[tilespmem:s5+$0xFFFFFFC0] =	vst v1  }
0x11a: {  	[tilespmem:s5+$0x0] =	vst v0  }
0x11b: {  	v0 =	vld [tilespmem:s16+$0x18990];
	_ =	sdelay $0x4  }
0x11c: {  	v1 =	vshll.u32 v0, $0x10  }
0x11d: {  	v0 =	vand.u32 $0xFFFF0000, v0;
	[tilespmem:s5+$0xFFFFFFD0] =	vst v1  }
0x11e: {  	[tilespmem:s5+$0x10] =	vst v0  }
0x11f: {  	v0 =	vld [tilespmem:s16+$0x189A0];
	_ =	sdelay $0x4  }
0x120: {  	v1 =	vshll.u32 v0, $0x10;
	v0 =	vand.u32 $0xFFFF0000, v0  }
0x121: {  	[tilespmem:s5+$0x20] =	vst v0  }
0x122: {  	[tilespmem:s5+$0xFFFFFFE0] =	vst v1  }
0x123: {  	v0 =	vld [tilespmem:s16+$0x189B0];
	_ =	sdelay $0x4  }
.Ltmp5:
0x124: {  	v1 =	vshll.u32 v0, $0x10;
	v0 =	vand.u32 $0xFFFF0000, v0;
	(pc) =	sbr.rel @p1 .LBB2_11-.Ltmp5, $4  }
0x125: {  	[tilespmem:s5+$0xFFFFFFF0] =	vst v1  }
0x126: {  	s16 =	sshra.s32 s17, $0x2;
	[tilespmem:s5+$0x30] =	vst v0  }
0x127: {  	v0 =	vld [tilespmem:s16+$0x18980]  }
0x128: {  	s17 =	sadd.s32 $0x100, s17  }
0x129: {  	_ =	sdelay $0x2  }
0x12a: {  	s5 =	sadd.s32 $0x80, s5;
	v1 =	vshll.u32 v0, $0x10  }
0x12b: {  	v0 =	vand.u32 $0xFFFF0000, v0;
	[tilespmem:s5+$0xFFFFFFC0] =	vst v1  }
0x12c: {  	[tilespmem:s5+$0x0] =	vst v0  }
0x12d: {  	v0 =	vld [tilespmem:s16+$0x18990];
	_ =	sdelay $0x4  }
0x12e: {  	v1 =	vshll.u32 v0, $0x10  }
0x12f: {  	v0 =	vand.u32 $0xFFFF0000, v0;
	[tilespmem:s5+$0xFFFFFFD0] =	vst v1  }
0x130: {  	[tilespmem:s5+$0x10] =	vst v0  }
0x131: {  	v0 =	vld [tilespmem:s16+$0x189A0];
	_ =	sdelay $0x4  }
0x132: {  	v1 =	vand.u32 $0xFFFF0000, v0  }
0x133: {  	v0 =	vshll.u32 v0, $0x10;
	[tilespmem:s5+$0x20] =	vst v1  }
0x134: {  	[tilespmem:s5+$0xFFFFFFE0] =	vst v0  }
0x135: {  	v0 =	vld [tilespmem:s16+$0x189B0];
	_ =	sdelay $0x4  }
0x136: {  	v1 =	vshll.u32 v0, $0x10  }
0x137: {  	v0 =	vand.u32 $0xFFFF0000, v0;
	[tilespmem:s5+$0xFFFFFFF0] =	vst v1  }
0x138: {  	[tilespmem:s5+$0x30] =	vst v0  }
0x139: {  	[spmem:s4] =	stream.indirect.scatter.add.f32 [tilespmem:s24], [sflag:$0x5], $0x80, s23, s13, $0xb8;
	[tilespmem:$0x1E980] =	vst v63  }
0x13a: {  	v0 =	vld @!p0 [tilespmem:s2+$0x14180];
	_ =	sdelay $0x4  }
0x13b: {  	v0 =	vand.u32 @!p0 $0xFFFF, v0  }
0x13c: {  	[tilespmem:$0x16880] =	vst @!p0 v0  }
0x13d: {  	v0 =	vld @!p0 [tilespmem:s2+$0x14190];
	_ =	sdelay $0x4  }
0x13e: {  	v0 =	vand.u32 @!p0 $0xFFFF, v0  }
0x13f: {  	[tilespmem:$0x16890] =	vst @!p0 v0  }
0x140: {  	v0 =	vld @!p0 [tilespmem:s2+$0x141A0];
	_ =	sdelay $0x4  }
0x141: {  	v0 =	vand.u32 @!p0 $0xFFFF, v0  }
0x142: {  	[tilespmem:$0x168A0] =	vst @!p0 v0  }
0x143: {  	v0 =	vld @!p0 [tilespmem:s2+$0x141B0];
	_ =	sdelay $0x4  }
0x144: {  	v0 =	vand.u32 @!p0 $0xFFFF, v0  }
0x145: {  	s17 =	simm.s32 @!p0 $0x18980;
	s16 =	simm.s32 @!p0 $0x16880;
	s5 =	simm.s32 @!p0 $0x40;
	[tilespmem:$0x168B0] =	vst @!p0 v0  }
0x146: {  	[tilespmem:s17], [sflag:$0x3] =	stream.indirect.gather @!p0 [hbm4b:s1+s5], $0x40, s16, s5, $0xb8;
	[tilespmem:$0x1E980] =	vst v63  }
0x147: {  	_ =	swait.ge [sflag:s0], $0x1000  }
0x148: {  	[sflag:s0] =	ssyncset.done $0x0  }
0x149: {  	[sflag:s0] =	ssyncadd.s32 $0xFFFFF000  }
0x14a: {  	_ =	swait.ge [sflag:s26], $0x2000  }
0x14b: {  	[sflag:s26] =	ssyncset.done $0x0  }
0x14c: {  	[sflag:s26] =	ssyncadd.s32 $0xFFFFE000  }
0x14d: {  	v0 =	vld [tilespmem:s2+$0x140C0];
	_ =	sdelay $0x4  }
0x14e: {  	v0 =	vshrl.u32 v0, $0x10  }
0x14f: {  	[tilespmem:$0x16940] =	vst v0  }
0x150: {  	v0 =	vld [tilespmem:s2+$0x140D0];
	_ =	sdelay $0x4  }
0x151: {  	v0 =	vshrl.u32 v0, $0x10  }
0x152: {  	[tilespmem:$0x16950] =	vst v0  }
0x153: {  	v0 =	vld [tilespmem:s2+$0x140E0];
	_ =	sdelay $0x4  }
0x154: {  	v0 =	vshrl.u32 v0, $0x10  }
0x155: {  	[tilespmem:$0x16960] =	vst v0  }
0x156: {  	v0 =	vld [tilespmem:s2+$0x140F0];
	_ =	sdelay $0x4  }
0x157: {  	v0 =	vshrl.u32 v0, $0x10  }
0x158: {  	s18 =	simm.s32 $0x0;
	[tilespmem:$0x16970] =	vst v0  }
0x159: {  	v0 =	vld [tilespmem:s18+$0x19980];
	_ =	sdelay $0x4  }
0x15a: {  	s5 =	simm.s32 $0x1C9F0;
	v1 =	vshll.u32 v0, $0x10  }
0x15b: {  	v0 =	vand.u32 $0xFFFF0000, v0;
	[tilespmem:s5+$0xFFFFFF90] =	vst v1  }
0x15c: {  	[tilespmem:s5+$0xFFFFFFD0] =	vst v0  }
0x15d: {  	v0 =	vld [tilespmem:s18+$0x19990];
	_ =	sdelay $0x4  }
0x15e: {  	v1 =	vshll.u32 v0, $0x10  }
0x15f: {  	v0 =	vand.u32 $0xFFFF0000, v0;
	[tilespmem:s5+$0xFFFFFFA0] =	vst v1  }
0x160: {  	[tilespmem:s5+$0xFFFFFFE0] =	vst v0  }
0x161: {  	v0 =	vld [tilespmem:s18+$0x199A0];
	_ =	sdelay $0x4  }
0x162: {  	v1 =	vand.u32 $0xFFFF0000, v0  }
0x163: {  	v0 =	vshll.u32 v0, $0x10;
	[tilespmem:s5+$0xFFFFFFF0] =	vst v1  }
0x164: {  	[tilespmem:s5+$0xFFFFFFB0] =	vst v0  }
0x165: {  	v0 =	vld [tilespmem:s18+$0x199B0];
	_ =	sdelay $0x4  }
0x166: {  	v1 =	vshll.u32 v0, $0x10  }
0x167: {  	v0 =	vand.u32 $0xFFFF0000, v0;
	[tilespmem:s5+$0xFFFFFFC0] =	vst v1  }
0x168: {  	s16 =	simm.s32 $0x40;
	[tilespmem:s5+$0x0] =	vst v0  }
0x169: {  	v0 =	vld [tilespmem:s16+$0x19980]  }
0x16a: {  	s17 =	simm.s32 $0x200  }
.LBB2_13:
0x16b: {  	p1 =	sne.s32 s17, $0x3F00;
	_ =	sdelay $0x2  }
0x16c: {  	s5 =	sadd.s32 $0x80, s5;
	v1 =	vshll.u32 v0, $0x10  }
0x16d: {  	v0 =	vand.u32 $0xFFFF0000, v0;
	[tilespmem:s5+$0xFFFFFF90] =	vst v1  }
0x16e: {  	[tilespmem:s5+$0xFFFFFFD0] =	vst v0  }
0x16f: {  	v0 =	vld [tilespmem:s16+$0x19990];
	_ =	sdelay $0x4  }
0x170: {  	v1 =	vshll.u32 v0, $0x10  }
0x171: {  	v0 =	vand.u32 $0xFFFF0000, v0;
	[tilespmem:s5+$0xFFFFFFA0] =	vst v1  }
0x172: {  	[tilespmem:s5+$0xFFFFFFE0] =	vst v0  }
0x173: {  	v0 =	vld [tilespmem:s16+$0x199A0];
	_ =	sdelay $0x4  }
0x174: {  	v1 =	vshll.u32 v0, $0x10;
	v0 =	vand.u32 $0xFFFF0000, v0  }
0x175: {  	[tilespmem:s5+$0xFFFFFFF0] =	vst v0  }
0x176: {  	[tilespmem:s5+$0xFFFFFFB0] =	vst v1  }
0x177: {  	v0 =	vld [tilespmem:s16+$0x199B0];
	_ =	sdelay $0x4  }
.Ltmp6:
0x178: {  	v1 =	vshll.u32 v0, $0x10;
	v0 =	vand.u32 $0xFFFF0000, v0;
	(pc) =	sbr.rel @p1 .LBB2_13-.Ltmp6, $4  }
0x179: {  	[tilespmem:s5+$0xFFFFFFC0] =	vst v1  }
0x17a: {  	s16 =	sshra.s32 s17, $0x2;
	[tilespmem:s5+$0x0] =	vst v0  }
0x17b: {  	v0 =	vld [tilespmem:s16+$0x19980]  }
0x17c: {  	s17 =	sadd.s32 $0x100, s17  }
0x17d: {  	_ =	sdelay $0x2  }
0x17e: {  	s5 =	sadd.s32 $0x80, s5;
	v1 =	vshll.u32 v0, $0x10  }
0x17f: {  	v60 =	vand.u32 $0xFFFF0000, v0;
	[tilespmem:s5+$0xFFFFFF90] =	vst v1  }
0x180: {  	[tilespmem:s5+$0xFFFFFFD0] =	vst v60  }
0x181: {  	v0 =	vld [tilespmem:s16+$0x19990];
	_ =	sdelay $0x4  }
0x182: {  	v61 =	vshll.u32 v0, $0x10  }
0x183: {  	v0 =	vand.u32 $0xFFFF0000, v0;
	[tilespmem:s5+$0xFFFFFFA0] =	vst v61  }
0x184: {  	[tilespmem:s5+$0xFFFFFFE0] =	vst v0  }
0x185: {  	v0 =	vld [tilespmem:s16+$0x199A0];
	_ =	sdelay $0x4  }
0x186: {  	v62 =	vand.u32 $0xFFFF0000, v0  }
0x187: {  	v0 =	vshll.u32 v0, $0x10;
	[tilespmem:s5+$0xFFFFFFF0] =	vst v62  }
0x188: {  	[tilespmem:s5+$0xFFFFFFB0] =	vst v0  }
0x189: {  	v0 =	vld [tilespmem:s16+$0x199B0];
	_ =	sdelay $0x4  }
0x18a: {  	v63 =	vshll.u32 v0, $0x10  }
0x18b: {  	v0 =	vand.u32 $0xFFFF0000, v0;
	[tilespmem:s5+$0xFFFFFFC0] =	vst v63  }
0x18c: {  	[tilespmem:s5+$0x0] =	vst v0  }
0x18d: {  	[spmem:s4] =	stream.indirect.scatter.add.f32 [tilespmem:s29], [sflag:$0x6], $0x80, s28, s13, $0xb8;
	[tilespmem:$0x1E980] =	vst v63  }
0x18e: {  	v0 =	vld @!p0 [tilespmem:s2+$0x141C0];
	_ =	sdelay $0x4  }
0x18f: {  	v0 =	vand.u32 @!p0 $0xFFFF, v0  }
0x190: {  	[tilespmem:$0x168C0] =	vst @!p0 v0  }
0x191: {  	v0 =	vld @!p0 [tilespmem:s2+$0x141D0];
	_ =	sdelay $0x4  }
0x192: {  	v0 =	vand.u32 @!p0 $0xFFFF, v0  }
0x193: {  	[tilespmem:$0x168D0] =	vst @!p0 v0  }
0x194: {  	v0 =	vld @!p0 [tilespmem:s2+$0x141E0];
	_ =	sdelay $0x4  }
0x195: {  	v0 =	vand.u32 @!p0 $0xFFFF, v0  }
0x196: {  	[tilespmem:$0x168E0] =	vst @!p0 v0  }
0x197: {  	v0 =	vld @!p0 [tilespmem:s2+$0x141F0];
	_ =	sdelay $0x4  }
0x198: {  	p1 =	sne.s32 @!p0 s12, $0x28;
	v0 =	vand.u32 @!p0 $0xFFFF, v0  }
0x199: {  	s16 =	simm.s32 @!p0 $0x19980;
	s5 =	simm.s32 @!p0 $0x168C0;
	s2 =	simm.s32 @!p0 $0x40;
	[tilespmem:$0x168F0] =	vst @!p0 v0  }
0x19a: {  	[tilespmem:s16], [sflag:$0x4] =	stream.indirect.gather @!p0 [hbm4b:s1+s2], $0x40, s5, s2, $0xb8;
	[tilespmem:$0x1E980] =	vst v63  }
0x19b: {  	p0 =	por p0, !p1  }
.Ltmp7:
0x19c: {  	_ = 	snop;
	(pc) =	sbr.rel @!p0 .LBB2_2-.Ltmp7, $2  }
0x19d: {  	_ =	sdelay $0x2  }
0x19e: {  	s5 =	smov.u32 s12  }
0x19f: {  	_ =	swait.ge [sflag:s31], $0x2000  }
0x1a0: {  	[sflag:s31] =	ssyncset.done $0x0  }
0x1a1: {  	[sflag:s31] =	ssyncadd.s32 $0xFFFFE000  }
0x1a2: {  	_ =	swait.ge [sflag:s26], $0x2000  }
0x1a3: {  	s3 =	sadd.s32 $0x1, s3;
	[sflag:s26] =	ssyncset.done $0x0  }
0x1a4: {  	p0 =	sne.s32 s3, s9;
	[sflag:s26] =	ssyncadd.s32 $0xFFFFE000  }
.Ltmp8:
0x1a5: {  	[bflag:$0x0] =	sbarrier.arrive $0xFFFF;
	(pc) =	sbr.rel @p0 .LBB2_1-.Ltmp8, $4  }
0x1a6: {  	[hbm:s8], [sflag:s6] =	dma.local [spmem:s10], $0x2800  }
0x1a7: {  	_ =	swait.ge [sflag:s11], $0x2800  }
0x1a8: {  	[sflag:s11] =	ssyncset.done $0x0  }
0x1a9: {  	[sflag:s11] =	ssyncadd.s32 $0xFFFFD800  }
0x1aa: {  	_ =	sfence.sel $0x180000  }
0x1ab: {  	[bflag:$0x0] =	sbarrier.arrive $0xFFFF  }
0x1ac: {  	_ =	strace $0x9000004A  }
0x1ad: {  	s0 =	stileid.u32;
	[bflag:$0x2] =	sbarrier.arrive $0xFFFF  }
0x1ae: {  	p0 =	sne.s32 s0, $0x0;
	s0 =	rddreg [dreg:$0x5]  }
0x1af: {  	s0 =	sadd.s32 @!p0 $0x100000, s0  }
0x1b0: {  	[sflag:s0] =	ssyncadd.tile.s32 @!p0 $0x1;
	_ =	shalt  }
.Lfunc_end2:
_tile_overlayer_lowered:
.L_overlay_start_2:
0x1b1: {  	(tag) =	ssettag $0x2  }
0x1b2: {  	s0 =	rddreg [dreg:$0x0];
	s2 =	stileid.u32  }
0x1b3: {  	s1 =	rddreg [dreg:$0x1];
	p0 =	sne.s32 s2, $0x0  }
0x1b4: {  	s3 =	rddreg [dreg:$0x2];
	[bflag:$0x3] =	sbarrier.arrive $0xFFFF;
	s2 =	simm.s32 @!p0 $0x1C07  }
0x1b5: {  	[timem:s3], [sflag:s2] =	dma.local @!p0 [hbm:s0], s1  }
0x1b6: {  	s0 =	simm.s32 @!p0 $0x7  }
0x1b7: {  	_ =	swait.ge @!p0 [sflag:s0], s1  }
0x1b8: {  	s1 =	ssub.s32 @!p0 $0x0, s1;
	[sflag:s0] =	ssyncset.done @!p0 $0x0  }
0x1b9: {  	[sflag:s0] =	ssyncadd.s32 @!p0 s1  }
0x1ba: {  	[bflag:$0x3] =	sbarrier.arrive $0xFFFF  }
0x1bb: {  	_ =	shalt  }

// kernel: kernel.14.cloned.1.call-start
scs
__scs_entry_jumppad:
0x0: {  	(pc) =	sbr.rel $0x88, $3  }
0x1: {  	(tag) =	ssettag $0x0;
	lr =	simm.s32 $0x1  }
0x2: {  	[smem:$0x3F92] =	sst lr;
	_ =	strace $0xD0000000  }
0x3: {  	_ = 	snop  }
0x4: {  	_ = 	snop  }
0x5: {  	_ = 	snop  }
0x6: {  	_ = 	snop  }
0x7: {  	_ = 	snop  }
__scs_overlays_trampoline_lowered:
0x8: {  	[smem:$0x3FA1] =	sst s0  }
0x9: {  	[smem:$0x3FA2] =	sst s1  }
0xa: {  	[smem:$0x3FA3] =	sst s2  }
0xb: {  	[smem:$0x3FA4] =	sst s3  }
0xc: {  	[smem:$0x3FA5] =	sst s4  }
0xd: {  	[smem:$0x3FA6] =	sst s5  }
0xe: {  	[smem:$0x3FA7] =	sst s6  }
0xf: {  	[smem:$0x3FA8] =	sst s7  }
0x10: {  	[smem:$0x3FA9] =	sst s8  }
0x11: {  	[smem:$0x3FAA] =	sst s9;
	s0 =	simm.s32 @!p0 $0x0  }
0x12: {  	s1 =	sld [smem:$0x3F90];
	s0 =	simm.s32 @p0 $0x1  }
0x13: {  	[smem:$0x3FAB] =	sst s0;
	s0 =	simm.s32 @!p1 $0x0  }
0x14: {  	s2 =	sld [smem:$0x3F8F];
	s0 =	simm.s32 @p1 $0x1  }
0x15: {  	[smem:$0x3FAC] =	sst s0;
	s0 =	simm.s32 @!p2 $0x0  }
0x16: {  	s3 =	sld [smem:$0x3FDB];
	s0 =	simm.s32 @p2 $0x1  }
0x17: {  	s4 =	simm.s32 $0x1BF5;
	[smem:$0x3FAE] =	sst s0  }
0x18: {  	s0 =	sld [smem:$0x3F91];
	_ =	swait.ge [sflag:s4], $0x0  }
0x19: {  	s7 =	sld [smem:$0x3F92]  }
0x1a: {  	s8 =	sadd.s32 $0xFFFFE003, lr  }
0x1b: {  	s9 =	sadd.s32 $0xFFFFFEF7, lr;
	s5 =	simm.s32 $0xFFFFFFFF;
	p2 =	slt.u32 s8, $0xFFFFF086  }
0x1c: {  	p1 =	slt.u32 s9, $0xF7A;
	s5 =	simm.s32 @!p2 $0x0  }
0x1d: {  	s5 =	simm.s32 @p1 $0x1;
	p0 =	seq.s32 s7, s2  }
0x1e: {  	s7 =	smul.u32 @!p0 $0xF7A, s2;
	p2 =	seq.s32 @!p0 s5, $0x0  }
0x1f: {  	s9 =	smul.u32 $0xF7A, s1;
	s8 =	simm.s32 @!p0 $0x1BF5;
	p2 =	por !p2, p0  }
0x20: {  	[sflag:s8] =	ssyncset.s32 @!p0 $0xFFFFF086;
	s6 =	sadd.s32 @!p0 s3, s7;
	s7 =	simm.s32 @!p0 $0x108  }
0x21: {  	s3 =	sadd.s32 s3, s9;
	s6 =	sadd.s32 @!p0 $0x88, s6;
	s7 =	simm.s32 @p2 $0x1082  }
0x22: {  	[simem:s7], [sflag:s8] =	dma.local @!p0 [hbm:s6], $0xF7A  }
0x23: {  	s9 =	sor.u32 $0xD0000000, s2;
	s6 =	simm.s32 $0x108;
	_ =	swait.ge @!p0 [sflag:s8], $0x0  }
0x24: {  	s3 =	sadd.s32 $0x88, s3;
	s6 =	simm.s32 @!p1 $0x1082;
	[sflag:s4] =	ssyncset.s32 $0xFFFFF086  }
0x25: {  	[simem:s6], [sflag:s4] =	dma.local [hbm:s3], $0xF7A  }
0x26: {  	[smem:$0x3F92] =	sst s1;
	(tag) =	ssettag s2;
	_ =	strace s9  }
0x27: {  	s1 =	sld [smem:$0x3FA2]  }
0x28: {  	s2 =	sld [smem:$0x3FA3]  }
0x29: {  	s4 =	sld [smem:$0x3FA5]  }
0x2a: {  	p0 =	seq.s32 s5, $0x0;
	s5 =	sld [smem:$0x3FA6]  }
0x2b: {  	s6 =	sld [smem:$0x3FA7]  }
0x2c: {  	s7 =	sld [smem:$0x3FA8]  }
0x2d: {  	s3 =	simm.s32 $0x108;
	s8 =	sld [smem:$0x3FA9]  }
0x2e: {  	s3 =	simm.s32 @!p0 $0x1082;
	s9 =	sld [smem:$0x3FAA]  }
0x2f: {  	lr =	sadd.s32 s0, s3;
	s0 =	sld [smem:$0x3FA1]  }
0x30: {  	s3 =	sld [smem:$0x3FA4]  }
0x31: {  	[smem:$0x3FAD] =	sst s10  }
0x32: {  	s10 =	sld [smem:$0x3FAB];
	_ =	sdelay $0x3  }
0x33: {  	p0 =	seq.s32 s10, $0x1;
	s10 =	sld [smem:$0x3FAD];
	_ =	sdelay $0x3  }
0x34: {  	[smem:$0x3FAD] =	sst s10  }
0x35: {  	s10 =	sld [smem:$0x3FAC];
	_ =	sdelay $0x3  }
0x36: {  	p1 =	seq.s32 s10, $0x1;
	s10 =	sld [smem:$0x3FAD];
	_ =	sdelay $0x3  }
0x37: {  	[smem:$0x3FAD] =	sst s10  }
0x38: {  	s10 =	sld [smem:$0x3FAE]  }
0x39: {  	_ = 	snop;
	(pc) =	sbr.ind lr, $3  }
0x3a: {  	_ = 	snop  }
0x3b: {  	_ = 	snop  }
0x3c: {  	p2 =	seq.s32 s10, $0x1;
	s10 =	sld [smem:$0x3FAD]  }
0x3d: {  	_ =	shalt  }
0x3e: {  	_ =	shalt  }
0x3f: {  	_ =	shalt  }
0x40: {  	_ =	shalt  }
0x41: {  	_ =	shalt  }
0x42: {  	_ =	shalt  }
0x43: {  	_ =	shalt  }
0x44: {  	_ =	shalt  }
0x45: {  	_ =	shalt  }
0x46: {  	_ =	shalt  }
0x47: {  	_ =	shalt  }
0x48: {  	_ =	shalt  }
0x49: {  	_ =	shalt  }
0x4a: {  	_ =	shalt  }
0x4b: {  	_ =	shalt  }
0x4c: {  	_ =	shalt  }
0x4d: {  	_ =	shalt  }
0x4e: {  	_ =	shalt  }
0x4f: {  	_ =	shalt  }
0x50: {  	_ =	shalt  }
0x51: {  	_ =	shalt  }
0x52: {  	_ =	shalt  }
0x53: {  	_ =	shalt  }
0x54: {  	_ =	shalt  }
0x55: {  	_ =	shalt  }
0x56: {  	_ =	shalt  }
0x57: {  	_ =	shalt  }
0x58: {  	_ =	shalt  }
0x59: {  	_ =	shalt  }
0x5a: {  	_ =	shalt  }
0x5b: {  	_ =	shalt  }
0x5c: {  	_ =	shalt  }
0x5d: {  	_ =	shalt  }
0x5e: {  	_ =	shalt  }
0x5f: {  	_ =	shalt  }
0x60: {  	_ =	shalt  }
0x61: {  	_ =	shalt  }
0x62: {  	_ =	shalt  }
0x63: {  	_ =	shalt  }
0x64: {  	_ =	shalt  }
0x65: {  	_ =	shalt  }
0x66: {  	_ =	shalt  }
0x67: {  	_ =	shalt  }
0x68: {  	_ =	shalt  }
0x69: {  	_ =	shalt  }
0x6a: {  	_ =	shalt  }
0x6b: {  	_ =	shalt  }
0x6c: {  	_ =	shalt  }
0x6d: {  	_ =	shalt  }
0x6e: {  	_ =	shalt  }
0x6f: {  	_ =	shalt  }
0x70: {  	_ =	shalt  }
0x71: {  	_ =	shalt  }
0x72: {  	_ =	shalt  }
0x73: {  	_ =	shalt  }
0x74: {  	_ =	shalt  }
0x75: {  	_ =	shalt  }
0x76: {  	_ =	shalt  }
0x77: {  	_ =	shalt  }
0x78: {  	_ =	shalt  }
0x79: {  	_ =	shalt  }
0x7a: {  	_ =	shalt  }
0x7b: {  	_ =	shalt  }
0x7c: {  	_ =	shalt  }
0x7d: {  	_ =	shalt  }
0x7e: {  	_ =	shalt  }
0x7f: {  	_ =	shalt  }
0x80: {  	_ =	shalt  }
0x81: {  	_ =	shalt  }
0x82: {  	_ =	shalt  }
0x83: {  	_ =	shalt  }
0x84: {  	_ =	shalt  }
0x85: {  	_ =	shalt  }
0x86: {  	_ =	shalt  }
0x87: {  	_ =	shalt  }
.Lfunc_end0:
.L_simem_size_0:
called_computation.2_lowered:
.L_overlay_start_0:
0x88: {  	s2 =	sld [smem:$0x3FD9]  }
0x89: {  	s3 =	sld [smem:$0x3FFE];
	_ =	sdelay $0x1  }
0x8a: {  	s1 =	srdreg.scid  }
0x8b: {  	s0 =	sand.u32 $0x1, s1  }
0x8c: {  	s14 =	sshll.u32 s0, $0xA;
	s2 =	sadd.s32 s3, s2  }
0x8d: {  	s2 =	sadd.s32 s2, s14  }
0x8e: {  	[smem:$0x3FB9] =	sst s2  }
0x8f: {  	_ = 	snop  }
0x90: {  	s2 =	sld [smem:$0x3FD0];
	_ =	sdelay $0x2  }
0x91: {  	s15 =	simm.s32 $0xA;
	s4 =	simm.s32 $0x10  }
0x92: {  	[smem:s4], [sflag:s15] =	dma.local [hbm:s2], $0x1  }
0x93: {  	_ =	swait.eq [sflag:s15], $0x1  }
0x94: {  	s16 =	sld [smem:$0x10];
	[sflag:s15] =	ssyncset.done $0x0  }
0x95: {  	s17 =	sld [smem:$0x11];
	[sflag:s15] =	ssyncadd.s32 $0xFFFFFFFF  }
0x96: {  	s18 =	sld [smem:$0x13];
	(tm) =	ssettm $0x1  }
0x97: {  	s5 =	sld [smem:$0x3FFB];
	_ =	sdelay $0x3  }
0x98: {  	_ =	strace s5  }
0x99: {  	s5 =	sld [smem:$0x3FFC];
	_ =	sdelay $0x3  }
0x9a: {  	_ =	strace s5  }
0x9b: {  	s5 =	sld [smem:$0x3FFD];
	_ =	sdelay $0x3  }
0x9c: {  	_ =	strace s5  }
0x9d: {  	_ =	strace $0x8FFFFFFF  }
0x9e: {  	s19 =	sld [smem:$0x3FDB];
	_ =	sdelay $0x1  }
0x9f: {  	s6 =	simm.s32 $_scs_section_size  }
0xa0: {  	s7 =	simm.s32 $_size__tile_overlayer_lowered;
	s8 =	simm.s32 $_tile_overlayer_lowered  }
0xa1: {  	s22 =	simm.s32 $0x1BFF;
	s21 =	sshll.u32 s8, $0x1;
	s5 =	sadd.s32 s6, s19  }
0xa2: {  	s9 =	simm.s32 $0x0;
	s20 =	sshll.u32 s7, $0x1;
	s7 =	sadd.s32 s21, s5  }
0xa3: {  	[timem:s9], [sflag:s22] =	dma.local [hbm:s7], s20  }
0xa4: {  	_ =	swait.ge [sflag:s22], s20  }
0xa5: {  	s6 =	ssub.s32 $0x0, s20;
	[sflag:s22] =	ssyncset.done $0x0  }
0xa6: {  	[sflag:s22] =	ssyncadd.s32 s6;
	_ =	sdelay $0x1  }
0xa7: {  	s23 =	simm.s32 $0x1B8B  }
0xa8: {  	_ =	swait.ge [sflag:s23], $0x1  }
0xa9: {  	[sflag:s23] =	ssyncset.done $0x0  }
0xaa: {  	s25 =	simm.s32 $0x1B8E;
	s24 =	sld [smem:$0x3FFE];
	[sflag:s23] =	ssyncadd.s32 $0xFFFFFFFF  }
0xab: {  	s26 =	simm.s32 $execute0_lowered;
	[smem:$0x3FD2] =	sst s25  }
0xac: {  	s7 =	sshll.u32 s26, $0x1;
	_ =	strace $0x8000004C;
	[dreg:$0x1] =	wrdreg $0xFFFFFFFF  }
0xad: {  	s28 =	simm.s32 $_size_execute0_lowered;
	s5 =	sadd.s32 s5, s7;
	[dreg:$0x0] =	wrdreg $0x0  }
0xae: {  	s7 =	sshll.u32 s28, $0x1;
	[dreg:$0x2] =	wrdreg s5  }
0xaf: {  	[dreg:$0x3] =	wrdreg s7  }
0xb0: {  	[dreg:$0x4] =	wrdreg $0xC0  }
0xb1: {  	_ =	task [dreg:s9], $0x5FFFF  }
0xb2: {  	[dreg:$0x1] =	wrdreg $0xFFFFFFFF  }
0xb3: {  	[dreg:$0x0] =	wrdreg $0x60  }
0xb4: {  	[dreg:$0x2] =	wrdreg s18  }
0xb5: {  	[dreg:$0x3] =	wrdreg s17  }
0xb6: {  	[dreg:$0x4] =	wrdreg s16  }
0xb7: {  	[dreg:$0x5] =	wrdreg s24  }
0xb8: {  	[dreg:$0x6] =	wrdreg $0x0  }
0xb9: {  	[dreg:$0x7] =	wrdreg $0x9  }
0xba: {  	_ =	task.clear_ibuf [dreg:s9], $0x8FFFF;
	_ =	strace $0x9000004C  }
0xbb: {  	s29 =	simm.s32 $0x9;
	_ =	strace $0x8000004E  }
0xbc: {  	_ =	swait.ge [sflag:s29], $0x1  }
0xbd: {  	[sflag:s29] =	ssyncadd.s32 $0xFFFFFFFF  }
0xbe: {  	_ =	strace $0x9000004E  }
0xbf: {  	_ =	sfence  }
0xc0: {  	s30 =	sld [smem:$0x0];
	_ =	sdelay $0x2  }
0xc1: {  	s31 =	sshll.u32 s1, $0xD;
	s1 =	sshrl.u32 s1, $0x2  }
0xc2: {  	s3 =	sand.u32 $0x4000, s31;
	s1 =	sadd.s32 s1, s30  }
0xc3: {  	s0 =	sor.u32 s3, s0;
	s1 =	sshll.u32 s1, $0x11  }
0xc4: {  	s0 =	sor.u32 s1, s0  }
0xc5: {  	s0 =	sadd.s32 $0x8F2B, s0  }
0xc6: {  	[sflag:s0] =	ssyncadd.remote.s32 $0x1  }
0xc7: {  	_ =	sfence.sel $0xFFFF  }
0xc8: {  	[dreg:$0x0] =	wrdreg $0xFFFFFFFF;
	(pc) =	sbr.abs _section_cstart, $3  }
0xc9: {  	[dreg:$0x1] =	wrdreg $0xFFFFFFFF  }
0xca: {  	_ =	task.clear_ibuf [dreg:s9], $0x2FFFF;
	_ =	strace $0x9FFFFFFF  }
0xcb: {  	(tm) =	ssettm $0x7FFFFFFF  }
tec
execute0_lowered:
.L_overlay_start_1:
0x0: {  	(tag) =	ssettag $0x1  }
0x1: {  	s1 =	rddreg [dreg:$0x0]  }
0x2: {  	s0 =	rddreg [dreg:$0x1]  }
0x3: {  	s2 =	rddreg [dreg:$0x3]  }
0x4: {  	s4 =	rddreg [dreg:$0x4];
	s5 =	simm.s32 $0x0;
	s3 =	srdreg.scid  }
0x5: {  	s10 =	stileid.u32;
	s11 =	simm.s32 $0x7;
	s13 =	simm.s32 $0x40  }
0x6: {  	s14 =	simm.s32 $0x16800;
	s15 =	simm.s32 $0x16980;
	s19 =	simm.s32 $0x18980  }
0x7: {  	s20 =	simm.s32 $0x168C0;
	s21 =	simm.s32 $0x19980;
	s22 =	simm.s32 $0x1  }
0x8: {  	s23 =	simm.s32 $0x16900;
	s24 =	simm.s32 $0x1A980;
	s28 =	simm.s32 $0x16940  }
0x9: {  	s29 =	simm.s32 $0x1C980;
	s30 =	simm.s32 $0x3;
	s31 =	simm.s32 $0x5  }
0xa: {  	[smem:$0x7FF] =	sst s5;
	s3 =	sand.u32 $0x1, s3;
	s25 =	smul.u32 $0x14000, s10  }
0xb: {  	s26 =	sshll.u32 s10, $0x6;
	s6 =	ssub.s32 $0x2, s3;
	s7 =	sshll.u32 s3, $0x4  }
0xc: {  	s3 =	smul.u32 $0x140000, s3;
	_ =	strace $0x8000004D;
	s8 =	sshrl.u32 s6, $0x1  }
0xd: {  	s7 =	sor.u32 s10, s7;
	s5 =	sadd.s32 s25, s4;
	s9 =	ssub.s32 s6, s8  }
0xe: {  	s7 =	smul.u32 $0x500, s7;
	s3 =	sadd.s32 s25, s3;
	s6 =	sor.u32 $0x1C07, s26  }
0xf: {  	s10 =	sshrl.u32 s5, $0x3;
	s25 =	simm.s32 $0x2;
	s26 =	simm.s32 $0x6  }
0x10: {  	s3 =	sshrl.u32 s3, $0x3;
	s9 =	smax.u32 s9, $0x1;
	s7 =	sadd.s32 s0, s7  }
0x11: {  	s8 =	sadd.s32 s2, s3;
	s0 =	simm.s32 $0x4;
	s3 =	simm.s32 $0x0  }
.LBB2_1:
0x12: {  	s2 =	rddreg [dreg:$0x2]  }
0x13: {  	[spmem:s10], [sflag:s6] =	dma.local [hbm:s2], $0x2800  }
0x14: {  	_ =	swait.ge [sflag:s11], $0x2800  }
0x15: {  	[sflag:s11] =	ssyncset.done $0x0  }
0x16: {  	s12 =	simm.s32 $0x0;
	s5 =	simm.s32 $0x14000;
	[sflag:s11] =	ssyncadd.s32 $0xFFFFD800  }
0x17: {  	[tilespmem:s5], [sflag:$0x7] =	stream.linear.gather [hbm4b:s7+s12], $0x2800, $0x38;
	[tilespmem:$0x1E980] =	vst v63  }
0x18: {  	_ =	swait.ge [sflag:s11], $0x2800  }
0x19: {  	[sflag:s11] =	ssyncset.done $0x0  }
0x1a: {  	[sflag:s11] =	ssyncadd.s32 $0xFFFFD800  }
0x1b: {  	[bflag:$0x0] =	sbarrier.arrive $0xFFFF  }
0x1c: {  	v0 =	vld [tilespmem:$0x14000]  }
0x1d: {  	v1 =	vld [tilespmem:$0x14010]  }
0x1e: {  	v2 =	vld [tilespmem:$0x14020]  }
0x1f: {  	v3 =	vld [tilespmem:$0x14030];
	_ =	sdelay $0x1  }
0x20: {  	v0 =	vand.u32 $0xFFFF, v0  }
0x21: {  	v40 =	vand.u32 $0xFFFF, v1;
	[tilespmem:$0x16800] =	vst v0  }
0x22: {  	v41 =	vand.u32 $0xFFFF, v2;
	[tilespmem:$0x16810] =	vst v40  }
0x23: {  	v42 =	vand.u32 $0xFFFF, v3;
	[tilespmem:$0x16820] =	vst v41  }
0x24: {  	[tilespmem:$0x16830] =	vst v42  }
0x25: {  	[tilespmem:s15], [sflag:$0x1] =	stream.indirect.gather [hbm4b:s1+s13], $0x40, s14, s13, $0xb8;
	[tilespmem:$0x1E980] =	vst v63  }
0x26: {  	v43 =	vld [tilespmem:$0x14040]  }
0x27: {  	v44 =	vld [tilespmem:$0x14050]  }
0x28: {  	v45 =	vld [tilespmem:$0x14060]  }
0x29: {  	v46 =	vld [tilespmem:$0x14070];
	_ =	sdelay $0x1  }
0x2a: {  	v0 =	vand.u32 $0xFFFF, v43  }
0x2b: {  	v47 =	vand.u32 $0xFFFF, v44;
	[tilespmem:$0x16840] =	vst v0  }
0x2c: {  	v48 =	vand.u32 $0xFFFF, v45;
	[tilespmem:$0x16850] =	vst v47  }
0x2d: {  	v49 =	vand.u32 $0xFFFF, v46;
	[tilespmem:$0x16860] =	vst v48  }
0x2e: {  	s16 =	simm.s32 $0x16840;
	s17 =	simm.s32 $0x17980;
	[tilespmem:$0x16870] =	vst v49  }
0x2f: {  	[tilespmem:s17], [sflag:$0x2] =	stream.indirect.gather [hbm4b:s1+s13], $0x40, s16, s13, $0xb8;
	[tilespmem:$0x1E980] =	vst v63  }
0x30: {  	v50 =	vld [tilespmem:$0x14080]  }
0x31: {  	v51 =	vld [tilespmem:$0x14090]  }
0x32: {  	v52 =	vld [tilespmem:$0x140A0]  }
0x33: {  	v53 =	vld [tilespmem:$0x140B0];
	_ =	sdelay $0x1  }
0x34: {  	v0 =	vand.u32 $0xFFFF, v50  }
0x35: {  	v54 =	vand.u32 $0xFFFF, v51;
	[tilespmem:$0x16880] =	vst v0  }
0x36: {  	v55 =	vand.u32 $0xFFFF, v52;
	[tilespmem:$0x16890] =	vst v54  }
0x37: {  	v56 =	vand.u32 $0xFFFF, v53;
	[tilespmem:$0x168A0] =	vst v55  }
0x38: {  	s18 =	simm.s32 $0x16880;
	[tilespmem:$0x168B0] =	vst v56  }
0x39: {  	[tilespmem:s19], [sflag:$0x3] =	stream.indirect.gather [hbm4b:s1+s13], $0x40, s18, s13, $0xb8;
	[tilespmem:$0x1E980] =	vst v63  }
0x3a: {  	v57 =	vld [tilespmem:$0x140C0]  }
0x3b: {  	v58 =	vld [tilespmem:$0x140D0]  }
0x3c: {  	v59 =	vld [tilespmem:$0x140E0]  }
0x3d: {  	v60 =	vld [tilespmem:$0x140F0];
	_ =	sdelay $0x1  }
0x3e: {  	v0 =	vand.u32 $0xFFFF, v57  }
0x3f: {  	v61 =	vand.u32 $0xFFFF, v58;
	[tilespmem:$0x168C0] =	vst v0  }
0x40: {  	v62 =	vand.u32 $0xFFFF, v59;
	[tilespmem:$0x168D0] =	vst v61  }
0x41: {  	v63 =	vand.u32 $0xFFFF, v60;
	[tilespmem:$0x168E0] =	vst v62  }
0x42: {  	s5 =	simm.s32 $0x0;
	[tilespmem:$0x168F0] =	vst v63  }
0x43: {  	[tilespmem:s21], [sflag:$0x4] =	stream.indirect.gather [hbm4b:s1+s13], $0x40, s20, s13, $0xb8;
	[tilespmem:$0x1E980] =	vst v63  }
.LBB2_2:
0x44: {  	_ =	swait.ge [sflag:s22], $0x1000  }
0x45: {  	p0 =	seq.s32 s5, $0x0;
	[sflag:s22] =	ssyncset.done $0x0  }
0x46: {  	s2 =	simm.s32 @!p0 $0x5;
	[sflag:s22] =	ssyncadd.s32 $0xFFFFF000  }
0x47: {  	_ =	swait.ge @!p0 [sflag:s2], $0x2000  }
0x48: {  	s12 =	sshll.u32 s5, $0x8;
	[sflag:s2] =	ssyncset.done @!p0 $0x0  }
0x49: {  	[sflag:s2] =	ssyncadd.s32 @!p0 $0xFFFFE000;
	s2 =	sand.u32 $0x3FFFFF00, s12  }
0x4a: {  	v0 =	vld [tilespmem:s2+$0x14000];
	_ =	sdelay $0x4  }
0x4b: {  	v0 =	vshrl.u32 v0, $0x10  }
0x4c: {  	[tilespmem:$0x16900] =	vst v0  }
0x4d: {  	v0 =	vld [tilespmem:s2+$0x14010];
	_ =	sdelay $0x4  }
0x4e: {  	v0 =	vshrl.u32 v0, $0x10  }
0x4f: {  	[tilespmem:$0x16910] =	vst v0  }
0x50: {  	v0 =	vld [tilespmem:s2+$0x14020];
	_ =	sdelay $0x4  }
0x51: {  	v0 =	vshrl.u32 v0, $0x10  }
0x52: {  	[tilespmem:$0x16920] =	vst v0  }
0x53: {  	v0 =	vld [tilespmem:s2+$0x14030];
	_ =	sdelay $0x4  }
0x54: {  	v0 =	vshrl.u32 v0, $0x10  }
0x55: {  	s16 =	simm.s32 $0x0;
	[tilespmem:$0x16930] =	vst v0  }
0x56: {  	v0 =	vld [tilespmem:s16+$0x16980];
	_ =	sdelay $0x4  }
0x57: {  	s12 =	simm.s32 $0x1A9C0;
	v1 =	vshll.u32 v0, $0x10  }
0x58: {  	v0 =	vand.u32 $0xFFFF0000, v0;
	[tilespmem:s12+$0xFFFFFFC0] =	vst v1  }
0x59: {  	[tilespmem:s12+$0x0] =	vst v0  }
0x5a: {  	v0 =	vld [tilespmem:s16+$0x16990];
	_ =	sdelay $0x4  }
0x5b: {  	v1 =	vshll.u32 v0, $0x10  }
0x5c: {  	v0 =	vand.u32 $0xFFFF0000, v0;
	[tilespmem:s12+$0xFFFFFFD0] =	vst v1  }
0x5d: {  	[tilespmem:s12+$0x10] =	vst v0  }
0x5e: {  	v0 =	vld [tilespmem:s16+$0x169A0];
	_ =	sdelay $0x4  }
0x5f: {  	v1 =	vand.u32 $0xFFFF0000, v0  }
0x60: {  	v0 =	vshll.u32 v0, $0x10;
	[tilespmem:s12+$0x20] =	vst v1  }
0x61: {  	[tilespmem:s12+$0xFFFFFFE0] =	vst v0  }
0x62: {  	v0 =	vld [tilespmem:s16+$0x169B0];
	_ =	sdelay $0x4  }
0x63: {  	v1 =	vshll.u32 v0, $0x10  }
0x64: {  	v0 =	vand.u32 $0xFFFF0000, v0;
	[tilespmem:s12+$0xFFFFFFF0] =	vst v1  }
0x65: {  	s16 =	simm.s32 $0x40;
	[tilespmem:s12+$0x30] =	vst v0  }
0x66: {  	v0 =	vld [tilespmem:s16+$0x16980]  }
0x67: {  	s17 =	simm.s32 $0x200  }
.LBB2_3:
0x68: {  	p1 =	sne.s32 s17, $0x3F00;
	_ =	sdelay $0x2  }
0x69: {  	s12 =	sadd.s32 $0x80, s12;
	v1 =	vshll.u32 v0, $0x10  }
0x6a: {  	v0 =	vand.u32 $0xFFFF0000, v0;
	[tilespmem:s12+$0xFFFFFFC0] =	vst v1  }
0x6b: {  	[tilespmem:s12+$0x0] =	vst v0  }
0x6c: {  	v0 =	vld [tilespmem:s16+$0x16990];
	_ =	sdelay $0x4  }
0x6d: {  	v1 =	vshll.u32 v0, $0x10  }
0x6e: {  	v0 =	vand.u32 $0xFFFF0000, v0;
	[tilespmem:s12+$0xFFFFFFD0] =	vst v1  }
0x6f: {  	[tilespmem:s12+$0x10] =	vst v0  }
0x70: {  	v0 =	vld [tilespmem:s16+$0x169A0];
	_ =	sdelay $0x4  }
0x71: {  	v1 =	vshll.u32 v0, $0x10;
	v0 =	vand.u32 $0xFFFF0000, v0  }
0x72: {  	[tilespmem:s12+$0x20] =	vst v0  }
0x73: {  	[tilespmem:s12+$0xFFFFFFE0] =	vst v1  }
0x74: {  	v0 =	vld [tilespmem:s16+$0x169B0];
	_ =	sdelay $0x4  }
.Ltmp0:
0x75: {  	v1 =	vshll.u32 v0, $0x10;
	v0 =	vand.u32 $0xFFFF0000, v0;
	(pc) =	sbr.rel @p1 .LBB2_3-.Ltmp0, $4  }
0x76: {  	[tilespmem:s12+$0xFFFFFFF0] =	vst v1  }
0x77: {  	s16 =	sshra.s32 s17, $0x2;
	[tilespmem:s12+$0x30] =	vst v0  }
0x78: {  	v0 =	vld [tilespmem:s16+$0x16980]  }
0x79: {  	s17 =	sadd.s32 $0x100, s17  }
0x7a: {  	_ =	sdelay $0x2  }
0x7b: {  	s12 =	sadd.s32 $0x80, s12;
	v1 =	vshll.u32 v0, $0x10  }
0x7c: {  	v60 =	vand.u32 $0xFFFF0000, v0;
	[tilespmem:s12+$0xFFFFFFC0] =	vst v1  }
0x7d: {  	[tilespmem:s12+$0x0] =	vst v60  }
0x7e: {  	v0 =	vld [tilespmem:s16+$0x16990];
	_ =	sdelay $0x4  }
0x7f: {  	v61 =	vshll.u32 v0, $0x10  }
0x80: {  	v0 =	vand.u32 $0xFFFF0000, v0;
	[tilespmem:s12+$0xFFFFFFD0] =	vst v61  }
0x81: {  	[tilespmem:s12+$0x10] =	vst v0  }
0x82: {  	v0 =	vld [tilespmem:s16+$0x169A0];
	_ =	sdelay $0x4  }
0x83: {  	v62 =	vand.u32 $0xFFFF0000, v0  }
0x84: {  	v0 =	vshll.u32 v0, $0x10;
	[tilespmem:s12+$0x20] =	vst v62  }
0x85: {  	[tilespmem:s12+$0xFFFFFFE0] =	vst v0  }
0x86: {  	v0 =	vld [tilespmem:s16+$0x169B0];
	_ =	sdelay $0x2  }
0x87: {  	p1 =	sne.s32 s5, $0x27  }
.Ltmp1:
0x88: {  	_ = 	snop;
	(pc) =	sbr.rel @p1 .LBB2_6-.Ltmp1, $4  }
0x89: {  	v63 =	vshll.u32 v0, $0x10  }
0x8a: {  	v0 =	vand.u32 $0xFFFF0000, v0;
	[tilespmem:s12+$0xFFFFFFF0] =	vst v63  }
0x8b: {  	[tilespmem:s12+$0x30] =	vst v0  }
0x8c: {  	[spmem:s4] =	stream.indirect.scatter.add.f32 [tilespmem:s24], [sflag:$0x5], $0x80, s23, s13, $0xb8;
	[tilespmem:$0x1E980] =	vst v63  }
.Ltmp2:
0x8d: {  	(pc) =	sbr.rel .LBB2_7-.Ltmp2, $4  }
0x8e: {  	_ = 	snop  }
0x8f: {  	_ =	swait.ge [sflag:s25], $0x1000  }
0x90: {  	[sflag:s25] =	ssyncset.done $0x0  }
0x91: {  	[sflag:s25] =	ssyncadd.s32 $0xFFFFF000  }
.LBB2_6:
0x92: {  	v0 =	vld [tilespmem:s2+$0x14100];
	_ =	sdelay $0x4  }
0x93: {  	v0 =	vand.u32 $0xFFFF, v0  }
0x94: {  	[tilespmem:$0x16800] =	vst v0  }
0x95: {  	v0 =	vld [tilespmem:s2+$0x14110];
	_ =	sdelay $0x4  }
0x96: {  	v0 =	vand.u32 $0xFFFF, v0  }
0x97: {  	[tilespmem:$0x16810] =	vst v0  }
0x98: {  	v0 =	vld [tilespmem:s2+$0x14120];
	_ =	sdelay $0x4  }
0x99: {  	v0 =	vand.u32 $0xFFFF, v0  }
0x9a: {  	[tilespmem:$0x16820] =	vst v0  }
0x9b: {  	v0 =	vld [tilespmem:s2+$0x14130];
	_ =	sdelay $0x4  }
0x9c: {  	v0 =	vand.u32 $0xFFFF, v0  }
.Ltmp3:
0x9d: {  	[tilespmem:$0x16830] =	vst v0;
	(pc) =	sbr.rel @p0 .LBB2_8-.Ltmp3, $4  }
0x9e: {  	[tilespmem:s15], [sflag:$0x1] =	stream.indirect.gather [hbm4b:s1+s13], $0x40, s14, s13, $0xb8;
	[tilespmem:$0x1E980] =	vst v63  }
0x9f: {  	_ =	swait.ge [sflag:s25], $0x1000  }
0xa0: {  	[sflag:s25] =	ssyncset.done $0x0  }
0xa1: {  	[sflag:s25] =	ssyncadd.s32 $0xFFFFF000  }
.LBB2_7:
0xa2: {  	_ =	swait.ge [sflag:s26], $0x2000  }
0xa3: {  	[sflag:s26] =	ssyncset.done $0x0  }
0xa4: {  	[sflag:s26] =	ssyncadd.s32 $0xFFFFE000  }
.LBB2_8:
0xa5: {  	v0 =	vld [tilespmem:s2+$0x14040];
	_ =	sdelay $0x4  }
0xa6: {  	v0 =	vshrl.u32 v0, $0x10  }
0xa7: {  	[tilespmem:$0x16940] =	vst v0  }
0xa8: {  	v0 =	vld [tilespmem:s2+$0x14050];
	_ =	sdelay $0x4  }
0xa9: {  	v0 =	vshrl.u32 v0, $0x10  }
0xaa: {  	[tilespmem:$0x16950] =	vst v0  }
0xab: {  	v0 =	vld [tilespmem:s2+$0x14060];
	_ =	sdelay $0x4  }
0xac: {  	v0 =	vshrl.u32 v0, $0x10  }
0xad: {  	[tilespmem:$0x16960] =	vst v0  }
0xae: {  	v0 =	vld [tilespmem:s2+$0x14070];
	_ =	sdelay $0x4  }
0xaf: {  	v0 =	vshrl.u32 v0, $0x10  }
0xb0: {  	s12 =	simm.s32 $0x0;
	[tilespmem:$0x16970] =	vst v0  }
0xb1: {  	v0 =	vld [tilespmem:s12+$0x17980];
	_ =	sdelay $0x4  }
0xb2: {  	s16 =	simm.s32 $0x1C9F0;
	v1 =	vshll.u32 v0, $0x10  }
0xb3: {  	v0 =	vand.u32 $0xFFFF0000, v0;
	[tilespmem:s16+$0xFFFFFF90] =	vst v1  }
0xb4: {  	[tilespmem:s16+$0xFFFFFFD0] =	vst v0  }
0xb5: {  	v0 =	vld [tilespmem:s12+$0x17990];
	_ =	sdelay $0x4  }
0xb6: {  	v1 =	vshll.u32 v0, $0x10  }
0xb7: {  	v0 =	vand.u32 $0xFFFF0000, v0;
	[tilespmem:s16+$0xFFFFFFA0] =	vst v1  }
0xb8: {  	[tilespmem:s16+$0xFFFFFFE0] =	vst v0  }
0xb9: {  	v0 =	vld [tilespmem:s12+$0x179A0];
	_ =	sdelay $0x4  }
0xba: {  	v1 =	vand.u32 $0xFFFF0000, v0  }
0xbb: {  	v0 =	vshll.u32 v0, $0x10;
	[tilespmem:s16+$0xFFFFFFF0] =	vst v1  }
0xbc: {  	[tilespmem:s16+$0xFFFFFFB0] =	vst v0  }
0xbd: {  	v0 =	vld [tilespmem:s12+$0x179B0];
	_ =	sdelay $0x4  }
0xbe: {  	v1 =	vshll.u32 v0, $0x10  }
0xbf: {  	v0 =	vand.u32 $0xFFFF0000, v0;
	[tilespmem:s16+$0xFFFFFFC0] =	vst v1  }
0xc0: {  	s17 =	simm.s32 $0x40;
	[tilespmem:s16+$0x0] =	vst v0  }
0xc1: {  	v0 =	vld [tilespmem:s17+$0x17980]  }
0xc2: {  	s18 =	simm.s32 $0x200;
	s12 =	sadd.s32 $0x1, s5  }
.LBB2_9:
0xc3: {  	p0 =	sne.s32 s18, $0x3F00;
	_ =	sdelay $0x2  }
0xc4: {  	s16 =	sadd.s32 $0x80, s16;
	v1 =	vshll.u32 v0, $0x10  }
0xc5: {  	v0 =	vand.u32 $0xFFFF0000, v0;
	[tilespmem:s16+$0xFFFFFF90] =	vst v1  }
0xc6: {  	[tilespmem:s16+$0xFFFFFFD0] =	vst v0  }
0xc7: {  	v0 =	vld [tilespmem:s17+$0x17990];
	_ =	sdelay $0x4  }
0xc8: {  	v1 =	vshll.u32 v0, $0x10  }
0xc9: {  	v0 =	vand.u32 $0xFFFF0000, v0;
	[tilespmem:s16+$0xFFFFFFA0] =	vst v1  }
0xca: {  	[tilespmem:s16+$0xFFFFFFE0] =	vst v0  }
0xcb: {  	v0 =	vld [tilespmem:s17+$0x179A0];
	_ =	sdelay $0x4  }
0xcc: {  	v1 =	vshll.u32 v0, $0x10;
	v0 =	vand.u32 $0xFFFF0000, v0  }
0xcd: {  	[tilespmem:s16+$0xFFFFFFF0] =	vst v0  }
0xce: {  	[tilespmem:s16+$0xFFFFFFB0] =	vst v1  }
0xcf: {  	v0 =	vld [tilespmem:s17+$0x179B0];
	_ =	sdelay $0x4  }
.Ltmp4:
0xd0: {  	v1 =	vshll.u32 v0, $0x10;
	v0 =	vand.u32 $0xFFFF0000, v0;
	(pc) =	sbr.rel @p0 .LBB2_9-.Ltmp4, $4  }
0xd1: {  	[tilespmem:s16+$0xFFFFFFC0] =	vst v1  }
0xd2: {  	s17 =	sshra.s32 s18, $0x2;
	[tilespmem:s16+$0x0] =	vst v0  }
0xd3: {  	v0 =	vld [tilespmem:s17+$0x17980]  }
0xd4: {  	s18 =	sadd.s32 $0x100, s18  }
0xd5: {  	_ =	sdelay $0x2  }
0xd6: {  	s16 =	sadd.s32 $0x80, s16;
	v1 =	vshll.u32 v0, $0x10  }
0xd7: {  	v0 =	vand.u32 $0xFFFF0000, v0;
	[tilespmem:s16+$0xFFFFFF90] =	vst v1  }
0xd8: {  	[tilespmem:s16+$0xFFFFFFD0] =	vst v0  }
0xd9: {  	v0 =	vld [tilespmem:s17+$0x17990];
	_ =	sdelay $0x4  }
0xda: {  	v1 =	vshll.u32 v0, $0x10  }
0xdb: {  	v0 =	vand.u32 $0xFFFF0000, v0;
	[tilespmem:s16+$0xFFFFFFA0] =	vst v1  }
0xdc: {  	[tilespmem:s16+$0xFFFFFFE0] =	vst v0  }
0xdd: {  	v0 =	vld [tilespmem:s17+$0x179A0];
	_ =	sdelay $0x4  }
0xde: {  	v1 =	vand.u32 $0xFFFF0000, v0  }
0xdf: {  	v0 =	vshll.u32 v0, $0x10;
	[tilespmem:s16+$0xFFFFFFF0] =	vst v1  }
0xe0: {  	[tilespmem:s16+$0xFFFFFFB0] =	vst v0  }
0xe1: {  	v0 =	vld [tilespmem:s17+$0x179B0];
	_ =	sdelay $0x4  }
0xe2: {  	v1 =	vshll.u32 v0, $0x10  }
0xe3: {  	v0 =	vand.u32 $0xFFFF0000, v0;
	[tilespmem:s16+$0xFFFFFFC0] =	vst v1  }
0xe4: {  	p0 =	seq.s32 s5, $0x27;
	[tilespmem:s16+$0x0] =	vst v0  }
0xe5: {  	[spmem:s4] =	stream.indirect.scatter.add.f32 [tilespmem:s29], [sflag:$0x6], $0x80, s28, s13, $0xb8;
	[tilespmem:$0x1E980] =	vst v63  }
0xe6: {  	v0 =	vld @!p0 [tilespmem:s2+$0x14140];
	_ =	sdelay $0x4  }
0xe7: {  	v0 =	vand.u32 @!p0 $0xFFFF, v0  }
0xe8: {  	[tilespmem:$0x16840] =	vst @!p0 v0  }
0xe9: {  	v0 =	vld @!p0 [tilespmem:s2+$0x14150];
	_ =	sdelay $0x4  }
0xea: {  	v0 =	vand.u32 @!p0 $0xFFFF, v0  }
0xeb: {  	[tilespmem:$0x16850] =	vst @!p0 v0  }
0xec: {  	v0 =	vld @!p0 [tilespmem:s2+$0x14160];
	_ =	sdelay $0x4  }
0xed: {  	v0 =	vand.u32 @!p0 $0xFFFF, v0  }
0xee: {  	[tilespmem:$0x16860] =	vst @!p0 v0  }
0xef: {  	v0 =	vld @!p0 [tilespmem:s2+$0x14170];
	_ =	sdelay $0x4  }
0xf0: {  	v0 =	vand.u32 @!p0 $0xFFFF, v0  }
0xf1: {  	s5 =	simm.s32 @!p0 $0x40;
	s17 =	simm.s32 @!p0 $0x17980;
	s16 =	simm.s32 @!p0 $0x16840;
	[tilespmem:$0x16870] =	vst @!p0 v0  }
0xf2: {  	[tilespmem:s17], [sflag:$0x2] =	stream.indirect.gather @!p0 [hbm4b:s1+s5], $0x40, s16, s5, $0xb8;
	[tilespmem:$0x1E980] =	vst v63  }
0xf3: {  	_ =	swait.ge [sflag:s30], $0x1000  }
0xf4: {  	[sflag:s30] =	ssyncset.done $0x0  }
0xf5: {  	[sflag:s30] =	ssyncadd.s32 $0xFFFFF000  }
0xf6: {  	_ =	swait.ge [sflag:s31], $0x2000  }
0xf7: {  	[sflag:s31] =	ssyncset.done $0x0  }
0xf8: {  	[sflag:s31] =	ssyncadd.s32 $0xFFFFE000  }
0xf9: {  	v0 =	vld [tilespmem:s2+$0x14080];
	_ =	sdelay $0x4  }
0xfa: {  	v0 =	vshrl.u32 v0, $0x10  }
0xfb: {  	[tilespmem:$0x16900] =	vst v0  }
0xfc: {  	v0 =	vld [tilespmem:s2+$0x14090];
	_ =	sdelay $0x4  }
0xfd: {  	v0 =	vshrl.u32 v0, $0x10  }
0xfe: {  	[tilespmem:$0x16910] =	vst v0  }
0xff: {  	v0 =	vld [tilespmem:s2+$0x140A0];
	_ =	sdelay $0x4  }
0x100: {  	v0 =	vshrl.u32 v0, $0x10  }
0x101: {  	[tilespmem:$0x16920] =	vst v0  }
0x102: {  	v0 =	vld [tilespmem:s2+$0x140B0];
	_ =	sdelay $0x4  }
0x103: {  	v0 =	vshrl.u32 v0, $0x10  }
0x104: {  	s18 =	simm.s32 $0x0;
	[tilespmem:$0x16930] =	vst v0  }
0x105: {  	v0 =	vld [tilespmem:s18+$0x18980];
	_ =	sdelay $0x4  }
0x106: {  	s5 =	simm.s32 $0x1A9C0;
	v1 =	vshll.u32 v0, $0x10  }
0x107: {  	v0 =	vand.u32 $0xFFFF0000, v0;
	[tilespmem:s5+$0xFFFFFFC0] =	vst v1  }
0x108: {  	[tilespmem:s5+$0x0] =	vst v0  }
0x109: {  	v0 =	vld [tilespmem:s18+$0x18990];
	_ =	sdelay $0x4  }
0x10a: {  	v1 =	vshll.u32 v0, $0x10  }
0x10b: {  	v0 =	vand.u32 $0xFFFF0000, v0;
	[tilespmem:s5+$0xFFFFFFD0] =	vst v1  }
0x10c: {  	[tilespmem:s5+$0x10] =	vst v0  }
0x10d: {  	v0 =	vld [tilespmem:s18+$0x189A0];
	_ =	sdelay $0x4  }
0x10e: {  	v1 =	vand.u32 $0xFFFF0000, v0  }
0x10f: {  	v0 =	vshll.u32 v0, $0x10;
	[tilespmem:s5+$0x20] =	vst v1  }
0x110: {  	[tilespmem:s5+$0xFFFFFFE0] =	vst v0  }
0x111: {  	v0 =	vld [tilespmem:s18+$0x189B0];
	_ =	sdelay $0x4  }
0x112: {  	v1 =	vshll.u32 v0, $0x10  }
0x113: {  	v0 =	vand.u32 $0xFFFF0000, v0;
	[tilespmem:s5+$0xFFFFFFF0] =	vst v1  }
0x114: {  	s16 =	simm.s32 $0x40;
	[tilespmem:s5+$0x30] =	vst v0  }
0x115: {  	v0 =	vld [tilespmem:s16+$0x18980]  }
0x116: {  	s17 =	simm.s32 $0x200  }
.LBB2_11:
0x117: {  	p1 =	sne.s32 s17, $0x3F00;
	_ =	sdelay $0x2  }
0x118: {  	s5 =	sadd.s32 $0x80, s5;
	v1 =	vshll.u32 v0, $0x10  }
0x119: {  	v0 =	vand.u32 $0xFFFF0000, v0;
	[tilespmem:s5+$0xFFFFFFC0] =	vst v1  }
0x11a: {  	[tilespmem:s5+$0x0] =	vst v0  }
0x11b: {  	v0 =	vld [tilespmem:s16+$0x18990];
	_ =	sdelay $0x4  }
0x11c: {  	v1 =	vshll.u32 v0, $0x10  }
0x11d: {  	v0 =	vand.u32 $0xFFFF0000, v0;
	[tilespmem:s5+$0xFFFFFFD0] =	vst v1  }
0x11e: {  	[tilespmem:s5+$0x10] =	vst v0  }
0x11f: {  	v0 =	vld [tilespmem:s16+$0x189A0];
	_ =	sdelay $0x4  }
0x120: {  	v1 =	vshll.u32 v0, $0x10;
	v0 =	vand.u32 $0xFFFF0000, v0  }
0x121: {  	[tilespmem:s5+$0x20] =	vst v0  }
0x122: {  	[tilespmem:s5+$0xFFFFFFE0] =	vst v1  }
0x123: {  	v0 =	vld [tilespmem:s16+$0x189B0];
	_ =	sdelay $0x4  }
.Ltmp5:
0x124: {  	v1 =	vshll.u32 v0, $0x10;
	v0 =	vand.u32 $0xFFFF0000, v0;
	(pc) =	sbr.rel @p1 .LBB2_11-.Ltmp5, $4  }
0x125: {  	[tilespmem:s5+$0xFFFFFFF0] =	vst v1  }
0x126: {  	s16 =	sshra.s32 s17, $0x2;
	[tilespmem:s5+$0x30] =	vst v0  }
0x127: {  	v0 =	vld [tilespmem:s16+$0x18980]  }
0x128: {  	s17 =	sadd.s32 $0x100, s17  }
0x129: {  	_ =	sdelay $0x2  }
0x12a: {  	s5 =	sadd.s32 $0x80, s5;
	v1 =	vshll.u32 v0, $0x10  }
0x12b: {  	v0 =	vand.u32 $0xFFFF0000, v0;
	[tilespmem:s5+$0xFFFFFFC0] =	vst v1  }
0x12c: {  	[tilespmem:s5+$0x0] =	vst v0  }
0x12d: {  	v0 =	vld [tilespmem:s16+$0x18990];
	_ =	sdelay $0x4  }
0x12e: {  	v1 =	vshll.u32 v0, $0x10  }
0x12f: {  	v0 =	vand.u32 $0xFFFF0000, v0;
	[tilespmem:s5+$0xFFFFFFD0] =	vst v1  }
0x130: {  	[tilespmem:s5+$0x10] =	vst v0  }
0x131: {  	v0 =	vld [tilespmem:s16+$0x189A0];
	_ =	sdelay $0x4  }
0x132: {  	v1 =	vand.u32 $0xFFFF0000, v0  }
0x133: {  	v0 =	vshll.u32 v0, $0x10;
	[tilespmem:s5+$0x20] =	vst v1  }
0x134: {  	[tilespmem:s5+$0xFFFFFFE0] =	vst v0  }
0x135: {  	v0 =	vld [tilespmem:s16+$0x189B0];
	_ =	sdelay $0x4  }
0x136: {  	v1 =	vshll.u32 v0, $0x10  }
0x137: {  	v0 =	vand.u32 $0xFFFF0000, v0;
	[tilespmem:s5+$0xFFFFFFF0] =	vst v1  }
0x138: {  	[tilespmem:s5+$0x30] =	vst v0  }
0x139: {  	[spmem:s4] =	stream.indirect.scatter.add.f32 [tilespmem:s24], [sflag:$0x5], $0x80, s23, s13, $0xb8;
	[tilespmem:$0x1E980] =	vst v63  }
0x13a: {  	v0 =	vld @!p0 [tilespmem:s2+$0x14180];
	_ =	sdelay $0x4  }
0x13b: {  	v0 =	vand.u32 @!p0 $0xFFFF, v0  }
0x13c: {  	[tilespmem:$0x16880] =	vst @!p0 v0  }
0x13d: {  	v0 =	vld @!p0 [tilespmem:s2+$0x14190];
	_ =	sdelay $0x4  }
0x13e: {  	v0 =	vand.u32 @!p0 $0xFFFF, v0  }
0x13f: {  	[tilespmem:$0x16890] =	vst @!p0 v0  }
0x140: {  	v0 =	vld @!p0 [tilespmem:s2+$0x141A0];
	_ =	sdelay $0x4  }
0x141: {  	v0 =	vand.u32 @!p0 $0xFFFF, v0  }
0x142: {  	[tilespmem:$0x168A0] =	vst @!p0 v0  }
0x143: {  	v0 =	vld @!p0 [tilespmem:s2+$0x141B0];
	_ =	sdelay $0x4  }
0x144: {  	v0 =	vand.u32 @!p0 $0xFFFF, v0  }
0x145: {  	s17 =	simm.s32 @!p0 $0x18980;
	s16 =	simm.s32 @!p0 $0x16880;
	s5 =	simm.s32 @!p0 $0x40;
	[tilespmem:$0x168B0] =	vst @!p0 v0  }
0x146: {  	[tilespmem:s17], [sflag:$0x3] =	stream.indirect.gather @!p0 [hbm4b:s1+s5], $0x40, s16, s5, $0xb8;
	[tilespmem:$0x1E980] =	vst v63  }
0x147: {  	_ =	swait.ge [sflag:s0], $0x1000  }
0x148: {  	[sflag:s0] =	ssyncset.done $0x0  }
0x149: {  	[sflag:s0] =	ssyncadd.s32 $0xFFFFF000  }
0x14a: {  	_ =	swait.ge [sflag:s26], $0x2000  }
0x14b: {  	[sflag:s26] =	ssyncset.done $0x0  }
0x14c: {  	[sflag:s26] =	ssyncadd.s32 $0xFFFFE000  }
0x14d: {  	v0 =	vld [tilespmem:s2+$0x140C0];
	_ =	sdelay $0x4  }
0x14e: {  	v0 =	vshrl.u32 v0, $0x10  }
0x14f: {  	[tilespmem:$0x16940] =	vst v0  }
0x150: {  	v0 =	vld [tilespmem:s2+$0x140D0];
	_ =	sdelay $0x4  }
0x151: {  	v0 =	vshrl.u32 v0, $0x10  }
0x152: {  	[tilespmem:$0x16950] =	vst v0  }
0x153: {  	v0 =	vld [tilespmem:s2+$0x140E0];
	_ =	sdelay $0x4  }
0x154: {  	v0 =	vshrl.u32 v0, $0x10  }
0x155: {  	[tilespmem:$0x16960] =	vst v0  }
0x156: {  	v0 =	vld [tilespmem:s2+$0x140F0];
	_ =	sdelay $0x4  }
0x157: {  	v0 =	vshrl.u32 v0, $0x10  }
0x158: {  	s18 =	simm.s32 $0x0;
	[tilespmem:$0x16970] =	vst v0  }
0x159: {  	v0 =	vld [tilespmem:s18+$0x19980];
	_ =	sdelay $0x4  }
0x15a: {  	s5 =	simm.s32 $0x1C9F0;
	v1 =	vshll.u32 v0, $0x10  }
0x15b: {  	v0 =	vand.u32 $0xFFFF0000, v0;
	[tilespmem:s5+$0xFFFFFF90] =	vst v1  }
0x15c: {  	[tilespmem:s5+$0xFFFFFFD0] =	vst v0  }
0x15d: {  	v0 =	vld [tilespmem:s18+$0x19990];
	_ =	sdelay $0x4  }
0x15e: {  	v1 =	vshll.u32 v0, $0x10  }
0x15f: {  	v0 =	vand.u32 $0xFFFF0000, v0;
	[tilespmem:s5+$0xFFFFFFA0] =	vst v1  }
0x160: {  	[tilespmem:s5+$0xFFFFFFE0] =	vst v0  }
0x161: {  	v0 =	vld [tilespmem:s18+$0x199A0];
	_ =	sdelay $0x4  }
0x162: {  	v1 =	vand.u32 $0xFFFF0000, v0  }
0x163: {  	v0 =	vshll.u32 v0, $0x10;
	[tilespmem:s5+$0xFFFFFFF0] =	vst v1  }
0x164: {  	[tilespmem:s5+$0xFFFFFFB0] =	vst v0  }
0x165: {  	v0 =	vld [tilespmem:s18+$0x199B0];
	_ =	sdelay $0x4  }
0x166: {  	v1 =	vshll.u32 v0, $0x10  }
0x167: {  	v0 =	vand.u32 $0xFFFF0000, v0;
	[tilespmem:s5+$0xFFFFFFC0] =	vst v1  }
0x168: {  	s16 =	simm.s32 $0x40;
	[tilespmem:s5+$0x0] =	vst v0  }
0x169: {  	v0 =	vld [tilespmem:s16+$0x19980]  }
0x16a: {  	s17 =	simm.s32 $0x200  }
.LBB2_13:
0x16b: {  	p1 =	sne.s32 s17, $0x3F00;
	_ =	sdelay $0x2  }
0x16c: {  	s5 =	sadd.s32 $0x80, s5;
	v1 =	vshll.u32 v0, $0x10  }
0x16d: {  	v0 =	vand.u32 $0xFFFF0000, v0;
	[tilespmem:s5+$0xFFFFFF90] =	vst v1  }
0x16e: {  	[tilespmem:s5+$0xFFFFFFD0] =	vst v0  }
0x16f: {  	v0 =	vld [tilespmem:s16+$0x19990];
	_ =	sdelay $0x4  }
0x170: {  	v1 =	vshll.u32 v0, $0x10  }
0x171: {  	v0 =	vand.u32 $0xFFFF0000, v0;
	[tilespmem:s5+$0xFFFFFFA0] =	vst v1  }
0x172: {  	[tilespmem:s5+$0xFFFFFFE0] =	vst v0  }
0x173: {  	v0 =	vld [tilespmem:s16+$0x199A0];
	_ =	sdelay $0x4  }
0x174: {  	v1 =	vshll.u32 v0, $0x10;
	v0 =	vand.u32 $0xFFFF0000, v0  }
0x175: {  	[tilespmem:s5+$0xFFFFFFF0] =	vst v0  }
0x176: {  	[tilespmem:s5+$0xFFFFFFB0] =	vst v1  }
0x177: {  	v0 =	vld [tilespmem:s16+$0x199B0];
	_ =	sdelay $0x4  }
.Ltmp6:
0x178: {  	v1 =	vshll.u32 v0, $0x10;
	v0 =	vand.u32 $0xFFFF0000, v0;
	(pc) =	sbr.rel @p1 .LBB2_13-.Ltmp6, $4  }
0x179: {  	[tilespmem:s5+$0xFFFFFFC0] =	vst v1  }
0x17a: {  	s16 =	sshra.s32 s17, $0x2;
	[tilespmem:s5+$0x0] =	vst v0  }
0x17b: {  	v0 =	vld [tilespmem:s16+$0x19980]  }
0x17c: {  	s17 =	sadd.s32 $0x100, s17  }
0x17d: {  	_ =	sdelay $0x2  }
0x17e: {  	s5 =	sadd.s32 $0x80, s5;
	v1 =	vshll.u32 v0, $0x10  }
0x17f: {  	v60 =	vand.u32 $0xFFFF0000, v0;
	[tilespmem:s5+$0xFFFFFF90] =	vst v1  }
0x180: {  	[tilespmem:s5+$0xFFFFFFD0] =	vst v60  }
0x181: {  	v0 =	vld [tilespmem:s16+$0x19990];
	_ =	sdelay $0x4  }
0x182: {  	v61 =	vshll.u32 v0, $0x10  }
0x183: {  	v0 =	vand.u32 $0xFFFF0000, v0;
	[tilespmem:s5+$0xFFFFFFA0] =	vst v61  }
0x184: {  	[tilespmem:s5+$0xFFFFFFE0] =	vst v0  }
0x185: {  	v0 =	vld [tilespmem:s16+$0x199A0];
	_ =	sdelay $0x4  }
0x186: {  	v62 =	vand.u32 $0xFFFF0000, v0  }
0x187: {  	v0 =	vshll.u32 v0, $0x10;
	[tilespmem:s5+$0xFFFFFFF0] =	vst v62  }
0x188: {  	[tilespmem:s5+$0xFFFFFFB0] =	vst v0  }
0x189: {  	v0 =	vld [tilespmem:s16+$0x199B0];
	_ =	sdelay $0x4  }
0x18a: {  	v63 =	vshll.u32 v0, $0x10  }
0x18b: {  	v0 =	vand.u32 $0xFFFF0000, v0;
	[tilespmem:s5+$0xFFFFFFC0] =	vst v63  }
0x18c: {  	[tilespmem:s5+$0x0] =	vst v0  }
0x18d: {  	[spmem:s4] =	stream.indirect.scatter.add.f32 [tilespmem:s29], [sflag:$0x6], $0x80, s28, s13, $0xb8;
	[tilespmem:$0x1E980] =	vst v63  }
0x18e: {  	v0 =	vld @!p0 [tilespmem:s2+$0x141C0];
	_ =	sdelay $0x4  }
0x18f: {  	v0 =	vand.u32 @!p0 $0xFFFF, v0  }
0x190: {  	[tilespmem:$0x168C0] =	vst @!p0 v0  }
0x191: {  	v0 =	vld @!p0 [tilespmem:s2+$0x141D0];
	_ =	sdelay $0x4  }
0x192: {  	v0 =	vand.u32 @!p0 $0xFFFF, v0  }
0x193: {  	[tilespmem:$0x168D0] =	vst @!p0 v0  }
0x194: {  	v0 =	vld @!p0 [tilespmem:s2+$0x141E0];
	_ =	sdelay $0x4  }
0x195: {  	v0 =	vand.u32 @!p0 $0xFFFF, v0  }
0x196: {  	[tilespmem:$0x168E0] =	vst @!p0 v0  }
0x197: {  	v0 =	vld @!p0 [tilespmem:s2+$0x141F0];
	_ =	sdelay $0x4  }
0x198: {  	p1 =	sne.s32 @!p0 s12, $0x28;
	v0 =	vand.u32 @!p0 $0xFFFF, v0  }
0x199: {  	s16 =	simm.s32 @!p0 $0x19980;
	s5 =	simm.s32 @!p0 $0x168C0;
	s2 =	simm.s32 @!p0 $0x40;
	[tilespmem:$0x168F0] =	vst @!p0 v0  }
0x19a: {  	[tilespmem:s16], [sflag:$0x4] =	stream.indirect.gather @!p0 [hbm4b:s1+s2], $0x40, s5, s2, $0xb8;
	[tilespmem:$0x1E980] =	vst v63  }
0x19b: {  	p0 =	por p0, !p1  }
.Ltmp7:
0x19c: {  	_ = 	snop;
	(pc) =	sbr.rel @!p0 .LBB2_2-.Ltmp7, $2  }
0x19d: {  	_ =	sdelay $0x2  }
0x19e: {  	s5 =	smov.u32 s12  }
0x19f: {  	_ =	swait.ge [sflag:s31], $0x2000  }
0x1a0: {  	[sflag:s31] =	ssyncset.done $0x0  }
0x1a1: {  	[sflag:s31] =	ssyncadd.s32 $0xFFFFE000  }
0x1a2: {  	_ =	swait.ge [sflag:s26], $0x2000  }
0x1a3: {  	s3 =	sadd.s32 $0x1, s3;
	[sflag:s26] =	ssyncset.done $0x0  }
0x1a4: {  	p0 =	sne.s32 s3, s9;
	[sflag:s26] =	ssyncadd.s32 $0xFFFFE000  }
.Ltmp8:
0x1a5: {  	[bflag:$0x0] =	sbarrier.arrive $0xFFFF;
	(pc) =	sbr.rel @p0 .LBB2_1-.Ltmp8, $4  }
0x1a6: {  	[hbm:s8], [sflag:s6] =	dma.local [spmem:s10], $0x2800  }
0x1a7: {  	_ =	swait.ge [sflag:s11], $0x2800  }
0x1a8: {  	[sflag:s11] =	ssyncset.done $0x0  }
0x1a9: {  	[sflag:s11] =	ssyncadd.s32 $0xFFFFD800  }
0x1aa: {  	_ =	sfence.sel $0x180000  }
0x1ab: {  	[bflag:$0x0] =	sbarrier.arrive $0xFFFF  }
0x1ac: {  	_ =	strace $0x9000004D  }
0x1ad: {  	s0 =	stileid.u32;
	[bflag:$0x2] =	sbarrier.arrive $0xFFFF  }
0x1ae: {  	p0 =	sne.s32 s0, $0x0;
	s0 =	rddreg [dreg:$0x5]  }
0x1af: {  	s0 =	sadd.s32 @!p0 $0x100000, s0  }
0x1b0: {  	[sflag:s0] =	ssyncadd.tile.s32 @!p0 $0x1;
	_ =	shalt  }
.Lfunc_end2:
_tile_overlayer_lowered:
.L_overlay_start_2:
0x1b1: {  	(tag) =	ssettag $0x2  }
0x1b2: {  	s0 =	rddreg [dreg:$0x0];
	s2 =	stileid.u32  }
0x1b3: {  	s1 =	rddreg [dreg:$0x1];
	p0 =	sne.s32 s2, $0x0  }
0x1b4: {  	s3 =	rddreg [dreg:$0x2];
	[bflag:$0x3] =	sbarrier.arrive $0xFFFF;
	s2 =	simm.s32 @!p0 $0x1C07  }
0x1b5: {  	[timem:s3], [sflag:s2] =	dma.local @!p0 [hbm:s0], s1  }
0x1b6: {  	s0 =	simm.s32 @!p0 $0x7  }
0x1b7: {  	_ =	swait.ge @!p0 [sflag:s0], s1  }
0x1b8: {  	s1 =	ssub.s32 @!p0 $0x0, s1;
	[sflag:s0] =	ssyncset.done @!p0 $0x0  }
0x1b9: {  	[sflag:s0] =	ssyncadd.s32 @!p0 s1  }
0x1ba: {  	[bflag:$0x3] =	sbarrier.arrive $0xFFFF  }
0x1bb: {  	_ =	shalt  }

// kernel: kernel.8.cloned.1.call-start
scs
__scs_entry_jumppad:
0x0: {  	(pc) =	sbr.rel $0x88, $3  }
0x1: {  	(tag) =	ssettag $0x0;
	lr =	simm.s32 $0x1  }
0x2: {  	[smem:$0x3F92] =	sst lr;
	_ =	strace $0xD0000000  }
0x3: {  	_ = 	snop  }
0x4: {  	_ = 	snop  }
0x5: {  	_ = 	snop  }
0x6: {  	_ = 	snop  }
0x7: {  	_ = 	snop  }
__scs_overlays_trampoline_lowered:
0x8: {  	[smem:$0x3FA1] =	sst s0  }
0x9: {  	[smem:$0x3FA2] =	sst s1  }
0xa: {  	[smem:$0x3FA3] =	sst s2  }
0xb: {  	[smem:$0x3FA4] =	sst s3  }
0xc: {  	[smem:$0x3FA5] =	sst s4  }
0xd: {  	[smem:$0x3FA6] =	sst s5  }
0xe: {  	[smem:$0x3FA7] =	sst s6  }
0xf: {  	[smem:$0x3FA8] =	sst s7  }
0x10: {  	[smem:$0x3FA9] =	sst s8  }
0x11: {  	[smem:$0x3FAA] =	sst s9;
	s0 =	simm.s32 @!p0 $0x0  }
0x12: {  	s1 =	sld [smem:$0x3F90];
	s0 =	simm.s32 @p0 $0x1  }
0x13: {  	[smem:$0x3FAB] =	sst s0;
	s0 =	simm.s32 @!p1 $0x0  }
0x14: {  	s2 =	sld [smem:$0x3F8F];
	s0 =	simm.s32 @p1 $0x1  }
0x15: {  	[smem:$0x3FAC] =	sst s0;
	s0 =	simm.s32 @!p2 $0x0  }
0x16: {  	s3 =	sld [smem:$0x3FDB];
	s0 =	simm.s32 @p2 $0x1  }
0x17: {  	s4 =	simm.s32 $0x1BF5;
	[smem:$0x3FAE] =	sst s0  }
0x18: {  	s0 =	sld [smem:$0x3F91];
	_ =	swait.ge [sflag:s4], $0x0  }
0x19: {  	s7 =	sld [smem:$0x3F92]  }
0x1a: {  	s8 =	sadd.s32 $0xFFFFE003, lr  }
0x1b: {  	s9 =	sadd.s32 $0xFFFFFEF7, lr;
	s5 =	simm.s32 $0xFFFFFFFF;
	p2 =	slt.u32 s8, $0xFFFFF086  }
0x1c: {  	p1 =	slt.u32 s9, $0xF7A;
	s5 =	simm.s32 @!p2 $0x0  }
0x1d: {  	s5 =	simm.s32 @p1 $0x1;
	p0 =	seq.s32 s7, s2  }
0x1e: {  	s7 =	smul.u32 @!p0 $0xF7A, s2;
	p2 =	seq.s32 @!p0 s5, $0x0  }
0x1f: {  	s9 =	smul.u32 $0xF7A, s1;
	s8 =	simm.s32 @!p0 $0x1BF5;
	p2 =	por !p2, p0  }
0x20: {  	[sflag:s8] =	ssyncset.s32 @!p0 $0xFFFFF086;
	s6 =	sadd.s32 @!p0 s3, s7;
	s7 =	simm.s32 @!p0 $0x108  }
0x21: {  	s3 =	sadd.s32 s3, s9;
	s6 =	sadd.s32 @!p0 $0x88, s6;
	s7 =	simm.s32 @p2 $0x1082  }
0x22: {  	[simem:s7], [sflag:s8] =	dma.local @!p0 [hbm:s6], $0xF7A  }
0x23: {  	s9 =	sor.u32 $0xD0000000, s2;
	s6 =	simm.s32 $0x108;
	_ =	swait.ge @!p0 [sflag:s8], $0x0  }
0x24: {  	s3 =	sadd.s32 $0x88, s3;
	s6 =	simm.s32 @!p1 $0x1082;
	[sflag:s4] =	ssyncset.s32 $0xFFFFF086  }
0x25: {  	[simem:s6], [sflag:s4] =	dma.local [hbm:s3], $0xF7A  }
0x26: {  	[smem:$0x3F92] =	sst s1;
	(tag) =	ssettag s2;
	_ =	strace s9  }
0x27: {  	s1 =	sld [smem:$0x3FA2]  }
0x28: {  	s2 =	sld [smem:$0x3FA3]  }
0x29: {  	s4 =	sld [smem:$0x3FA5]  }
0x2a: {  	p0 =	seq.s32 s5, $0x0;
	s5 =	sld [smem:$0x3FA6]  }
0x2b: {  	s6 =	sld [smem:$0x3FA7]  }
0x2c: {  	s7 =	sld [smem:$0x3FA8]  }
0x2d: {  	s3 =	simm.s32 $0x108;
	s8 =	sld [smem:$0x3FA9]  }
0x2e: {  	s3 =	simm.s32 @!p0 $0x1082;
	s9 =	sld [smem:$0x3FAA]  }
0x2f: {  	lr =	sadd.s32 s0, s3;
	s0 =	sld [smem:$0x3FA1]  }
0x30: {  	s3 =	sld [smem:$0x3FA4]  }
0x31: {  	[smem:$0x3FAD] =	sst s10  }
0x32: {  	s10 =	sld [smem:$0x3FAB];
	_ =	sdelay $0x3  }
0x33: {  	p0 =	seq.s32 s10, $0x1;
	s10 =	sld [smem:$0x3FAD];
	_ =	sdelay $0x3  }
0x34: {  	[smem:$0x3FAD] =	sst s10  }
0x35: {  	s10 =	sld [smem:$0x3FAC];
	_ =	sdelay $0x3  }
0x36: {  	p1 =	seq.s32 s10, $0x1;
	s10 =	sld [smem:$0x3FAD];
	_ =	sdelay $0x3  }
0x37: {  	[smem:$0x3FAD] =	sst s10  }
0x38: {  	s10 =	sld [smem:$0x3FAE]  }
0x39: {  	_ = 	snop;
	(pc) =	sbr.ind lr, $3  }
0x3a: {  	_ = 	snop  }
0x3b: {  	_ = 	snop  }
0x3c: {  	p2 =	seq.s32 s10, $0x1;
	s10 =	sld [smem:$0x3FAD]  }
0x3d: {  	_ =	shalt  }
0x3e: {  	_ =	shalt  }
0x3f: {  	_ =	shalt  }
0x40: {  	_ =	shalt  }
0x41: {  	_ =	shalt  }
0x42: {  	_ =	shalt  }
0x43: {  	_ =	shalt  }
0x44: {  	_ =	shalt  }
0x45: {  	_ =	shalt  }
0x46: {  	_ =	shalt  }
0x47: {  	_ =	shalt  }
0x48: {  	_ =	shalt  }
0x49: {  	_ =	shalt  }
0x4a: {  	_ =	shalt  }
0x4b: {  	_ =	shalt  }
0x4c: {  	_ =	shalt  }
0x4d: {  	_ =	shalt  }
0x4e: {  	_ =	shalt  }
0x4f: {  	_ =	shalt  }
0x50: {  	_ =	shalt  }
0x51: {  	_ =	shalt  }
0x52: {  	_ =	shalt  }
0x53: {  	_ =	shalt  }
0x54: {  	_ =	shalt  }
0x55: {  	_ =	shalt  }
0x56: {  	_ =	shalt  }
0x57: {  	_ =	shalt  }
0x58: {  	_ =	shalt  }
0x59: {  	_ =	shalt  }
0x5a: {  	_ =	shalt  }
0x5b: {  	_ =	shalt  }
0x5c: {  	_ =	shalt  }
0x5d: {  	_ =	shalt  }
0x5e: {  	_ =	shalt  }
0x5f: {  	_ =	shalt  }
0x60: {  	_ =	shalt  }
0x61: {  	_ =	shalt  }
0x62: {  	_ =	shalt  }
0x63: {  	_ =	shalt  }
0x64: {  	_ =	shalt  }
0x65: {  	_ =	shalt  }
0x66: {  	_ =	shalt  }
0x67: {  	_ =	shalt  }
0x68: {  	_ =	shalt  }
0x69: {  	_ =	shalt  }
0x6a: {  	_ =	shalt  }
0x6b: {  	_ =	shalt  }
0x6c: {  	_ =	shalt  }
0x6d: {  	_ =	shalt  }
0x6e: {  	_ =	shalt  }
0x6f: {  	_ =	shalt  }
0x70: {  	_ =	shalt  }
0x71: {  	_ =	shalt  }
0x72: {  	_ =	shalt  }
0x73: {  	_ =	shalt  }
0x74: {  	_ =	shalt  }
0x75: {  	_ =	shalt  }
0x76: {  	_ =	shalt  }
0x77: {  	_ =	shalt  }
0x78: {  	_ =	shalt  }
0x79: {  	_ =	shalt  }
0x7a: {  	_ =	shalt  }
0x7b: {  	_ =	shalt  }
0x7c: {  	_ =	shalt  }
0x7d: {  	_ =	shalt  }
0x7e: {  	_ =	shalt  }
0x7f: {  	_ =	shalt  }
0x80: {  	_ =	shalt  }
0x81: {  	_ =	shalt  }
0x82: {  	_ =	shalt  }
0x83: {  	_ =	shalt  }
0x84: {  	_ =	shalt  }
0x85: {  	_ =	shalt  }
0x86: {  	_ =	shalt  }
0x87: {  	_ =	shalt  }
.Lfunc_end0:
.L_simem_size_0:
called_computation_lowered:
.L_overlay_start_0:
0x88: {  	s2 =	sld [smem:$0x3FD9]  }
0x89: {  	s3 =	sld [smem:$0x3FFE];
	_ =	sdelay $0x1  }
0x8a: {  	s1 =	srdreg.scid  }
0x8b: {  	s0 =	sand.u32 $0x1, s1  }
0x8c: {  	s15 =	sshll.u32 s0, $0xA;
	s2 =	sadd.s32 s3, s2  }
0x8d: {  	s2 =	sadd.s32 s2, s15  }
0x8e: {  	[smem:$0x3FB9] =	sst s2  }
0x8f: {  	_ = 	snop  }
0x90: {  	s2 =	sld [smem:$0x3FD0];
	_ =	sdelay $0x2  }
0x91: {  	s16 =	simm.s32 $0xA;
	s4 =	simm.s32 $0x10  }
0x92: {  	[smem:s4], [sflag:s16] =	dma.local [hbm:s2], $0x1  }
0x93: {  	_ =	swait.eq [sflag:s16], $0x1  }
0x94: {  	[sflag:s16] =	ssyncset.done $0x0  }
0x95: {  	s17 =	sld [smem:$0x11];
	[sflag:s16] =	ssyncadd.s32 $0xFFFFFFFF  }
0x96: {  	s18 =	sld [smem:$0x13];
	(tm) =	ssettm $0x1  }
0x97: {  	s19 =	sld [smem:$0x3FFB];
	_ =	sdelay $0x3  }
0x98: {  	_ =	strace s19  }
0x99: {  	s4 =	sld [smem:$0x3FFC];
	_ =	sdelay $0x3  }
0x9a: {  	_ =	strace s4  }
0x9b: {  	s4 =	sld [smem:$0x3FFD];
	_ =	sdelay $0x3  }
0x9c: {  	_ =	strace s4  }
0x9d: {  	_ =	strace $0x8FFFFFFF  }
0x9e: {  	s20 =	sld [smem:$0x3FDB];
	_ =	sdelay $0x1  }
0x9f: {  	s5 =	simm.s32 $_scs_section_size  }
0xa0: {  	s6 =	simm.s32 $_size__tile_overlayer_lowered;
	s7 =	simm.s32 $_tile_overlayer_lowered  }
0xa1: {  	s23 =	simm.s32 $0x1BFF;
	s22 =	sshll.u32 s7, $0x1;
	s4 =	sadd.s32 s5, s20  }
0xa2: {  	s8 =	simm.s32 $0x0;
	s21 =	sshll.u32 s6, $0x1;
	s6 =	sadd.s32 s22, s4  }
0xa3: {  	[timem:s8], [sflag:s23] =	dma.local [hbm:s6], s21  }
0xa4: {  	_ =	swait.ge [sflag:s23], s21  }
0xa5: {  	s5 =	ssub.s32 $0x0, s21;
	[sflag:s23] =	ssyncset.done $0x0  }
0xa6: {  	[sflag:s23] =	ssyncadd.s32 s5;
	_ =	sdelay $0x1  }
0xa7: {  	s24 =	simm.s32 $0x1B8B  }
0xa8: {  	_ =	swait.ge [sflag:s24], $0x1  }
0xa9: {  	[sflag:s24] =	ssyncset.done $0x0  }
0xaa: {  	s25 =	simm.s32 $0x1B8E;
	[sflag:s24] =	ssyncadd.s32 $0xFFFFFFFF  }
0xab: {  	s26 =	simm.s32 $execute0_lowered;
	[smem:$0x3FD2] =	sst s25  }
0xac: {  	s5 =	sshll.u32 s26, $0x1;
	_ =	strace $0x80000046;
	[dreg:$0x1] =	wrdreg $0xFFFFFFFF  }
0xad: {  	s28 =	simm.s32 $_size_execute0_lowered;
	s4 =	sadd.s32 s4, s5;
	[dreg:$0x0] =	wrdreg $0x0  }
0xae: {  	s5 =	sshll.u32 s28, $0x1;
	[dreg:$0x2] =	wrdreg s4  }
0xaf: {  	[dreg:$0x3] =	wrdreg s5  }
0xb0: {  	[dreg:$0x4] =	wrdreg $0xC0  }
0xb1: {  	_ =	task [dreg:s8], $0x5FFFF  }
0xb2: {  	[dreg:$0x1] =	wrdreg $0xFFFFFFFF  }
0xb3: {  	[dreg:$0x0] =	wrdreg $0x60  }
0xb4: {  	[dreg:$0x2] =	wrdreg s17  }
0xb5: {  	[dreg:$0x3] =	wrdreg s18  }
0xb6: {  	[dreg:$0x4] =	wrdreg $0x9  }
0xb7: {  	_ =	task.clear_ibuf [dreg:s8], $0x5FFFF;
	_ =	strace $0x90000046  }
0xb8: {  	s29 =	simm.s32 $0x9;
	_ =	strace $0x80000048  }
0xb9: {  	_ =	swait.ge [sflag:s29], $0x1  }
0xba: {  	[sflag:s29] =	ssyncadd.s32 $0xFFFFFFFF  }
0xbb: {  	_ =	strace $0x90000048  }
0xbc: {  	_ =	sfence  }
0xbd: {  	s30 =	sld [smem:$0x0];
	_ =	sdelay $0x2  }
0xbe: {  	s31 =	sshll.u32 s1, $0xD;
	s1 =	sshrl.u32 s1, $0x2  }
0xbf: {  	s3 =	sand.u32 $0x4000, s31;
	s1 =	sadd.s32 s1, s30  }
0xc0: {  	s0 =	sor.u32 s3, s0;
	s1 =	sshll.u32 s1, $0x11  }
0xc1: {  	s0 =	sor.u32 s1, s0  }
0xc2: {  	s0 =	sadd.s32 $0x8F2B, s0  }
0xc3: {  	[sflag:s0] =	ssyncadd.remote.s32 $0x1  }
0xc4: {  	_ =	sfence.sel $0xFFFF  }
0xc5: {  	[dreg:$0x0] =	wrdreg $0xFFFFFFFF;
	(pc) =	sbr.abs _section_cstart, $3  }
0xc6: {  	[dreg:$0x1] =	wrdreg $0xFFFFFFFF  }
0xc7: {  	_ =	task.clear_ibuf [dreg:s8], $0x2FFFF;
	_ =	strace $0x9FFFFFFF  }
0xc8: {  	(tm) =	ssettm $0x7FFFFFFF  }
0xc9: {  	_ =	shalt  }
tec
execute0_lowered:
.L_overlay_start_1:
0x0: {  	(tag) =	ssettag $0x1  }
0x1: {  	s0 =	srdreg.scid  }
0x2: {  	s4 =	rddreg [dreg:$0x0];
	s3 =	sand.u32 $0x1, s0  }
0x3: {  	s5 =	rddreg [dreg:$0x1];
	s0 =	stileid.u32;
	s1 =	sshll.u32 s3, $0x4  }
0x4: {  	s2 =	simm.s32 $0x0;
	s8 =	simm.s32 $0x2800;
	s6 =	sor.u32 s0, s1  }
0x5: {  	s9 =	simm.s32 $0x5000;
	[smem:$0x7FF] =	sst s2;
	s6 =	smul.u32 $0x2800, s6  }
0x6: {  	s10 =	simm.s32 $0x0;
	s3 =	ssub.s32 $0x2, s3;
	s1 =	rddreg [dreg:$0x2]  }
0x7: {  	_ =	strace $0x80000047;
	s7 =	sshrl.u32 s3, $0x1;
	s6 =	sshrl.u32 s6, $0x3  }
0x8: {  	s7 =	ssub.s32 s3, s7;
	s3 =	sadd.s32 s4, s6;
	s4 =	sadd.s32 s5, s6  }
0x9: {  	v0 =	vimm.f32 $0.0e+00;
	v1 =	vimm.f32 $1.000000000e+00;
	s6 =	smax.u32 s7, $0x1;
	s7 =	simm.s32 $0x1;
	s5 =	sadd.s32 $0xA000, s4  }
.LBB2_1:
0xa: {  	[tilespmem:s2], [sflag:$0x1] =	stream.linear.gather [hbm4b:s3+s2], $0x2800, $0x38;
	[tilespmem:$0x7800] =	vst v63  }
0xb: {  	_ =	swait.ge [sflag:s7], $0x2800  }
0xc: {  	[sflag:s7] =	ssyncset.done $0x0  }
0xd: {  	s11 =	simm.s32 $0x0;
	[sflag:s7] =	ssyncadd.s32 $0xFFFFD800  }
.LBB2_2:
0xe: {  	p0 =	sne.s32 s11, $0x9FC0  }
.Ltmp0:
0xf: {  	_ = 	snop;
	(pc) =	sbr.rel @p0 .LBB2_2-.Ltmp0, $4  }
0x10: {  	_ = 	snop  }
0x11: {  	s12 =	sshra.s32 s11, $0x2  }
0x12: {  	[tilespmem:s12+$0x2800] =	vst v0  }
0x13: {  	s11 =	sadd.s32 $0x40, s11;
	[tilespmem:s12+$0x5000] =	vst v0  }
0x14: {  	s11 =	simm.s32 $0x0  }
0x15: {  	v2 =	vld [tilespmem:s11+$0x0];
	s11 =	simm.s32 $0x40  }
.LBB2_4:
0x16: {  	p0 =	sne.s32 s11, $0x9FC0;
	_ =	sdelay $0x3  }
0x17: {  	v3 =	vand.u32 $0xFFFF, v2;
	v2 =	vshrl.u32 v2, $0x10;
	_ =	sdelay $0x2  }
.Ltmp1:
0x18: {  	(pc) =	sbr.rel @p0 .LBB2_4-.Ltmp1, $4  }
0x19: {  	_ = 	snop  }
0x1a: {  	[tilespmem:v3+s8+$0x0] =	vst.idx.add.f32.msk $0xffff, v1  }
0x1b: {  	s12 =	sshra.s32 s11, $0x2;
	[tilespmem:v2+s9+$0x0] =	vst.idx.add.f32.msk $0xffff, v1  }
0x1c: {  	s11 =	sadd.s32 $0x40, s11;
	v2 =	vld [tilespmem:s12+$0x0]  }
0x1d: {  	_ =	sdelay $0x3  }
0x1e: {  	v3 =	vand.u32 $0xFFFF, v2  }
0x1f: {  	v2 =	vshrl.u32 v2, $0x10;
	_ =	sdelay $0x3  }
0x20: {  	[tilespmem:v3+s8+$0x0] =	vst.idx.add.f32.msk $0xffff, v1  }
0x21: {  	[tilespmem:v2+s9+$0x0] =	vst.idx.add.f32.msk $0xffff, v1  }
0x22: {  	[hbm4b:s4+s2] =	stream.linear.scatter [tilespmem:s8], [sflag:$0x1], $0x2800, $0x38;
	[tilespmem:$0x7800] =	vst v63  }
0x23: {  	s10 =	sadd.s32 $0x1, s10;
	_ =	swait.ge [sflag:s7], $0x2800  }
0x24: {  	p0 =	sne.s32 s10, s6;
	[sflag:s7] =	ssyncset.done $0x0  }
.Ltmp2:
0x25: {  	[sflag:s7] =	ssyncadd.s32 $0xFFFFD800;
	(pc) =	sbr.rel @p0 .LBB2_1-.Ltmp2, $4  }
0x26: {  	[hbm4b:s5+s2] =	stream.linear.scatter [tilespmem:s9], [sflag:$0x1], $0x2800, $0x38;
	[tilespmem:$0x7800] =	vst v63  }
0x27: {  	_ =	swait.ge [sflag:s7], $0x2800  }
0x28: {  	[sflag:s7] =	ssyncset.done $0x0  }
0x29: {  	[sflag:s7] =	ssyncadd.s32 $0xFFFFD800  }
0x2a: {  	_ =	sfence.sel $0x180000  }
0x2b: {  	[bflag:$0x0] =	sbarrier.arrive $0xFFFF  }
0x2c: {  	p0 =	sne.s32 s0, $0x0;
	_ =	strace $0x90000047  }
0x2d: {  	s0 =	sadd.s32 @!p0 $0x100000, s1;
	[bflag:$0x2] =	sbarrier.arrive $0xFFFF  }
0x2e: {  	[sflag:s0] =	ssyncadd.tile.s32 @!p0 $0x1;
	_ =	shalt  }
.Lfunc_end2:
_tile_overlayer_lowered:
.L_overlay_start_2:
0x2f: {  	(tag) =	ssettag $0x2  }
0x30: {  	s0 =	rddreg [dreg:$0x0];
	s2 =	stileid.u32  }
0x31: {  	s1 =	rddreg [dreg:$0x1];
	p0 =	sne.s32 s2, $0x0  }
0x32: {  	s3 =	rddreg [dreg:$0x2];
	[bflag:$0x3] =	sbarrier.arrive $0xFFFF;
	s2 =	simm.s32 @!p0 $0x1C01  }
0x33: {  	[timem:s3], [sflag:s2] =	dma.local @!p0 [hbm:s0], s1  }
0x34: {  	s0 =	simm.s32 @!p0 $0x1  }
0x35: {  	_ =	swait.ge @!p0 [sflag:s0], s1  }
0x36: {  	s1 =	ssub.s32 @!p0 $0x0, s1;
	[sflag:s0] =	ssyncset.done @!p0 $0x0  }
0x37: {  	[sflag:s0] =	ssyncadd.s32 @!p0 s1  }
0x38: {  	[bflag:$0x3] =	sbarrier.arrive $0xFFFF  }
0x39: {  	_ =	shalt  }

</sc_bundles>
